<compile_context>
chip_gen: v7x
topology: tpu7x:2x2x1
jax: 0.10.2.dev20260603
libtpu: 0.0.44.dev20260713+nightly
codegen_flags: <defaults>
</compile_context>

<pallas_src>
import dataclasses
import functools

import jax
import jax.numpy as jnp
from jax import lax
from jax.experimental import pallas as pl
from jax.experimental.pallas import tpu as pltpu
from jax.experimental.pallas import tpu_sc as plsc

_N = 10000
_NPAD = 10240
_D = 128
_OUT = 64
_ROW = 144
_E = 320000
_NC = 2
_NS = 16
_NW = _NC * _NS
_CH = 128
_NCHUNK = 79
_EPW = _CH * _NCHUNK
_EPAD = _EPW * _NW
_ACC = 10176
_RPT = _ACC // _NS
_BN = 1024


def _embed_body(x_ref, w_ref, am_ref, haug_ref, av_ref):
    h = jnp.dot(x_ref[...], w_ref[...], preferred_element_type=jnp.float32)
    a = jnp.dot(h, am_ref[...], preferred_element_type=jnp.float32)
    av_ref[...] = a.T
    ex = jnp.where(
        lax.broadcasted_iota(jnp.int32, (_BN, _ROW - _D), 1) == 0, 1.0, 0.0)
    haug_ref[...] = jnp.concatenate([h, ex], axis=1)


def _embed(xp, w, am):
    return pl.pallas_call(
        _embed_body,
        grid=(_NPAD // _BN,),
        in_specs=[
            pl.BlockSpec((_BN, _D), lambda i: (i, 0)),
            pl.BlockSpec((_D, _D), lambda i: (0, 0)),
            pl.BlockSpec((_D, 8), lambda i: (0, 0)),
        ],
        out_specs=[
            pl.BlockSpec((_BN, _ROW), lambda i: (i, 0)),
            pl.BlockSpec((8, _BN), lambda i: (0, i)),
        ],
        out_shape=[
            jax.ShapeDtypeStruct((_NPAD, _ROW), jnp.float32),
            jax.ShapeDtypeStruct((8, _NPAD), jnp.float32),
        ],
    )(xp, w, am)


def _combine_body(p0_ref, p1_ref, hg_ref, am1_ref, b1_ref, w2_ref, am2_ref,
                  haug_ref, av_ref):
    hg = hg_ref[...]
    h = hg[:, :_D]
    a = jnp.dot(h, am1_ref[...], preferred_element_type=jnp.float32)
    es = a[:, 0:1] + a[:, 1:2]
    es = jnp.where(es >= 0.0, es, 0.2 * es)
    tot = p0_ref[0] + p1_ref[0] + jnp.exp(es) * hg
    hact = jnp.maximum(tot[:, :_D] / tot[:, _D:_D + 1] + b1_ref[...], 0.0)
    h2 = jnp.dot(hact, w2_ref[...], preferred_element_type=jnp.float32)
    a2 = jnp.dot(h2, am2_ref[...], preferred_element_type=jnp.float32)
    av_ref[...] = a2.T
    ex = jnp.where(
        lax.broadcasted_iota(jnp.int32, (_BN, _ROW - _D), 1) == 0, 1.0, 0.0)
    haug_ref[...] = jnp.concatenate([h2, ex], axis=1)


def _combine(parts, haug1, am1, b1, w2, am2):
    return pl.pallas_call(
        _combine_body,
        grid=(_NPAD // _BN,),
        in_specs=[
            pl.BlockSpec((1, _BN, _ROW), lambda i: (0, i, 0)),
            pl.BlockSpec((1, _BN, _ROW), lambda i: (1, i, 0)),
            pl.BlockSpec((_BN, _ROW), lambda i: (i, 0)),
            pl.BlockSpec((_D, 8), lambda i: (0, 0)),
            pl.BlockSpec((1, _D), lambda i: (0, 0)),
            pl.BlockSpec((_D, _D), lambda i: (0, 0)),
            pl.BlockSpec((_D, 8), lambda i: (0, 0)),
        ],
        out_specs=[
            pl.BlockSpec((_BN, _ROW), lambda i: (i, 0)),
            pl.BlockSpec((8, _BN), lambda i: (0, i)),
        ],
        out_shape=[
            jax.ShapeDtypeStruct((_NPAD, _ROW), jnp.float32),
            jax.ShapeDtypeStruct((8, _NPAD), jnp.float32),
        ],
    )(parts, parts, haug1, am1, b1, w2, am2)


def _final_body(p0_ref, p1_ref, hg_ref, am2_ref, b2_ref, w1_ref, wb1_ref,
                w2_ref, wb2_ref, out_ref):
    hg = hg_ref[...]
    h = hg[:, :_D]
    a = jnp.dot(h, am2_ref[...], preferred_element_type=jnp.float32)
    es = a[:, 0:1] + a[:, 1:2]
    es = jnp.where(es >= 0.0, es, 0.2 * es)
    tot = p0_ref[0] + p1_ref[0] + jnp.exp(es) * hg
    g = jnp.maximum(tot[:, :_D] / tot[:, _D:_D + 1] + b2_ref[...], 0.0)
    z = jnp.maximum(
        jnp.dot(g, w1_ref[...], preferred_element_type=jnp.float32)
        + wb1_ref[...], 0.0)
    logits = jnp.dot(z, w2_ref[...], preferred_element_type=jnp.float32)
    logits = logits + wb2_ref[...]
    m = jnp.max(logits, axis=1, keepdims=True)
    p = jnp.exp(logits - m)
    out_ref[...] = p / jnp.sum(p, axis=1, keepdims=True)


def _final(parts, haug2, am2, b2, fc1_w, fc1_b, fc2_w, fc2_b):
    return pl.pallas_call(
        _final_body,
        grid=(_NPAD // _BN,),
        in_specs=[
            pl.BlockSpec((1, _BN, _ROW), lambda i: (0, i, 0)),
            pl.BlockSpec((1, _BN, _ROW), lambda i: (1, i, 0)),
            pl.BlockSpec((_BN, _ROW), lambda i: (i, 0)),
            pl.BlockSpec((_D, 8), lambda i: (0, 0)),
            pl.BlockSpec((1, _D), lambda i: (0, 0)),
            pl.BlockSpec((_D, _D), lambda i: (0, 0)),
            pl.BlockSpec((1, _D), lambda i: (0, 0)),
            pl.BlockSpec((_D, _OUT), lambda i: (0, 0)),
            pl.BlockSpec((1, _OUT), lambda i: (0, 0)),
        ],
        out_specs=pl.BlockSpec((_BN, _OUT), lambda i: (i, 0)),
        out_shape=jax.ShapeDtypeStruct((_NPAD, _OUT), jnp.float32),
    )(parts, parts, haug2, am2, b2, fc1_w, fc1_b, fc2_w, fc2_b)


def _edge_body(src_hbm, dst_hbm, av_hbm, haug_hbm, out_hbm,
               asrc_v, adst_v, srci, dsti, rows, accum):
    c = lax.axis_index("c")
    s = lax.axis_index("s")
    wid = c * _NS + s

    @pl.loop(0, _CH)
    def _zero(r):
        for k in range(_ROW // 16):
            rows[r, pl.ds(k * 16, 16)] = jnp.zeros((16,), jnp.float32)

    for t in range(_RPT // _CH):
        pltpu.sync_copy(rows, accum.at[pl.ds(s * _RPT + t * _CH, _CH)])
    rem = _RPT % _CH
    if rem:
        pltpu.sync_copy(rows.at[pl.ds(0, rem)],
                        accum.at[pl.ds(s * _RPT + _RPT - rem, rem)])

    pltpu.sync_copy(av_hbm.at[0], asrc_v)
    pltpu.sync_copy(av_hbm.at[1], adst_v)
    plsc.subcore_barrier()

    base_w = wid * _EPW

    @pl.loop(0, _NCHUNK)
    def _chunk(g):
        base = base_w + g * _CH
        pltpu.sync_copy(src_hbm.at[pl.ds(base, _CH)], srci)
        pltpu.sync_copy(dst_hbm.at[pl.ds(base, _CH)], dsti)
        pltpu.sync_copy(haug_hbm.at[srci], rows)

        @pl.loop(0, _CH, step=16)
        def _w(j):
            a_s = plsc.load_gather(asrc_v, [srci[pl.ds(j, 16)]])
            a_d = plsc.load_gather(adst_v, [dsti[pl.ds(j, 16)]])
            e = a_s + a_d
            e = jnp.where(e >= 0.0, e, 0.2 * e)
            ee = jnp.exp(e)
            for t in range(16):
                v = jnp.full((16,), ee[t], jnp.float32)
                for k in range(_ROW // 16):
                    rows[j + t, pl.ds(k * 16, 16)] = (
                        rows[j + t, pl.ds(k * 16, 16)] * v)

        pltpu.sync_copy(rows, accum.at[dsti], add=True)

    plsc.subcore_barrier()
    pltpu.sync_copy(accum.at[pl.ds(s * _RPT, _RPT)],
                    out_hbm.at[c, pl.ds(s * _RPT, _RPT)])


def _edge_pass(src, dst, av, haug):
    mesh = plsc.VectorSubcoreMesh(core_axis_name="c", subcore_axis_name="s",
                                  num_cores=_NC, num_subcores=_NS)
    cp = pltpu.CompilerParams()
    if "needs_layout_passes" in pltpu.CompilerParams.__dataclass_fields__:
        cp = dataclasses.replace(cp, needs_layout_passes=False,
                                 use_tc_tiling_on_sc=False)
    f = pl.kernel(
        _edge_body,
        out_type=jax.ShapeDtypeStruct((_NC, _NPAD, _ROW), jnp.float32),
        mesh=mesh,
        scratch_types=[
            pltpu.VMEM((_NPAD,), jnp.float32),
            pltpu.VMEM((_NPAD,), jnp.float32),
            pltpu.VMEM((_CH,), jnp.int32),
            pltpu.VMEM((_CH,), jnp.int32),
            pltpu.VMEM((_CH, _ROW), jnp.float32),
            pltpu.VMEM_SHARED((_ACC, _ROW), jnp.float32),
        ],
        compiler_params=cp,
    )
    return f(src, dst, av, haug)


def kernel(x, edge_index, W1, att_s1, att_d1, b1, W2, att_s2, att_d2, b2,
           fc1_w, fc1_b, fc2_w, fc2_b):
    xp = jnp.zeros((_NPAD, _D), jnp.float32).at[:_N].set(x)
    src = jnp.full((_EPAD,), _N, jnp.int32).at[:_E].set(edge_index[0])
    dst = jnp.full((_EPAD,), _N, jnp.int32).at[:_E].set(edge_index[1])
    am1 = (jnp.zeros((_D, 8), jnp.float32)
           .at[:, 0].set(att_s1[0]).at[:, 1].set(att_d1[0]))
    am2 = (jnp.zeros((_D, 8), jnp.float32)
           .at[:, 0].set(att_s2[0]).at[:, 1].set(att_d2[0]))

    haug1, av1 = _embed(xp, W1, am1)
    parts1 = _edge_pass(src, dst, av1, haug1)
    haug2, av2 = _combine(parts1, haug1, am1, b1.reshape(1, _D), W2, am2)
    parts2 = _edge_pass(src, dst, av2, haug2)
    out = _final(parts2, haug2, am2, b2.reshape(1, _D),
                 fc1_w, fc1_b.reshape(1, _D), fc2_w, fc2_b.reshape(1, _OUT))
    return out[:_N]

# --- scband reference (transcript-rebuilt; emitter-appended) ---
"""Pipeline reference for scband-gatmodel-31336081392306 (READ-ONLY COPY).

The authoritative reference and input builder live on the scoring server;
editing this copy changes nothing except your own understanding.
"""

import jax, jax.numpy as jnp
import numpy as np

N = 10000
E = 320000
D_IN = 128
HID = 128
OUT = 64
HEADS = 1


def setup_inputs(seed: int = 0) -> dict:
    key = jax.random.key(seed)
    ks = jax.random.split(key, 16)
    x = jax.random.normal(ks[0], (N, D_IN), dtype=jnp.float32)
    edge_index = jax.random.randint(ks[1], (2, E), 0, N, dtype=jnp.int32)
    s = 1.0 / np.sqrt(D_IN)
    W1 = jax.random.normal(ks[2], (D_IN, HEADS * HID), dtype=jnp.float32) * s
    att_s1 = jax.random.normal(ks[3], (HEADS, HID), dtype=jnp.float32) * s
    att_d1 = jax.random.normal(ks[4], (HEADS, HID), dtype=jnp.float32) * s
    b1 = jnp.zeros((HEADS * HID,), dtype=jnp.float32)
    s2 = 1.0 / np.sqrt(HEADS * HID)
    W2 = jax.random.normal(ks[5], (HEADS * HID, 1 * HID), dtype=jnp.float32) * s2
    att_s2 = jax.random.normal(ks[6], (1, HID), dtype=jnp.float32) * s2
    att_d2 = jax.random.normal(ks[7], (1, HID), dtype=jnp.float32) * s2
    b2 = jnp.zeros((HID,), dtype=jnp.float32)
    s3 = 1.0 / np.sqrt(HID)
    fc1_w = jax.random.normal(ks[8], (HID, HID), dtype=jnp.float32) * s3
    fc1_b = jnp.zeros((HID,), dtype=jnp.float32)
    fc2_w = jax.random.normal(ks[9], (HID, OUT), dtype=jnp.float32) * s3
    fc2_b = jnp.zeros((OUT,), dtype=jnp.float32)
    return {"x": x, "edge_index": edge_index, "W1": W1, "att_s1": att_s1,
            "att_d1": att_d1, "b1": b1, "W2": W2, "att_s2": att_s2,
            "att_d2": att_d2, "b2": b2, "fc1_w": fc1_w, "fc1_b": fc1_b,
            "fc2_w": fc2_w, "fc2_b": fc2_b}


def _gat_layer(x, W, att_s, att_d, b, edge_index, heads, out_ch):
    # PyG-style GATConv with default add_self_loops=True, negative_slope=0.2
    Nn = x.shape[0]
    loop = jnp.arange(Nn, dtype=edge_index.dtype)
    src = jnp.concatenate([edge_index[0], loop])
    dst = jnp.concatenate([edge_index[1], loop])
    h = (x @ W).reshape(Nn, heads, out_ch)
    a_src = jnp.sum(h * att_s[None, :, :], axis=-1)  # [N, heads]
    a_dst = jnp.sum(h * att_d[None, :, :], axis=-1)  # [N, heads]
    e = a_src[src] + a_dst[dst]                      # [E', heads]
    e = jax.nn.leaky_relu(e, 0.2)
    emax = jax.ops.segment_max(e, dst, num_segments=Nn)
    emax = jnp.where(jnp.isfinite(emax), emax, 0.0)
    ee = jnp.exp(e - emax[dst])
    den = jax.ops.segment_sum(ee, dst, num_segments=Nn)
    alpha = ee / (den[dst] + 1e-16)
    out = jax.ops.segment_sum(h[src] * alpha[:, :, None], dst, num_segments=Nn)
    return out.reshape(Nn, heads * out_ch) + b


def reference(x, edge_index, W1, att_s1, att_d1, b1, W2, att_s2, att_d2, b2,
              fc1_w, fc1_b, fc2_w, fc2_b):
    h = jax.nn.relu(_gat_layer(x, W1, att_s1, att_d1, b1, edge_index, HEADS, HID))
    h = jax.nn.relu(_gat_layer(h, W2, att_s2, att_d2, b2, edge_index, 1, HID))
    h = jax.nn.relu(h @ fc1_w + fc1_b)
    return jax.nn.softmax(h @ fc2_w + fc2_b, axis=1)

if __name__ == "__main__":
    import jax
    _d = setup_inputs()
    print(jax.jit(kernel)(*tuple(_d.values())))

</pallas_src>

<mosaic_0001>
#map = affine_map<(d0, d1) -> (0)>
#map1 = affine_map<(d0, d1) -> (0, 0)>
#map2 = affine_map<(d0, d1) -> (0, 0, 0)>
module attributes {stable_mosaic.version = 14 : i64} {
  func.func @_edge_body(%arg0: i32, %arg1: i32, %arg2: memref<323584xi32, #tpu.memory_space<hbm>>, %arg3: memref<323584xi32, #tpu.memory_space<hbm>>, %arg4: memref<8x10240xf32, #tpu.memory_space<hbm>>, %arg5: memref<10240x144xf32, #tpu.memory_space<hbm>>, %arg6: memref<2x10240x144xf32, #tpu.memory_space<hbm>>, %arg7: memref<10240xf32, #tpu.memory_space<vmem>>, %arg8: memref<10240xf32, #tpu.memory_space<vmem>>, %arg9: memref<128xi32, #tpu.memory_space<vmem>>, %arg10: memref<128xi32, #tpu.memory_space<vmem>>, %arg11: memref<128x144xf32, #tpu.memory_space<vmem>>, %arg12: memref<10176x144xf32, #tpu.memory_space<vmem_shared>>) attributes {dimension_semantics = [#tpu.dimension_semantics<core_parallel>, #tpu.dimension_semantics<subcore_parallel>], iteration_bounds = array<i64: 2, 16>, scalar_prefetch = 0 : i64, scratch_operands = 6 : i64, tpu.core_type = #tpu.core_type<sc_vector_subcore>, window_params = [{transform_indices = #map}, {transform_indices = #map}, {transform_indices = #map1}, {transform_indices = #map1}, {transform_indices = #map2}]} {
    %mul3A = arith.constant 16 : i32
    %mul3A_0 = arith.muli %arg0, %mul3A : i32
    %add3A = arith.addi %mul3A_0, %arg1 : i32
    %scan3A = arith.constant 0 : i32
    %scan3A_1 = arith.constant 128 : i32
    %scan3A_2 = arith.addi %scan3A, %scan3A_1 : i32
    %scan3A_3 = arith.constant 1 : i32
    scf.for %scan3A_39 = %scan3A to %scan3A_2 step %scan3A_3  : i32 {
      %mul3A_40 = arith.constant 1 : i32
      %mul3A_41 = arith.muli %scan3A_39, %mul3A_40 : i32
      %add3A_42 = arith.constant 0 : i32
      %add3A_43 = arith.addi %add3A_42, %mul3A_41 : i32
      %broadcast_in_dim3A = arith.constant 0.000000e+00 : f32
      %broadcast_in_dim3A_44 = vector.broadcast %broadcast_in_dim3A : f32 to vector<16xf32>
      %swap3A = arith.index_cast %add3A_43 : i32 to index
      %swap3A_45 = arith.constant 0 : index
      %swap3A_46 = tpu.vector_load %arg11[%swap3A, %swap3A_45] {strides = array<i32>} : memref<128x144xf32, #tpu.memory_space<vmem>>, vector<16xf32>,
      tpu.vector_store %arg11[%swap3A, %swap3A_45], %broadcast_in_dim3A_44 {strides = array<i32>} : memref<128x144xf32, #tpu.memory_space<vmem>>, vector<16xf32>,
      %broadcast_in_dim3A_47 = arith.constant 0.000000e+00 : f32
      %broadcast_in_dim3A_48 = vector.broadcast %broadcast_in_dim3A_47 : f32 to vector<16xf32>
      %swap3A_49 = arith.index_cast %add3A_43 : i32 to index
      %swap3A_50 = arith.constant 16 : index
      %swap3A_51 = tpu.vector_load %arg11[%swap3A_49, %swap3A_50] {strides = array<i32>} : memref<128x144xf32, #tpu.memory_space<vmem>>, vector<16xf32>,
      tpu.vector_store %arg11[%swap3A_49, %swap3A_50], %broadcast_in_dim3A_48 {strides = array<i32>} : memref<128x144xf32, #tpu.memory_space<vmem>>, vector<16xf32>,
      %broadcast_in_dim3A_52 = arith.constant 0.000000e+00 : f32
      %broadcast_in_dim3A_53 = vector.broadcast %broadcast_in_dim3A_52 : f32 to vector<16xf32>
      %swap3A_54 = arith.index_cast %add3A_43 : i32 to index
      %swap3A_55 = arith.constant 32 : index
      %swap3A_56 = tpu.vector_load %arg11[%swap3A_54, %swap3A_55] {strides = array<i32>} : memref<128x144xf32, #tpu.memory_space<vmem>>, vector<16xf32>,
      tpu.vector_store %arg11[%swap3A_54, %swap3A_55], %broadcast_in_dim3A_53 {strides = array<i32>} : memref<128x144xf32, #tpu.memory_space<vmem>>, vector<16xf32>,
      %broadcast_in_dim3A_57 = arith.constant 0.000000e+00 : f32
      %broadcast_in_dim3A_58 = vector.broadcast %broadcast_in_dim3A_57 : f32 to vector<16xf32>
      %swap3A_59 = arith.index_cast %add3A_43 : i32 to index
      %swap3A_60 = arith.constant 48 : index
      %swap3A_61 = tpu.vector_load %arg11[%swap3A_59, %swap3A_60] {strides = array<i32>} : memref<128x144xf32, #tpu.memory_space<vmem>>, vector<16xf32>,
      tpu.vector_store %arg11[%swap3A_59, %swap3A_60], %broadcast_in_dim3A_58 {strides = array<i32>} : memref<128x144xf32, #tpu.memory_space<vmem>>, vector<16xf32>,
      %broadcast_in_dim3A_62 = arith.constant 0.000000e+00 : f32
      %broadcast_in_dim3A_63 = vector.broadcast %broadcast_in_dim3A_62 : f32 to vector<16xf32>
      %swap3A_64 = arith.index_cast %add3A_43 : i32 to index
      %swap3A_65 = arith.constant 64 : index
      %swap3A_66 = tpu.vector_load %arg11[%swap3A_64, %swap3A_65] {strides = array<i32>} : memref<128x144xf32, #tpu.memory_space<vmem>>, vector<16xf32>,
      tpu.vector_store %arg11[%swap3A_64, %swap3A_65], %broadcast_in_dim3A_63 {strides = array<i32>} : memref<128x144xf32, #tpu.memory_space<vmem>>, vector<16xf32>,
      %broadcast_in_dim3A_67 = arith.constant 0.000000e+00 : f32
      %broadcast_in_dim3A_68 = vector.broadcast %broadcast_in_dim3A_67 : f32 to vector<16xf32>
      %swap3A_69 = arith.index_cast %add3A_43 : i32 to index
      %swap3A_70 = arith.constant 80 : index
      %swap3A_71 = tpu.vector_load %arg11[%swap3A_69, %swap3A_70] {strides = array<i32>} : memref<128x144xf32, #tpu.memory_space<vmem>>, vector<16xf32>,
      tpu.vector_store %arg11[%swap3A_69, %swap3A_70], %broadcast_in_dim3A_68 {strides = array<i32>} : memref<128x144xf32, #tpu.memory_space<vmem>>, vector<16xf32>,
      %broadcast_in_dim3A_72 = arith.constant 0.000000e+00 : f32
      %broadcast_in_dim3A_73 = vector.broadcast %broadcast_in_dim3A_72 : f32 to vector<16xf32>
      %swap3A_74 = arith.index_cast %add3A_43 : i32 to index
      %swap3A_75 = arith.constant 96 : index
      %swap3A_76 = tpu.vector_load %arg11[%swap3A_74, %swap3A_75] {strides = array<i32>} : memref<128x144xf32, #tpu.memory_space<vmem>>, vector<16xf32>,
      tpu.vector_store %arg11[%swap3A_74, %swap3A_75], %broadcast_in_dim3A_73 {strides = array<i32>} : memref<128x144xf32, #tpu.memory_space<vmem>>, vector<16xf32>,
      %broadcast_in_dim3A_77 = arith.constant 0.000000e+00 : f32
      %broadcast_in_dim3A_78 = vector.broadcast %broadcast_in_dim3A_77 : f32 to vector<16xf32>
      %swap3A_79 = arith.index_cast %add3A_43 : i32 to index
      %swap3A_80 = arith.constant 112 : index
      %swap3A_81 = tpu.vector_load %arg11[%swap3A_79, %swap3A_80] {strides = array<i32>} : memref<128x144xf32, #tpu.memory_space<vmem>>, vector<16xf32>,
      tpu.vector_store %arg11[%swap3A_79, %swap3A_80], %broadcast_in_dim3A_78 {strides = array<i32>} : memref<128x144xf32, #tpu.memory_space<vmem>>, vector<16xf32>,
      %broadcast_in_dim3A_82 = arith.constant 0.000000e+00 : f32
      %broadcast_in_dim3A_83 = vector.broadcast %broadcast_in_dim3A_82 : f32 to vector<16xf32>
      %swap3A_84 = arith.index_cast %add3A_43 : i32 to index
      %swap3A_85 = arith.constant 128 : index
      %swap3A_86 = tpu.vector_load %arg11[%swap3A_84, %swap3A_85] {strides = array<i32>} : memref<128x144xf32, #tpu.memory_space<vmem>>, vector<16xf32>,
      tpu.vector_store %arg11[%swap3A_84, %swap3A_85], %broadcast_in_dim3A_83 {strides = array<i32>} : memref<128x144xf32, #tpu.memory_space<vmem>>, vector<16xf32>,
    }
    %scan3A_4 = arith.constant 128 : i32
    %mul3A_5 = arith.constant 636 : i32
    %mul3A_6 = arith.muli %arg1, %mul3A_5 : i32
    %add3A_7 = arith.constant 0 : i32
    %add3A_8 = arith.addi %mul3A_6, %add3A_7 : i32
    "tpu.region"() ({
      %run_scoped3A_39 = tpu.sem_alloc : memref<!tpu.dma_semaphore, #tpu.memory_space<semaphore_mem>>
      %dma_start3A = arith.constant 0 : i32
      %dma_start3A_40 = tpu.memref_slice %arg12[%add3A_8, %dma_start3A] : memref<10176x144xf32, #tpu.memory_space<vmem_shared>> -> memref<128x144xf32, #tpu.memory_space<vmem_shared>>
      %dma_start3A_41 = arith.constant 0 : i32
      %dma_start3A_42 = tpu.memref_slice %arg12[%add3A_8, %dma_start3A_41] : memref<10176x144xf32, #tpu.memory_space<vmem_shared>> -> memref<128x144xf32, #tpu.memory_space<vmem_shared>>
      tpu.enqueue_dma source(%arg11 : memref<128x144xf32, #tpu.memory_space<vmem>>) target(%dma_start3A_42 : memref<128x144xf32, #tpu.memory_space<vmem_shared>>) target_semaphore(%run_scoped3A_39 : memref<!tpu.dma_semaphore, #tpu.memory_space<semaphore_mem>>)
      %dma_wait3A = arith.constant 0 : i32
      %dma_wait3A_43 = tpu.memref_slice %arg12[%add3A_8, %dma_wait3A] : memref<10176x144xf32, #tpu.memory_space<vmem_shared>> -> memref<128x144xf32, #tpu.memory_space<vmem_shared>>
      %dma_wait3A_44 = arith.constant 0 : i32
      %dma_wait3A_45 = tpu.memref_slice %arg12[%add3A_8, %dma_wait3A_44] : memref<10176x144xf32, #tpu.memory_space<vmem_shared>> -> memref<128x144xf32, #tpu.memory_space<vmem_shared>>
      tpu.wait_dma2 semaphore(%run_scoped3A_39 : memref<!tpu.dma_semaphore, #tpu.memory_space<semaphore_mem>>) src(%arg11 : memref<128x144xf32, #tpu.memory_space<vmem>>) dst(%dma_wait3A_45 : memref<128x144xf32, #tpu.memory_space<vmem_shared>>)
      tpu.yield
    }) : () -> ()
    %mul3A_9 = arith.constant 636 : i32
    %mul3A_10 = arith.muli %arg1, %mul3A_9 : i32
    %add3A_11 = arith.constant 128 : i32
    %add3A_12 = arith.addi %mul3A_10, %add3A_11 : i32
    "tpu.region"() ({
      %run_scoped3A_39 = tpu.sem_alloc : memref<!tpu.dma_semaphore, #tpu.memory_space<semaphore_mem>>
      %dma_start3A = arith.constant 0 : i32
      %dma_start3A_40 = tpu.memref_slice %arg12[%add3A_12, %dma_start3A] : memref<10176x144xf32, #tpu.memory_space<vmem_shared>> -> memref<128x144xf32, #tpu.memory_space<vmem_shared>>
      %dma_start3A_41 = arith.constant 0 : i32
      %dma_start3A_42 = tpu.memref_slice %arg12[%add3A_12, %dma_start3A_41] : memref<10176x144xf32, #tpu.memory_space<vmem_shared>> -> memref<128x144xf32, #tpu.memory_space<vmem_shared>>
      tpu.enqueue_dma source(%arg11 : memref<128x144xf32, #tpu.memory_space<vmem>>) target(%dma_start3A_42 : memref<128x144xf32, #tpu.memory_space<vmem_shared>>) target_semaphore(%run_scoped3A_39 : memref<!tpu.dma_semaphore, #tpu.memory_space<semaphore_mem>>)
      %dma_wait3A = arith.constant 0 : i32
      %dma_wait3A_43 = tpu.memref_slice %arg12[%add3A_12, %dma_wait3A] : memref<10176x144xf32, #tpu.memory_space<vmem_shared>> -> memref<128x144xf32, #tpu.memory_space<vmem_shared>>
      %dma_wait3A_44 = arith.constant 0 : i32
      %dma_wait3A_45 = tpu.memref_slice %arg12[%add3A_12, %dma_wait3A_44] : memref<10176x144xf32, #tpu.memory_space<vmem_shared>> -> memref<128x144xf32, #tpu.memory_space<vmem_shared>>
      tpu.wait_dma2 semaphore(%run_scoped3A_39 : memref<!tpu.dma_semaphore, #tpu.memory_space<semaphore_mem>>) src(%arg11 : memref<128x144xf32, #tpu.memory_space<vmem>>) dst(%dma_wait3A_45 : memref<128x144xf32, #tpu.memory_space<vmem_shared>>)
      tpu.yield
    }) : () -> ()
    %mul3A_13 = arith.constant 636 : i32
    %mul3A_14 = arith.muli %arg1, %mul3A_13 : i32
    %add3A_15 = arith.constant 256 : i32
    %add3A_16 = arith.addi %mul3A_14, %add3A_15 : i32
    "tpu.region"() ({
      %run_scoped3A_39 = tpu.sem_alloc : memref<!tpu.dma_semaphore, #tpu.memory_space<semaphore_mem>>
      %dma_start3A = arith.constant 0 : i32
      %dma_start3A_40 = tpu.memref_slice %arg12[%add3A_16, %dma_start3A] : memref<10176x144xf32, #tpu.memory_space<vmem_shared>> -> memref<128x144xf32, #tpu.memory_space<vmem_shared>>
      %dma_start3A_41 = arith.constant 0 : i32
      %dma_start3A_42 = tpu.memref_slice %arg12[%add3A_16, %dma_start3A_41] : memref<10176x144xf32, #tpu.memory_space<vmem_shared>> -> memref<128x144xf32, #tpu.memory_space<vmem_shared>>
      tpu.enqueue_dma source(%arg11 : memref<128x144xf32, #tpu.memory_space<vmem>>) target(%dma_start3A_42 : memref<128x144xf32, #tpu.memory_space<vmem_shared>>) target_semaphore(%run_scoped3A_39 : memref<!tpu.dma_semaphore, #tpu.memory_space<semaphore_mem>>)
      %dma_wait3A = arith.constant 0 : i32
      %dma_wait3A_43 = tpu.memref_slice %arg12[%add3A_16, %dma_wait3A] : memref<10176x144xf32, #tpu.memory_space<vmem_shared>> -> memref<128x144xf32, #tpu.memory_space<vmem_shared>>
      %dma_wait3A_44 = arith.constant 0 : i32
      %dma_wait3A_45 = tpu.memref_slice %arg12[%add3A_16, %dma_wait3A_44] : memref<10176x144xf32, #tpu.memory_space<vmem_shared>> -> memref<128x144xf32, #tpu.memory_space<vmem_shared>>
      tpu.wait_dma2 semaphore(%run_scoped3A_39 : memref<!tpu.dma_semaphore, #tpu.memory_space<semaphore_mem>>) src(%arg11 : memref<128x144xf32, #tpu.memory_space<vmem>>) dst(%dma_wait3A_45 : memref<128x144xf32, #tpu.memory_space<vmem_shared>>)
      tpu.yield
    }) : () -> ()
    %mul3A_17 = arith.constant 636 : i32
    %mul3A_18 = arith.muli %arg1, %mul3A_17 : i32
    %add3A_19 = arith.constant 384 : i32
    %add3A_20 = arith.addi %mul3A_18, %add3A_19 : i32
    "tpu.region"() ({
      %run_scoped3A_39 = tpu.sem_alloc : memref<!tpu.dma_semaphore, #tpu.memory_space<semaphore_mem>>
      %dma_start3A = arith.constant 0 : i32
      %dma_start3A_40 = tpu.memref_slice %arg12[%add3A_20, %dma_start3A] : memref<10176x144xf32, #tpu.memory_space<vmem_shared>> -> memref<128x144xf32, #tpu.memory_space<vmem_shared>>
      %dma_start3A_41 = arith.constant 0 : i32
      %dma_start3A_42 = tpu.memref_slice %arg12[%add3A_20, %dma_start3A_41] : memref<10176x144xf32, #tpu.memory_space<vmem_shared>> -> memref<128x144xf32, #tpu.memory_space<vmem_shared>>
      tpu.enqueue_dma source(%arg11 : memref<128x144xf32, #tpu.memory_space<vmem>>) target(%dma_start3A_42 : memref<128x144xf32, #tpu.memory_space<vmem_shared>>) target_semaphore(%run_scoped3A_39 : memref<!tpu.dma_semaphore, #tpu.memory_space<semaphore_mem>>)
      %dma_wait3A = arith.constant 0 : i32
      %dma_wait3A_43 = tpu.memref_slice %arg12[%add3A_20, %dma_wait3A] : memref<10176x144xf32, #tpu.memory_space<vmem_shared>> -> memref<128x144xf32, #tpu.memory_space<vmem_shared>>
      %dma_wait3A_44 = arith.constant 0 : i32
      %dma_wait3A_45 = tpu.memref_slice %arg12[%add3A_20, %dma_wait3A_44] : memref<10176x144xf32, #tpu.memory_space<vmem_shared>> -> memref<128x144xf32, #tpu.memory_space<vmem_shared>>
      tpu.wait_dma2 semaphore(%run_scoped3A_39 : memref<!tpu.dma_semaphore, #tpu.memory_space<semaphore_mem>>) src(%arg11 : memref<128x144xf32, #tpu.memory_space<vmem>>) dst(%dma_wait3A_45 : memref<128x144xf32, #tpu.memory_space<vmem_shared>>)
      tpu.yield
    }) : () -> ()
    %mul3A_21 = arith.constant 636 : i32
    %mul3A_22 = arith.muli %arg1, %mul3A_21 : i32
    %add3A_23 = arith.constant 636 : i32
    %add3A_24 = arith.addi %mul3A_22, %add3A_23 : i32
    %sub3A = arith.constant 124 : i32
    %sub3A_25 = arith.subi %add3A_24, %sub3A : i32
    "tpu.region"() ({
      %run_scoped3A_39 = tpu.sem_alloc : memref<!tpu.dma_semaphore, #tpu.memory_space<semaphore_mem>>
      %dma_start3A = arith.constant 0 : i32
      %dma_start3A_40 = arith.constant 0 : i32
      %dma_start3A_41 = tpu.memref_slice %arg11[%dma_start3A, %dma_start3A_40] : memref<128x144xf32, #tpu.memory_space<vmem>> -> memref<124x144xf32, #tpu.memory_space<vmem>>
      %dma_start3A_42 = arith.constant 0 : i32
      %dma_start3A_43 = tpu.memref_slice %arg12[%sub3A_25, %dma_start3A_42] : memref<10176x144xf32, #tpu.memory_space<vmem_shared>> -> memref<124x144xf32, #tpu.memory_space<vmem_shared>>
      %dma_start3A_44 = arith.constant 0 : i32
      %dma_start3A_45 = tpu.memref_slice %arg12[%sub3A_25, %dma_start3A_44] : memref<10176x144xf32, #tpu.memory_space<vmem_shared>> -> memref<124x144xf32, #tpu.memory_space<vmem_shared>>
      %dma_start3A_46 = arith.constant 0 : i32
      %dma_start3A_47 = arith.constant 0 : i32
      %dma_start3A_48 = tpu.memref_slice %arg11[%dma_start3A_46, %dma_start3A_47] : memref<128x144xf32, #tpu.memory_space<vmem>> -> memref<124x144xf32, #tpu.memory_space<vmem>>
      tpu.enqueue_dma source(%dma_start3A_48 : memref<124x144xf32, #tpu.memory_space<vmem>>) target(%dma_start3A_45 : memref<124x144xf32, #tpu.memory_space<vmem_shared>>) target_semaphore(%run_scoped3A_39 : memref<!tpu.dma_semaphore, #tpu.memory_space<semaphore_mem>>)
      %dma_wait3A = arith.constant 0 : i32
      %dma_wait3A_49 = arith.constant 0 : i32
      %dma_wait3A_50 = tpu.memref_slice %arg11[%dma_wait3A, %dma_wait3A_49] : memref<128x144xf32, #tpu.memory_space<vmem>> -> memref<124x144xf32, #tpu.memory_space<vmem>>
      %dma_wait3A_51 = arith.constant 0 : i32
      %dma_wait3A_52 = tpu.memref_slice %arg12[%sub3A_25, %dma_wait3A_51] : memref<10176x144xf32, #tpu.memory_space<vmem_shared>> -> memref<124x144xf32, #tpu.memory_space<vmem_shared>>
      %dma_wait3A_53 = arith.constant 0 : i32
      %dma_wait3A_54 = tpu.memref_slice %arg12[%sub3A_25, %dma_wait3A_53] : memref<10176x144xf32, #tpu.memory_space<vmem_shared>> -> memref<124x144xf32, #tpu.memory_space<vmem_shared>>
      %dma_wait3A_55 = arith.constant 0 : i32
      %dma_wait3A_56 = arith.constant 0 : i32
      %dma_wait3A_57 = tpu.memref_slice %arg11[%dma_wait3A_55, %dma_wait3A_56] : memref<128x144xf32, #tpu.memory_space<vmem>> -> memref<124x144xf32, #tpu.memory_space<vmem>>
      tpu.wait_dma2 semaphore(%run_scoped3A_39 : memref<!tpu.dma_semaphore, #tpu.memory_space<semaphore_mem>>) src(%dma_wait3A_57 : memref<124x144xf32, #tpu.memory_space<vmem>>) dst(%dma_wait3A_54 : memref<124x144xf32, #tpu.memory_space<vmem_shared>>)
      tpu.yield
    }) : () -> ()
    %run_scoped3A = arith.constant 0 : i32
    "tpu.region"() ({
      %run_scoped3A_39 = tpu.sem_alloc : memref<!tpu.dma_semaphore, #tpu.memory_space<semaphore_mem>>
      %dma_start3A = arith.constant 0 : i32
      %dma_start3A_40 = tpu.memref_slice %arg4[%run_scoped3A, %dma_start3A] : memref<8x10240xf32, #tpu.memory_space<hbm>> -> memref<1x10240xf32, #tpu.memory_space<hbm>>
      %dma_start3A_41 = tpu.memref_squeeze %dma_start3A_40 : memref<1x10240xf32, #tpu.memory_space<hbm>> -> memref<10240xf32, #tpu.memory_space<hbm>>
      %dma_start3A_42 = arith.constant 0 : i32
      %dma_start3A_43 = tpu.memref_slice %arg4[%run_scoped3A, %dma_start3A_42] : memref<8x10240xf32, #tpu.memory_space<hbm>> -> memref<1x10240xf32, #tpu.memory_space<hbm>>
      %dma_start3A_44 = tpu.memref_squeeze %dma_start3A_43 : memref<1x10240xf32, #tpu.memory_space<hbm>> -> memref<10240xf32, #tpu.memory_space<hbm>>
      tpu.enqueue_dma source(%dma_start3A_44 : memref<10240xf32, #tpu.memory_space<hbm>>) target(%arg7 : memref<10240xf32, #tpu.memory_space<vmem>>) target_semaphore(%run_scoped3A_39 : memref<!tpu.dma_semaphore, #tpu.memory_space<semaphore_mem>>)
      %dma_wait3A = arith.constant 0 : i32
      %dma_wait3A_45 = tpu.memref_slice %arg4[%run_scoped3A, %dma_wait3A] : memref<8x10240xf32, #tpu.memory_space<hbm>> -> memref<1x10240xf32, #tpu.memory_space<hbm>>
      %dma_wait3A_46 = tpu.memref_squeeze %dma_wait3A_45 : memref<1x10240xf32, #tpu.memory_space<hbm>> -> memref<10240xf32, #tpu.memory_space<hbm>>
      %dma_wait3A_47 = arith.constant 0 : i32
      %dma_wait3A_48 = tpu.memref_slice %arg4[%run_scoped3A, %dma_wait3A_47] : memref<8x10240xf32, #tpu.memory_space<hbm>> -> memref<1x10240xf32, #tpu.memory_space<hbm>>
      %dma_wait3A_49 = tpu.memref_squeeze %dma_wait3A_48 : memref<1x10240xf32, #tpu.memory_space<hbm>> -> memref<10240xf32, #tpu.memory_space<hbm>>
      tpu.wait_dma2 semaphore(%run_scoped3A_39 : memref<!tpu.dma_semaphore, #tpu.memory_space<semaphore_mem>>) src(%dma_wait3A_49 : memref<10240xf32, #tpu.memory_space<hbm>>) dst(%arg7 : memref<10240xf32, #tpu.memory_space<vmem>>)
      tpu.yield
    }) : () -> ()
    %run_scoped3A_26 = arith.constant 1 : i32
    "tpu.region"() ({
      %run_scoped3A_39 = tpu.sem_alloc : memref<!tpu.dma_semaphore, #tpu.memory_space<semaphore_mem>>
      %dma_start3A = arith.constant 0 : i32
      %dma_start3A_40 = tpu.memref_slice %arg4[%run_scoped3A_26, %dma_start3A] : memref<8x10240xf32, #tpu.memory_space<hbm>> -> memref<1x10240xf32, #tpu.memory_space<hbm>>
      %dma_start3A_41 = tpu.memref_squeeze %dma_start3A_40 : memref<1x10240xf32, #tpu.memory_space<hbm>> -> memref<10240xf32, #tpu.memory_space<hbm>>
      %dma_start3A_42 = arith.constant 0 : i32
      %dma_start3A_43 = tpu.memref_slice %arg4[%run_scoped3A_26, %dma_start3A_42] : memref<8x10240xf32, #tpu.memory_space<hbm>> -> memref<1x10240xf32, #tpu.memory_space<hbm>>
      %dma_start3A_44 = tpu.memref_squeeze %dma_start3A_43 : memref<1x10240xf32, #tpu.memory_space<hbm>> -> memref<10240xf32, #tpu.memory_space<hbm>>
      tpu.enqueue_dma source(%dma_start3A_44 : memref<10240xf32, #tpu.memory_space<hbm>>) target(%arg8 : memref<10240xf32, #tpu.memory_space<vmem>>) target_semaphore(%run_scoped3A_39 : memref<!tpu.dma_semaphore, #tpu.memory_space<semaphore_mem>>)
      %dma_wait3A = arith.constant 0 : i32
      %dma_wait3A_45 = tpu.memref_slice %arg4[%run_scoped3A_26, %dma_wait3A] : memref<8x10240xf32, #tpu.memory_space<hbm>> -> memref<1x10240xf32, #tpu.memory_space<hbm>>
      %dma_wait3A_46 = tpu.memref_squeeze %dma_wait3A_45 : memref<1x10240xf32, #tpu.memory_space<hbm>> -> memref<10240xf32, #tpu.memory_space<hbm>>
      %dma_wait3A_47 = arith.constant 0 : i32
      %dma_wait3A_48 = tpu.memref_slice %arg4[%run_scoped3A_26, %dma_wait3A_47] : memref<8x10240xf32, #tpu.memory_space<hbm>> -> memref<1x10240xf32, #tpu.memory_space<hbm>>
      %dma_wait3A_49 = tpu.memref_squeeze %dma_wait3A_48 : memref<1x10240xf32, #tpu.memory_space<hbm>> -> memref<10240xf32, #tpu.memory_space<hbm>>
      tpu.wait_dma2 semaphore(%run_scoped3A_39 : memref<!tpu.dma_semaphore, #tpu.memory_space<semaphore_mem>>) src(%dma_wait3A_49 : memref<10240xf32, #tpu.memory_space<hbm>>) dst(%arg8 : memref<10240xf32, #tpu.memory_space<vmem>>)
      tpu.yield
    }) : () -> ()
    %barrier3A = arith.constant 0 : index
    tpu.barrier barrier_id(%barrier3A)
    %mul3A_27 = arith.constant 10112 : i32
    %mul3A_28 = arith.muli %add3A, %mul3A_27 : i32
    %scan3A_29 = arith.constant 0 : i32
    %scan3A_30 = arith.constant 79 : i32
    %scan3A_31 = arith.addi %scan3A_29, %scan3A_30 : i32
    %scan3A_32 = arith.constant 1 : i32
    scf.for %scan3A_39 = %scan3A_29 to %scan3A_31 step %scan3A_32  : i32 {
      %mul3A_40 = arith.constant 1 : i32
      %mul3A_41 = arith.muli %scan3A_39, %mul3A_40 : i32
      %add3A_42 = arith.constant 0 : i32
      %add3A_43 = arith.addi %add3A_42, %mul3A_41 : i32
      %mul3A_44 = arith.constant 128 : i32
      %mul3A_45 = arith.muli %add3A_43, %mul3A_44 : i32
      %add3A_46 = arith.addi %mul3A_28, %mul3A_45 : i32
      "tpu.region"() ({
        %run_scoped3A_52 = tpu.sem_alloc : memref<!tpu.dma_semaphore, #tpu.memory_space<semaphore_mem>>
        %dma_start3A = tpu.memref_slice %arg2[%add3A_46] : memref<323584xi32, #tpu.memory_space<hbm>> -> memref<128xi32, #tpu.memory_space<hbm>>
        %dma_start3A_53 = tpu.memref_slice %arg2[%add3A_46] : memref<323584xi32, #tpu.memory_space<hbm>> -> memref<128xi32, #tpu.memory_space<hbm>>
        tpu.enqueue_dma source(%dma_start3A_53 : memref<128xi32, #tpu.memory_space<hbm>>) target(%arg9 : memref<128xi32, #tpu.memory_space<vmem>>) target_semaphore(%run_scoped3A_52 : memref<!tpu.dma_semaphore, #tpu.memory_space<semaphore_mem>>)
        %dma_wait3A = tpu.memref_slice %arg2[%add3A_46] : memref<323584xi32, #tpu.memory_space<hbm>> -> memref<128xi32, #tpu.memory_space<hbm>>
        %dma_wait3A_54 = tpu.memref_slice %arg2[%add3A_46] : memref<323584xi32, #tpu.memory_space<hbm>> -> memref<128xi32, #tpu.memory_space<hbm>>
        tpu.wait_dma2 semaphore(%run_scoped3A_52 : memref<!tpu.dma_semaphore, #tpu.memory_space<semaphore_mem>>) src(%dma_wait3A_54 : memref<128xi32, #tpu.memory_space<hbm>>) dst(%arg9 : memref<128xi32, #tpu.memory_space<vmem>>)
        tpu.yield
      }) : () -> ()
      "tpu.region"() ({
        %run_scoped3A_52 = tpu.sem_alloc : memref<!tpu.dma_semaphore, #tpu.memory_space<semaphore_mem>>
        %dma_start3A = tpu.memref_slice %arg3[%add3A_46] : memref<323584xi32, #tpu.memory_space<hbm>> -> memref<128xi32, #tpu.memory_space<hbm>>
        %dma_start3A_53 = tpu.memref_slice %arg3[%add3A_46] : memref<323584xi32, #tpu.memory_space<hbm>> -> memref<128xi32, #tpu.memory_space<hbm>>
        tpu.enqueue_dma source(%dma_start3A_53 : memref<128xi32, #tpu.memory_space<hbm>>) target(%arg10 : memref<128xi32, #tpu.memory_space<vmem>>) target_semaphore(%run_scoped3A_52 : memref<!tpu.dma_semaphore, #tpu.memory_space<semaphore_mem>>)
        %dma_wait3A = tpu.memref_slice %arg3[%add3A_46] : memref<323584xi32, #tpu.memory_space<hbm>> -> memref<128xi32, #tpu.memory_space<hbm>>
        %dma_wait3A_54 = tpu.memref_slice %arg3[%add3A_46] : memref<323584xi32, #tpu.memory_space<hbm>> -> memref<128xi32, #tpu.memory_space<hbm>>
        tpu.wait_dma2 semaphore(%run_scoped3A_52 : memref<!tpu.dma_semaphore, #tpu.memory_space<semaphore_mem>>) src(%dma_wait3A_54 : memref<128xi32, #tpu.memory_space<hbm>>) dst(%arg10 : memref<128xi32, #tpu.memory_space<vmem>>)
        tpu.yield
      }) : () -> ()
      "tpu.region"() ({
        %run_scoped3A_52 = tpu.sem_alloc : memref<!tpu.dma_semaphore, #tpu.memory_space<semaphore_mem>>
        %dma_start3A = arith.constant 0 : i32
        %dma_start3A_53 = arith.constant 0 : i32
        %dma_start3A_54 = tpu.memref_slice %arg5[%dma_start3A, %dma_start3A_53] : memref<10240x144xf32, #tpu.memory_space<hbm>> -> memref<10240x144xf32, #tpu.memory_space<hbm>>
        tpu.enqueue_indirect_dma source(%dma_start3A_54 : memref<10240x144xf32, #tpu.memory_space<hbm>>) target(%arg11 : memref<128x144xf32, #tpu.memory_space<vmem>>) offsets(%arg9 : memref<128xi32, #tpu.memory_space<vmem>>) semaphore(%run_scoped3A_52 : memref<!tpu.dma_semaphore, #tpu.memory_space<semaphore_mem>>)
        %dma_wait3A = arith.constant 0 : i32
        %dma_wait3A_55 = arith.constant 0 : i32
        %dma_wait3A_56 = tpu.memref_slice %arg5[%dma_wait3A, %dma_wait3A_55] : memref<10240x144xf32, #tpu.memory_space<hbm>> -> memref<10240x144xf32, #tpu.memory_space<hbm>>
        tpu.wait_indirect_dma semaphore(%run_scoped3A_52 : memref<!tpu.dma_semaphore, #tpu.memory_space<semaphore_mem>>) src(%dma_wait3A_56 : memref<10240x144xf32, #tpu.memory_space<hbm>>) dst(%arg11 : memref<128x144xf32, #tpu.memory_space<vmem>>)
        tpu.yield
      }) : () -> ()
      %scan3A_47 = arith.constant 0 : i32
      %scan3A_48 = arith.constant 8 : i32
      %scan3A_49 = arith.addi %scan3A_47, %scan3A_48 : i32
      %scan3A_50 = arith.constant 1 : i32
      scf.for %scan3A_52 = %scan3A_47 to %scan3A_49 step %scan3A_50  : i32 {
        %mul3A_53 = arith.constant 16 : i32
        %mul3A_54 = arith.muli %scan3A_52, %mul3A_53 : i32
        %add3A_55 = arith.constant 0 : i32
        %add3A_56 = arith.addi %add3A_55, %mul3A_54 : i32
        %get3A = arith.index_cast %add3A_56 : i32 to index
        %get3A_57 = tpu.vector_load %arg9[%get3A] {strides = array<i32>} : memref<128xi32, #tpu.memory_space<vmem>>, vector<16xi32>,
        %gather3A = tpu.vector_load_idx %arg7[%get3A_57] : memref<10240xf32, #tpu.memory_space<vmem>>[vector<16xi32>], vector<16xf32>,
        %get3A_58 = arith.index_cast %add3A_56 : i32 to index
        %get3A_59 = tpu.vector_load %arg10[%get3A_58] {strides = array<i32>} : memref<128xi32, #tpu.memory_space<vmem>>, vector<16xi32>,
        %gather3A_60 = tpu.vector_load_idx %arg8[%get3A_59] : memref<10240xf32, #tpu.memory_space<vmem>>[vector<16xi32>], vector<16xf32>,
        %add3A_61 = arith.addf %gather3A, %gather3A_60 : vector<16xf32>
        %ge3A = arith.constant 0.000000e+00 : f32
        %ge3A_62 = vector.broadcast %ge3A : f32 to vector<16xf32>
        %ge3A_63 = arith.cmpf oge, %add3A_61, %ge3A_62 : vector<16xf32>
        %mul3A_64 = arith.constant 2.000000e-01 : f32
        %mul3A_65 = vector.broadcast %mul3A_64 : f32 to vector<16xf32>
        %mul3A_66 = arith.mulf %mul3A_65, %add3A_61 : vector<16xf32>
        %select_n3A = arith.select %ge3A_63, %add3A_61, %mul3A_66 : vector<16xi1>, vector<16xf32>
        %exp3A = math.exp %select_n3A : vector<16xf32>
        %slice3A = vector.extract_strided_slice %exp3A {offsets = [0], sizes = [1], strides = [1]} : vector<16xf32> to vector<1xf32>
        %squeeze3A = vector.extract %slice3A[0] : f32 from vector<1xf32>
        %broadcast_in_dim3A = vector.broadcast %squeeze3A : f32 to vector<16xf32>
        %add3A_67 = arith.constant 0 : i32
        %add3A_68 = arith.addi %add3A_56, %add3A_67 : i32
        %get3A_69 = arith.index_cast %add3A_68 : i32 to index
        %get3A_70 = arith.constant 0 : index
        %get3A_71 = tpu.vector_load %arg11[%get3A_69, %get3A_70] {strides = array<i32>} : memref<128x144xf32, #tpu.memory_space<vmem>>, vector<16xf32>,
        %mul3A_72 = arith.mulf %get3A_71, %broadcast_in_dim3A : vector<16xf32>
        %add3A_73 = arith.constant 0 : i32
        %add3A_74 = arith.addi %add3A_56, %add3A_73 : i32
        %swap3A = arith.index_cast %add3A_74 : i32 to index
        %swap3A_75 = arith.constant 0 : index
        %swap3A_76 = tpu.vector_load %arg11[%swap3A, %swap3A_75] {strides = array<i32>} : memref<128x144xf32, #tpu.memory_space<vmem>>, vector<16xf32>,
        tpu.vector_store %arg11[%swap3A, %swap3A_75], %mul3A_72 {strides = array<i32>} : memref<128x144xf32, #tpu.memory_space<vmem>>, vector<16xf32>,
        %add3A_77 = arith.constant 0 : i32
        %add3A_78 = arith.addi %add3A_56, %add3A_77 : i32
        %get3A_79 = arith.index_cast %add3A_78 : i32 to index
        %get3A_80 = arith.constant 16 : index
        %get3A_81 = tpu.vector_load %arg11[%get3A_79, %get3A_80] {strides = array<i32>} : memref<128x144xf32, #tpu.memory_space<vmem>>, vector<16xf32>,
        %mul3A_82 = arith.mulf %get3A_81, %broadcast_in_dim3A : vector<16xf32>
        %add3A_83 = arith.constant 0 : i32
        %add3A_84 = arith.addi %add3A_56, %add3A_83 : i32
        %swap3A_85 = arith.index_cast %add3A_84 : i32 to index
        %swap3A_86 = arith.constant 16 : index
        %swap3A_87 = tpu.vector_load %arg11[%swap3A_85, %swap3A_86] {strides = array<i32>} : memref<128x144xf32, #tpu.memory_space<vmem>>, vector<16xf32>,
        tpu.vector_store %arg11[%swap3A_85, %swap3A_86], %mul3A_82 {strides = array<i32>} : memref<128x144xf32, #tpu.memory_space<vmem>>, vector<16xf32>,
        %add3A_88 = arith.constant 0 : i32
        %add3A_89 = arith.addi %add3A_56, %add3A_88 : i32
        %get3A_90 = arith.index_cast %add3A_89 : i32 to index
        %get3A_91 = arith.constant 32 : index
        %get3A_92 = tpu.vector_load %arg11[%get3A_90, %get3A_91] {strides = array<i32>} : memref<128x144xf32, #tpu.memory_space<vmem>>, vector<16xf32>,
        %mul3A_93 = arith.mulf %get3A_92, %broadcast_in_dim3A : vector<16xf32>
        %add3A_94 = arith.constant 0 : i32
        %add3A_95 = arith.addi %add3A_56, %add3A_94 : i32
        %swap3A_96 = arith.index_cast %add3A_95 : i32 to index
        %swap3A_97 = arith.constant 32 : index
        %swap3A_98 = tpu.vector_load %arg11[%swap3A_96, %swap3A_97] {strides = array<i32>} : memref<128x144xf32, #tpu.memory_space<vmem>>, vector<16xf32>,
        tpu.vector_store %arg11[%swap3A_96, %swap3A_97], %mul3A_93 {strides = array<i32>} : memref<128x144xf32, #tpu.memory_space<vmem>>, vector<16xf32>,
        %add3A_99 = arith.constant 0 : i32
        %add3A_100 = arith.addi %add3A_56, %add3A_99 : i32
        %get3A_101 = arith.index_cast %add3A_100 : i32 to index
        %get3A_102 = arith.constant 48 : index
        %get3A_103 = tpu.vector_load %arg11[%get3A_101, %get3A_102] {strides = array<i32>} : memref<128x144xf32, #tpu.memory_space<vmem>>, vector<16xf32>,
        %mul3A_104 = arith.mulf %get3A_103, %broadcast_in_dim3A : vector<16xf32>
        %add3A_105 = arith.constant 0 : i32
        %add3A_106 = arith.addi %add3A_56, %add3A_105 : i32
        %swap3A_107 = arith.index_cast %add3A_106 : i32 to index
        %swap3A_108 = arith.constant 48 : index
        %swap3A_109 = tpu.vector_load %arg11[%swap3A_107, %swap3A_108] {strides = array<i32>} : memref<128x144xf32, #tpu.memory_space<vmem>>, vector<16xf32>,
        tpu.vector_store %arg11[%swap3A_107, %swap3A_108], %mul3A_104 {strides = array<i32>} : memref<128x144xf32, #tpu.memory_space<vmem>>, vector<16xf32>,
        %add3A_110 = arith.constant 0 : i32
        %add3A_111 = arith.addi %add3A_56, %add3A_110 : i32
        %get3A_112 = arith.index_cast %add3A_111 : i32 to index
        %get3A_113 = arith.constant 64 : index
        %get3A_114 = tpu.vector_load %arg11[%get3A_112, %get3A_113] {strides = array<i32>} : memref<128x144xf32, #tpu.memory_space<vmem>>, vector<16xf32>,
        %mul3A_115 = arith.mulf %get3A_114, %broadcast_in_dim3A : vector<16xf32>
        %add3A_116 = arith.constant 0 : i32
        %add3A_117 = arith.addi %add3A_56, %add3A_116 : i32
        %swap3A_118 = arith.index_cast %add3A_117 : i32 to index
        %swap3A_119 = arith.constant 64 : index
        %swap3A_120 = tpu.vector_load %arg11[%swap3A_118, %swap3A_119] {strides = array<i32>} : memref<128x144xf32, #tpu.memory_space<vmem>>, vector<16xf32>,
        tpu.vector_store %arg11[%swap3A_118, %swap3A_119], %mul3A_115 {strides = array<i32>} : memref<128x144xf32, #tpu.memory_space<vmem>>, vector<16xf32>,
        %add3A_121 = arith.constant 0 : i32
        %add3A_122 = arith.addi %add3A_56, %add3A_121 : i32
        %get3A_123 = arith.index_cast %add3A_122 : i32 to index
        %get3A_124 = arith.constant 80 : index
        %get3A_125 = tpu.vector_load %arg11[%get3A_123, %get3A_124] {strides = array<i32>} : memref<128x144xf32, #tpu.memory_space<vmem>>, vector<16xf32>,
        %mul3A_126 = arith.mulf %get3A_125, %broadcast_in_dim3A : vector<16xf32>
        %add3A_127 = arith.constant 0 : i32
        %add3A_128 = arith.addi %add3A_56, %add3A_127 : i32
        %swap3A_129 = arith.index_cast %add3A_128 : i32 to index
        %swap3A_130 = arith.constant 80 : index
        %swap3A_131 = tpu.vector_load %arg11[%swap3A_129, %swap3A_130] {strides = array<i32>} : memref<128x144xf32, #tpu.memory_space<vmem>>, vector<16xf32>,
        tpu.vector_store %arg11[%swap3A_129, %swap3A_130], %mul3A_126 {strides = array<i32>} : memref<128x144xf32, #tpu.memory_space<vmem>>, vector<16xf32>,
        %add3A_132 = arith.constant 0 : i32
        %add3A_133 = arith.addi %add3A_56, %add3A_132 : i32
        %get3A_134 = arith.index_cast %add3A_133 : i32 to index
        %get3A_135 = arith.constant 96 : index
        %get3A_136 = tpu.vector_load %arg11[%get3A_134, %get3A_135] {strides = array<i32>} : memref<128x144xf32, #tpu.memory_space<vmem>>, vector<16xf32>,
        %mul3A_137 = arith.mulf %get3A_136, %broadcast_in_dim3A : vector<16xf32>
        %add3A_138 = arith.constant 0 : i32
        %add3A_139 = arith.addi %add3A_56, %add3A_138 : i32
        %swap3A_140 = arith.index_cast %add3A_139 : i32 to index
        %swap3A_141 = arith.constant 96 : index
        %swap3A_142 = tpu.vector_load %arg11[%swap3A_140, %swap3A_141] {strides = array<i32>} : memref<128x144xf32, #tpu.memory_space<vmem>>, vector<16xf32>,
        tpu.vector_store %arg11[%swap3A_140, %swap3A_141], %mul3A_137 {strides = array<i32>} : memref<128x144xf32, #tpu.memory_space<vmem>>, vector<16xf32>,
        %add3A_143 = arith.constant 0 : i32
        %add3A_144 = arith.addi %add3A_56, %add3A_143 : i32
        %get3A_145 = arith.index_cast %add3A_144 : i32 to index
        %get3A_146 = arith.constant 112 : index
        %get3A_147 = tpu.vector_load %arg11[%get3A_145, %get3A_146] {strides = array<i32>} : memref<128x144xf32, #tpu.memory_space<vmem>>, vector<16xf32>,
        %mul3A_148 = arith.mulf %get3A_147, %broadcast_in_dim3A : vector<16xf32>
        %add3A_149 = arith.constant 0 : i32
        %add3A_150 = arith.addi %add3A_56, %add3A_149 : i32
        %swap3A_151 = arith.index_cast %add3A_150 : i32 to index
        %swap3A_152 = arith.constant 112 : index
        %swap3A_153 = tpu.vector_load %arg11[%swap3A_151, %swap3A_152] {strides = array<i32>} : memref<128x144xf32, #tpu.memory_space<vmem>>, vector<16xf32>,
        tpu.vector_store %arg11[%swap3A_151, %swap3A_152], %mul3A_148 {strides = array<i32>} : memref<128x144xf32, #tpu.memory_space<vmem>>, vector<16xf32>,
        %add3A_154 = arith.constant 0 : i32
        %add3A_155 = arith.addi %add3A_56, %add3A_154 : i32
        %get3A_156 = arith.index_cast %add3A_155 : i32 to index
        %get3A_157 = arith.constant 128 : index
        %get3A_158 = tpu.vector_load %arg11[%get3A_156, %get3A_157] {strides = array<i32>} : memref<128x144xf32, #tpu.memory_space<vmem>>, vector<16xf32>,
        %mul3A_159 = arith.mulf %get3A_158, %broadcast_in_dim3A : vector<16xf32>
        %add3A_160 = arith.constant 0 : i32
        %add3A_161 = arith.addi %add3A_56, %add3A_160 : i32
        %swap3A_162 = arith.index_cast %add3A_161 : i32 to index
        %swap3A_163 = arith.constant 128 : index
        %swap3A_164 = tpu.vector_load %arg11[%swap3A_162, %swap3A_163] {strides = array<i32>} : memref<128x144xf32, #tpu.memory_space<vmem>>, vector<16xf32>,
        tpu.vector_store %arg11[%swap3A_162, %swap3A_163], %mul3A_159 {strides = array<i32>} : memref<128x144xf32, #tpu.memory_space<vmem>>, vector<16xf32>,
        %slice3A_165 = vector.extract_strided_slice %exp3A {offsets = [1], sizes = [1], strides = [1]} : vector<16xf32> to vector<1xf32>
        %squeeze3A_166 = vector.extract %slice3A_165[0] : f32 from vector<1xf32>
        %broadcast_in_dim3A_167 = vector.broadcast %squeeze3A_166 : f32 to vector<16xf32>
        %add3A_168 = arith.constant 1 : i32
        %add3A_169 = arith.addi %add3A_56, %add3A_168 : i32
        %get3A_170 = arith.index_cast %add3A_169 : i32 to index
        %get3A_171 = arith.constant 0 : index
        %get3A_172 = tpu.vector_load %arg11[%get3A_170, %get3A_171] {strides = array<i32>} : memref<128x144xf32, #tpu.memory_space<vmem>>, vector<16xf32>,
        %mul3A_173 = arith.mulf %get3A_172, %broadcast_in_dim3A_167 : vector<16xf32>
        %add3A_174 = arith.constant 1 : i32
        %add3A_175 = arith.addi %add3A_56, %add3A_174 : i32
        %swap3A_176 = arith.index_cast %add3A_175 : i32 to index
        %swap3A_177 = arith.constant 0 : index
        %swap3A_178 = tpu.vector_load %arg11[%swap3A_176, %swap3A_177] {strides = array<i32>} : memref<128x144xf32, #tpu.memory_space<vmem>>, vector<16xf32>,
        tpu.vector_store %arg11[%swap3A_176, %swap3A_177], %mul3A_173 {strides = array<i32>} : memref<128x144xf32, #tpu.memory_space<vmem>>, vector<16xf32>,
        %add3A_179 = arith.constant 1 : i32
        %add3A_180 = arith.addi %add3A_56, %add3A_179 : i32
        %get3A_181 = arith.index_cast %add3A_180 : i32 to index
        %get3A_182 = arith.constant 16 : index
        %get3A_183 = tpu.vector_load %arg11[%get3A_181, %get3A_182] {strides = array<i32>} : memref<128x144xf32, #tpu.memory_space<vmem>>, vector<16xf32>,
        %mul3A_184 = arith.mulf %get3A_183, %broadcast_in_dim3A_167 : vector<16xf32>
        %add3A_185 = arith.constant 1 : i32
        %add3A_186 = arith.addi %add3A_56, %add3A_185 : i32
        %swap3A_187 = arith.index_cast %add3A_186 : i32 to index
        %swap3A_188 = arith.constant 16 : index
        %swap3A_189 = tpu.vector_load %arg11[%swap3A_187, %swap3A_188] {strides = array<i32>} : memref<128x144xf32, #tpu.memory_space<vmem>>, vector<16xf32>,
        tpu.vector_store %arg11[%swap3A_187, %swap3A_188], %mul3A_184 {strides = array<i32>} : memref<128x144xf32, #tpu.memory_space<vmem>>, vector<16xf32>,
        %add3A_190 = arith.constant 1 : i32
        %add3A_191 = arith.addi %add3A_56, %add3A_190 : i32
        %get3A_192 = arith.index_cast %add3A_191 : i32 to index
        %get3A_193 = arith.constant 32 : index
        %get3A_194 = tpu.vector_load %arg11[%get3A_192, %get3A_193] {strides = array<i32>} : memref<128x144xf32, #tpu.memory_space<vmem>>, vector<16xf32>,
        %mul3A_195 = arith.mulf %get3A_194, %broadcast_in_dim3A_167 : vector<16xf32>
        %add3A_196 = arith.constant 1 : i32
        %add3A_197 = arith.addi %add3A_56, %add3A_196 : i32
        %swap3A_198 = arith.index_cast %add3A_197 : i32 to index
        %swap3A_199 = arith.constant 32 : index
        %swap3A_200 = tpu.vector_load %arg11[%swap3A_198, %swap3A_199] {strides = array<i32>} : memref<128x144xf32, #tpu.memory_space<vmem>>, vector<16xf32>,
        tpu.vector_store %arg11[%swap3A_198, %swap3A_199], %mul3A_195 {strides = array<i32>} : memref<128x144xf32, #tpu.memory_space<vmem>>, vector<16xf32>,
        %add3A_201 = arith.constant 1 : i32
        %add3A_202 = arith.addi %add3A_56, %add3A_201 : i32
        %get3A_203 = arith.index_cast %add3A_202 : i32 to index
        %get3A_204 = arith.constant 48 : index
        %get3A_205 = tpu.vector_load %arg11[%get3A_203, %get3A_204] {strides = array<i32>} : memref<128x144xf32, #tpu.memory_space<vmem>>, vector<16xf32>,
        %mul3A_206 = arith.mulf %get3A_205, %broadcast_in_dim3A_167 : vector<16xf32>
        %add3A_207 = arith.constant 1 : i32
        %add3A_208 = arith.addi %add3A_56, %add3A_207 : i32
        %swap3A_209 = arith.index_cast %add3A_208 : i32 to index
        %swap3A_210 = arith.constant 48 : index
        %swap3A_211 = tpu.vector_load %arg11[%swap3A_209, %swap3A_210] {strides = array<i32>} : memref<128x144xf32, #tpu.memory_space<vmem>>, vector<16xf32>,
        tpu.vector_store %arg11[%swap3A_209, %swap3A_210], %mul3A_206 {strides = array<i32>} : memref<128x144xf32, #tpu.memory_space<vmem>>, vector<16xf32>,
        %add3A_212 = arith.constant 1 : i32
        %add3A_213 = arith.addi %add3A_56, %add3A_212 : i32
        %get3A_214 = arith.index_cast %add3A_213 : i32 to index
        %get3A_215 = arith.constant 64 : index
        %get3A_216 = tpu.vector_load %arg11[%get3A_214, %get3A_215] {strides = array<i32>} : memref<128x144xf32, #tpu.memory_space<vmem>>, vector<16xf32>,
        %mul3A_217 = arith.mulf %get3A_216, %broadcast_in_dim3A_167 : vector<16xf32>
        %add3A_218 = arith.constant 1 : i32
        %add3A_219 = arith.addi %add3A_56, %add3A_218 : i32
        %swap3A_220 = arith.index_cast %add3A_219 : i32 to index
        %swap3A_221 = arith.constant 64 : index
        %swap3A_222 = tpu.vector_load %arg11[%swap3A_220, %swap3A_221] {strides = array<i32>} : memref<128x144xf32, #tpu.memory_space<vmem>>, vector<16xf32>,
        tpu.vector_store %arg11[%swap3A_220, %swap3A_221], %mul3A_217 {strides = array<i32>} : memref<128x144xf32, #tpu.memory_space<vmem>>, vector<16xf32>,
        %add3A_223 = arith.constant 1 : i32
        %add3A_224 = arith.addi %add3A_56, %add3A_223 : i32
        %get3A_225 = arith.index_cast %add3A_224 : i32 to index
        %get3A_226 = arith.constant 80 : index
        %get3A_227 = tpu.vector_load %arg11[%get3A_225, %get3A_226] {strides = array<i32>} : memref<128x144xf32, #tpu.memory_space<vmem>>, vector<16xf32>,
        %mul3A_228 = arith.mulf %get3A_227, %broadcast_in_dim3A_167 : vector<16xf32>
        %add3A_229 = arith.constant 1 : i32
        %add3A_230 = arith.addi %add3A_56, %add3A_229 : i32
        %swap3A_231 = arith.index_cast %add3A_230 : i32 to index
        %swap3A_232 = arith.constant 80 : index
        %swap3A_233 = tpu.vector_load %arg11[%swap3A_231, %swap3A_232] {strides = array<i32>} : memref<128x144xf32, #tpu.memory_space<vmem>>, vector<16xf32>,
        tpu.vector_store %arg11[%swap3A_231, %swap3A_232], %mul3A_228 {strides = array<i32>} : memref<128x144xf32, #tpu.memory_space<vmem>>, vector<16xf32>,
        %add3A_234 = arith.constant 1 : i32
        %add3A_235 = arith.addi %add3A_56, %add3A_234 : i32
        %get3A_236 = arith.index_cast %add3A_235 : i32 to index
        %get3A_237 = arith.constant 96 : index
        %get3A_238 = tpu.vector_load %arg11[%get3A_236, %get3A_237] {strides = array<i32>} : memref<128x144xf32, #tpu.memory_space<vmem>>, vector<16xf32>,
        %mul3A_239 = arith.mulf %get3A_238, %broadcast_in_dim3A_167 : vector<16xf32>
        %add3A_240 = arith.constant 1 : i32
        %add3A_241 = arith.addi %add3A_56, %add3A_240 : i32
        %swap3A_242 = arith.index_cast %add3A_241 : i32 to index
        %swap3A_243 = arith.constant 96 : index
        %swap3A_244 = tpu.vector_load %arg11[%swap3A_242, %swap3A_243] {strides = array<i32>} : memref<128x144xf32, #tpu.memory_space<vmem>>, vector<16xf32>,
        tpu.vector_store %arg11[%swap3A_242, %swap3A_243], %mul3A_239 {strides = array<i32>} : memref<128x144xf32, #tpu.memory_space<vmem>>, vector<16xf32>,
        %add3A_245 = arith.constant 1 : i32
        %add3A_246 = arith.addi %add3A_56, %add3A_245 : i32
        %get3A_247 = arith.index_cast %add3A_246 : i32 to index
        %get3A_248 = arith.constant 112 : index
        %get3A_249 = tpu.vector_load %arg11[%get3A_247, %get3A_248] {strides = array<i32>} : memref<128x144xf32, #tpu.memory_space<vmem>>, vector<16xf32>,
        %mul3A_250 = arith.mulf %get3A_249, %broadcast_in_dim3A_167 : vector<16xf32>
        %add3A_251 = arith.constant 1 : i32
        %add3A_252 = arith.addi %add3A_56, %add3A_251 : i32
        %swap3A_253 = arith.index_cast %add3A_252 : i32 to index
        %swap3A_254 = arith.constant 112 : index
        %swap3A_255 = tpu.vector_load %arg11[%swap3A_253, %swap3A_254] {strides = array<i32>} : memref<128x144xf32, #tpu.memory_space<vmem>>, vector<16xf32>,
        tpu.vector_store %arg11[%swap3A_253, %swap3A_254], %mul3A_250 {strides = array<i32>} : memref<128x144xf32, #tpu.memory_space<vmem>>, vector<16xf32>,
        %add3A_256 = arith.constant 1 : i32
        %add3A_257 = arith.addi %add3A_56, %add3A_256 : i32
        %get3A_258 = arith.index_cast %add3A_257 : i32 to index
        %get3A_259 = arith.constant 128 : index
        %get3A_260 = tpu.vector_load %arg11[%get3A_258, %get3A_259] {strides = array<i32>} : memref<128x144xf32, #tpu.memory_space<vmem>>, vector<16xf32>,
        %mul3A_261 = arith.mulf %get3A_260, %broadcast_in_dim3A_167 : vector<16xf32>
        %add3A_262 = arith.constant 1 : i32
        %add3A_263 = arith.addi %add3A_56, %add3A_262 : i32
        %swap3A_264 = arith.index_cast %add3A_263 : i32 to index
        %swap3A_265 = arith.constant 128 : index
        %swap3A_266 = tpu.vector_load %arg11[%swap3A_264, %swap3A_265] {strides = array<i32>} : memref<128x144xf32, #tpu.memory_space<vmem>>, vector<16xf32>,
        tpu.vector_store %arg11[%swap3A_264, %swap3A_265], %mul3A_261 {strides = array<i32>} : memref<128x144xf32, #tpu.memory_space<vmem>>, vector<16xf32>,
        %slice3A_267 = vector.extract_strided_slice %exp3A {offsets = [2], sizes = [1], strides = [1]} : vector<16xf32> to vector<1xf32>
        %squeeze3A_268 = vector.extract %slice3A_267[0] : f32 from vector<1xf32>
        %broadcast_in_dim3A_269 = vector.broadcast %squeeze3A_268 : f32 to vector<16xf32>
        %add3A_270 = arith.constant 2 : i32
        %add3A_271 = arith.addi %add3A_56, %add3A_270 : i32
        %get3A_272 = arith.index_cast %add3A_271 : i32 to index
        %get3A_273 = arith.constant 0 : index
        %get3A_274 = tpu.vector_load %arg11[%get3A_272, %get3A_273] {strides = array<i32>} : memref<128x144xf32, #tpu.memory_space<vmem>>, vector<16xf32>,
        %mul3A_275 = arith.mulf %get3A_274, %broadcast_in_dim3A_269 : vector<16xf32>
        %add3A_276 = arith.constant 2 : i32
        %add3A_277 = arith.addi %add3A_56, %add3A_276 : i32
        %swap3A_278 = arith.index_cast %add3A_277 : i32 to index
        %swap3A_279 = arith.constant 0 : index
        %swap3A_280 = tpu.vector_load %arg11[%swap3A_278, %swap3A_279] {strides = array<i32>} : memref<128x144xf32, #tpu.memory_space<vmem>>, vector<16xf32>,
        tpu.vector_store %arg11[%swap3A_278, %swap3A_279], %mul3A_275 {strides = array<i32>} : memref<128x144xf32, #tpu.memory_space<vmem>>, vector<16xf32>,
        %add3A_281 = arith.constant 2 : i32
        %add3A_282 = arith.addi %add3A_56, %add3A_281 : i32
        %get3A_283 = arith.index_cast %add3A_282 : i32 to index
        %get3A_284 = arith.constant 16 : index
        %get3A_285 = tpu.vector_load %arg11[%get3A_283, %get3A_284] {strides = array<i32>} : memref<128x144xf32, #tpu.memory_space<vmem>>, vector<16xf32>,
        %mul3A_286 = arith.mulf %get3A_285, %broadcast_in_dim3A_269 : vector<16xf32>
        %add3A_287 = arith.constant 2 : i32
        %add3A_288 = arith.addi %add3A_56, %add3A_287 : i32
        %swap3A_289 = arith.index_cast %add3A_288 : i32 to index
        %swap3A_290 = arith.constant 16 : index
        %swap3A_291 = tpu.vector_load %arg11[%swap3A_289, %swap3A_290] {strides = array<i32>} : memref<128x144xf32, #tpu.memory_space<vmem>>, vector<16xf32>,
        tpu.vector_store %arg11[%swap3A_289, %swap3A_290], %mul3A_286 {strides = array<i32>} : memref<128x144xf32, #tpu.memory_space<vmem>>, vector<16xf32>,
        %add3A_292 = arith.constant 2 : i32
        %add3A_293 = arith.addi %add3A_56, %add3A_292 : i32
        %get3A_294 = arith.index_cast %add3A_293 : i32 to index
        %get3A_295 = arith.constant 32 : index
        %get3A_296 = tpu.vector_load %arg11[%get3A_294, %get3A_295] {strides = array<i32>} : memref<128x144xf32, #tpu.memory_space<vmem>>, vector<16xf32>,
        %mul3A_297 = arith.mulf %get3A_296, %broadcast_in_dim3A_269 : vector<16xf32>
        %add3A_298 = arith.constant 2 : i32
        %add3A_299 = arith.addi %add3A_56, %add3A_298 : i32
        %swap3A_300 = arith.index_cast %add3A_299 : i32 to index
        %swap3A_301 = arith.constant 32 : index
        %swap3A_302 = tpu.vector_load %arg11[%swap3A_300, %swap3A_301] {strides = array<i32>} : memref<128x144xf32, #tpu.memory_space<vmem>>, vector<16xf32>,
        tpu.vector_store %arg11[%swap3A_300, %swap3A_301], %mul3A_297 {strides = array<i32>} : memref<128x144xf32, #tpu.memory_space<vmem>>, vector<16xf32>,
        %add3A_303 = arith.constant 2 : i32
        %add3A_304 = arith.addi %add3A_56, %add3A_303 : i32
        %get3A_305 = arith.index_cast %add3A_304 : i32 to index
        %get3A_306 = arith.constant 48 : index
        %get3A_307 = tpu.vector_load %arg11[%get3A_305, %get3A_306] {strides = array<i32>} : memref<128x144xf32, #tpu.memory_space<vmem>>, vector<16xf32>,
        %mul3A_308 = arith.mulf %get3A_307, %broadcast_in_dim3A_269 : vector<16xf32>
        %add3A_309 = arith.constant 2 : i32
        %add3A_310 = arith.addi %add3A_56, %add3A_309 : i32
        %swap3A_311 = arith.index_cast %add3A_310 : i32 to index
        %swap3A_312 = arith.constant 48 : index
        %swap3A_313 = tpu.vector_load %arg11[%swap3A_311, %swap3A_312] {strides = array<i32>} : memref<128x144xf32, #tpu.memory_space<vmem>>, vector<16xf32>,
        tpu.vector_store %arg11[%swap3A_311, %swap3A_312], %mul3A_308 {strides = array<i32>} : memref<128x144xf32, #tpu.memory_space<vmem>>, vector<16xf32>,
        %add3A_314 = arith.constant 2 : i32
        %add3A_315 = arith.addi %add3A_56, %add3A_314 : i32
        %get3A_316 = arith.index_cast %add3A_315 : i32 to index
        %get3A_317 = arith.constant 64 : index
        %get3A_318 = tpu.vector_load %arg11[%get3A_316, %get3A_317] {strides = array<i32>} : memref<128x144xf32, #tpu.memory_space<vmem>>, vector<16xf32>,
        %mul3A_319 = arith.mulf %get3A_318, %broadcast_in_dim3A_269 : vector<16xf32>
        %add3A_320 = arith.constant 2 : i32
        %add3A_321 = arith.addi %add3A_56, %add3A_320 : i32
        %swap3A_322 = arith.index_cast %add3A_321 : i32 to index
        %swap3A_323 = arith.constant 64 : index
        %swap3A_324 = tpu.vector_load %arg11[%swap3A_322, %swap3A_323] {strides = array<i32>} : memref<128x144xf32, #tpu.memory_space<vmem>>, vector<16xf32>,
        tpu.vector_store %arg11[%swap3A_322, %swap3A_323], %mul3A_319 {strides = array<i32>} : memref<128x144xf32, #tpu.memory_space<vmem>>, vector<16xf32>,
        %add3A_325 = arith.constant 2 : i32
        %add3A_326 = arith.addi %add3A_56, %add3A_325 : i32
        %get3A_327 = arith.index_cast %add3A_326 : i32 to index
        %get3A_328 = arith.constant 80 : index
        %get3A_329 = tpu.vector_load %arg11[%get3A_327, %get3A_328] {strides = array<i32>} : memref<128x144xf32, #tpu.memory_space<vmem>>, vector<16xf32>,
        %mul3A_330 = arith.mulf %get3A_329, %broadcast_in_dim3A_269 : vector<16xf32>
        %add3A_331 = arith.constant 2 : i32
        %add3A_332 = arith.addi %add3A_56, %add3A_331 : i32
        %swap3A_333 = arith.index_cast %add3A_332 : i32 to index
        %swap3A_334 = arith.constant 80 : index
        %swap3A_335 = tpu.vector_load %arg11[%swap3A_333, %swap3A_334] {strides = array<i32>} : memref<128x144xf32, #tpu.memory_space<vmem>>, vector<16xf32>,
        tpu.vector_store %arg11[%swap3A_333, %swap3A_334], %mul3A_330 {strides = array<i32>} : memref<128x144xf32, #tpu.memory_space<vmem>>, vector<16xf32>,
        %add3A_336 = arith.constant 2 : i32
        %add3A_337 = arith.addi %add3A_56, %add3A_336 : i32
        %get3A_338 = arith.index_cast %add3A_337 : i32 to index
        %get3A_339 = arith.constant 96 : index
        %get3A_340 = tpu.vector_load %arg11[%get3A_338, %get3A_339] {strides = array<i32>} : memref<128x144xf32, #tpu.memory_space<vmem>>, vector<16xf32>,
        %mul3A_341 = arith.mulf %get3A_340, %broadcast_in_dim3A_269 : vector<16xf32>
        %add3A_342 = arith.constant 2 : i32
        %add3A_343 = arith.addi %add3A_56, %add3A_342 : i32
        %swap3A_344 = arith.index_cast %add3A_343 : i32 to index
        %swap3A_345 = arith.constant 96 : index
        %swap3A_346 = tpu.vector_load %arg11[%swap3A_344, %swap3A_345] {strides = array<i32>} : memref<128x144xf32, #tpu.memory_space<vmem>>, vector<16xf32>,
        tpu.vector_store %arg11[%swap3A_344, %swap3A_345], %mul3A_341 {strides = array<i32>} : memref<128x144xf32, #tpu.memory_space<vmem>>, vector<16xf32>,
        %add3A_347 = arith.constant 2 : i32
        %add3A_348 = arith.addi %add3A_56, %add3A_347 : i32
        %get3A_349 = arith.index_cast %add3A_348 : i32 to index
        %get3A_350 = arith.constant 112 : index
        %get3A_351 = tpu.vector_load %arg11[%get3A_349, %get3A_350] {strides = array<i32>} : memref<128x144xf32, #tpu.memory_space<vmem>>, vector<16xf32>,
        %mul3A_352 = arith.mulf %get3A_351, %broadcast_in_dim3A_269 : vector<16xf32>
        %add3A_353 = arith.constant 2 : i32
        %add3A_354 = arith.addi %add3A_56, %add3A_353 : i32
        %swap3A_355 = arith.index_cast %add3A_354 : i32 to index
        %swap3A_356 = arith.constant 112 : index
        %swap3A_357 = tpu.vector_load %arg11[%swap3A_355, %swap3A_356] {strides = array<i32>} : memref<128x144xf32, #tpu.memory_space<vmem>>, vector<16xf32>,
        tpu.vector_store %arg11[%swap3A_355, %swap3A_356], %mul3A_352 {strides = array<i32>} : memref<128x144xf32, #tpu.memory_space<vmem>>, vector<16xf32>,
        %add3A_358 = arith.constant 2 : i32
        %add3A_359 = arith.addi %add3A_56, %add3A_358 : i32
        %get3A_360 = arith.index_cast %add3A_359 : i32 to index
        %get3A_361 = arith.constant 128 : index
        %get3A_362 = tpu.vector_load %arg11[%get3A_360, %get3A_361] {strides = array<i32>} : memref<128x144xf32, #tpu.memory_space<vmem>>, vector<16xf32>,
        %mul3A_363 = arith.mulf %get3A_362, %broadcast_in_dim3A_269 : vector<16xf32>
        %add3A_364 = arith.constant 2 : i32
        %add3A_365 = arith.addi %add3A_56, %add3A_364 : i32
        %swap3A_366 = arith.index_cast %add3A_365 : i32 to index
        %swap3A_367 = arith.constant 128 : index
        %swap3A_368 = tpu.vector_load %arg11[%swap3A_366, %swap3A_367] {strides = array<i32>} : memref<128x144xf32, #tpu.memory_space<vmem>>, vector<16xf32>,
        tpu.vector_store %arg11[%swap3A_366, %swap3A_367], %mul3A_363 {strides = array<i32>} : memref<128x144xf32, #tpu.memory_space<vmem>>, vector<16xf32>,
        %slice3A_369 = vector.extract_strided_slice %exp3A {offsets = [3], sizes = [1], strides = [1]} : vector<16xf32> to vector<1xf32>
        %squeeze3A_370 = vector.extract %slice3A_369[0] : f32 from vector<1xf32>
        %broadcast_in_dim3A_371 = vector.broadcast %squeeze3A_370 : f32 to vector<16xf32>
        %add3A_372 = arith.constant 3 : i32
        %add3A_373 = arith.addi %add3A_56, %add3A_372 : i32
        %get3A_374 = arith.index_cast %add3A_373 : i32 to index
        %get3A_375 = arith.constant 0 : index
        %get3A_376 = tpu.vector_load %arg11[%get3A_374, %get3A_375] {strides = array<i32>} : memref<128x144xf32, #tpu.memory_space<vmem>>, vector<16xf32>,
        %mul3A_377 = arith.mulf %get3A_376, %broadcast_in_dim3A_371 : vector<16xf32>
        %add3A_378 = arith.constant 3 : i32
        %add3A_379 = arith.addi %add3A_56, %add3A_378 : i32
        %swap3A_380 = arith.index_cast %add3A_379 : i32 to index
        %swap3A_381 = arith.constant 0 : index
        %swap3A_382 = tpu.vector_load %arg11[%swap3A_380, %swap3A_381] {strides = array<i32>} : memref<128x144xf32, #tpu.memory_space<vmem>>, vector<16xf32>,
        tpu.vector_store %arg11[%swap3A_380, %swap3A_381], %mul3A_377 {strides = array<i32>} : memref<128x144xf32, #tpu.memory_space<vmem>>, vector<16xf32>,
        %add3A_383 = arith.constant 3 : i32
        %add3A_384 = arith.addi %add3A_56, %add3A_383 : i32
        %get3A_385 = arith.index_cast %add3A_384 : i32 to index
        %get3A_386 = arith.constant 16 : index
        %get3A_387 = tpu.vector_load %arg11[%get3A_385, %get3A_386] {strides = array<i32>} : memref<128x144xf32, #tpu.memory_space<vmem>>, vector<16xf32>,
        %mul3A_388 = arith.mulf %get3A_387, %broadcast_in_dim3A_371 : vector<16xf32>
        %add3A_389 = arith.constant 3 : i32
        %add3A_390 = arith.addi %add3A_56, %add3A_389 : i32
        %swap3A_391 = arith.index_cast %add3A_390 : i32 to index
        %swap3A_392 = arith.constant 16 : index
        %swap3A_393 = tpu.vector_load %arg11[%swap3A_391, %swap3A_392] {strides = array<i32>} : memref<128x144xf32, #tpu.memory_space<vmem>>, vector<16xf32>,
        tpu.vector_store %arg11[%swap3A_391, %swap3A_392], %mul3A_388 {strides = array<i32>} : memref<128x144xf32, #tpu.memory_space<vmem>>, vector<16xf32>,
        %add3A_394 = arith.constant 3 : i32
        %add3A_395 = arith.addi %add3A_56, %add3A_394 : i32
        %get3A_396 = arith.index_cast %add3A_395 : i32 to index
        %get3A_397 = arith.constant 32 : index
        %get3A_398 = tpu.vector_load %arg11[%get3A_396, %get3A_397] {strides = array<i32>} : memref<128x144xf32, #tpu.memory_space<vmem>>, vector<16xf32>,
        %mul3A_399 = arith.mulf %get3A_398, %broadcast_in_dim3A_371 : vector<16xf32>
        %add3A_400 = arith.constant 3 : i32
        %add3A_401 = arith.addi %add3A_56, %add3A_400 : i32
        %swap3A_402 = arith.index_cast %add3A_401 : i32 to index
        %swap3A_403 = arith.constant 32 : index
        %swap3A_404 = tpu.vector_load %arg11[%swap3A_402, %swap3A_403] {strides = array<i32>} : memref<128x144xf32, #tpu.memory_space<vmem>>, vector<16xf32>,
        tpu.vector_store %arg11[%swap3A_402, %swap3A_403], %mul3A_399 {strides = array<i32>} : memref<128x144xf32, #tpu.memory_space<vmem>>, vector<16xf32>,
        %add3A_405 = arith.constant 3 : i32
        %add3A_406 = arith.addi %add3A_56, %add3A_405 : i32
        %get3A_407 = arith.index_cast %add3A_406 : i32 to index
        %get3A_408 = arith.constant 48 : index
        %get3A_409 = tpu.vector_load %arg11[%get3A_407, %get3A_408] {strides = array<i32>} : memref<128x144xf32, #tpu.memory_space<vmem>>, vector<16xf32>,
        %mul3A_410 = arith.mulf %get3A_409, %broadcast_in_dim3A_371 : vector<16xf32>
        %add3A_411 = arith.constant 3 : i32
        %add3A_412 = arith.addi %add3A_56, %add3A_411 : i32
        %swap3A_413 = arith.index_cast %add3A_412 : i32 to index
        %swap3A_414 = arith.constant 48 : index
        %swap3A_415 = tpu.vector_load %arg11[%swap3A_413, %swap3A_414] {strides = array<i32>} : memref<128x144xf32, #tpu.memory_space<vmem>>, vector<16xf32>,
        tpu.vector_store %arg11[%swap3A_413, %swap3A_414], %mul3A_410 {strides = array<i32>} : memref<128x144xf32, #tpu.memory_space<vmem>>, vector<16xf32>,
        %add3A_416 = arith.constant 3 : i32
        %add3A_417 = arith.addi %add3A_56, %add3A_416 : i32
        %get3A_418 = arith.index_cast %add3A_417 : i32 to index
        %get3A_419 = arith.constant 64 : index
        %get3A_420 = tpu.vector_load %arg11[%get3A_418, %get3A_419] {strides = array<i32>} : memref<128x144xf32, #tpu.memory_space<vmem>>, vector<16xf32>,
        %mul3A_421 = arith.mulf %get3A_420, %broadcast_in_dim3A_371 : vector<16xf32>
        %add3A_422 = arith.constant 3 : i32
        %add3A_423 = arith.addi %add3A_56, %add3A_422 : i32
        %swap3A_424 = arith.index_cast %add3A_423 : i32 to index
        %swap3A_425 = arith.constant 64 : index
        %swap3A_426 = tpu.vector_load %arg11[%swap3A_424, %swap3A_425] {strides = array<i32>} : memref<128x144xf32, #tpu.memory_space<vmem>>, vector<16xf32>,
        tpu.vector_store %arg11[%swap3A_424, %swap3A_425], %mul3A_421 {strides = array<i32>} : memref<128x144xf32, #tpu.memory_space<vmem>>, vector<16xf32>,
        %add3A_427 = arith.constant 3 : i32
        %add3A_428 = arith.addi %add3A_56, %add3A_427 : i32
        %get3A_429 = arith.index_cast %add3A_428 : i32 to index
        %get3A_430 = arith.constant 80 : index
        %get3A_431 = tpu.vector_load %arg11[%get3A_429, %get3A_430] {strides = array<i32>} : memref<128x144xf32, #tpu.memory_space<vmem>>, vector<16xf32>,
        %mul3A_432 = arith.mulf %get3A_431, %broadcast_in_dim3A_371 : vector<16xf32>
        %add3A_433 = arith.constant 3 : i32
        %add3A_434 = arith.addi %add3A_56, %add3A_433 : i32
        %swap3A_435 = arith.index_cast %add3A_434 : i32 to index
        %swap3A_436 = arith.constant 80 : index
        %swap3A_437 = tpu.vector_load %arg11[%swap3A_435, %swap3A_436] {strides = array<i32>} : memref<128x144xf32, #tpu.memory_space<vmem>>, vector<16xf32>,
        tpu.vector_store %arg11[%swap3A_435, %swap3A_436], %mul3A_432 {strides = array<i32>} : memref<128x144xf32, #tpu.memory_space<vmem>>, vector<16xf32>,
        %add3A_438 = arith.constant 3 : i32
        %add3A_439 = arith.addi %add3A_56, %add3A_438 : i32
        %get3A_440 = arith.index_cast %add3A_439 : i32 to index
        %get3A_441 = arith.constant 96 : index
        %get3A_442 = tpu.vector_load %arg11[%get3A_440, %get3A_441] {strides = array<i32>} : memref<128x144xf32, #tpu.memory_space<vmem>>, vector<16xf32>,
        %mul3A_443 = arith.mulf %get3A_442, %broadcast_in_dim3A_371 : vector<16xf32>
        %add3A_444 = arith.constant 3 : i32
        %add3A_445 = arith.addi %add3A_56, %add3A_444 : i32
        %swap3A_446 = arith.index_cast %add3A_445 : i32 to index
        %swap3A_447 = arith.constant 96 : index
        %swap3A_448 = tpu.vector_load %arg11[%swap3A_446, %swap3A_447] {strides = array<i32>} : memref<128x144xf32, #tpu.memory_space<vmem>>, vector<16xf32>,
        tpu.vector_store %arg11[%swap3A_446, %swap3A_447], %mul3A_443 {strides = array<i32>} : memref<128x144xf32, #tpu.memory_space<vmem>>, vector<16xf32>,
        %add3A_449 = arith.constant 3 : i32
        %add3A_450 = arith.addi %add3A_56, %add3A_449 : i32
        %get3A_451 = arith.index_cast %add3A_450 : i32 to index
        %get3A_452 = arith.constant 112 : index
        %get3A_453 = tpu.vector_load %arg11[%get3A_451, %get3A_452] {strides = array<i32>} : memref<128x144xf32, #tpu.memory_space<vmem>>, vector<16xf32>,
        %mul3A_454 = arith.mulf %get3A_453, %broadcast_in_dim3A_371 : vector<16xf32>
        %add3A_455 = arith.constant 3 : i32
        %add3A_456 = arith.addi %add3A_56, %add3A_455 : i32
        %swap3A_457 = arith.index_cast %add3A_456 : i32 to index
        %swap3A_458 = arith.constant 112 : index
        %swap3A_459 = tpu.vector_load %arg11[%swap3A_457, %swap3A_458] {strides = array<i32>} : memref<128x144xf32, #tpu.memory_space<vmem>>, vector<16xf32>,
        tpu.vector_store %arg11[%swap3A_457, %swap3A_458], %mul3A_454 {strides = array<i32>} : memref<128x144xf32, #tpu.memory_space<vmem>>, vector<16xf32>,
        %add3A_460 = arith.constant 3 : i32
        %add3A_461 = arith.addi %add3A_56, %add3A_460 : i32
        %get3A_462 = arith.index_cast %add3A_461 : i32 to index
        %get3A_463 = arith.constant 128 : index
        %get3A_464 = tpu.vector_load %arg11[%get3A_462, %get3A_463] {strides = array<i32>} : memref<128x144xf32, #tpu.memory_space<vmem>>, vector<16xf32>,
        %mul3A_465 = arith.mulf %get3A_464, %broadcast_in_dim3A_371 : vector<16xf32>
        %add3A_466 = arith.constant 3 : i32
        %add3A_467 = arith.addi %add3A_56, %add3A_466 : i32
        %swap3A_468 = arith.index_cast %add3A_467 : i32 to index
        %swap3A_469 = arith.constant 128 : index
        %swap3A_470 = tpu.vector_load %arg11[%swap3A_468, %swap3A_469] {strides = array<i32>} : memref<128x144xf32, #tpu.memory_space<vmem>>, vector<16xf32>,
        tpu.vector_store %arg11[%swap3A_468, %swap3A_469], %mul3A_465 {strides = array<i32>} : memref<128x144xf32, #tpu.memory_space<vmem>>, vector<16xf32>,
        %slice3A_471 = vector.extract_strided_slice %exp3A {offsets = [4], sizes = [1], strides = [1]} : vector<16xf32> to vector<1xf32>
        %squeeze3A_472 = vector.extract %slice3A_471[0] : f32 from vector<1xf32>
        %broadcast_in_dim3A_473 = vector.broadcast %squeeze3A_472 : f32 to vector<16xf32>
        %add3A_474 = arith.constant 4 : i32
        %add3A_475 = arith.addi %add3A_56, %add3A_474 : i32
        %get3A_476 = arith.index_cast %add3A_475 : i32 to index
        %get3A_477 = arith.constant 0 : index
        %get3A_478 = tpu.vector_load %arg11[%get3A_476, %get3A_477] {strides = array<i32>} : memref<128x144xf32, #tpu.memory_space<vmem>>, vector<16xf32>,
        %mul3A_479 = arith.mulf %get3A_478, %broadcast_in_dim3A_473 : vector<16xf32>
        %add3A_480 = arith.constant 4 : i32
        %add3A_481 = arith.addi %add3A_56, %add3A_480 : i32
        %swap3A_482 = arith.index_cast %add3A_481 : i32 to index
        %swap3A_483 = arith.constant 0 : index
        %swap3A_484 = tpu.vector_load %arg11[%swap3A_482, %swap3A_483] {strides = array<i32>} : memref<128x144xf32, #tpu.memory_space<vmem>>, vector<16xf32>,
        tpu.vector_store %arg11[%swap3A_482, %swap3A_483], %mul3A_479 {strides = array<i32>} : memref<128x144xf32, #tpu.memory_space<vmem>>, vector<16xf32>,
        %add3A_485 = arith.constant 4 : i32
        %add3A_486 = arith.addi %add3A_56, %add3A_485 : i32
        %get3A_487 = arith.index_cast %add3A_486 : i32 to index
        %get3A_488 = arith.constant 16 : index
        %get3A_489 = tpu.vector_load %arg11[%get3A_487, %get3A_488] {strides = array<i32>} : memref<128x144xf32, #tpu.memory_space<vmem>>, vector<16xf32>,
        %mul3A_490 = arith.mulf %get3A_489, %broadcast_in_dim3A_473 : vector<16xf32>
        %add3A_491 = arith.constant 4 : i32
        %add3A_492 = arith.addi %add3A_56, %add3A_491 : i32
        %swap3A_493 = arith.index_cast %add3A_492 : i32 to index
        %swap3A_494 = arith.constant 16 : index
        %swap3A_495 = tpu.vector_load %arg11[%swap3A_493, %swap3A_494] {strides = array<i32>} : memref<128x144xf32, #tpu.memory_space<vmem>>, vector<16xf32>,
        tpu.vector_store %arg11[%swap3A_493, %swap3A_494], %mul3A_490 {strides = array<i32>} : memref<128x144xf32, #tpu.memory_space<vmem>>, vector<16xf32>,
        %add3A_496 = arith.constant 4 : i32
        %add3A_497 = arith.addi %add3A_56, %add3A_496 : i32
        %get3A_498 = arith.index_cast %add3A_497 : i32 to index
        %get3A_499 = arith.constant 32 : index
        %get3A_500 = tpu.vector_load %arg11[%get3A_498, %get3A_499] {strides = array<i32>} : memref<128x144xf32, #tpu.memory_space<vmem>>, vector<16xf32>,
        %mul3A_501 = arith.mulf %get3A_500, %broadcast_in_dim3A_473 : vector<16xf32>
        %add3A_502 = arith.constant 4 : i32
        %add3A_503 = arith.addi %add3A_56, %add3A_502 : i32
        %swap3A_504 = arith.index_cast %add3A_503 : i32 to index
        %swap3A_505 = arith.constant 32 : index
        %swap3A_506 = tpu.vector_load %arg11[%swap3A_504, %swap3A_505] {strides = array<i32>} : memref<128x144xf32, #tpu.memory_space<vmem>>, vector<16xf32>,
        tpu.vector_store %arg11[%swap3A_504, %swap3A_505], %mul3A_501 {strides = array<i32>} : memref<128x144xf32, #tpu.memory_space<vmem>>, vector<16xf32>,
        %add3A_507 = arith.constant 4 : i32
        %add3A_508 = arith.addi %add3A_56, %add3A_507 : i32
        %get3A_509 = arith.index_cast %add3A_508 : i32 to index
        %get3A_510 = arith.constant 48 : index
        %get3A_511 = tpu.vector_load %arg11[%get3A_509, %get3A_510] {strides = array<i32>} : memref<128x144xf32, #tpu.memory_space<vmem>>, vector<16xf32>,
        %mul3A_512 = arith.mulf %get3A_511, %broadcast_in_dim3A_473 : vector<16xf32>
        %add3A_513 = arith.constant 4 : i32
        %add3A_514 = arith.addi %add3A_56, %add3A_513 : i32
        %swap3A_515 = arith.index_cast %add3A_514 : i32 to index
        %swap3A_516 = arith.constant 48 : index
        %swap3A_517 = tpu.vector_load %arg11[%swap3A_515, %swap3A_516] {strides = array<i32>} : memref<128x144xf32, #tpu.memory_space<vmem>>, vector<16xf32>,
        tpu.vector_store %arg11[%swap3A_515, %swap3A_516], %mul3A_512 {strides = array<i32>} : memref<128x144xf32, #tpu.memory_space<vmem>>, vector<16xf32>,
        %add3A_518 = arith.constant 4 : i32
        %add3A_519 = arith.addi %add3A_56, %add3A_518 : i32
        %get3A_520 = arith.index_cast %add3A_519 : i32 to index
        %get3A_521 = arith.constant 64 : index
        %get3A_522 = tpu.vector_load %arg11[%get3A_520, %get3A_521] {strides = array<i32>} : memref<128x144xf32, #tpu.memory_space<vmem>>, vector<16xf32>,
        %mul3A_523 = arith.mulf %get3A_522, %broadcast_in_dim3A_473 : vector<16xf32>
        %add3A_524 = arith.constant 4 : i32
        %add3A_525 = arith.addi %add3A_56, %add3A_524 : i32
        %swap3A_526 = arith.index_cast %add3A_525 : i32 to index
        %swap3A_527 = arith.constant 64 : index
        %swap3A_528 = tpu.vector_load %arg11[%swap3A_526, %swap3A_527] {strides = array<i32>} : memref<128x144xf32, #tpu.memory_space<vmem>>, vector<16xf32>,
        tpu.vector_store %arg11[%swap3A_526, %swap3A_527], %mul3A_523 {strides = array<i32>} : memref<128x144xf32, #tpu.memory_space<vmem>>, vector<16xf32>,
        %add3A_529 = arith.constant 4 : i32
        %add3A_530 = arith.addi %add3A_56, %add3A_529 : i32
        %get3A_531 = arith.index_cast %add3A_530 : i32 to index
        %get3A_532 = arith.constant 80 : index
        %get3A_533 = tpu.vector_load %arg11[%get3A_531, %get3A_532] {strides = array<i32>} : memref<128x144xf32, #tpu.memory_space<vmem>>, vector<16xf32>,
        %mul3A_534 = arith.mulf %get3A_533, %broadcast_in_dim3A_473 : vector<16xf32>
        %add3A_535 = arith.constant 4 : i32
        %add3A_536 = arith.addi %add3A_56, %add3A_535 : i32
        %swap3A_537 = arith.index_cast %add3A_536 : i32 to index
        %swap3A_538 = arith.constant 80 : index
        %swap3A_539 = tpu.vector_load %arg11[%swap3A_537, %swap3A_538] {strides = array<i32>} : memref<128x144xf32, #tpu.memory_space<vmem>>, vector<16xf32>,
        tpu.vector_store %arg11[%swap3A_537, %swap3A_538], %mul3A_534 {strides = array<i32>} : memref<128x144xf32, #tpu.memory_space<vmem>>, vector<16xf32>,
        %add3A_540 = arith.constant 4 : i32
        %add3A_541 = arith.addi %add3A_56, %add3A_540 : i32
        %get3A_542 = arith.index_cast %add3A_541 : i32 to index
        %get3A_543 = arith.constant 96 : index
        %get3A_544 = tpu.vector_load %arg11[%get3A_542, %get3A_543] {strides = array<i32>} : memref<128x144xf32, #tpu.memory_space<vmem>>, vector<16xf32>,
        %mul3A_545 = arith.mulf %get3A_544, %broadcast_in_dim3A_473 : vector<16xf32>
        %add3A_546 = arith.constant 4 : i32
        %add3A_547 = arith.addi %add3A_56, %add3A_546 : i32
        %swap3A_548 = arith.index_cast %add3A_547 : i32 to index
        %swap3A_549 = arith.constant 96 : index
        %swap3A_550 = tpu.vector_load %arg11[%swap3A_548, %swap3A_549] {strides = array<i32>} : memref<128x144xf32, #tpu.memory_space<vmem>>, vector<16xf32>,
        tpu.vector_store %arg11[%swap3A_548, %swap3A_549], %mul3A_545 {strides = array<i32>} : memref<128x144xf32, #tpu.memory_space<vmem>>, vector<16xf32>,
        %add3A_551 = arith.constant 4 : i32
        %add3A_552 = arith.addi %add3A_56, %add3A_551 : i32
        %get3A_553 = arith.index_cast %add3A_552 : i32 to index
        %get3A_554 = arith.constant 112 : index
        %get3A_555 = tpu.vector_load %arg11[%get3A_553, %get3A_554] {strides = array<i32>} : memref<128x144xf32, #tpu.memory_space<vmem>>, vector<16xf32>,
        %mul3A_556 = arith.mulf %get3A_555, %broadcast_in_dim3A_473 : vector<16xf32>
        %add3A_557 = arith.constant 4 : i32
        %add3A_558 = arith.addi %add3A_56, %add3A_557 : i32
        %swap3A_559 = arith.index_cast %add3A_558 : i32 to index
        %swap3A_560 = arith.constant 112 : index
        %swap3A_561 = tpu.vector_load %arg11[%swap3A_559, %swap3A_560] {strides = array<i32>} : memref<128x144xf32, #tpu.memory_space<vmem>>, vector<16xf32>,
        tpu.vector_store %arg11[%swap3A_559, %swap3A_560], %mul3A_556 {strides = array<i32>} : memref<128x144xf32, #tpu.memory_space<vmem>>, vector<16xf32>,
        %add3A_562 = arith.constant 4 : i32
        %add3A_563 = arith.addi %add3A_56, %add3A_562 : i32
        %get3A_564 = arith.index_cast %add3A_563 : i32 to index
        %get3A_565 = arith.constant 128 : index
        %get3A_566 = tpu.vector_load %arg11[%get3A_564, %get3A_565] {strides = array<i32>} : memref<128x144xf32, #tpu.memory_space<vmem>>, vector<16xf32>,
        %mul3A_567 = arith.mulf %get3A_566, %broadcast_in_dim3A_473 : vector<16xf32>
        %add3A_568 = arith.constant 4 : i32
        %add3A_569 = arith.addi %add3A_56, %add3A_568 : i32
        %swap3A_570 = arith.index_cast %add3A_569 : i32 to index
        %swap3A_571 = arith.constant 128 : index
        %swap3A_572 = tpu.vector_load %arg11[%swap3A_570, %swap3A_571] {strides = array<i32>} : memref<128x144xf32, #tpu.memory_space<vmem>>, vector<16xf32>,
        tpu.vector_store %arg11[%swap3A_570, %swap3A_571], %mul3A_567 {strides = array<i32>} : memref<128x144xf32, #tpu.memory_space<vmem>>, vector<16xf32>,
        %slice3A_573 = vector.extract_strided_slice %exp3A {offsets = [5], sizes = [1], strides = [1]} : vector<16xf32> to vector<1xf32>
        %squeeze3A_574 = vector.extract %slice3A_573[0] : f32 from vector<1xf32>
        %broadcast_in_dim3A_575 = vector.broadcast %squeeze3A_574 : f32 to vector<16xf32>
        %add3A_576 = arith.constant 5 : i32
        %add3A_577 = arith.addi %add3A_56, %add3A_576 : i32
        %get3A_578 = arith.index_cast %add3A_577 : i32 to index
        %get3A_579 = arith.constant 0 : index
        %get3A_580 = tpu.vector_load %arg11[%get3A_578, %get3A_579] {strides = array<i32>} : memref<128x144xf32, #tpu.memory_space<vmem>>, vector<16xf32>,
        %mul3A_581 = arith.mulf %get3A_580, %broadcast_in_dim3A_575 : vector<16xf32>
        %add3A_582 = arith.constant 5 : i32
        %add3A_583 = arith.addi %add3A_56, %add3A_582 : i32
        %swap3A_584 = arith.index_cast %add3A_583 : i32 to index
        %swap3A_585 = arith.constant 0 : index
        %swap3A_586 = tpu.vector_load %arg11[%swap3A_584, %swap3A_585] {strides = array<i32>} : memref<128x144xf32, #tpu.memory_space<vmem>>, vector<16xf32>,
        tpu.vector_store %arg11[%swap3A_584, %swap3A_585], %mul3A_581 {strides = array<i32>} : memref<128x144xf32, #tpu.memory_space<vmem>>, vector<16xf32>,
        %add3A_587 = arith.constant 5 : i32
        %add3A_588 = arith.addi %add3A_56, %add3A_587 : i32
        %get3A_589 = arith.index_cast %add3A_588 : i32 to index
        %get3A_590 = arith.constant 16 : index
        %get3A_591 = tpu.vector_load %arg11[%get3A_589, %get3A_590] {strides = array<i32>} : memref<128x144xf32, #tpu.memory_space<vmem>>, vector<16xf32>,
        %mul3A_592 = arith.mulf %get3A_591, %broadcast_in_dim3A_575 : vector<16xf32>
        %add3A_593 = arith.constant 5 : i32
        %add3A_594 = arith.addi %add3A_56, %add3A_593 : i32
        %swap3A_595 = arith.index_cast %add3A_594 : i32 to index
        %swap3A_596 = arith.constant 16 : index
        %swap3A_597 = tpu.vector_load %arg11[%swap3A_595, %swap3A_596] {strides = array<i32>} : memref<128x144xf32, #tpu.memory_space<vmem>>, vector<16xf32>,
        tpu.vector_store %arg11[%swap3A_595, %swap3A_596], %mul3A_592 {strides = array<i32>} : memref<128x144xf32, #tpu.memory_space<vmem>>, vector<16xf32>,
        %add3A_598 = arith.constant 5 : i32
        %add3A_599 = arith.addi %add3A_56, %add3A_598 : i32
        %get3A_600 = arith.index_cast %add3A_599 : i32 to index
        %get3A_601 = arith.constant 32 : index
        %get3A_602 = tpu.vector_load %arg11[%get3A_600, %get3A_601] {strides = array<i32>} : memref<128x144xf32, #tpu.memory_space<vmem>>, vector<16xf32>,
        %mul3A_603 = arith.mulf %get3A_602, %broadcast_in_dim3A_575 : vector<16xf32>
        %add3A_604 = arith.constant 5 : i32
        %add3A_605 = arith.addi %add3A_56, %add3A_604 : i32
        %swap3A_606 = arith.index_cast %add3A_605 : i32 to index
        %swap3A_607 = arith.constant 32 : index
        %swap3A_608 = tpu.vector_load %arg11[%swap3A_606, %swap3A_607] {strides = array<i32>} : memref<128x144xf32, #tpu.memory_space<vmem>>, vector<16xf32>,
        tpu.vector_store %arg11[%swap3A_606, %swap3A_607], %mul3A_603 {strides = array<i32>} : memref<128x144xf32, #tpu.memory_space<vmem>>, vector<16xf32>,
        %add3A_609 = arith.constant 5 : i32
        %add3A_610 = arith.addi %add3A_56, %add3A_609 : i32
        %get3A_611 = arith.index_cast %add3A_610 : i32 to index
        %get3A_612 = arith.constant 48 : index
        %get3A_613 = tpu.vector_load %arg11[%get3A_611, %get3A_612] {strides = array<i32>} : memref<128x144xf32, #tpu.memory_space<vmem>>, vector<16xf32>,
        %mul3A_614 = arith.mulf %get3A_613, %broadcast_in_dim3A_575 : vector<16xf32>
        %add3A_615 = arith.constant 5 : i32
        %add3A_616 = arith.addi %add3A_56, %add3A_615 : i32
        %swap3A_617 = arith.index_cast %add3A_616 : i32 to index
        %swap3A_618 = arith.constant 48 : index
        %swap3A_619 = tpu.vector_load %arg11[%swap3A_617, %swap3A_618] {strides = array<i32>} : memref<128x144xf32, #tpu.memory_space<vmem>>, vector<16xf32>,
        tpu.vector_store %arg11[%swap3A_617, %swap3A_618], %mul3A_614 {strides = array<i32>} : memref<128x144xf32, #tpu.memory_space<vmem>>, vector<16xf32>,
        %add3A_620 = arith.constant 5 : i32
        %add3A_621 = arith.addi %add3A_56, %add3A_620 : i32
        %get3A_622 = arith.index_cast %add3A_621 : i32 to index
        %get3A_623 = arith.constant 64 : index
        %get3A_624 = tpu.vector_load %arg11[%get3A_622, %get3A_623] {strides = array<i32>} : memref<128x144xf32, #tpu.memory_space<vmem>>, vector<16xf32>,
        %mul3A_625 = arith.mulf %get3A_624, %broadcast_in_dim3A_575 : vector<16xf32>
        %add3A_626 = arith.constant 5 : i32
        %add3A_627 = arith.addi %add3A_56, %add3A_626 : i32
        %swap3A_628 = arith.index_cast %add3A_627 : i32 to index
        %swap3A_629 = arith.constant 64 : index
        %swap3A_630 = tpu.vector_load %arg11[%swap3A_628, %swap3A_629] {strides = array<i32>} : memref<128x144xf32, #tpu.memory_space<vmem>>, vector<16xf32>,
        tpu.vector_store %arg11[%swap3A_628, %swap3A_629], %mul3A_625 {strides = array<i32>} : memref<128x144xf32, #tpu.memory_space<vmem>>, vector<16xf32>,
        %add3A_631 = arith.constant 5 : i32
        %add3A_632 = arith.addi %add3A_56, %add3A_631 : i32
        %get3A_633 = arith.index_cast %add3A_632 : i32 to index
        %get3A_634 = arith.constant 80 : index
        %get3A_635 = tpu.vector_load %arg11[%get3A_633, %get3A_634] {strides = array<i32>} : memref<128x144xf32, #tpu.memory_space<vmem>>, vector<16xf32>,
        %mul3A_636 = arith.mulf %get3A_635, %broadcast_in_dim3A_575 : vector<16xf32>
        %add3A_637 = arith.constant 5 : i32
        %add3A_638 = arith.addi %add3A_56, %add3A_637 : i32
        %swap3A_639 = arith.index_cast %add3A_638 : i32 to index
        %swap3A_640 = arith.constant 80 : index
        %swap3A_641 = tpu.vector_load %arg11[%swap3A_639, %swap3A_640] {strides = array<i32>} : memref<128x144xf32, #tpu.memory_space<vmem>>, vector<16xf32>,
        tpu.vector_store %arg11[%swap3A_639, %swap3A_640], %mul3A_636 {strides = array<i32>} : memref<128x144xf32, #tpu.memory_space<vmem>>, vector<16xf32>,
        %add3A_642 = arith.constant 5 : i32
        %add3A_643 = arith.addi %add3A_56, %add3A_642 : i32
        %get3A_644 = arith.index_cast %add3A_643 : i32 to index
        %get3A_645 = arith.constant 96 : index
        %get3A_646 = tpu.vector_load %arg11[%get3A_644, %get3A_645] {strides = array<i32>} : memref<128x144xf32, #tpu.memory_space<vmem>>, vector<16xf32>,
        %mul3A_647 = arith.mulf %get3A_646, %broadcast_in_dim3A_575 : vector<16xf32>
        %add3A_648 = arith.constant 5 : i32
        %add3A_649 = arith.addi %add3A_56, %add3A_648 : i32
        %swap3A_650 = arith.index_cast %add3A_649 : i32 to index
        %swap3A_651 = arith.constant 96 : index
        %swap3A_652 = tpu.vector_load %arg11[%swap3A_650, %swap3A_651] {strides = array<i32>} : memref<128x144xf32, #tpu.memory_space<vmem>>, vector<16xf32>,
        tpu.vector_store %arg11[%swap3A_650, %swap3A_651], %mul3A_647 {strides = array<i32>} : memref<128x144xf32, #tpu.memory_space<vmem>>, vector<16xf32>,
        %add3A_653 = arith.constant 5 : i32
        %add3A_654 = arith.addi %add3A_56, %add3A_653 : i32
        %get3A_655 = arith.index_cast %add3A_654 : i32 to index
        %get3A_656 = arith.constant 112 : index
        %get3A_657 = tpu.vector_load %arg11[%get3A_655, %get3A_656] {strides = array<i32>} : memref<128x144xf32, #tpu.memory_space<vmem>>, vector<16xf32>,
        %mul3A_658 = arith.mulf %get3A_657, %broadcast_in_dim3A_575 : vector<16xf32>
        %add3A_659 = arith.constant 5 : i32
        %add3A_660 = arith.addi %add3A_56, %add3A_659 : i32
        %swap3A_661 = arith.index_cast %add3A_660 : i32 to index
        %swap3A_662 = arith.constant 112 : index
        %swap3A_663 = tpu.vector_load %arg11[%swap3A_661, %swap3A_662] {strides = array<i32>} : memref<128x144xf32, #tpu.memory_space<vmem>>, vector<16xf32>,
        tpu.vector_store %arg11[%swap3A_661, %swap3A_662], %mul3A_658 {strides = array<i32>} : memref<128x144xf32, #tpu.memory_space<vmem>>, vector<16xf32>,
        %add3A_664 = arith.constant 5 : i32
        %add3A_665 = arith.addi %add3A_56, %add3A_664 : i32
        %get3A_666 = arith.index_cast %add3A_665 : i32 to index
        %get3A_667 = arith.constant 128 : index
        %get3A_668 = tpu.vector_load %arg11[%get3A_666, %get3A_667] {strides = array<i32>} : memref<128x144xf32, #tpu.memory_space<vmem>>, vector<16xf32>,
        %mul3A_669 = arith.mulf %get3A_668, %broadcast_in_dim3A_575 : vector<16xf32>
        %add3A_670 = arith.constant 5 : i32
        %add3A_671 = arith.addi %add3A_56, %add3A_670 : i32
        %swap3A_672 = arith.index_cast %add3A_671 : i32 to index
        %swap3A_673 = arith.constant 128 : index
        %swap3A_674 = tpu.vector_load %arg11[%swap3A_672, %swap3A_673] {strides = array<i32>} : memref<128x144xf32, #tpu.memory_space<vmem>>, vector<16xf32>,
        tpu.vector_store %arg11[%swap3A_672, %swap3A_673], %mul3A_669 {strides = array<i32>} : memref<128x144xf32, #tpu.memory_space<vmem>>, vector<16xf32>,
        %slice3A_675 = vector.extract_strided_slice %exp3A {offsets = [6], sizes = [1], strides = [1]} : vector<16xf32> to vector<1xf32>
        %squeeze3A_676 = vector.extract %slice3A_675[0] : f32 from vector<1xf32>
        %broadcast_in_dim3A_677 = vector.broadcast %squeeze3A_676 : f32 to vector<16xf32>
        %add3A_678 = arith.constant 6 : i32
        %add3A_679 = arith.addi %add3A_56, %add3A_678 : i32
        %get3A_680 = arith.index_cast %add3A_679 : i32 to index
        %get3A_681 = arith.constant 0 : index
        %get3A_682 = tpu.vector_load %arg11[%get3A_680, %get3A_681] {strides = array<i32>} : memref<128x144xf32, #tpu.memory_space<vmem>>, vector<16xf32>,
        %mul3A_683 = arith.mulf %get3A_682, %broadcast_in_dim3A_677 : vector<16xf32>
        %add3A_684 = arith.constant 6 : i32
        %add3A_685 = arith.addi %add3A_56, %add3A_684 : i32
        %swap3A_686 = arith.index_cast %add3A_685 : i32 to index
        %swap3A_687 = arith.constant 0 : index
        %swap3A_688 = tpu.vector_load %arg11[%swap3A_686, %swap3A_687] {strides = array<i32>} : memref<128x144xf32, #tpu.memory_space<vmem>>, vector<16xf32>,
        tpu.vector_store %arg11[%swap3A_686, %swap3A_687], %mul3A_683 {strides = array<i32>} : memref<128x144xf32, #tpu.memory_space<vmem>>, vector<16xf32>,
        %add3A_689 = arith.constant 6 : i32
        %add3A_690 = arith.addi %add3A_56, %add3A_689 : i32
        %get3A_691 = arith.index_cast %add3A_690 : i32 to index
        %get3A_692 = arith.constant 16 : index
        %get3A_693 = tpu.vector_load %arg11[%get3A_691, %get3A_692] {strides = array<i32>} : memref<128x144xf32, #tpu.memory_space<vmem>>, vector<16xf32>,
        %mul3A_694 = arith.mulf %get3A_693, %broadcast_in_dim3A_677 : vector<16xf32>
        %add3A_695 = arith.constant 6 : i32
        %add3A_696 = arith.addi %add3A_56, %add3A_695 : i32
        %swap3A_697 = arith.index_cast %add3A_696 : i32 to index
        %swap3A_698 = arith.constant 16 : index
        %swap3A_699 = tpu.vector_load %arg11[%swap3A_697, %swap3A_698] {strides = array<i32>} : memref<128x144xf32, #tpu.memory_space<vmem>>, vector<16xf32>,
        tpu.vector_store %arg11[%swap3A_697, %swap3A_698], %mul3A_694 {strides = array<i32>} : memref<128x144xf32, #tpu.memory_space<vmem>>, vector<16xf32>,
        %add3A_700 = arith.constant 6 : i32
        %add3A_701 = arith.addi %add3A_56, %add3A_700 : i32
        %get3A_702 = arith.index_cast %add3A_701 : i32 to index
        %get3A_703 = arith.constant 32 : index
        %get3A_704 = tpu.vector_load %arg11[%get3A_702, %get3A_703] {strides = array<i32>} : memref<128x144xf32, #tpu.memory_space<vmem>>, vector<16xf32>,
        %mul3A_705 = arith.mulf %get3A_704, %broadcast_in_dim3A_677 : vector<16xf32>
        %add3A_706 = arith.constant 6 : i32
        %add3A_707 = arith.addi %add3A_56, %add3A_706 : i32
        %swap3A_708 = arith.index_cast %add3A_707 : i32 to index
        %swap3A_709 = arith.constant 32 : index
        %swap3A_710 = tpu.vector_load %arg11[%swap3A_708, %swap3A_709] {strides = array<i32>} : memref<128x144xf32, #tpu.memory_space<vmem>>, vector<16xf32>,
        tpu.vector_store %arg11[%swap3A_708, %swap3A_709], %mul3A_705 {strides = array<i32>} : memref<128x144xf32, #tpu.memory_space<vmem>>, vector<16xf32>,
        %add3A_711 = arith.constant 6 : i32
        %add3A_712 = arith.addi %add3A_56, %add3A_711 : i32
        %get3A_713 = arith.index_cast %add3A_712 : i32 to index
        %get3A_714 = arith.constant 48 : index
        %get3A_715 = tpu.vector_load %arg11[%get3A_713, %get3A_714] {strides = array<i32>} : memref<128x144xf32, #tpu.memory_space<vmem>>, vector<16xf32>,
        %mul3A_716 = arith.mulf %get3A_715, %broadcast_in_dim3A_677 : vector<16xf32>
        %add3A_717 = arith.constant 6 : i32
        %add3A_718 = arith.addi %add3A_56, %add3A_717 : i32
        %swap3A_719 = arith.index_cast %add3A_718 : i32 to index
        %swap3A_720 = arith.constant 48 : index
        %swap3A_721 = tpu.vector_load %arg11[%swap3A_719, %swap3A_720] {strides = array<i32>} : memref<128x144xf32, #tpu.memory_space<vmem>>, vector<16xf32>,
        tpu.vector_store %arg11[%swap3A_719, %swap3A_720], %mul3A_716 {strides = array<i32>} : memref<128x144xf32, #tpu.memory_space<vmem>>, vector<16xf32>,
        %add3A_722 = arith.constant 6 : i32
        %add3A_723 = arith.addi %add3A_56, %add3A_722 : i32
        %get3A_724 = arith.index_cast %add3A_723 : i32 to index
        %get3A_725 = arith.constant 64 : index
        %get3A_726 = tpu.vector_load %arg11[%get3A_724, %get3A_725] {strides = array<i32>} : memref<128x144xf32, #tpu.memory_space<vmem>>, vector<16xf32>,
        %mul3A_727 = arith.mulf %get3A_726, %broadcast_in_dim3A_677 : vector<16xf32>
        %add3A_728 = arith.constant 6 : i32
        %add3A_729 = arith.addi %add3A_56, %add3A_728 : i32
        %swap3A_730 = arith.index_cast %add3A_729 : i32 to index
        %swap3A_731 = arith.constant 64 : index
        %swap3A_732 = tpu.vector_load %arg11[%swap3A_730, %swap3A_731] {strides = array<i32>} : memref<128x144xf32, #tpu.memory_space<vmem>>, vector<16xf32>,
        tpu.vector_store %arg11[%swap3A_730, %swap3A_731], %mul3A_727 {strides = array<i32>} : memref<128x144xf32, #tpu.memory_space<vmem>>, vector<16xf32>,
        %add3A_733 = arith.constant 6 : i32
        %add3A_734 = arith.addi %add3A_56, %add3A_733 : i32
        %get3A_735 = arith.index_cast %add3A_734 : i32 to index
        %get3A_736 = arith.constant 80 : index
        %get3A_737 = tpu.vector_load %arg11[%get3A_735, %get3A_736] {strides = array<i32>} : memref<128x144xf32, #tpu.memory_space<vmem>>, vector<16xf32>,
        %mul3A_738 = arith.mulf %get3A_737, %broadcast_in_dim3A_677 : vector<16xf32>
        %add3A_739 = arith.constant 6 : i32
        %add3A_740 = arith.addi %add3A_56, %add3A_739 : i32
        %swap3A_741 = arith.index_cast %add3A_740 : i32 to index
        %swap3A_742 = arith.constant 80 : index
        %swap3A_743 = tpu.vector_load %arg11[%swap3A_741, %swap3A_742] {strides = array<i32>} : memref<128x144xf32, #tpu.memory_space<vmem>>, vector<16xf32>,
        tpu.vector_store %arg11[%swap3A_741, %swap3A_742], %mul3A_738 {strides = array<i32>} : memref<128x144xf32, #tpu.memory_space<vmem>>, vector<16xf32>,
        %add3A_744 = arith.constant 6 : i32
        %add3A_745 = arith.addi %add3A_56, %add3A_744 : i32
        %get3A_746 = arith.index_cast %add3A_745 : i32 to index
        %get3A_747 = arith.constant 96 : index
        %get3A_748 = tpu.vector_load %arg11[%get3A_746, %get3A_747] {strides = array<i32>} : memref<128x144xf32, #tpu.memory_space<vmem>>, vector<16xf32>,
        %mul3A_749 = arith.mulf %get3A_748, %broadcast_in_dim3A_677 : vector<16xf32>
        %add3A_750 = arith.constant 6 : i32
        %add3A_751 = arith.addi %add3A_56, %add3A_750 : i32
        %swap3A_752 = arith.index_cast %add3A_751 : i32 to index
        %swap3A_753 = arith.constant 96 : index
        %swap3A_754 = tpu.vector_load %arg11[%swap3A_752, %swap3A_753] {strides = array<i32>} : memref<128x144xf32, #tpu.memory_space<vmem>>, vector<16xf32>,
        tpu.vector_store %arg11[%swap3A_752, %swap3A_753], %mul3A_749 {strides = array<i32>} : memref<128x144xf32, #tpu.memory_space<vmem>>, vector<16xf32>,
        %add3A_755 = arith.constant 6 : i32
        %add3A_756 = arith.addi %add3A_56, %add3A_755 : i32
        %get3A_757 = arith.index_cast %add3A_756 : i32 to index
        %get3A_758 = arith.constant 112 : index
        %get3A_759 = tpu.vector_load %arg11[%get3A_757, %get3A_758] {strides = array<i32>} : memref<128x144xf32, #tpu.memory_space<vmem>>, vector<16xf32>,
        %mul3A_760 = arith.mulf %get3A_759, %broadcast_in_dim3A_677 : vector<16xf32>
        %add3A_761 = arith.constant 6 : i32
        %add3A_762 = arith.addi %add3A_56, %add3A_761 : i32
        %swap3A_763 = arith.index_cast %add3A_762 : i32 to index
        %swap3A_764 = arith.constant 112 : index
        %swap3A_765 = tpu.vector_load %arg11[%swap3A_763, %swap3A_764] {strides = array<i32>} : memref<128x144xf32, #tpu.memory_space<vmem>>, vector<16xf32>,
        tpu.vector_store %arg11[%swap3A_763, %swap3A_764], %mul3A_760 {strides = array<i32>} : memref<128x144xf32, #tpu.memory_space<vmem>>, vector<16xf32>,
        %add3A_766 = arith.constant 6 : i32
        %add3A_767 = arith.addi %add3A_56, %add3A_766 : i32
        %get3A_768 = arith.index_cast %add3A_767 : i32 to index
        %get3A_769 = arith.constant 128 : index
        %get3A_770 = tpu.vector_load %arg11[%get3A_768, %get3A_769] {strides = array<i32>} : memref<128x144xf32, #tpu.memory_space<vmem>>, vector<16xf32>,
        %mul3A_771 = arith.mulf %get3A_770, %broadcast_in_dim3A_677 : vector<16xf32>
        %add3A_772 = arith.constant 6 : i32
        %add3A_773 = arith.addi %add3A_56, %add3A_772 : i32
        %swap3A_774 = arith.index_cast %add3A_773 : i32 to index
        %swap3A_775 = arith.constant 128 : index
        %swap3A_776 = tpu.vector_load %arg11[%swap3A_774, %swap3A_775] {strides = array<i32>} : memref<128x144xf32, #tpu.memory_space<vmem>>, vector<16xf32>,
        tpu.vector_store %arg11[%swap3A_774, %swap3A_775], %mul3A_771 {strides = array<i32>} : memref<128x144xf32, #tpu.memory_space<vmem>>, vector<16xf32>,
        %slice3A_777 = vector.extract_strided_slice %exp3A {offsets = [7], sizes = [1], strides = [1]} : vector<16xf32> to vector<1xf32>
        %squeeze3A_778 = vector.extract %slice3A_777[0] : f32 from vector<1xf32>
        %broadcast_in_dim3A_779 = vector.broadcast %squeeze3A_778 : f32 to vector<16xf32>
        %add3A_780 = arith.constant 7 : i32
        %add3A_781 = arith.addi %add3A_56, %add3A_780 : i32
        %get3A_782 = arith.index_cast %add3A_781 : i32 to index
        %get3A_783 = arith.constant 0 : index
        %get3A_784 = tpu.vector_load %arg11[%get3A_782, %get3A_783] {strides = array<i32>} : memref<128x144xf32, #tpu.memory_space<vmem>>, vector<16xf32>,
        %mul3A_785 = arith.mulf %get3A_784, %broadcast_in_dim3A_779 : vector<16xf32>
        %add3A_786 = arith.constant 7 : i32
        %add3A_787 = arith.addi %add3A_56, %add3A_786 : i32
        %swap3A_788 = arith.index_cast %add3A_787 : i32 to index
        %swap3A_789 = arith.constant 0 : index
        %swap3A_790 = tpu.vector_load %arg11[%swap3A_788, %swap3A_789] {strides = array<i32>} : memref<128x144xf32, #tpu.memory_space<vmem>>, vector<16xf32>,
        tpu.vector_store %arg11[%swap3A_788, %swap3A_789], %mul3A_785 {strides = array<i32>} : memref<128x144xf32, #tpu.memory_space<vmem>>, vector<16xf32>,
        %add3A_791 = arith.constant 7 : i32
        %add3A_792 = arith.addi %add3A_56, %add3A_791 : i32
        %get3A_793 = arith.index_cast %add3A_792 : i32 to index
        %get3A_794 = arith.constant 16 : index
        %get3A_795 = tpu.vector_load %arg11[%get3A_793, %get3A_794] {strides = array<i32>} : memref<128x144xf32, #tpu.memory_space<vmem>>, vector<16xf32>,
        %mul3A_796 = arith.mulf %get3A_795, %broadcast_in_dim3A_779 : vector<16xf32>
        %add3A_797 = arith.constant 7 : i32
        %add3A_798 = arith.addi %add3A_56, %add3A_797 : i32
        %swap3A_799 = arith.index_cast %add3A_798 : i32 to index
        %swap3A_800 = arith.constant 16 : index
        %swap3A_801 = tpu.vector_load %arg11[%swap3A_799, %swap3A_800] {strides = array<i32>} : memref<128x144xf32, #tpu.memory_space<vmem>>, vector<16xf32>,
        tpu.vector_store %arg11[%swap3A_799, %swap3A_800], %mul3A_796 {strides = array<i32>} : memref<128x144xf32, #tpu.memory_space<vmem>>, vector<16xf32>,
        %add3A_802 = arith.constant 7 : i32
        %add3A_803 = arith.addi %add3A_56, %add3A_802 : i32
        %get3A_804 = arith.index_cast %add3A_803 : i32 to index
        %get3A_805 = arith.constant 32 : index
        %get3A_806 = tpu.vector_load %arg11[%get3A_804, %get3A_805] {strides = array<i32>} : memref<128x144xf32, #tpu.memory_space<vmem>>, vector<16xf32>,
        %mul3A_807 = arith.mulf %get3A_806, %broadcast_in_dim3A_779 : vector<16xf32>
        %add3A_808 = arith.constant 7 : i32
        %add3A_809 = arith.addi %add3A_56, %add3A_808 : i32
        %swap3A_810 = arith.index_cast %add3A_809 : i32 to index
        %swap3A_811 = arith.constant 32 : index
        %swap3A_812 = tpu.vector_load %arg11[%swap3A_810, %swap3A_811] {strides = array<i32>} : memref<128x144xf32, #tpu.memory_space<vmem>>, vector<16xf32>,
        tpu.vector_store %arg11[%swap3A_810, %swap3A_811], %mul3A_807 {strides = array<i32>} : memref<128x144xf32, #tpu.memory_space<vmem>>, vector<16xf32>,
        %add3A_813 = arith.constant 7 : i32
        %add3A_814 = arith.addi %add3A_56, %add3A_813 : i32
        %get3A_815 = arith.index_cast %add3A_814 : i32 to index
        %get3A_816 = arith.constant 48 : index
        %get3A_817 = tpu.vector_load %arg11[%get3A_815, %get3A_816] {strides = array<i32>} : memref<128x144xf32, #tpu.memory_space<vmem>>, vector<16xf32>,
        %mul3A_818 = arith.mulf %get3A_817, %broadcast_in_dim3A_779 : vector<16xf32>
        %add3A_819 = arith.constant 7 : i32
        %add3A_820 = arith.addi %add3A_56, %add3A_819 : i32
        %swap3A_821 = arith.index_cast %add3A_820 : i32 to index
        %swap3A_822 = arith.constant 48 : index
        %swap3A_823 = tpu.vector_load %arg11[%swap3A_821, %swap3A_822] {strides = array<i32>} : memref<128x144xf32, #tpu.memory_space<vmem>>, vector<16xf32>,
        tpu.vector_store %arg11[%swap3A_821, %swap3A_822], %mul3A_818 {strides = array<i32>} : memref<128x144xf32, #tpu.memory_space<vmem>>, vector<16xf32>,
        %add3A_824 = arith.constant 7 : i32
        %add3A_825 = arith.addi %add3A_56, %add3A_824 : i32
        %get3A_826 = arith.index_cast %add3A_825 : i32 to index
        %get3A_827 = arith.constant 64 : index
        %get3A_828 = tpu.vector_load %arg11[%get3A_826, %get3A_827] {strides = array<i32>} : memref<128x144xf32, #tpu.memory_space<vmem>>, vector<16xf32>,
        %mul3A_829 = arith.mulf %get3A_828, %broadcast_in_dim3A_779 : vector<16xf32>
        %add3A_830 = arith.constant 7 : i32
        %add3A_831 = arith.addi %add3A_56, %add3A_830 : i32
        %swap3A_832 = arith.index_cast %add3A_831 : i32 to index
        %swap3A_833 = arith.constant 64 : index
        %swap3A_834 = tpu.vector_load %arg11[%swap3A_832, %swap3A_833] {strides = array<i32>} : memref<128x144xf32, #tpu.memory_space<vmem>>, vector<16xf32>,
        tpu.vector_store %arg11[%swap3A_832, %swap3A_833], %mul3A_829 {strides = array<i32>} : memref<128x144xf32, #tpu.memory_space<vmem>>, vector<16xf32>,
        %add3A_835 = arith.constant 7 : i32
        %add3A_836 = arith.addi %add3A_56, %add3A_835 : i32
        %get3A_837 = arith.index_cast %add3A_836 : i32 to index
        %get3A_838 = arith.constant 80 : index
        %get3A_839 = tpu.vector_load %arg11[%get3A_837, %get3A_838] {strides = array<i32>} : memref<128x144xf32, #tpu.memory_space<vmem>>, vector<16xf32>,
        %mul3A_840 = arith.mulf %get3A_839, %broadcast_in_dim3A_779 : vector<16xf32>
        %add3A_841 = arith.constant 7 : i32
        %add3A_842 = arith.addi %add3A_56, %add3A_841 : i32
        %swap3A_843 = arith.index_cast %add3A_842 : i32 to index
        %swap3A_844 = arith.constant 80 : index
        %swap3A_845 = tpu.vector_load %arg11[%swap3A_843, %swap3A_844] {strides = array<i32>} : memref<128x144xf32, #tpu.memory_space<vmem>>, vector<16xf32>,
        tpu.vector_store %arg11[%swap3A_843, %swap3A_844], %mul3A_840 {strides = array<i32>} : memref<128x144xf32, #tpu.memory_space<vmem>>, vector<16xf32>,
        %add3A_846 = arith.constant 7 : i32
        %add3A_847 = arith.addi %add3A_56, %add3A_846 : i32
        %get3A_848 = arith.index_cast %add3A_847 : i32 to index
        %get3A_849 = arith.constant 96 : index
        %get3A_850 = tpu.vector_load %arg11[%get3A_848, %get3A_849] {strides = array<i32>} : memref<128x144xf32, #tpu.memory_space<vmem>>, vector<16xf32>,
        %mul3A_851 = arith.mulf %get3A_850, %broadcast_in_dim3A_779 : vector<16xf32>
        %add3A_852 = arith.constant 7 : i32
        %add3A_853 = arith.addi %add3A_56, %add3A_852 : i32
        %swap3A_854 = arith.index_cast %add3A_853 : i32 to index
        %swap3A_855 = arith.constant 96 : index
        %swap3A_856 = tpu.vector_load %arg11[%swap3A_854, %swap3A_855] {strides = array<i32>} : memref<128x144xf32, #tpu.memory_space<vmem>>, vector<16xf32>,
        tpu.vector_store %arg11[%swap3A_854, %swap3A_855], %mul3A_851 {strides = array<i32>} : memref<128x144xf32, #tpu.memory_space<vmem>>, vector<16xf32>,
        %add3A_857 = arith.constant 7 : i32
        %add3A_858 = arith.addi %add3A_56, %add3A_857 : i32
        %get3A_859 = arith.index_cast %add3A_858 : i32 to index
        %get3A_860 = arith.constant 112 : index
        %get3A_861 = tpu.vector_load %arg11[%get3A_859, %get3A_860] {strides = array<i32>} : memref<128x144xf32, #tpu.memory_space<vmem>>, vector<16xf32>,
        %mul3A_862 = arith.mulf %get3A_861, %broadcast_in_dim3A_779 : vector<16xf32>
        %add3A_863 = arith.constant 7 : i32
        %add3A_864 = arith.addi %add3A_56, %add3A_863 : i32
        %swap3A_865 = arith.index_cast %add3A_864 : i32 to index
        %swap3A_866 = arith.constant 112 : index
        %swap3A_867 = tpu.vector_load %arg11[%swap3A_865, %swap3A_866] {strides = array<i32>} : memref<128x144xf32, #tpu.memory_space<vmem>>, vector<16xf32>,
        tpu.vector_store %arg11[%swap3A_865, %swap3A_866], %mul3A_862 {strides = array<i32>} : memref<128x144xf32, #tpu.memory_space<vmem>>, vector<16xf32>,
        %add3A_868 = arith.constant 7 : i32
        %add3A_869 = arith.addi %add3A_56, %add3A_868 : i32
        %get3A_870 = arith.index_cast %add3A_869 : i32 to index
        %get3A_871 = arith.constant 128 : index
        %get3A_872 = tpu.vector_load %arg11[%get3A_870, %get3A_871] {strides = array<i32>} : memref<128x144xf32, #tpu.memory_space<vmem>>, vector<16xf32>,
        %mul3A_873 = arith.mulf %get3A_872, %broadcast_in_dim3A_779 : vector<16xf32>
        %add3A_874 = arith.constant 7 : i32
        %add3A_875 = arith.addi %add3A_56, %add3A_874 : i32
        %swap3A_876 = arith.index_cast %add3A_875 : i32 to index
        %swap3A_877 = arith.constant 128 : index
        %swap3A_878 = tpu.vector_load %arg11[%swap3A_876, %swap3A_877] {strides = array<i32>} : memref<128x144xf32, #tpu.memory_space<vmem>>, vector<16xf32>,
        tpu.vector_store %arg11[%swap3A_876, %swap3A_877], %mul3A_873 {strides = array<i32>} : memref<128x144xf32, #tpu.memory_space<vmem>>, vector<16xf32>,
        %slice3A_879 = vector.extract_strided_slice %exp3A {offsets = [8], sizes = [1], strides = [1]} : vector<16xf32> to vector<1xf32>
        %squeeze3A_880 = vector.extract %slice3A_879[0] : f32 from vector<1xf32>
        %broadcast_in_dim3A_881 = vector.broadcast %squeeze3A_880 : f32 to vector<16xf32>
        %add3A_882 = arith.constant 8 : i32
        %add3A_883 = arith.addi %add3A_56, %add3A_882 : i32
        %get3A_884 = arith.index_cast %add3A_883 : i32 to index
        %get3A_885 = arith.constant 0 : index
        %get3A_886 = tpu.vector_load %arg11[%get3A_884, %get3A_885] {strides = array<i32>} : memref<128x144xf32, #tpu.memory_space<vmem>>, vector<16xf32>,
        %mul3A_887 = arith.mulf %get3A_886, %broadcast_in_dim3A_881 : vector<16xf32>
        %add3A_888 = arith.constant 8 : i32
        %add3A_889 = arith.addi %add3A_56, %add3A_888 : i32
        %swap3A_890 = arith.index_cast %add3A_889 : i32 to index
        %swap3A_891 = arith.constant 0 : index
        %swap3A_892 = tpu.vector_load %arg11[%swap3A_890, %swap3A_891] {strides = array<i32>} : memref<128x144xf32, #tpu.memory_space<vmem>>, vector<16xf32>,
        tpu.vector_store %arg11[%swap3A_890, %swap3A_891], %mul3A_887 {strides = array<i32>} : memref<128x144xf32, #tpu.memory_space<vmem>>, vector<16xf32>,
        %add3A_893 = arith.constant 8 : i32
        %add3A_894 = arith.addi %add3A_56, %add3A_893 : i32
        %get3A_895 = arith.index_cast %add3A_894 : i32 to index
        %get3A_896 = arith.constant 16 : index
        %get3A_897 = tpu.vector_load %arg11[%get3A_895, %get3A_896] {strides = array<i32>} : memref<128x144xf32, #tpu.memory_space<vmem>>, vector<16xf32>,
        %mul3A_898 = arith.mulf %get3A_897, %broadcast_in_dim3A_881 : vector<16xf32>
        %add3A_899 = arith.constant 8 : i32
        %add3A_900 = arith.addi %add3A_56, %add3A_899 : i32
        %swap3A_901 = arith.index_cast %add3A_900 : i32 to index
        %swap3A_902 = arith.constant 16 : index
        %swap3A_903 = tpu.vector_load %arg11[%swap3A_901, %swap3A_902] {strides = array<i32>} : memref<128x144xf32, #tpu.memory_space<vmem>>, vector<16xf32>,
        tpu.vector_store %arg11[%swap3A_901, %swap3A_902], %mul3A_898 {strides = array<i32>} : memref<128x144xf32, #tpu.memory_space<vmem>>, vector<16xf32>,
        %add3A_904 = arith.constant 8 : i32
        %add3A_905 = arith.addi %add3A_56, %add3A_904 : i32
        %get3A_906 = arith.index_cast %add3A_905 : i32 to index
        %get3A_907 = arith.constant 32 : index
        %get3A_908 = tpu.vector_load %arg11[%get3A_906, %get3A_907] {strides = array<i32>} : memref<128x144xf32, #tpu.memory_space<vmem>>, vector<16xf32>,
        %mul3A_909 = arith.mulf %get3A_908, %broadcast_in_dim3A_881 : vector<16xf32>
        %add3A_910 = arith.constant 8 : i32
        %add3A_911 = arith.addi %add3A_56, %add3A_910 : i32
        %swap3A_912 = arith.index_cast %add3A_911 : i32 to index
        %swap3A_913 = arith.constant 32 : index
        %swap3A_914 = tpu.vector_load %arg11[%swap3A_912, %swap3A_913] {strides = array<i32>} : memref<128x144xf32, #tpu.memory_space<vmem>>, vector<16xf32>,
        tpu.vector_store %arg11[%swap3A_912, %swap3A_913], %mul3A_909 {strides = array<i32>} : memref<128x144xf32, #tpu.memory_space<vmem>>, vector<16xf32>,
        %add3A_915 = arith.constant 8 : i32
        %add3A_916 = arith.addi %add3A_56, %add3A_915 : i32
        %get3A_917 = arith.index_cast %add3A_916 : i32 to index
        %get3A_918 = arith.constant 48 : index
        %get3A_919 = tpu.vector_load %arg11[%get3A_917, %get3A_918] {strides = array<i32>} : memref<128x144xf32, #tpu.memory_space<vmem>>, vector<16xf32>,
        %mul3A_920 = arith.mulf %get3A_919, %broadcast_in_dim3A_881 : vector<16xf32>
        %add3A_921 = arith.constant 8 : i32
        %add3A_922 = arith.addi %add3A_56, %add3A_921 : i32
        %swap3A_923 = arith.index_cast %add3A_922 : i32 to index
        %swap3A_924 = arith.constant 48 : index
        %swap3A_925 = tpu.vector_load %arg11[%swap3A_923, %swap3A_924] {strides = array<i32>} : memref<128x144xf32, #tpu.memory_space<vmem>>, vector<16xf32>,
        tpu.vector_store %arg11[%swap3A_923, %swap3A_924], %mul3A_920 {strides = array<i32>} : memref<128x144xf32, #tpu.memory_space<vmem>>, vector<16xf32>,
        %add3A_926 = arith.constant 8 : i32
        %add3A_927 = arith.addi %add3A_56, %add3A_926 : i32
        %get3A_928 = arith.index_cast %add3A_927 : i32 to index
        %get3A_929 = arith.constant 64 : index
        %get3A_930 = tpu.vector_load %arg11[%get3A_928, %get3A_929] {strides = array<i32>} : memref<128x144xf32, #tpu.memory_space<vmem>>, vector<16xf32>,
        %mul3A_931 = arith.mulf %get3A_930, %broadcast_in_dim3A_881 : vector<16xf32>
        %add3A_932 = arith.constant 8 : i32
        %add3A_933 = arith.addi %add3A_56, %add3A_932 : i32
        %swap3A_934 = arith.index_cast %add3A_933 : i32 to index
        %swap3A_935 = arith.constant 64 : index
        %swap3A_936 = tpu.vector_load %arg11[%swap3A_934, %swap3A_935] {strides = array<i32>} : memref<128x144xf32, #tpu.memory_space<vmem>>, vector<16xf32>,
        tpu.vector_store %arg11[%swap3A_934, %swap3A_935], %mul3A_931 {strides = array<i32>} : memref<128x144xf32, #tpu.memory_space<vmem>>, vector<16xf32>,
        %add3A_937 = arith.constant 8 : i32
        %add3A_938 = arith.addi %add3A_56, %add3A_937 : i32
        %get3A_939 = arith.index_cast %add3A_938 : i32 to index
        %get3A_940 = arith.constant 80 : index
        %get3A_941 = tpu.vector_load %arg11[%get3A_939, %get3A_940] {strides = array<i32>} : memref<128x144xf32, #tpu.memory_space<vmem>>, vector<16xf32>,
        %mul3A_942 = arith.mulf %get3A_941, %broadcast_in_dim3A_881 : vector<16xf32>
        %add3A_943 = arith.constant 8 : i32
        %add3A_944 = arith.addi %add3A_56, %add3A_943 : i32
        %swap3A_945 = arith.index_cast %add3A_944 : i32 to index
        %swap3A_946 = arith.constant 80 : index
        %swap3A_947 = tpu.vector_load %arg11[%swap3A_945, %swap3A_946] {strides = array<i32>} : memref<128x144xf32, #tpu.memory_space<vmem>>, vector<16xf32>,
        tpu.vector_store %arg11[%swap3A_945, %swap3A_946], %mul3A_942 {strides = array<i32>} : memref<128x144xf32, #tpu.memory_space<vmem>>, vector<16xf32>,
        %add3A_948 = arith.constant 8 : i32
        %add3A_949 = arith.addi %add3A_56, %add3A_948 : i32
        %get3A_950 = arith.index_cast %add3A_949 : i32 to index
        %get3A_951 = arith.constant 96 : index
        %get3A_952 = tpu.vector_load %arg11[%get3A_950, %get3A_951] {strides = array<i32>} : memref<128x144xf32, #tpu.memory_space<vmem>>, vector<16xf32>,
        %mul3A_953 = arith.mulf %get3A_952, %broadcast_in_dim3A_881 : vector<16xf32>
        %add3A_954 = arith.constant 8 : i32
        %add3A_955 = arith.addi %add3A_56, %add3A_954 : i32
        %swap3A_956 = arith.index_cast %add3A_955 : i32 to index
        %swap3A_957 = arith.constant 96 : index
        %swap3A_958 = tpu.vector_load %arg11[%swap3A_956, %swap3A_957] {strides = array<i32>} : memref<128x144xf32, #tpu.memory_space<vmem>>, vector<16xf32>,
        tpu.vector_store %arg11[%swap3A_956, %swap3A_957], %mul3A_953 {strides = array<i32>} : memref<128x144xf32, #tpu.memory_space<vmem>>, vector<16xf32>,
        %add3A_959 = arith.constant 8 : i32
        %add3A_960 = arith.addi %add3A_56, %add3A_959 : i32
        %get3A_961 = arith.index_cast %add3A_960 : i32 to index
        %get3A_962 = arith.constant 112 : index
        %get3A_963 = tpu.vector_load %arg11[%get3A_961, %get3A_962] {strides = array<i32>} : memref<128x144xf32, #tpu.memory_space<vmem>>, vector<16xf32>,
        %mul3A_964 = arith.mulf %get3A_963, %broadcast_in_dim3A_881 : vector<16xf32>
        %add3A_965 = arith.constant 8 : i32
        %add3A_966 = arith.addi %add3A_56, %add3A_965 : i32
        %swap3A_967 = arith.index_cast %add3A_966 : i32 to index
        %swap3A_968 = arith.constant 112 : index
        %swap3A_969 = tpu.vector_load %arg11[%swap3A_967, %swap3A_968] {strides = array<i32>} : memref<128x144xf32, #tpu.memory_space<vmem>>, vector<16xf32>,
        tpu.vector_store %arg11[%swap3A_967, %swap3A_968], %mul3A_964 {strides = array<i32>} : memref<128x144xf32, #tpu.memory_space<vmem>>, vector<16xf32>,
        %add3A_970 = arith.constant 8 : i32
        %add3A_971 = arith.addi %add3A_56, %add3A_970 : i32
        %get3A_972 = arith.index_cast %add3A_971 : i32 to index
        %get3A_973 = arith.constant 128 : index
        %get3A_974 = tpu.vector_load %arg11[%get3A_972, %get3A_973] {strides = array<i32>} : memref<128x144xf32, #tpu.memory_space<vmem>>, vector<16xf32>,
        %mul3A_975 = arith.mulf %get3A_974, %broadcast_in_dim3A_881 : vector<16xf32>
        %add3A_976 = arith.constant 8 : i32
        %add3A_977 = arith.addi %add3A_56, %add3A_976 : i32
        %swap3A_978 = arith.index_cast %add3A_977 : i32 to index
        %swap3A_979 = arith.constant 128 : index
        %swap3A_980 = tpu.vector_load %arg11[%swap3A_978, %swap3A_979] {strides = array<i32>} : memref<128x144xf32, #tpu.memory_space<vmem>>, vector<16xf32>,
        tpu.vector_store %arg11[%swap3A_978, %swap3A_979], %mul3A_975 {strides = array<i32>} : memref<128x144xf32, #tpu.memory_space<vmem>>, vector<16xf32>,
        %slice3A_981 = vector.extract_strided_slice %exp3A {offsets = [9], sizes = [1], strides = [1]} : vector<16xf32> to vector<1xf32>
        %squeeze3A_982 = vector.extract %slice3A_981[0] : f32 from vector<1xf32>
        %broadcast_in_dim3A_983 = vector.broadcast %squeeze3A_982 : f32 to vector<16xf32>
        %add3A_984 = arith.constant 9 : i32
        %add3A_985 = arith.addi %add3A_56, %add3A_984 : i32
        %get3A_986 = arith.index_cast %add3A_985 : i32 to index
        %get3A_987 = arith.constant 0 : index
        %get3A_988 = tpu.vector_load %arg11[%get3A_986, %get3A_987] {strides = array<i32>} : memref<128x144xf32, #tpu.memory_space<vmem>>, vector<16xf32>,
        %mul3A_989 = arith.mulf %get3A_988, %broadcast_in_dim3A_983 : vector<16xf32>
        %add3A_990 = arith.constant 9 : i32
        %add3A_991 = arith.addi %add3A_56, %add3A_990 : i32
        %swap3A_992 = arith.index_cast %add3A_991 : i32 to index
        %swap3A_993 = arith.constant 0 : index
        %swap3A_994 = tpu.vector_load %arg11[%swap3A_992, %swap3A_993] {strides = array<i32>} : memref<128x144xf32, #tpu.memory_space<vmem>>, vector<16xf32>,
        tpu.vector_store %arg11[%swap3A_992, %swap3A_993], %mul3A_989 {strides = array<i32>} : memref<128x144xf32, #tpu.memory_space<vmem>>, vector<16xf32>,
        %add3A_995 = arith.constant 9 : i32
        %add3A_996 = arith.addi %add3A_56, %add3A_995 : i32
        %get3A_997 = arith.index_cast %add3A_996 : i32 to index
        %get3A_998 = arith.constant 16 : index
        %get3A_999 = tpu.vector_load %arg11[%get3A_997, %get3A_998] {strides = array<i32>} : memref<128x144xf32, #tpu.memory_space<vmem>>, vector<16xf32>,
        %mul3A_1000 = arith.mulf %get3A_999, %broadcast_in_dim3A_983 : vector<16xf32>
        %add3A_1001 = arith.constant 9 : i32
        %add3A_1002 = arith.addi %add3A_56, %add3A_1001 : i32
        %swap3A_1003 = arith.index_cast %add3A_1002 : i32 to index
        %swap3A_1004 = arith.constant 16 : index
        %swap3A_1005 = tpu.vector_load %arg11[%swap3A_1003, %swap3A_1004] {strides = array<i32>} : memref<128x144xf32, #tpu.memory_space<vmem>>, vector<16xf32>,
        tpu.vector_store %arg11[%swap3A_1003, %swap3A_1004], %mul3A_1000 {strides = array<i32>} : memref<128x144xf32, #tpu.memory_space<vmem>>, vector<16xf32>,
        %add3A_1006 = arith.constant 9 : i32
        %add3A_1007 = arith.addi %add3A_56, %add3A_1006 : i32
        %get3A_1008 = arith.index_cast %add3A_1007 : i32 to index
        %get3A_1009 = arith.constant 32 : index
        %get3A_1010 = tpu.vector_load %arg11[%get3A_1008, %get3A_1009] {strides = array<i32>} : memref<128x144xf32, #tpu.memory_space<vmem>>, vector<16xf32>,
        %mul3A_1011 = arith.mulf %get3A_1010, %broadcast_in_dim3A_983 : vector<16xf32>
        %add3A_1012 = arith.constant 9 : i32
        %add3A_1013 = arith.addi %add3A_56, %add3A_1012 : i32
        %swap3A_1014 = arith.index_cast %add3A_1013 : i32 to index
        %swap3A_1015 = arith.constant 32 : index
        %swap3A_1016 = tpu.vector_load %arg11[%swap3A_1014, %swap3A_1015] {strides = array<i32>} : memref<128x144xf32, #tpu.memory_space<vmem>>, vector<16xf32>,
        tpu.vector_store %arg11[%swap3A_1014, %swap3A_1015], %mul3A_1011 {strides = array<i32>} : memref<128x144xf32, #tpu.memory_space<vmem>>, vector<16xf32>,
        %add3A_1017 = arith.constant 9 : i32
        %add3A_1018 = arith.addi %add3A_56, %add3A_1017 : i32
        %get3A_1019 = arith.index_cast %add3A_1018 : i32 to index
        %get3A_1020 = arith.constant 48 : index
        %get3A_1021 = tpu.vector_load %arg11[%get3A_1019, %get3A_1020] {strides = array<i32>} : memref<128x144xf32, #tpu.memory_space<vmem>>, vector<16xf32>,
        %mul3A_1022 = arith.mulf %get3A_1021, %broadcast_in_dim3A_983 : vector<16xf32>
        %add3A_1023 = arith.constant 9 : i32
        %add3A_1024 = arith.addi %add3A_56, %add3A_1023 : i32
        %swap3A_1025 = arith.index_cast %add3A_1024 : i32 to index
        %swap3A_1026 = arith.constant 48 : index
        %swap3A_1027 = tpu.vector_load %arg11[%swap3A_1025, %swap3A_1026] {strides = array<i32>} : memref<128x144xf32, #tpu.memory_space<vmem>>, vector<16xf32>,
        tpu.vector_store %arg11[%swap3A_1025, %swap3A_1026], %mul3A_1022 {strides = array<i32>} : memref<128x144xf32, #tpu.memory_space<vmem>>, vector<16xf32>,
        %add3A_1028 = arith.constant 9 : i32
        %add3A_1029 = arith.addi %add3A_56, %add3A_1028 : i32
        %get3A_1030 = arith.index_cast %add3A_1029 : i32 to index
        %get3A_1031 = arith.constant 64 : index
        %get3A_1032 = tpu.vector_load %arg11[%get3A_1030, %get3A_1031] {strides = array<i32>} : memref<128x144xf32, #tpu.memory_space<vmem>>, vector<16xf32>,
        %mul3A_1033 = arith.mulf %get3A_1032, %broadcast_in_dim3A_983 : vector<16xf32>
        %add3A_1034 = arith.constant 9 : i32
        %add3A_1035 = arith.addi %add3A_56, %add3A_1034 : i32
        %swap3A_1036 = arith.index_cast %add3A_1035 : i32 to index
        %swap3A_1037 = arith.constant 64 : index
        %swap3A_1038 = tpu.vector_load %arg11[%swap3A_1036, %swap3A_1037] {strides = array<i32>} : memref<128x144xf32, #tpu.memory_space<vmem>>, vector<16xf32>,
        tpu.vector_store %arg11[%swap3A_1036, %swap3A_1037], %mul3A_1033 {strides = array<i32>} : memref<128x144xf32, #tpu.memory_space<vmem>>, vector<16xf32>,
        %add3A_1039 = arith.constant 9 : i32
        %add3A_1040 = arith.addi %add3A_56, %add3A_1039 : i32
        %get3A_1041 = arith.index_cast %add3A_1040 : i32 to index
        %get3A_1042 = arith.constant 80 : index
        %get3A_1043 = tpu.vector_load %arg11[%get3A_1041, %get3A_1042] {strides = array<i32>} : memref<128x144xf32, #tpu.memory_space<vmem>>, vector<16xf32>,
        %mul3A_1044 = arith.mulf %get3A_1043, %broadcast_in_dim3A_983 : vector<16xf32>
        %add3A_1045 = arith.constant 9 : i32
        %add3A_1046 = arith.addi %add3A_56, %add3A_1045 : i32
        %swap3A_1047 = arith.index_cast %add3A_1046 : i32 to index
        %swap3A_1048 = arith.constant 80 : index
        %swap3A_1049 = tpu.vector_load %arg11[%swap3A_1047, %swap3A_1048] {strides = array<i32>} : memref<128x144xf32, #tpu.memory_space<vmem>>, vector<16xf32>,
        tpu.vector_store %arg11[%swap3A_1047, %swap3A_1048], %mul3A_1044 {strides = array<i32>} : memref<128x144xf32, #tpu.memory_space<vmem>>, vector<16xf32>,
        %add3A_1050 = arith.constant 9 : i32
        %add3A_1051 = arith.addi %add3A_56, %add3A_1050 : i32
        %get3A_1052 = arith.index_cast %add3A_1051 : i32 to index
        %get3A_1053 = arith.constant 96 : index
        %get3A_1054 = tpu.vector_load %arg11[%get3A_1052, %get3A_1053] {strides = array<i32>} : memref<128x144xf32, #tpu.memory_space<vmem>>, vector<16xf32>,
        %mul3A_1055 = arith.mulf %get3A_1054, %broadcast_in_dim3A_983 : vector<16xf32>
        %add3A_1056 = arith.constant 9 : i32
        %add3A_1057 = arith.addi %add3A_56, %add3A_1056 : i32
        %swap3A_1058 = arith.index_cast %add3A_1057 : i32 to index
        %swap3A_1059 = arith.constant 96 : index
        %swap3A_1060 = tpu.vector_load %arg11[%swap3A_1058, %swap3A_1059] {strides = array<i32>} : memref<128x144xf32, #tpu.memory_space<vmem>>, vector<16xf32>,
        tpu.vector_store %arg11[%swap3A_1058, %swap3A_1059], %mul3A_1055 {strides = array<i32>} : memref<128x144xf32, #tpu.memory_space<vmem>>, vector<16xf32>,
        %add3A_1061 = arith.constant 9 : i32
        %add3A_1062 = arith.addi %add3A_56, %add3A_1061 : i32
        %get3A_1063 = arith.index_cast %add3A_1062 : i32 to index
        %get3A_1064 = arith.constant 112 : index
        %get3A_1065 = tpu.vector_load %arg11[%get3A_1063, %get3A_1064] {strides = array<i32>} : memref<128x144xf32, #tpu.memory_space<vmem>>, vector<16xf32>,
        %mul3A_1066 = arith.mulf %get3A_1065, %broadcast_in_dim3A_983 : vector<16xf32>
        %add3A_1067 = arith.constant 9 : i32
        %add3A_1068 = arith.addi %add3A_56, %add3A_1067 : i32
        %swap3A_1069 = arith.index_cast %add3A_1068 : i32 to index
        %swap3A_1070 = arith.constant 112 : index
        %swap3A_1071 = tpu.vector_load %arg11[%swap3A_1069, %swap3A_1070] {strides = array<i32>} : memref<128x144xf32, #tpu.memory_space<vmem>>, vector<16xf32>,
        tpu.vector_store %arg11[%swap3A_1069, %swap3A_1070], %mul3A_1066 {strides = array<i32>} : memref<128x144xf32, #tpu.memory_space<vmem>>, vector<16xf32>,
        %add3A_1072 = arith.constant 9 : i32
        %add3A_1073 = arith.addi %add3A_56, %add3A_1072 : i32
        %get3A_1074 = arith.index_cast %add3A_1073 : i32 to index
        %get3A_1075 = arith.constant 128 : index
        %get3A_1076 = tpu.vector_load %arg11[%get3A_1074, %get3A_1075] {strides = array<i32>} : memref<128x144xf32, #tpu.memory_space<vmem>>, vector<16xf32>,
        %mul3A_1077 = arith.mulf %get3A_1076, %broadcast_in_dim3A_983 : vector<16xf32>
        %add3A_1078 = arith.constant 9 : i32
        %add3A_1079 = arith.addi %add3A_56, %add3A_1078 : i32
        %swap3A_1080 = arith.index_cast %add3A_1079 : i32 to index
        %swap3A_1081 = arith.constant 128 : index
        %swap3A_1082 = tpu.vector_load %arg11[%swap3A_1080, %swap3A_1081] {strides = array<i32>} : memref<128x144xf32, #tpu.memory_space<vmem>>, vector<16xf32>,
        tpu.vector_store %arg11[%swap3A_1080, %swap3A_1081], %mul3A_1077 {strides = array<i32>} : memref<128x144xf32, #tpu.memory_space<vmem>>, vector<16xf32>,
        %slice3A_1083 = vector.extract_strided_slice %exp3A {offsets = [10], sizes = [1], strides = [1]} : vector<16xf32> to vector<1xf32>
        %squeeze3A_1084 = vector.extract %slice3A_1083[0] : f32 from vector<1xf32>
        %broadcast_in_dim3A_1085 = vector.broadcast %squeeze3A_1084 : f32 to vector<16xf32>
        %add3A_1086 = arith.constant 10 : i32
        %add3A_1087 = arith.addi %add3A_56, %add3A_1086 : i32
        %get3A_1088 = arith.index_cast %add3A_1087 : i32 to index
        %get3A_1089 = arith.constant 0 : index
        %get3A_1090 = tpu.vector_load %arg11[%get3A_1088, %get3A_1089] {strides = array<i32>} : memref<128x144xf32, #tpu.memory_space<vmem>>, vector<16xf32>,
        %mul3A_1091 = arith.mulf %get3A_1090, %broadcast_in_dim3A_1085 : vector<16xf32>
        %add3A_1092 = arith.constant 10 : i32
        %add3A_1093 = arith.addi %add3A_56, %add3A_1092 : i32
        %swap3A_1094 = arith.index_cast %add3A_1093 : i32 to index
        %swap3A_1095 = arith.constant 0 : index
        %swap3A_1096 = tpu.vector_load %arg11[%swap3A_1094, %swap3A_1095] {strides = array<i32>} : memref<128x144xf32, #tpu.memory_space<vmem>>, vector<16xf32>,
        tpu.vector_store %arg11[%swap3A_1094, %swap3A_1095], %mul3A_1091 {strides = array<i32>} : memref<128x144xf32, #tpu.memory_space<vmem>>, vector<16xf32>,
        %add3A_1097 = arith.constant 10 : i32
        %add3A_1098 = arith.addi %add3A_56, %add3A_1097 : i32
        %get3A_1099 = arith.index_cast %add3A_1098 : i32 to index
        %get3A_1100 = arith.constant 16 : index
        %get3A_1101 = tpu.vector_load %arg11[%get3A_1099, %get3A_1100] {strides = array<i32>} : memref<128x144xf32, #tpu.memory_space<vmem>>, vector<16xf32>,
        %mul3A_1102 = arith.mulf %get3A_1101, %broadcast_in_dim3A_1085 : vector<16xf32>
        %add3A_1103 = arith.constant 10 : i32
        %add3A_1104 = arith.addi %add3A_56, %add3A_1103 : i32
        %swap3A_1105 = arith.index_cast %add3A_1104 : i32 to index
        %swap3A_1106 = arith.constant 16 : index
        %swap3A_1107 = tpu.vector_load %arg11[%swap3A_1105, %swap3A_1106] {strides = array<i32>} : memref<128x144xf32, #tpu.memory_space<vmem>>, vector<16xf32>,
        tpu.vector_store %arg11[%swap3A_1105, %swap3A_1106], %mul3A_1102 {strides = array<i32>} : memref<128x144xf32, #tpu.memory_space<vmem>>, vector<16xf32>,
        %add3A_1108 = arith.constant 10 : i32
        %add3A_1109 = arith.addi %add3A_56, %add3A_1108 : i32
        %get3A_1110 = arith.index_cast %add3A_1109 : i32 to index
        %get3A_1111 = arith.constant 32 : index
        %get3A_1112 = tpu.vector_load %arg11[%get3A_1110, %get3A_1111] {strides = array<i32>} : memref<128x144xf32, #tpu.memory_space<vmem>>, vector<16xf32>,
        %mul3A_1113 = arith.mulf %get3A_1112, %broadcast_in_dim3A_1085 : vector<16xf32>
        %add3A_1114 = arith.constant 10 : i32
        %add3A_1115 = arith.addi %add3A_56, %add3A_1114 : i32
        %swap3A_1116 = arith.index_cast %add3A_1115 : i32 to index
        %swap3A_1117 = arith.constant 32 : index
        %swap3A_1118 = tpu.vector_load %arg11[%swap3A_1116, %swap3A_1117] {strides = array<i32>} : memref<128x144xf32, #tpu.memory_space<vmem>>, vector<16xf32>,
        tpu.vector_store %arg11[%swap3A_1116, %swap3A_1117], %mul3A_1113 {strides = array<i32>} : memref<128x144xf32, #tpu.memory_space<vmem>>, vector<16xf32>,
        %add3A_1119 = arith.constant 10 : i32
        %add3A_1120 = arith.addi %add3A_56, %add3A_1119 : i32
        %get3A_1121 = arith.index_cast %add3A_1120 : i32 to index
        %get3A_1122 = arith.constant 48 : index
        %get3A_1123 = tpu.vector_load %arg11[%get3A_1121, %get3A_1122] {strides = array<i32>} : memref<128x144xf32, #tpu.memory_space<vmem>>, vector<16xf32>,
        %mul3A_1124 = arith.mulf %get3A_1123, %broadcast_in_dim3A_1085 : vector<16xf32>
        %add3A_1125 = arith.constant 10 : i32
        %add3A_1126 = arith.addi %add3A_56, %add3A_1125 : i32
        %swap3A_1127 = arith.index_cast %add3A_1126 : i32 to index
        %swap3A_1128 = arith.constant 48 : index
        %swap3A_1129 = tpu.vector_load %arg11[%swap3A_1127, %swap3A_1128] {strides = array<i32>} : memref<128x144xf32, #tpu.memory_space<vmem>>, vector<16xf32>,
        tpu.vector_store %arg11[%swap3A_1127, %swap3A_1128], %mul3A_1124 {strides = array<i32>} : memref<128x144xf32, #tpu.memory_space<vmem>>, vector<16xf32>,
        %add3A_1130 = arith.constant 10 : i32
        %add3A_1131 = arith.addi %add3A_56, %add3A_1130 : i32
        %get3A_1132 = arith.index_cast %add3A_1131 : i32 to index
        %get3A_1133 = arith.constant 64 : index
        %get3A_1134 = tpu.vector_load %arg11[%get3A_1132, %get3A_1133] {strides = array<i32>} : memref<128x144xf32, #tpu.memory_space<vmem>>, vector<16xf32>,
        %mul3A_1135 = arith.mulf %get3A_1134, %broadcast_in_dim3A_1085 : vector<16xf32>
        %add3A_1136 = arith.constant 10 : i32
        %add3A_1137 = arith.addi %add3A_56, %add3A_1136 : i32
        %swap3A_1138 = arith.index_cast %add3A_1137 : i32 to index
        %swap3A_1139 = arith.constant 64 : index
        %swap3A_1140 = tpu.vector_load %arg11[%swap3A_1138, %swap3A_1139] {strides = array<i32>} : memref<128x144xf32, #tpu.memory_space<vmem>>, vector<16xf32>,
        tpu.vector_store %arg11[%swap3A_1138, %swap3A_1139], %mul3A_1135 {strides = array<i32>} : memref<128x144xf32, #tpu.memory_space<vmem>>, vector<16xf32>,
        %add3A_1141 = arith.constant 10 : i32
        %add3A_1142 = arith.addi %add3A_56, %add3A_1141 : i32
        %get3A_1143 = arith.index_cast %add3A_1142 : i32 to index
        %get3A_1144 = arith.constant 80 : index
        %get3A_1145 = tpu.vector_load %arg11[%get3A_1143, %get3A_1144] {strides = array<i32>} : memref<128x144xf32, #tpu.memory_space<vmem>>, vector<16xf32>,
        %mul3A_1146 = arith.mulf %get3A_1145, %broadcast_in_dim3A_1085 : vector<16xf32>
        %add3A_1147 = arith.constant 10 : i32
        %add3A_1148 = arith.addi %add3A_56, %add3A_1147 : i32
        %swap3A_1149 = arith.index_cast %add3A_1148 : i32 to index
        %swap3A_1150 = arith.constant 80 : index
        %swap3A_1151 = tpu.vector_load %arg11[%swap3A_1149, %swap3A_1150] {strides = array<i32>} : memref<128x144xf32, #tpu.memory_space<vmem>>, vector<16xf32>,
        tpu.vector_store %arg11[%swap3A_1149, %swap3A_1150], %mul3A_1146 {strides = array<i32>} : memref<128x144xf32, #tpu.memory_space<vmem>>, vector<16xf32>,
        %add3A_1152 = arith.constant 10 : i32
        %add3A_1153 = arith.addi %add3A_56, %add3A_1152 : i32
        %get3A_1154 = arith.index_cast %add3A_1153 : i32 to index
        %get3A_1155 = arith.constant 96 : index
        %get3A_1156 = tpu.vector_load %arg11[%get3A_1154, %get3A_1155] {strides = array<i32>} : memref<128x144xf32, #tpu.memory_space<vmem>>, vector<16xf32>,
        %mul3A_1157 = arith.mulf %get3A_1156, %broadcast_in_dim3A_1085 : vector<16xf32>
        %add3A_1158 = arith.constant 10 : i32
        %add3A_1159 = arith.addi %add3A_56, %add3A_1158 : i32
        %swap3A_1160 = arith.index_cast %add3A_1159 : i32 to index
        %swap3A_1161 = arith.constant 96 : index
        %swap3A_1162 = tpu.vector_load %arg11[%swap3A_1160, %swap3A_1161] {strides = array<i32>} : memref<128x144xf32, #tpu.memory_space<vmem>>, vector<16xf32>,
        tpu.vector_store %arg11[%swap3A_1160, %swap3A_1161], %mul3A_1157 {strides = array<i32>} : memref<128x144xf32, #tpu.memory_space<vmem>>, vector<16xf32>,
        %add3A_1163 = arith.constant 10 : i32
        %add3A_1164 = arith.addi %add3A_56, %add3A_1163 : i32
        %get3A_1165 = arith.index_cast %add3A_1164 : i32 to index
        %get3A_1166 = arith.constant 112 : index
        %get3A_1167 = tpu.vector_load %arg11[%get3A_1165, %get3A_1166] {strides = array<i32>} : memref<128x144xf32, #tpu.memory_space<vmem>>, vector<16xf32>,
        %mul3A_1168 = arith.mulf %get3A_1167, %broadcast_in_dim3A_1085 : vector<16xf32>
        %add3A_1169 = arith.constant 10 : i32
        %add3A_1170 = arith.addi %add3A_56, %add3A_1169 : i32
        %swap3A_1171 = arith.index_cast %add3A_1170 : i32 to index
        %swap3A_1172 = arith.constant 112 : index
        %swap3A_1173 = tpu.vector_load %arg11[%swap3A_1171, %swap3A_1172] {strides = array<i32>} : memref<128x144xf32, #tpu.memory_space<vmem>>, vector<16xf32>,
        tpu.vector_store %arg11[%swap3A_1171, %swap3A_1172], %mul3A_1168 {strides = array<i32>} : memref<128x144xf32, #tpu.memory_space<vmem>>, vector<16xf32>,
        %add3A_1174 = arith.constant 10 : i32
        %add3A_1175 = arith.addi %add3A_56, %add3A_1174 : i32
        %get3A_1176 = arith.index_cast %add3A_1175 : i32 to index
        %get3A_1177 = arith.constant 128 : index
        %get3A_1178 = tpu.vector_load %arg11[%get3A_1176, %get3A_1177] {strides = array<i32>} : memref<128x144xf32, #tpu.memory_space<vmem>>, vector<16xf32>,
        %mul3A_1179 = arith.mulf %get3A_1178, %broadcast_in_dim3A_1085 : vector<16xf32>
        %add3A_1180 = arith.constant 10 : i32
        %add3A_1181 = arith.addi %add3A_56, %add3A_1180 : i32
        %swap3A_1182 = arith.index_cast %add3A_1181 : i32 to index
        %swap3A_1183 = arith.constant 128 : index
        %swap3A_1184 = tpu.vector_load %arg11[%swap3A_1182, %swap3A_1183] {strides = array<i32>} : memref<128x144xf32, #tpu.memory_space<vmem>>, vector<16xf32>,
        tpu.vector_store %arg11[%swap3A_1182, %swap3A_1183], %mul3A_1179 {strides = array<i32>} : memref<128x144xf32, #tpu.memory_space<vmem>>, vector<16xf32>,
        %slice3A_1185 = vector.extract_strided_slice %exp3A {offsets = [11], sizes = [1], strides = [1]} : vector<16xf32> to vector<1xf32>
        %squeeze3A_1186 = vector.extract %slice3A_1185[0] : f32 from vector<1xf32>
        %broadcast_in_dim3A_1187 = vector.broadcast %squeeze3A_1186 : f32 to vector<16xf32>
        %add3A_1188 = arith.constant 11 : i32
        %add3A_1189 = arith.addi %add3A_56, %add3A_1188 : i32
        %get3A_1190 = arith.index_cast %add3A_1189 : i32 to index
        %get3A_1191 = arith.constant 0 : index
        %get3A_1192 = tpu.vector_load %arg11[%get3A_1190, %get3A_1191] {strides = array<i32>} : memref<128x144xf32, #tpu.memory_space<vmem>>, vector<16xf32>,
        %mul3A_1193 = arith.mulf %get3A_1192, %broadcast_in_dim3A_1187 : vector<16xf32>
        %add3A_1194 = arith.constant 11 : i32
        %add3A_1195 = arith.addi %add3A_56, %add3A_1194 : i32
        %swap3A_1196 = arith.index_cast %add3A_1195 : i32 to index
        %swap3A_1197 = arith.constant 0 : index
        %swap3A_1198 = tpu.vector_load %arg11[%swap3A_1196, %swap3A_1197] {strides = array<i32>} : memref<128x144xf32, #tpu.memory_space<vmem>>, vector<16xf32>,
        tpu.vector_store %arg11[%swap3A_1196, %swap3A_1197], %mul3A_1193 {strides = array<i32>} : memref<128x144xf32, #tpu.memory_space<vmem>>, vector<16xf32>,
        %add3A_1199 = arith.constant 11 : i32
        %add3A_1200 = arith.addi %add3A_56, %add3A_1199 : i32
        %get3A_1201 = arith.index_cast %add3A_1200 : i32 to index
        %get3A_1202 = arith.constant 16 : index
        %get3A_1203 = tpu.vector_load %arg11[%get3A_1201, %get3A_1202] {strides = array<i32>} : memref<128x144xf32, #tpu.memory_space<vmem>>, vector<16xf32>,
        %mul3A_1204 = arith.mulf %get3A_1203, %broadcast_in_dim3A_1187 : vector<16xf32>
        %add3A_1205 = arith.constant 11 : i32
        %add3A_1206 = arith.addi %add3A_56, %add3A_1205 : i32
        %swap3A_1207 = arith.index_cast %add3A_1206 : i32 to index
        %swap3A_1208 = arith.constant 16 : index
        %swap3A_1209 = tpu.vector_load %arg11[%swap3A_1207, %swap3A_1208] {strides = array<i32>} : memref<128x144xf32, #tpu.memory_space<vmem>>, vector<16xf32>,
        tpu.vector_store %arg11[%swap3A_1207, %swap3A_1208], %mul3A_1204 {strides = array<i32>} : memref<128x144xf32, #tpu.memory_space<vmem>>, vector<16xf32>,
        %add3A_1210 = arith.constant 11 : i32
        %add3A_1211 = arith.addi %add3A_56, %add3A_1210 : i32
        %get3A_1212 = arith.index_cast %add3A_1211 : i32 to index
        %get3A_1213 = arith.constant 32 : index
        %get3A_1214 = tpu.vector_load %arg11[%get3A_1212, %get3A_1213] {strides = array<i32>} : memref<128x144xf32, #tpu.memory_space<vmem>>, vector<16xf32>,
        %mul3A_1215 = arith.mulf %get3A_1214, %broadcast_in_dim3A_1187 : vector<16xf32>
        %add3A_1216 = arith.constant 11 : i32
        %add3A_1217 = arith.addi %add3A_56, %add3A_1216 : i32
        %swap3A_1218 = arith.index_cast %add3A_1217 : i32 to index
        %swap3A_1219 = arith.constant 32 : index
        %swap3A_1220 = tpu.vector_load %arg11[%swap3A_1218, %swap3A_1219] {strides = array<i32>} : memref<128x144xf32, #tpu.memory_space<vmem>>, vector<16xf32>,
        tpu.vector_store %arg11[%swap3A_1218, %swap3A_1219], %mul3A_1215 {strides = array<i32>} : memref<128x144xf32, #tpu.memory_space<vmem>>, vector<16xf32>,
        %add3A_1221 = arith.constant 11 : i32
        %add3A_1222 = arith.addi %add3A_56, %add3A_1221 : i32
        %get3A_1223 = arith.index_cast %add3A_1222 : i32 to index
        %get3A_1224 = arith.constant 48 : index
        %get3A_1225 = tpu.vector_load %arg11[%get3A_1223, %get3A_1224] {strides = array<i32>} : memref<128x144xf32, #tpu.memory_space<vmem>>, vector<16xf32>,
        %mul3A_1226 = arith.mulf %get3A_1225, %broadcast_in_dim3A_1187 : vector<16xf32>
        %add3A_1227 = arith.constant 11 : i32
        %add3A_1228 = arith.addi %add3A_56, %add3A_1227 : i32
        %swap3A_1229 = arith.index_cast %add3A_1228 : i32 to index
        %swap3A_1230 = arith.constant 48 : index
        %swap3A_1231 = tpu.vector_load %arg11[%swap3A_1229, %swap3A_1230] {strides = array<i32>} : memref<128x144xf32, #tpu.memory_space<vmem>>, vector<16xf32>,
        tpu.vector_store %arg11[%swap3A_1229, %swap3A_1230], %mul3A_1226 {strides = array<i32>} : memref<128x144xf32, #tpu.memory_space<vmem>>, vector<16xf32>,
        %add3A_1232 = arith.constant 11 : i32
        %add3A_1233 = arith.addi %add3A_56, %add3A_1232 : i32
        %get3A_1234 = arith.index_cast %add3A_1233 : i32 to index
        %get3A_1235 = arith.constant 64 : index
        %get3A_1236 = tpu.vector_load %arg11[%get3A_1234, %get3A_1235] {strides = array<i32>} : memref<128x144xf32, #tpu.memory_space<vmem>>, vector<16xf32>,
        %mul3A_1237 = arith.mulf %get3A_1236, %broadcast_in_dim3A_1187 : vector<16xf32>
        %add3A_1238 = arith.constant 11 : i32
        %add3A_1239 = arith.addi %add3A_56, %add3A_1238 : i32
        %swap3A_1240 = arith.index_cast %add3A_1239 : i32 to index
        %swap3A_1241 = arith.constant 64 : index
        %swap3A_1242 = tpu.vector_load %arg11[%swap3A_1240, %swap3A_1241] {strides = array<i32>} : memref<128x144xf32, #tpu.memory_space<vmem>>, vector<16xf32>,
        tpu.vector_store %arg11[%swap3A_1240, %swap3A_1241], %mul3A_1237 {strides = array<i32>} : memref<128x144xf32, #tpu.memory_space<vmem>>, vector<16xf32>,
        %add3A_1243 = arith.constant 11 : i32
        %add3A_1244 = arith.addi %add3A_56, %add3A_1243 : i32
        %get3A_1245 = arith.index_cast %add3A_1244 : i32 to index
        %get3A_1246 = arith.constant 80 : index
        %get3A_1247 = tpu.vector_load %arg11[%get3A_1245, %get3A_1246] {strides = array<i32>} : memref<128x144xf32, #tpu.memory_space<vmem>>, vector<16xf32>,
        %mul3A_1248 = arith.mulf %get3A_1247, %broadcast_in_dim3A_1187 : vector<16xf32>
        %add3A_1249 = arith.constant 11 : i32
        %add3A_1250 = arith.addi %add3A_56, %add3A_1249 : i32
        %swap3A_1251 = arith.index_cast %add3A_1250 : i32 to index
        %swap3A_1252 = arith.constant 80 : index
        %swap3A_1253 = tpu.vector_load %arg11[%swap3A_1251, %swap3A_1252] {strides = array<i32>} : memref<128x144xf32, #tpu.memory_space<vmem>>, vector<16xf32>,
        tpu.vector_store %arg11[%swap3A_1251, %swap3A_1252], %mul3A_1248 {strides = array<i32>} : memref<128x144xf32, #tpu.memory_space<vmem>>, vector<16xf32>,
        %add3A_1254 = arith.constant 11 : i32
        %add3A_1255 = arith.addi %add3A_56, %add3A_1254 : i32
        %get3A_1256 = arith.index_cast %add3A_1255 : i32 to index
        %get3A_1257 = arith.constant 96 : index
        %get3A_1258 = tpu.vector_load %arg11[%get3A_1256, %get3A_1257] {strides = array<i32>} : memref<128x144xf32, #tpu.memory_space<vmem>>, vector<16xf32>,
        %mul3A_1259 = arith.mulf %get3A_1258, %broadcast_in_dim3A_1187 : vector<16xf32>
        %add3A_1260 = arith.constant 11 : i32
        %add3A_1261 = arith.addi %add3A_56, %add3A_1260 : i32
        %swap3A_1262 = arith.index_cast %add3A_1261 : i32 to index
        %swap3A_1263 = arith.constant 96 : index
        %swap3A_1264 = tpu.vector_load %arg11[%swap3A_1262, %swap3A_1263] {strides = array<i32>} : memref<128x144xf32, #tpu.memory_space<vmem>>, vector<16xf32>,
        tpu.vector_store %arg11[%swap3A_1262, %swap3A_1263], %mul3A_1259 {strides = array<i32>} : memref<128x144xf32, #tpu.memory_space<vmem>>, vector<16xf32>,
        %add3A_1265 = arith.constant 11 : i32
        %add3A_1266 = arith.addi %add3A_56, %add3A_1265 : i32
        %get3A_1267 = arith.index_cast %add3A_1266 : i32 to index
        %get3A_1268 = arith.constant 112 : index
        %get3A_1269 = tpu.vector_load %arg11[%get3A_1267, %get3A_1268] {strides = array<i32>} : memref<128x144xf32, #tpu.memory_space<vmem>>, vector<16xf32>,
        %mul3A_1270 = arith.mulf %get3A_1269, %broadcast_in_dim3A_1187 : vector<16xf32>
        %add3A_1271 = arith.constant 11 : i32
        %add3A_1272 = arith.addi %add3A_56, %add3A_1271 : i32
        %swap3A_1273 = arith.index_cast %add3A_1272 : i32 to index
        %swap3A_1274 = arith.constant 112 : index
        %swap3A_1275 = tpu.vector_load %arg11[%swap3A_1273, %swap3A_1274] {strides = array<i32>} : memref<128x144xf32, #tpu.memory_space<vmem>>, vector<16xf32>,
        tpu.vector_store %arg11[%swap3A_1273, %swap3A_1274], %mul3A_1270 {strides = array<i32>} : memref<128x144xf32, #tpu.memory_space<vmem>>, vector<16xf32>,
        %add3A_1276 = arith.constant 11 : i32
        %add3A_1277 = arith.addi %add3A_56, %add3A_1276 : i32
        %get3A_1278 = arith.index_cast %add3A_1277 : i32 to index
        %get3A_1279 = arith.constant 128 : index
        %get3A_1280 = tpu.vector_load %arg11[%get3A_1278, %get3A_1279] {strides = array<i32>} : memref<128x144xf32, #tpu.memory_space<vmem>>, vector<16xf32>,
        %mul3A_1281 = arith.mulf %get3A_1280, %broadcast_in_dim3A_1187 : vector<16xf32>
        %add3A_1282 = arith.constant 11 : i32
        %add3A_1283 = arith.addi %add3A_56, %add3A_1282 : i32
        %swap3A_1284 = arith.index_cast %add3A_1283 : i32 to index
        %swap3A_1285 = arith.constant 128 : index
        %swap3A_1286 = tpu.vector_load %arg11[%swap3A_1284, %swap3A_1285] {strides = array<i32>} : memref<128x144xf32, #tpu.memory_space<vmem>>, vector<16xf32>,
        tpu.vector_store %arg11[%swap3A_1284, %swap3A_1285], %mul3A_1281 {strides = array<i32>} : memref<128x144xf32, #tpu.memory_space<vmem>>, vector<16xf32>,
        %slice3A_1287 = vector.extract_strided_slice %exp3A {offsets = [12], sizes = [1], strides = [1]} : vector<16xf32> to vector<1xf32>
        %squeeze3A_1288 = vector.extract %slice3A_1287[0] : f32 from vector<1xf32>
        %broadcast_in_dim3A_1289 = vector.broadcast %squeeze3A_1288 : f32 to vector<16xf32>
        %add3A_1290 = arith.constant 12 : i32
        %add3A_1291 = arith.addi %add3A_56, %add3A_1290 : i32
        %get3A_1292 = arith.index_cast %add3A_1291 : i32 to index
        %get3A_1293 = arith.constant 0 : index
        %get3A_1294 = tpu.vector_load %arg11[%get3A_1292, %get3A_1293] {strides = array<i32>} : memref<128x144xf32, #tpu.memory_space<vmem>>, vector<16xf32>,
        %mul3A_1295 = arith.mulf %get3A_1294, %broadcast_in_dim3A_1289 : vector<16xf32>
        %add3A_1296 = arith.constant 12 : i32
        %add3A_1297 = arith.addi %add3A_56, %add3A_1296 : i32
        %swap3A_1298 = arith.index_cast %add3A_1297 : i32 to index
        %swap3A_1299 = arith.constant 0 : index
        %swap3A_1300 = tpu.vector_load %arg11[%swap3A_1298, %swap3A_1299] {strides = array<i32>} : memref<128x144xf32, #tpu.memory_space<vmem>>, vector<16xf32>,
        tpu.vector_store %arg11[%swap3A_1298, %swap3A_1299], %mul3A_1295 {strides = array<i32>} : memref<128x144xf32, #tpu.memory_space<vmem>>, vector<16xf32>,
        %add3A_1301 = arith.constant 12 : i32
        %add3A_1302 = arith.addi %add3A_56, %add3A_1301 : i32
        %get3A_1303 = arith.index_cast %add3A_1302 : i32 to index
        %get3A_1304 = arith.constant 16 : index
        %get3A_1305 = tpu.vector_load %arg11[%get3A_1303, %get3A_1304] {strides = array<i32>} : memref<128x144xf32, #tpu.memory_space<vmem>>, vector<16xf32>,
        %mul3A_1306 = arith.mulf %get3A_1305, %broadcast_in_dim3A_1289 : vector<16xf32>
        %add3A_1307 = arith.constant 12 : i32
        %add3A_1308 = arith.addi %add3A_56, %add3A_1307 : i32
        %swap3A_1309 = arith.index_cast %add3A_1308 : i32 to index
        %swap3A_1310 = arith.constant 16 : index
        %swap3A_1311 = tpu.vector_load %arg11[%swap3A_1309, %swap3A_1310] {strides = array<i32>} : memref<128x144xf32, #tpu.memory_space<vmem>>, vector<16xf32>,
        tpu.vector_store %arg11[%swap3A_1309, %swap3A_1310], %mul3A_1306 {strides = array<i32>} : memref<128x144xf32, #tpu.memory_space<vmem>>, vector<16xf32>,
        %add3A_1312 = arith.constant 12 : i32
        %add3A_1313 = arith.addi %add3A_56, %add3A_1312 : i32
        %get3A_1314 = arith.index_cast %add3A_1313 : i32 to index
        %get3A_1315 = arith.constant 32 : index
        %get3A_1316 = tpu.vector_load %arg11[%get3A_1314, %get3A_1315] {strides = array<i32>} : memref<128x144xf32, #tpu.memory_space<vmem>>, vector<16xf32>,
        %mul3A_1317 = arith.mulf %get3A_1316, %broadcast_in_dim3A_1289 : vector<16xf32>
        %add3A_1318 = arith.constant 12 : i32
        %add3A_1319 = arith.addi %add3A_56, %add3A_1318 : i32
        %swap3A_1320 = arith.index_cast %add3A_1319 : i32 to index
        %swap3A_1321 = arith.constant 32 : index
        %swap3A_1322 = tpu.vector_load %arg11[%swap3A_1320, %swap3A_1321] {strides = array<i32>} : memref<128x144xf32, #tpu.memory_space<vmem>>, vector<16xf32>,
        tpu.vector_store %arg11[%swap3A_1320, %swap3A_1321], %mul3A_1317 {strides = array<i32>} : memref<128x144xf32, #tpu.memory_space<vmem>>, vector<16xf32>,
        %add3A_1323 = arith.constant 12 : i32
        %add3A_1324 = arith.addi %add3A_56, %add3A_1323 : i32
        %get3A_1325 = arith.index_cast %add3A_1324 : i32 to index
        %get3A_1326 = arith.constant 48 : index
        %get3A_1327 = tpu.vector_load %arg11[%get3A_1325, %get3A_1326] {strides = array<i32>} : memref<128x144xf32, #tpu.memory_space<vmem>>, vector<16xf32>,
        %mul3A_1328 = arith.mulf %get3A_1327, %broadcast_in_dim3A_1289 : vector<16xf32>
        %add3A_1329 = arith.constant 12 : i32
        %add3A_1330 = arith.addi %add3A_56, %add3A_1329 : i32
        %swap3A_1331 = arith.index_cast %add3A_1330 : i32 to index
        %swap3A_1332 = arith.constant 48 : index
        %swap3A_1333 = tpu.vector_load %arg11[%swap3A_1331, %swap3A_1332] {strides = array<i32>} : memref<128x144xf32, #tpu.memory_space<vmem>>, vector<16xf32>,
        tpu.vector_store %arg11[%swap3A_1331, %swap3A_1332], %mul3A_1328 {strides = array<i32>} : memref<128x144xf32, #tpu.memory_space<vmem>>, vector<16xf32>,
        %add3A_1334 = arith.constant 12 : i32
        %add3A_1335 = arith.addi %add3A_56, %add3A_1334 : i32
        %get3A_1336 = arith.index_cast %add3A_1335 : i32 to index
        %get3A_1337 = arith.constant 64 : index
        %get3A_1338 = tpu.vector_load %arg11[%get3A_1336, %get3A_1337] {strides = array<i32>} : memref<128x144xf32, #tpu.memory_space<vmem>>, vector<16xf32>,
        %mul3A_1339 = arith.mulf %get3A_1338, %broadcast_in_dim3A_1289 : vector<16xf32>
        %add3A_1340 = arith.constant 12 : i32
        %add3A_1341 = arith.addi %add3A_56, %add3A_1340 : i32
        %swap3A_1342 = arith.index_cast %add3A_1341 : i32 to index
        %swap3A_1343 = arith.constant 64 : index
        %swap3A_1344 = tpu.vector_load %arg11[%swap3A_1342, %swap3A_1343] {strides = array<i32>} : memref<128x144xf32, #tpu.memory_space<vmem>>, vector<16xf32>,
        tpu.vector_store %arg11[%swap3A_1342, %swap3A_1343], %mul3A_1339 {strides = array<i32>} : memref<128x144xf32, #tpu.memory_space<vmem>>, vector<16xf32>,
        %add3A_1345 = arith.constant 12 : i32
        %add3A_1346 = arith.addi %add3A_56, %add3A_1345 : i32
        %get3A_1347 = arith.index_cast %add3A_1346 : i32 to index
        %get3A_1348 = arith.constant 80 : index
        %get3A_1349 = tpu.vector_load %arg11[%get3A_1347, %get3A_1348] {strides = array<i32>} : memref<128x144xf32, #tpu.memory_space<vmem>>, vector<16xf32>,
        %mul3A_1350 = arith.mulf %get3A_1349, %broadcast_in_dim3A_1289 : vector<16xf32>
        %add3A_1351 = arith.constant 12 : i32
        %add3A_1352 = arith.addi %add3A_56, %add3A_1351 : i32
        %swap3A_1353 = arith.index_cast %add3A_1352 : i32 to index
        %swap3A_1354 = arith.constant 80 : index
        %swap3A_1355 = tpu.vector_load %arg11[%swap3A_1353, %swap3A_1354] {strides = array<i32>} : memref<128x144xf32, #tpu.memory_space<vmem>>, vector<16xf32>,
        tpu.vector_store %arg11[%swap3A_1353, %swap3A_1354], %mul3A_1350 {strides = array<i32>} : memref<128x144xf32, #tpu.memory_space<vmem>>, vector<16xf32>,
        %add3A_1356 = arith.constant 12 : i32
        %add3A_1357 = arith.addi %add3A_56, %add3A_1356 : i32
        %get3A_1358 = arith.index_cast %add3A_1357 : i32 to index
        %get3A_1359 = arith.constant 96 : index
        %get3A_1360 = tpu.vector_load %arg11[%get3A_1358, %get3A_1359] {strides = array<i32>} : memref<128x144xf32, #tpu.memory_space<vmem>>, vector<16xf32>,
        %mul3A_1361 = arith.mulf %get3A_1360, %broadcast_in_dim3A_1289 : vector<16xf32>
        %add3A_1362 = arith.constant 12 : i32
        %add3A_1363 = arith.addi %add3A_56, %add3A_1362 : i32
        %swap3A_1364 = arith.index_cast %add3A_1363 : i32 to index
        %swap3A_1365 = arith.constant 96 : index
        %swap3A_1366 = tpu.vector_load %arg11[%swap3A_1364, %swap3A_1365] {strides = array<i32>} : memref<128x144xf32, #tpu.memory_space<vmem>>, vector<16xf32>,
        tpu.vector_store %arg11[%swap3A_1364, %swap3A_1365], %mul3A_1361 {strides = array<i32>} : memref<128x144xf32, #tpu.memory_space<vmem>>, vector<16xf32>,
        %add3A_1367 = arith.constant 12 : i32
        %add3A_1368 = arith.addi %add3A_56, %add3A_1367 : i32
        %get3A_1369 = arith.index_cast %add3A_1368 : i32 to index
        %get3A_1370 = arith.constant 112 : index
        %get3A_1371 = tpu.vector_load %arg11[%get3A_1369, %get3A_1370] {strides = array<i32>} : memref<128x144xf32, #tpu.memory_space<vmem>>, vector<16xf32>,
        %mul3A_1372 = arith.mulf %get3A_1371, %broadcast_in_dim3A_1289 : vector<16xf32>
        %add3A_1373 = arith.constant 12 : i32
        %add3A_1374 = arith.addi %add3A_56, %add3A_1373 : i32
        %swap3A_1375 = arith.index_cast %add3A_1374 : i32 to index
        %swap3A_1376 = arith.constant 112 : index
        %swap3A_1377 = tpu.vector_load %arg11[%swap3A_1375, %swap3A_1376] {strides = array<i32>} : memref<128x144xf32, #tpu.memory_space<vmem>>, vector<16xf32>,
        tpu.vector_store %arg11[%swap3A_1375, %swap3A_1376], %mul3A_1372 {strides = array<i32>} : memref<128x144xf32, #tpu.memory_space<vmem>>, vector<16xf32>,
        %add3A_1378 = arith.constant 12 : i32
        %add3A_1379 = arith.addi %add3A_56, %add3A_1378 : i32
        %get3A_1380 = arith.index_cast %add3A_1379 : i32 to index
        %get3A_1381 = arith.constant 128 : index
        %get3A_1382 = tpu.vector_load %arg11[%get3A_1380, %get3A_1381] {strides = array<i32>} : memref<128x144xf32, #tpu.memory_space<vmem>>, vector<16xf32>,
        %mul3A_1383 = arith.mulf %get3A_1382, %broadcast_in_dim3A_1289 : vector<16xf32>
        %add3A_1384 = arith.constant 12 : i32
        %add3A_1385 = arith.addi %add3A_56, %add3A_1384 : i32
        %swap3A_1386 = arith.index_cast %add3A_1385 : i32 to index
        %swap3A_1387 = arith.constant 128 : index
        %swap3A_1388 = tpu.vector_load %arg11[%swap3A_1386, %swap3A_1387] {strides = array<i32>} : memref<128x144xf32, #tpu.memory_space<vmem>>, vector<16xf32>,
        tpu.vector_store %arg11[%swap3A_1386, %swap3A_1387], %mul3A_1383 {strides = array<i32>} : memref<128x144xf32, #tpu.memory_space<vmem>>, vector<16xf32>,
        %slice3A_1389 = vector.extract_strided_slice %exp3A {offsets = [13], sizes = [1], strides = [1]} : vector<16xf32> to vector<1xf32>
        %squeeze3A_1390 = vector.extract %slice3A_1389[0] : f32 from vector<1xf32>
        %broadcast_in_dim3A_1391 = vector.broadcast %squeeze3A_1390 : f32 to vector<16xf32>
        %add3A_1392 = arith.constant 13 : i32
        %add3A_1393 = arith.addi %add3A_56, %add3A_1392 : i32
        %get3A_1394 = arith.index_cast %add3A_1393 : i32 to index
        %get3A_1395 = arith.constant 0 : index
        %get3A_1396 = tpu.vector_load %arg11[%get3A_1394, %get3A_1395] {strides = array<i32>} : memref<128x144xf32, #tpu.memory_space<vmem>>, vector<16xf32>,
        %mul3A_1397 = arith.mulf %get3A_1396, %broadcast_in_dim3A_1391 : vector<16xf32>
        %add3A_1398 = arith.constant 13 : i32
        %add3A_1399 = arith.addi %add3A_56, %add3A_1398 : i32
        %swap3A_1400 = arith.index_cast %add3A_1399 : i32 to index
        %swap3A_1401 = arith.constant 0 : index
        %swap3A_1402 = tpu.vector_load %arg11[%swap3A_1400, %swap3A_1401] {strides = array<i32>} : memref<128x144xf32, #tpu.memory_space<vmem>>, vector<16xf32>,
        tpu.vector_store %arg11[%swap3A_1400, %swap3A_1401], %mul3A_1397 {strides = array<i32>} : memref<128x144xf32, #tpu.memory_space<vmem>>, vector<16xf32>,
        %add3A_1403 = arith.constant 13 : i32
        %add3A_1404 = arith.addi %add3A_56, %add3A_1403 : i32
        %get3A_1405 = arith.index_cast %add3A_1404 : i32 to index
        %get3A_1406 = arith.constant 16 : index
        %get3A_1407 = tpu.vector_load %arg11[%get3A_1405, %get3A_1406] {strides = array<i32>} : memref<128x144xf32, #tpu.memory_space<vmem>>, vector<16xf32>,
        %mul3A_1408 = arith.mulf %get3A_1407, %broadcast_in_dim3A_1391 : vector<16xf32>
        %add3A_1409 = arith.constant 13 : i32
        %add3A_1410 = arith.addi %add3A_56, %add3A_1409 : i32
        %swap3A_1411 = arith.index_cast %add3A_1410 : i32 to index
        %swap3A_1412 = arith.constant 16 : index
        %swap3A_1413 = tpu.vector_load %arg11[%swap3A_1411, %swap3A_1412] {strides = array<i32>} : memref<128x144xf32, #tpu.memory_space<vmem>>, vector<16xf32>,
        tpu.vector_store %arg11[%swap3A_1411, %swap3A_1412], %mul3A_1408 {strides = array<i32>} : memref<128x144xf32, #tpu.memory_space<vmem>>, vector<16xf32>,
        %add3A_1414 = arith.constant 13 : i32
        %add3A_1415 = arith.addi %add3A_56, %add3A_1414 : i32
        %get3A_1416 = arith.index_cast %add3A_1415 : i32 to index
        %get3A_1417 = arith.constant 32 : index
        %get3A_1418 = tpu.vector_load %arg11[%get3A_1416, %get3A_1417] {strides = array<i32>} : memref<128x144xf32, #tpu.memory_space<vmem>>, vector<16xf32>,
        %mul3A_1419 = arith.mulf %get3A_1418, %broadcast_in_dim3A_1391 : vector<16xf32>
        %add3A_1420 = arith.constant 13 : i32
        %add3A_1421 = arith.addi %add3A_56, %add3A_1420 : i32
        %swap3A_1422 = arith.index_cast %add3A_1421 : i32 to index
        %swap3A_1423 = arith.constant 32 : index
        %swap3A_1424 = tpu.vector_load %arg11[%swap3A_1422, %swap3A_1423] {strides = array<i32>} : memref<128x144xf32, #tpu.memory_space<vmem>>, vector<16xf32>,
        tpu.vector_store %arg11[%swap3A_1422, %swap3A_1423], %mul3A_1419 {strides = array<i32>} : memref<128x144xf32, #tpu.memory_space<vmem>>, vector<16xf32>,
        %add3A_1425 = arith.constant 13 : i32
        %add3A_1426 = arith.addi %add3A_56, %add3A_1425 : i32
        %get3A_1427 = arith.index_cast %add3A_1426 : i32 to index
        %get3A_1428 = arith.constant 48 : index
        %get3A_1429 = tpu.vector_load %arg11[%get3A_1427, %get3A_1428] {strides = array<i32>} : memref<128x144xf32, #tpu.memory_space<vmem>>, vector<16xf32>,
        %mul3A_1430 = arith.mulf %get3A_1429, %broadcast_in_dim3A_1391 : vector<16xf32>
        %add3A_1431 = arith.constant 13 : i32
        %add3A_1432 = arith.addi %add3A_56, %add3A_1431 : i32
        %swap3A_1433 = arith.index_cast %add3A_1432 : i32 to index
        %swap3A_1434 = arith.constant 48 : index
        %swap3A_1435 = tpu.vector_load %arg11[%swap3A_1433, %swap3A_1434] {strides = array<i32>} : memref<128x144xf32, #tpu.memory_space<vmem>>, vector<16xf32>,
        tpu.vector_store %arg11[%swap3A_1433, %swap3A_1434], %mul3A_1430 {strides = array<i32>} : memref<128x144xf32, #tpu.memory_space<vmem>>, vector<16xf32>,
        %add3A_1436 = arith.constant 13 : i32
        %add3A_1437 = arith.addi %add3A_56, %add3A_1436 : i32
        %get3A_1438 = arith.index_cast %add3A_1437 : i32 to index
        %get3A_1439 = arith.constant 64 : index
        %get3A_1440 = tpu.vector_load %arg11[%get3A_1438, %get3A_1439] {strides = array<i32>} : memref<128x144xf32, #tpu.memory_space<vmem>>, vector<16xf32>,
        %mul3A_1441 = arith.mulf %get3A_1440, %broadcast_in_dim3A_1391 : vector<16xf32>
        %add3A_1442 = arith.constant 13 : i32
        %add3A_1443 = arith.addi %add3A_56, %add3A_1442 : i32
        %swap3A_1444 = arith.index_cast %add3A_1443 : i32 to index
        %swap3A_1445 = arith.constant 64 : index
        %swap3A_1446 = tpu.vector_load %arg11[%swap3A_1444, %swap3A_1445] {strides = array<i32>} : memref<128x144xf32, #tpu.memory_space<vmem>>, vector<16xf32>,
        tpu.vector_store %arg11[%swap3A_1444, %swap3A_1445], %mul3A_1441 {strides = array<i32>} : memref<128x144xf32, #tpu.memory_space<vmem>>, vector<16xf32>,
        %add3A_1447 = arith.constant 13 : i32
        %add3A_1448 = arith.addi %add3A_56, %add3A_1447 : i32
        %get3A_1449 = arith.index_cast %add3A_1448 : i32 to index
        %get3A_1450 = arith.constant 80 : index
        %get3A_1451 = tpu.vector_load %arg11[%get3A_1449, %get3A_1450] {strides = array<i32>} : memref<128x144xf32, #tpu.memory_space<vmem>>, vector<16xf32>,
        %mul3A_1452 = arith.mulf %get3A_1451, %broadcast_in_dim3A_1391 : vector<16xf32>
        %add3A_1453 = arith.constant 13 : i32
        %add3A_1454 = arith.addi %add3A_56, %add3A_1453 : i32
        %swap3A_1455 = arith.index_cast %add3A_1454 : i32 to index
        %swap3A_1456 = arith.constant 80 : index
        %swap3A_1457 = tpu.vector_load %arg11[%swap3A_1455, %swap3A_1456] {strides = array<i32>} : memref<128x144xf32, #tpu.memory_space<vmem>>, vector<16xf32>,
        tpu.vector_store %arg11[%swap3A_1455, %swap3A_1456], %mul3A_1452 {strides = array<i32>} : memref<128x144xf32, #tpu.memory_space<vmem>>, vector<16xf32>,
        %add3A_1458 = arith.constant 13 : i32
        %add3A_1459 = arith.addi %add3A_56, %add3A_1458 : i32
        %get3A_1460 = arith.index_cast %add3A_1459 : i32 to index
        %get3A_1461 = arith.constant 96 : index
        %get3A_1462 = tpu.vector_load %arg11[%get3A_1460, %get3A_1461] {strides = array<i32>} : memref<128x144xf32, #tpu.memory_space<vmem>>, vector<16xf32>,
        %mul3A_1463 = arith.mulf %get3A_1462, %broadcast_in_dim3A_1391 : vector<16xf32>
        %add3A_1464 = arith.constant 13 : i32
        %add3A_1465 = arith.addi %add3A_56, %add3A_1464 : i32
        %swap3A_1466 = arith.index_cast %add3A_1465 : i32 to index
        %swap3A_1467 = arith.constant 96 : index
        %swap3A_1468 = tpu.vector_load %arg11[%swap3A_1466, %swap3A_1467] {strides = array<i32>} : memref<128x144xf32, #tpu.memory_space<vmem>>, vector<16xf32>,
        tpu.vector_store %arg11[%swap3A_1466, %swap3A_1467], %mul3A_1463 {strides = array<i32>} : memref<128x144xf32, #tpu.memory_space<vmem>>, vector<16xf32>,
        %add3A_1469 = arith.constant 13 : i32
        %add3A_1470 = arith.addi %add3A_56, %add3A_1469 : i32
        %get3A_1471 = arith.index_cast %add3A_1470 : i32 to index
        %get3A_1472 = arith.constant 112 : index
        %get3A_1473 = tpu.vector_load %arg11[%get3A_1471, %get3A_1472] {strides = array<i32>} : memref<128x144xf32, #tpu.memory_space<vmem>>, vector<16xf32>,
        %mul3A_1474 = arith.mulf %get3A_1473, %broadcast_in_dim3A_1391 : vector<16xf32>
        %add3A_1475 = arith.constant 13 : i32
        %add3A_1476 = arith.addi %add3A_56, %add3A_1475 : i32
        %swap3A_1477 = arith.index_cast %add3A_1476 : i32 to index
        %swap3A_1478 = arith.constant 112 : index
        %swap3A_1479 = tpu.vector_load %arg11[%swap3A_1477, %swap3A_1478] {strides = array<i32>} : memref<128x144xf32, #tpu.memory_space<vmem>>, vector<16xf32>,
        tpu.vector_store %arg11[%swap3A_1477, %swap3A_1478], %mul3A_1474 {strides = array<i32>} : memref<128x144xf32, #tpu.memory_space<vmem>>, vector<16xf32>,
        %add3A_1480 = arith.constant 13 : i32
        %add3A_1481 = arith.addi %add3A_56, %add3A_1480 : i32
        %get3A_1482 = arith.index_cast %add3A_1481 : i32 to index
        %get3A_1483 = arith.constant 128 : index
        %get3A_1484 = tpu.vector_load %arg11[%get3A_1482, %get3A_1483] {strides = array<i32>} : memref<128x144xf32, #tpu.memory_space<vmem>>, vector<16xf32>,
        %mul3A_1485 = arith.mulf %get3A_1484, %broadcast_in_dim3A_1391 : vector<16xf32>
        %add3A_1486 = arith.constant 13 : i32
        %add3A_1487 = arith.addi %add3A_56, %add3A_1486 : i32
        %swap3A_1488 = arith.index_cast %add3A_1487 : i32 to index
        %swap3A_1489 = arith.constant 128 : index
        %swap3A_1490 = tpu.vector_load %arg11[%swap3A_1488, %swap3A_1489] {strides = array<i32>} : memref<128x144xf32, #tpu.memory_space<vmem>>, vector<16xf32>,
        tpu.vector_store %arg11[%swap3A_1488, %swap3A_1489], %mul3A_1485 {strides = array<i32>} : memref<128x144xf32, #tpu.memory_space<vmem>>, vector<16xf32>,
        %slice3A_1491 = vector.extract_strided_slice %exp3A {offsets = [14], sizes = [1], strides = [1]} : vector<16xf32> to vector<1xf32>
        %squeeze3A_1492 = vector.extract %slice3A_1491[0] : f32 from vector<1xf32>
        %broadcast_in_dim3A_1493 = vector.broadcast %squeeze3A_1492 : f32 to vector<16xf32>
        %add3A_1494 = arith.constant 14 : i32
        %add3A_1495 = arith.addi %add3A_56, %add3A_1494 : i32
        %get3A_1496 = arith.index_cast %add3A_1495 : i32 to index
        %get3A_1497 = arith.constant 0 : index
        %get3A_1498 = tpu.vector_load %arg11[%get3A_1496, %get3A_1497] {strides = array<i32>} : memref<128x144xf32, #tpu.memory_space<vmem>>, vector<16xf32>,
        %mul3A_1499 = arith.mulf %get3A_1498, %broadcast_in_dim3A_1493 : vector<16xf32>
        %add3A_1500 = arith.constant 14 : i32
        %add3A_1501 = arith.addi %add3A_56, %add3A_1500 : i32
        %swap3A_1502 = arith.index_cast %add3A_1501 : i32 to index
        %swap3A_1503 = arith.constant 0 : index
        %swap3A_1504 = tpu.vector_load %arg11[%swap3A_1502, %swap3A_1503] {strides = array<i32>} : memref<128x144xf32, #tpu.memory_space<vmem>>, vector<16xf32>,
        tpu.vector_store %arg11[%swap3A_1502, %swap3A_1503], %mul3A_1499 {strides = array<i32>} : memref<128x144xf32, #tpu.memory_space<vmem>>, vector<16xf32>,
        %add3A_1505 = arith.constant 14 : i32
        %add3A_1506 = arith.addi %add3A_56, %add3A_1505 : i32
        %get3A_1507 = arith.index_cast %add3A_1506 : i32 to index
        %get3A_1508 = arith.constant 16 : index
        %get3A_1509 = tpu.vector_load %arg11[%get3A_1507, %get3A_1508] {strides = array<i32>} : memref<128x144xf32, #tpu.memory_space<vmem>>, vector<16xf32>,
        %mul3A_1510 = arith.mulf %get3A_1509, %broadcast_in_dim3A_1493 : vector<16xf32>
        %add3A_1511 = arith.constant 14 : i32
        %add3A_1512 = arith.addi %add3A_56, %add3A_1511 : i32
        %swap3A_1513 = arith.index_cast %add3A_1512 : i32 to index
        %swap3A_1514 = arith.constant 16 : index
        %swap3A_1515 = tpu.vector_load %arg11[%swap3A_1513, %swap3A_1514] {strides = array<i32>} : memref<128x144xf32, #tpu.memory_space<vmem>>, vector<16xf32>,
        tpu.vector_store %arg11[%swap3A_1513, %swap3A_1514], %mul3A_1510 {strides = array<i32>} : memref<128x144xf32, #tpu.memory_space<vmem>>, vector<16xf32>,
        %add3A_1516 = arith.constant 14 : i32
        %add3A_1517 = arith.addi %add3A_56, %add3A_1516 : i32
        %get3A_1518 = arith.index_cast %add3A_1517 : i32 to index
        %get3A_1519 = arith.constant 32 : index
        %get3A_1520 = tpu.vector_load %arg11[%get3A_1518, %get3A_1519] {strides = array<i32>} : memref<128x144xf32, #tpu.memory_space<vmem>>, vector<16xf32>,
        %mul3A_1521 = arith.mulf %get3A_1520, %broadcast_in_dim3A_1493 : vector<16xf32>
        %add3A_1522 = arith.constant 14 : i32
        %add3A_1523 = arith.addi %add3A_56, %add3A_1522 : i32
        %swap3A_1524 = arith.index_cast %add3A_1523 : i32 to index
        %swap3A_1525 = arith.constant 32 : index
        %swap3A_1526 = tpu.vector_load %arg11[%swap3A_1524, %swap3A_1525] {strides = array<i32>} : memref<128x144xf32, #tpu.memory_space<vmem>>, vector<16xf32>,
        tpu.vector_store %arg11[%swap3A_1524, %swap3A_1525], %mul3A_1521 {strides = array<i32>} : memref<128x144xf32, #tpu.memory_space<vmem>>, vector<16xf32>,
        %add3A_1527 = arith.constant 14 : i32
        %add3A_1528 = arith.addi %add3A_56, %add3A_1527 : i32
        %get3A_1529 = arith.index_cast %add3A_1528 : i32 to index
        %get3A_1530 = arith.constant 48 : index
        %get3A_1531 = tpu.vector_load %arg11[%get3A_1529, %get3A_1530] {strides = array<i32>} : memref<128x144xf32, #tpu.memory_space<vmem>>, vector<16xf32>,
        %mul3A_1532 = arith.mulf %get3A_1531, %broadcast_in_dim3A_1493 : vector<16xf32>
        %add3A_1533 = arith.constant 14 : i32
        %add3A_1534 = arith.addi %add3A_56, %add3A_1533 : i32
        %swap3A_1535 = arith.index_cast %add3A_1534 : i32 to index
        %swap3A_1536 = arith.constant 48 : index
        %swap3A_1537 = tpu.vector_load %arg11[%swap3A_1535, %swap3A_1536] {strides = array<i32>} : memref<128x144xf32, #tpu.memory_space<vmem>>, vector<16xf32>,
        tpu.vector_store %arg11[%swap3A_1535, %swap3A_1536], %mul3A_1532 {strides = array<i32>} : memref<128x144xf32, #tpu.memory_space<vmem>>, vector<16xf32>,
        %add3A_1538 = arith.constant 14 : i32
        %add3A_1539 = arith.addi %add3A_56, %add3A_1538 : i32
        %get3A_1540 = arith.index_cast %add3A_1539 : i32 to index
        %get3A_1541 = arith.constant 64 : index
        %get3A_1542 = tpu.vector_load %arg11[%get3A_1540, %get3A_1541] {strides = array<i32>} : memref<128x144xf32, #tpu.memory_space<vmem>>, vector<16xf32>,
        %mul3A_1543 = arith.mulf %get3A_1542, %broadcast_in_dim3A_1493 : vector<16xf32>
        %add3A_1544 = arith.constant 14 : i32
        %add3A_1545 = arith.addi %add3A_56, %add3A_1544 : i32
        %swap3A_1546 = arith.index_cast %add3A_1545 : i32 to index
        %swap3A_1547 = arith.constant 64 : index
        %swap3A_1548 = tpu.vector_load %arg11[%swap3A_1546, %swap3A_1547] {strides = array<i32>} : memref<128x144xf32, #tpu.memory_space<vmem>>, vector<16xf32>,
        tpu.vector_store %arg11[%swap3A_1546, %swap3A_1547], %mul3A_1543 {strides = array<i32>} : memref<128x144xf32, #tpu.memory_space<vmem>>, vector<16xf32>,
        %add3A_1549 = arith.constant 14 : i32
        %add3A_1550 = arith.addi %add3A_56, %add3A_1549 : i32
        %get3A_1551 = arith.index_cast %add3A_1550 : i32 to index
        %get3A_1552 = arith.constant 80 : index
        %get3A_1553 = tpu.vector_load %arg11[%get3A_1551, %get3A_1552] {strides = array<i32>} : memref<128x144xf32, #tpu.memory_space<vmem>>, vector<16xf32>,
        %mul3A_1554 = arith.mulf %get3A_1553, %broadcast_in_dim3A_1493 : vector<16xf32>
        %add3A_1555 = arith.constant 14 : i32
        %add3A_1556 = arith.addi %add3A_56, %add3A_1555 : i32
        %swap3A_1557 = arith.index_cast %add3A_1556 : i32 to index
        %swap3A_1558 = arith.constant 80 : index
        %swap3A_1559 = tpu.vector_load %arg11[%swap3A_1557, %swap3A_1558] {strides = array<i32>} : memref<128x144xf32, #tpu.memory_space<vmem>>, vector<16xf32>,
        tpu.vector_store %arg11[%swap3A_1557, %swap3A_1558], %mul3A_1554 {strides = array<i32>} : memref<128x144xf32, #tpu.memory_space<vmem>>, vector<16xf32>,
        %add3A_1560 = arith.constant 14 : i32
        %add3A_1561 = arith.addi %add3A_56, %add3A_1560 : i32
        %get3A_1562 = arith.index_cast %add3A_1561 : i32 to index
        %get3A_1563 = arith.constant 96 : index
        %get3A_1564 = tpu.vector_load %arg11[%get3A_1562, %get3A_1563] {strides = array<i32>} : memref<128x144xf32, #tpu.memory_space<vmem>>, vector<16xf32>,
        %mul3A_1565 = arith.mulf %get3A_1564, %broadcast_in_dim3A_1493 : vector<16xf32>
        %add3A_1566 = arith.constant 14 : i32
        %add3A_1567 = arith.addi %add3A_56, %add3A_1566 : i32
        %swap3A_1568 = arith.index_cast %add3A_1567 : i32 to index
        %swap3A_1569 = arith.constant 96 : index
        %swap3A_1570 = tpu.vector_load %arg11[%swap3A_1568, %swap3A_1569] {strides = array<i32>} : memref<128x144xf32, #tpu.memory_space<vmem>>, vector<16xf32>,
        tpu.vector_store %arg11[%swap3A_1568, %swap3A_1569], %mul3A_1565 {strides = array<i32>} : memref<128x144xf32, #tpu.memory_space<vmem>>, vector<16xf32>,
        %add3A_1571 = arith.constant 14 : i32
        %add3A_1572 = arith.addi %add3A_56, %add3A_1571 : i32
        %get3A_1573 = arith.index_cast %add3A_1572 : i32 to index
        %get3A_1574 = arith.constant 112 : index
        %get3A_1575 = tpu.vector_load %arg11[%get3A_1573, %get3A_1574] {strides = array<i32>} : memref<128x144xf32, #tpu.memory_space<vmem>>, vector<16xf32>,
        %mul3A_1576 = arith.mulf %get3A_1575, %broadcast_in_dim3A_1493 : vector<16xf32>
        %add3A_1577 = arith.constant 14 : i32
        %add3A_1578 = arith.addi %add3A_56, %add3A_1577 : i32
        %swap3A_1579 = arith.index_cast %add3A_1578 : i32 to index
        %swap3A_1580 = arith.constant 112 : index
        %swap3A_1581 = tpu.vector_load %arg11[%swap3A_1579, %swap3A_1580] {strides = array<i32>} : memref<128x144xf32, #tpu.memory_space<vmem>>, vector<16xf32>,
        tpu.vector_store %arg11[%swap3A_1579, %swap3A_1580], %mul3A_1576 {strides = array<i32>} : memref<128x144xf32, #tpu.memory_space<vmem>>, vector<16xf32>,
        %add3A_1582 = arith.constant 14 : i32
        %add3A_1583 = arith.addi %add3A_56, %add3A_1582 : i32
        %get3A_1584 = arith.index_cast %add3A_1583 : i32 to index
        %get3A_1585 = arith.constant 128 : index
        %get3A_1586 = tpu.vector_load %arg11[%get3A_1584, %get3A_1585] {strides = array<i32>} : memref<128x144xf32, #tpu.memory_space<vmem>>, vector<16xf32>,
        %mul3A_1587 = arith.mulf %get3A_1586, %broadcast_in_dim3A_1493 : vector<16xf32>
        %add3A_1588 = arith.constant 14 : i32
        %add3A_1589 = arith.addi %add3A_56, %add3A_1588 : i32
        %swap3A_1590 = arith.index_cast %add3A_1589 : i32 to index
        %swap3A_1591 = arith.constant 128 : index
        %swap3A_1592 = tpu.vector_load %arg11[%swap3A_1590, %swap3A_1591] {strides = array<i32>} : memref<128x144xf32, #tpu.memory_space<vmem>>, vector<16xf32>,
        tpu.vector_store %arg11[%swap3A_1590, %swap3A_1591], %mul3A_1587 {strides = array<i32>} : memref<128x144xf32, #tpu.memory_space<vmem>>, vector<16xf32>,
        %slice3A_1593 = vector.extract_strided_slice %exp3A {offsets = [15], sizes = [1], strides = [1]} : vector<16xf32> to vector<1xf32>
        %squeeze3A_1594 = vector.extract %slice3A_1593[0] : f32 from vector<1xf32>
        %broadcast_in_dim3A_1595 = vector.broadcast %squeeze3A_1594 : f32 to vector<16xf32>
        %add3A_1596 = arith.constant 15 : i32
        %add3A_1597 = arith.addi %add3A_56, %add3A_1596 : i32
        %get3A_1598 = arith.index_cast %add3A_1597 : i32 to index
        %get3A_1599 = arith.constant 0 : index
        %get3A_1600 = tpu.vector_load %arg11[%get3A_1598, %get3A_1599] {strides = array<i32>} : memref<128x144xf32, #tpu.memory_space<vmem>>, vector<16xf32>,
        %mul3A_1601 = arith.mulf %get3A_1600, %broadcast_in_dim3A_1595 : vector<16xf32>
        %add3A_1602 = arith.constant 15 : i32
        %add3A_1603 = arith.addi %add3A_56, %add3A_1602 : i32
        %swap3A_1604 = arith.index_cast %add3A_1603 : i32 to index
        %swap3A_1605 = arith.constant 0 : index
        %swap3A_1606 = tpu.vector_load %arg11[%swap3A_1604, %swap3A_1605] {strides = array<i32>} : memref<128x144xf32, #tpu.memory_space<vmem>>, vector<16xf32>,
        tpu.vector_store %arg11[%swap3A_1604, %swap3A_1605], %mul3A_1601 {strides = array<i32>} : memref<128x144xf32, #tpu.memory_space<vmem>>, vector<16xf32>,
        %add3A_1607 = arith.constant 15 : i32
        %add3A_1608 = arith.addi %add3A_56, %add3A_1607 : i32
        %get3A_1609 = arith.index_cast %add3A_1608 : i32 to index
        %get3A_1610 = arith.constant 16 : index
        %get3A_1611 = tpu.vector_load %arg11[%get3A_1609, %get3A_1610] {strides = array<i32>} : memref<128x144xf32, #tpu.memory_space<vmem>>, vector<16xf32>,
        %mul3A_1612 = arith.mulf %get3A_1611, %broadcast_in_dim3A_1595 : vector<16xf32>
        %add3A_1613 = arith.constant 15 : i32
        %add3A_1614 = arith.addi %add3A_56, %add3A_1613 : i32
        %swap3A_1615 = arith.index_cast %add3A_1614 : i32 to index
        %swap3A_1616 = arith.constant 16 : index
        %swap3A_1617 = tpu.vector_load %arg11[%swap3A_1615, %swap3A_1616] {strides = array<i32>} : memref<128x144xf32, #tpu.memory_space<vmem>>, vector<16xf32>,
        tpu.vector_store %arg11[%swap3A_1615, %swap3A_1616], %mul3A_1612 {strides = array<i32>} : memref<128x144xf32, #tpu.memory_space<vmem>>, vector<16xf32>,
        %add3A_1618 = arith.constant 15 : i32
        %add3A_1619 = arith.addi %add3A_56, %add3A_1618 : i32
        %get3A_1620 = arith.index_cast %add3A_1619 : i32 to index
        %get3A_1621 = arith.constant 32 : index
        %get3A_1622 = tpu.vector_load %arg11[%get3A_1620, %get3A_1621] {strides = array<i32>} : memref<128x144xf32, #tpu.memory_space<vmem>>, vector<16xf32>,
        %mul3A_1623 = arith.mulf %get3A_1622, %broadcast_in_dim3A_1595 : vector<16xf32>
        %add3A_1624 = arith.constant 15 : i32
        %add3A_1625 = arith.addi %add3A_56, %add3A_1624 : i32
        %swap3A_1626 = arith.index_cast %add3A_1625 : i32 to index
        %swap3A_1627 = arith.constant 32 : index
        %swap3A_1628 = tpu.vector_load %arg11[%swap3A_1626, %swap3A_1627] {strides = array<i32>} : memref<128x144xf32, #tpu.memory_space<vmem>>, vector<16xf32>,
        tpu.vector_store %arg11[%swap3A_1626, %swap3A_1627], %mul3A_1623 {strides = array<i32>} : memref<128x144xf32, #tpu.memory_space<vmem>>, vector<16xf32>,
        %add3A_1629 = arith.constant 15 : i32
        %add3A_1630 = arith.addi %add3A_56, %add3A_1629 : i32
        %get3A_1631 = arith.index_cast %add3A_1630 : i32 to index
        %get3A_1632 = arith.constant 48 : index
        %get3A_1633 = tpu.vector_load %arg11[%get3A_1631, %get3A_1632] {strides = array<i32>} : memref<128x144xf32, #tpu.memory_space<vmem>>, vector<16xf32>,
        %mul3A_1634 = arith.mulf %get3A_1633, %broadcast_in_dim3A_1595 : vector<16xf32>
        %add3A_1635 = arith.constant 15 : i32
        %add3A_1636 = arith.addi %add3A_56, %add3A_1635 : i32
        %swap3A_1637 = arith.index_cast %add3A_1636 : i32 to index
        %swap3A_1638 = arith.constant 48 : index
        %swap3A_1639 = tpu.vector_load %arg11[%swap3A_1637, %swap3A_1638] {strides = array<i32>} : memref<128x144xf32, #tpu.memory_space<vmem>>, vector<16xf32>,
        tpu.vector_store %arg11[%swap3A_1637, %swap3A_1638], %mul3A_1634 {strides = array<i32>} : memref<128x144xf32, #tpu.memory_space<vmem>>, vector<16xf32>,
        %add3A_1640 = arith.constant 15 : i32
        %add3A_1641 = arith.addi %add3A_56, %add3A_1640 : i32
        %get3A_1642 = arith.index_cast %add3A_1641 : i32 to index
        %get3A_1643 = arith.constant 64 : index
        %get3A_1644 = tpu.vector_load %arg11[%get3A_1642, %get3A_1643] {strides = array<i32>} : memref<128x144xf32, #tpu.memory_space<vmem>>, vector<16xf32>,
        %mul3A_1645 = arith.mulf %get3A_1644, %broadcast_in_dim3A_1595 : vector<16xf32>
        %add3A_1646 = arith.constant 15 : i32
        %add3A_1647 = arith.addi %add3A_56, %add3A_1646 : i32
        %swap3A_1648 = arith.index_cast %add3A_1647 : i32 to index
        %swap3A_1649 = arith.constant 64 : index
        %swap3A_1650 = tpu.vector_load %arg11[%swap3A_1648, %swap3A_1649] {strides = array<i32>} : memref<128x144xf32, #tpu.memory_space<vmem>>, vector<16xf32>,
        tpu.vector_store %arg11[%swap3A_1648, %swap3A_1649], %mul3A_1645 {strides = array<i32>} : memref<128x144xf32, #tpu.memory_space<vmem>>, vector<16xf32>,
        %add3A_1651 = arith.constant 15 : i32
        %add3A_1652 = arith.addi %add3A_56, %add3A_1651 : i32
        %get3A_1653 = arith.index_cast %add3A_1652 : i32 to index
        %get3A_1654 = arith.constant 80 : index
        %get3A_1655 = tpu.vector_load %arg11[%get3A_1653, %get3A_1654] {strides = array<i32>} : memref<128x144xf32, #tpu.memory_space<vmem>>, vector<16xf32>,
        %mul3A_1656 = arith.mulf %get3A_1655, %broadcast_in_dim3A_1595 : vector<16xf32>
        %add3A_1657 = arith.constant 15 : i32
        %add3A_1658 = arith.addi %add3A_56, %add3A_1657 : i32
        %swap3A_1659 = arith.index_cast %add3A_1658 : i32 to index
        %swap3A_1660 = arith.constant 80 : index
        %swap3A_1661 = tpu.vector_load %arg11[%swap3A_1659, %swap3A_1660] {strides = array<i32>} : memref<128x144xf32, #tpu.memory_space<vmem>>, vector<16xf32>,
        tpu.vector_store %arg11[%swap3A_1659, %swap3A_1660], %mul3A_1656 {strides = array<i32>} : memref<128x144xf32, #tpu.memory_space<vmem>>, vector<16xf32>,
        %add3A_1662 = arith.constant 15 : i32
        %add3A_1663 = arith.addi %add3A_56, %add3A_1662 : i32
        %get3A_1664 = arith.index_cast %add3A_1663 : i32 to index
        %get3A_1665 = arith.constant 96 : index
        %get3A_1666 = tpu.vector_load %arg11[%get3A_1664, %get3A_1665] {strides = array<i32>} : memref<128x144xf32, #tpu.memory_space<vmem>>, vector<16xf32>,
        %mul3A_1667 = arith.mulf %get3A_1666, %broadcast_in_dim3A_1595 : vector<16xf32>
        %add3A_1668 = arith.constant 15 : i32
        %add3A_1669 = arith.addi %add3A_56, %add3A_1668 : i32
        %swap3A_1670 = arith.index_cast %add3A_1669 : i32 to index
        %swap3A_1671 = arith.constant 96 : index
        %swap3A_1672 = tpu.vector_load %arg11[%swap3A_1670, %swap3A_1671] {strides = array<i32>} : memref<128x144xf32, #tpu.memory_space<vmem>>, vector<16xf32>,
        tpu.vector_store %arg11[%swap3A_1670, %swap3A_1671], %mul3A_1667 {strides = array<i32>} : memref<128x144xf32, #tpu.memory_space<vmem>>, vector<16xf32>,
        %add3A_1673 = arith.constant 15 : i32
        %add3A_1674 = arith.addi %add3A_56, %add3A_1673 : i32
        %get3A_1675 = arith.index_cast %add3A_1674 : i32 to index
        %get3A_1676 = arith.constant 112 : index
        %get3A_1677 = tpu.vector_load %arg11[%get3A_1675, %get3A_1676] {strides = array<i32>} : memref<128x144xf32, #tpu.memory_space<vmem>>, vector<16xf32>,
        %mul3A_1678 = arith.mulf %get3A_1677, %broadcast_in_dim3A_1595 : vector<16xf32>
        %add3A_1679 = arith.constant 15 : i32
        %add3A_1680 = arith.addi %add3A_56, %add3A_1679 : i32
        %swap3A_1681 = arith.index_cast %add3A_1680 : i32 to index
        %swap3A_1682 = arith.constant 112 : index
        %swap3A_1683 = tpu.vector_load %arg11[%swap3A_1681, %swap3A_1682] {strides = array<i32>} : memref<128x144xf32, #tpu.memory_space<vmem>>, vector<16xf32>,
        tpu.vector_store %arg11[%swap3A_1681, %swap3A_1682], %mul3A_1678 {strides = array<i32>} : memref<128x144xf32, #tpu.memory_space<vmem>>, vector<16xf32>,
        %add3A_1684 = arith.constant 15 : i32
        %add3A_1685 = arith.addi %add3A_56, %add3A_1684 : i32
        %get3A_1686 = arith.index_cast %add3A_1685 : i32 to index
        %get3A_1687 = arith.constant 128 : index
        %get3A_1688 = tpu.vector_load %arg11[%get3A_1686, %get3A_1687] {strides = array<i32>} : memref<128x144xf32, #tpu.memory_space<vmem>>, vector<16xf32>,
        %mul3A_1689 = arith.mulf %get3A_1688, %broadcast_in_dim3A_1595 : vector<16xf32>
        %add3A_1690 = arith.constant 15 : i32
        %add3A_1691 = arith.addi %add3A_56, %add3A_1690 : i32
        %swap3A_1692 = arith.index_cast %add3A_1691 : i32 to index
        %swap3A_1693 = arith.constant 128 : index
        %swap3A_1694 = tpu.vector_load %arg11[%swap3A_1692, %swap3A_1693] {strides = array<i32>} : memref<128x144xf32, #tpu.memory_space<vmem>>, vector<16xf32>,
        tpu.vector_store %arg11[%swap3A_1692, %swap3A_1693], %mul3A_1689 {strides = array<i32>} : memref<128x144xf32, #tpu.memory_space<vmem>>, vector<16xf32>,
      }
      %scan3A_51 = arith.constant 8 : i32
      "tpu.region"() ({
        %run_scoped3A_52 = tpu.sem_alloc : memref<!tpu.dma_semaphore, #tpu.memory_space<semaphore_mem>>
        %dma_start3A = arith.constant 0 : i32
        %dma_start3A_53 = arith.constant 0 : i32
        %dma_start3A_54 = tpu.memref_slice %arg12[%dma_start3A, %dma_start3A_53] : memref<10176x144xf32, #tpu.memory_space<vmem_shared>> -> memref<10176x144xf32, #tpu.memory_space<vmem_shared>>
        tpu.enqueue_indirect_dma source(%arg11 : memref<128x144xf32, #tpu.memory_space<vmem>>) target(%dma_start3A_54 : memref<10176x144xf32, #tpu.memory_space<vmem_shared>>) offsets(%arg10 : memref<128xi32, #tpu.memory_space<vmem>>) semaphore(%run_scoped3A_52 : memref<!tpu.dma_semaphore, #tpu.memory_space<semaphore_mem>>) {add = true}
        %dma_wait3A = arith.constant 0 : i32
        %dma_wait3A_55 = arith.constant 0 : i32
        %dma_wait3A_56 = tpu.memref_slice %arg12[%dma_wait3A, %dma_wait3A_55] : memref<10176x144xf32, #tpu.memory_space<vmem_shared>> -> memref<10176x144xf32, #tpu.memory_space<vmem_shared>>
        tpu.wait_indirect_dma semaphore(%run_scoped3A_52 : memref<!tpu.dma_semaphore, #tpu.memory_space<semaphore_mem>>) src(%arg11 : memref<128x144xf32, #tpu.memory_space<vmem>>) dst(%dma_wait3A_56 : memref<10176x144xf32, #tpu.memory_space<vmem_shared>>)
        tpu.yield
      }) : () -> ()
    }
    %scan3A_33 = arith.constant 79 : i32
    %barrier3A_34 = arith.constant 0 : index
    tpu.barrier barrier_id(%barrier3A_34)
    %mul3A_35 = arith.constant 636 : i32
    %mul3A_36 = arith.muli %arg1, %mul3A_35 : i32
    %mul3A_37 = arith.constant 636 : i32
    %mul3A_38 = arith.muli %arg1, %mul3A_37 : i32
    "tpu.region"() ({
      %run_scoped3A_39 = tpu.sem_alloc : memref<!tpu.dma_semaphore, #tpu.memory_space<semaphore_mem>>
      %dma_start3A = arith.constant 0 : i32
      %dma_start3A_40 = tpu.memref_slice %arg6[%arg0, %mul3A_38, %dma_start3A] : memref<2x10240x144xf32, #tpu.memory_space<hbm>> -> memref<1x636x144xf32, #tpu.memory_space<hbm>>
      %dma_start3A_41 = tpu.memref_squeeze %dma_start3A_40 : memref<1x636x144xf32, #tpu.memory_space<hbm>> -> memref<636x144xf32, #tpu.memory_space<hbm>>
      %dma_start3A_42 = arith.constant 0 : i32
      %dma_start3A_43 = tpu.memref_slice %arg12[%mul3A_36, %dma_start3A_42] : memref<10176x144xf32, #tpu.memory_space<vmem_shared>> -> memref<636x144xf32, #tpu.memory_space<vmem_shared>>
      tpu.enqueue_dma source(%dma_start3A_43 : memref<636x144xf32, #tpu.memory_space<vmem_shared>>) target(%dma_start3A_41 : memref<636x144xf32, #tpu.memory_space<hbm>>) target_semaphore(%run_scoped3A_39 : memref<!tpu.dma_semaphore, #tpu.memory_space<semaphore_mem>>)
      %dma_wait3A = arith.constant 0 : i32
      %dma_wait3A_44 = tpu.memref_slice %arg6[%arg0, %mul3A_38, %dma_wait3A] : memref<2x10240x144xf32, #tpu.memory_space<hbm>> -> memref<1x636x144xf32, #tpu.memory_space<hbm>>
      %dma_wait3A_45 = tpu.memref_squeeze %dma_wait3A_44 : memref<1x636x144xf32, #tpu.memory_space<hbm>> -> memref<636x144xf32, #tpu.memory_space<hbm>>
      %dma_wait3A_46 = arith.constant 0 : i32
      %dma_wait3A_47 = tpu.memref_slice %arg12[%mul3A_36, %dma_wait3A_46] : memref<10176x144xf32, #tpu.memory_space<vmem_shared>> -> memref<636x144xf32, #tpu.memory_space<vmem_shared>>
      tpu.wait_dma2 semaphore(%run_scoped3A_39 : memref<!tpu.dma_semaphore, #tpu.memory_space<semaphore_mem>>) src(%dma_wait3A_47 : memref<636x144xf32, #tpu.memory_space<vmem_shared>>) dst(%dma_wait3A_45 : memref<636x144xf32, #tpu.memory_space<hbm>>)
      tpu.yield
    }) : () -> ()
    return
  }
}

#map = affine_map<(d0, d1) -> (0)>
#map1 = affine_map<(d0, d1) -> (0, 0)>
#map2 = affine_map<(d0, d1) -> (0, 0, 0)>
module attributes {stable_mosaic.version = 14 : i64} {
  func.func @_edge_body(%arg0: i32, %arg1: i32, %arg2: memref<323584xi32, #tpu.memory_space<hbm>>, %arg3: memref<323584xi32, #tpu.memory_space<hbm>>, %arg4: memref<8x10240xf32, #tpu.memory_space<hbm>>, %arg5: memref<10240x144xf32, #tpu.memory_space<hbm>>, %arg6: memref<2x10240x144xf32, #tpu.memory_space<hbm>>, %arg7: memref<10240xf32, #tpu.memory_space<vmem>>, %arg8: memref<10240xf32, #tpu.memory_space<vmem>>, %arg9: memref<128xi32, #tpu.memory_space<vmem>>, %arg10: memref<128xi32, #tpu.memory_space<vmem>>, %arg11: memref<128x144xf32, #tpu.memory_space<vmem>>, %arg12: memref<10176x144xf32, #tpu.memory_space<vmem_shared>>) attributes {dimension_semantics = [#tpu.dimension_semantics<core_parallel>, #tpu.dimension_semantics<subcore_parallel>], iteration_bounds = array<i64: 2, 16>, scalar_prefetch = 0 : i64, scratch_operands = 6 : i64, tpu.core_type = #tpu.core_type<sc_vector_subcore>, window_params = [{transform_indices = #map}, {transform_indices = #map}, {transform_indices = #map1}, {transform_indices = #map1}, {transform_indices = #map2}]} {
    %mul3A = arith.constant 16 : i32
    %mul3A_0 = arith.muli %arg0, %mul3A : i32
    %add3A = arith.addi %mul3A_0, %arg1 : i32
    %scan3A = arith.constant 0 : i32
    %scan3A_1 = arith.constant 128 : i32
    %scan3A_2 = arith.addi %scan3A, %scan3A_1 : i32
    %scan3A_3 = arith.constant 1 : i32
    scf.for %scan3A_39 = %scan3A to %scan3A_2 step %scan3A_3  : i32 {
      %mul3A_40 = arith.constant 1 : i32
      %mul3A_41 = arith.muli %scan3A_39, %mul3A_40 : i32
      %add3A_42 = arith.constant 0 : i32
      %add3A_43 = arith.addi %add3A_42, %mul3A_41 : i32
      %broadcast_in_dim3A = arith.constant 0.000000e+00 : f32
      %broadcast_in_dim3A_44 = vector.broadcast %broadcast_in_dim3A : f32 to vector<16xf32>
      %swap3A = arith.index_cast %add3A_43 : i32 to index
      %swap3A_45 = arith.constant 0 : index
      %swap3A_46 = tpu.vector_load %arg11[%swap3A, %swap3A_45] {strides = array<i32>} : memref<128x144xf32, #tpu.memory_space<vmem>>, vector<16xf32>,
      tpu.vector_store %arg11[%swap3A, %swap3A_45], %broadcast_in_dim3A_44 {strides = array<i32>} : memref<128x144xf32, #tpu.memory_space<vmem>>, vector<16xf32>,
      %broadcast_in_dim3A_47 = arith.constant 0.000000e+00 : f32
      %broadcast_in_dim3A_48 = vector.broadcast %broadcast_in_dim3A_47 : f32 to vector<16xf32>
      %swap3A_49 = arith.index_cast %add3A_43 : i32 to index
      %swap3A_50 = arith.constant 16 : index
      %swap3A_51 = tpu.vector_load %arg11[%swap3A_49, %swap3A_50] {strides = array<i32>} : memref<128x144xf32, #tpu.memory_space<vmem>>, vector<16xf32>,
      tpu.vector_store %arg11[%swap3A_49, %swap3A_50], %broadcast_in_dim3A_48 {strides = array<i32>} : memref<128x144xf32, #tpu.memory_space<vmem>>, vector<16xf32>,
      %broadcast_in_dim3A_52 = arith.constant 0.000000e+00 : f32
      %broadcast_in_dim3A_53 = vector.broadcast %broadcast_in_dim3A_52 : f32 to vector<16xf32>
      %swap3A_54 = arith.index_cast %add3A_43 : i32 to index
      %swap3A_55 = arith.constant 32 : index
      %swap3A_56 = tpu.vector_load %arg11[%swap3A_54, %swap3A_55] {strides = array<i32>} : memref<128x144xf32, #tpu.memory_space<vmem>>, vector<16xf32>,
      tpu.vector_store %arg11[%swap3A_54, %swap3A_55], %broadcast_in_dim3A_53 {strides = array<i32>} : memref<128x144xf32, #tpu.memory_space<vmem>>, vector<16xf32>,
      %broadcast_in_dim3A_57 = arith.constant 0.000000e+00 : f32
      %broadcast_in_dim3A_58 = vector.broadcast %broadcast_in_dim3A_57 : f32 to vector<16xf32>
      %swap3A_59 = arith.index_cast %add3A_43 : i32 to index
      %swap3A_60 = arith.constant 48 : index
      %swap3A_61 = tpu.vector_load %arg11[%swap3A_59, %swap3A_60] {strides = array<i32>} : memref<128x144xf32, #tpu.memory_space<vmem>>, vector<16xf32>,
      tpu.vector_store %arg11[%swap3A_59, %swap3A_60], %broadcast_in_dim3A_58 {strides = array<i32>} : memref<128x144xf32, #tpu.memory_space<vmem>>, vector<16xf32>,
      %broadcast_in_dim3A_62 = arith.constant 0.000000e+00 : f32
      %broadcast_in_dim3A_63 = vector.broadcast %broadcast_in_dim3A_62 : f32 to vector<16xf32>
      %swap3A_64 = arith.index_cast %add3A_43 : i32 to index
      %swap3A_65 = arith.constant 64 : index
      %swap3A_66 = tpu.vector_load %arg11[%swap3A_64, %swap3A_65] {strides = array<i32>} : memref<128x144xf32, #tpu.memory_space<vmem>>, vector<16xf32>,
      tpu.vector_store %arg11[%swap3A_64, %swap3A_65], %broadcast_in_dim3A_63 {strides = array<i32>} : memref<128x144xf32, #tpu.memory_space<vmem>>, vector<16xf32>,
      %broadcast_in_dim3A_67 = arith.constant 0.000000e+00 : f32
      %broadcast_in_dim3A_68 = vector.broadcast %broadcast_in_dim3A_67 : f32 to vector<16xf32>
      %swap3A_69 = arith.index_cast %add3A_43 : i32 to index
      %swap3A_70 = arith.constant 80 : index
      %swap3A_71 = tpu.vector_load %arg11[%swap3A_69, %swap3A_70] {strides = array<i32>} : memref<128x144xf32, #tpu.memory_space<vmem>>, vector<16xf32>,
      tpu.vector_store %arg11[%swap3A_69, %swap3A_70], %broadcast_in_dim3A_68 {strides = array<i32>} : memref<128x144xf32, #tpu.memory_space<vmem>>, vector<16xf32>,
      %broadcast_in_dim3A_72 = arith.constant 0.000000e+00 : f32
      %broadcast_in_dim3A_73 = vector.broadcast %broadcast_in_dim3A_72 : f32 to vector<16xf32>
      %swap3A_74 = arith.index_cast %add3A_43 : i32 to index
      %swap3A_75 = arith.constant 96 : index
      %swap3A_76 = tpu.vector_load %arg11[%swap3A_74, %swap3A_75] {strides = array<i32>} : memref<128x144xf32, #tpu.memory_space<vmem>>, vector<16xf32>,
      tpu.vector_store %arg11[%swap3A_74, %swap3A_75], %broadcast_in_dim3A_73 {strides = array<i32>} : memref<128x144xf32, #tpu.memory_space<vmem>>, vector<16xf32>,
      %broadcast_in_dim3A_77 = arith.constant 0.000000e+00 : f32
      %broadcast_in_dim3A_78 = vector.broadcast %broadcast_in_dim3A_77 : f32 to vector<16xf32>
      %swap3A_79 = arith.index_cast %add3A_43 : i32 to index
      %swap3A_80 = arith.constant 112 : index
      %swap3A_81 = tpu.vector_load %arg11[%swap3A_79, %swap3A_80] {strides = array<i32>} : memref<128x144xf32, #tpu.memory_space<vmem>>, vector<16xf32>,
      tpu.vector_store %arg11[%swap3A_79, %swap3A_80], %broadcast_in_dim3A_78 {strides = array<i32>} : memref<128x144xf32, #tpu.memory_space<vmem>>, vector<16xf32>,
      %broadcast_in_dim3A_82 = arith.constant 0.000000e+00 : f32
      %broadcast_in_dim3A_83 = vector.broadcast %broadcast_in_dim3A_82 : f32 to vector<16xf32>
      %swap3A_84 = arith.index_cast %add3A_43 : i32 to index
      %swap3A_85 = arith.constant 128 : index
      %swap3A_86 = tpu.vector_load %arg11[%swap3A_84, %swap3A_85] {strides = array<i32>} : memref<128x144xf32, #tpu.memory_space<vmem>>, vector<16xf32>,
      tpu.vector_store %arg11[%swap3A_84, %swap3A_85], %broadcast_in_dim3A_83 {strides = array<i32>} : memref<128x144xf32, #tpu.memory_space<vmem>>, vector<16xf32>,
    }
    %scan3A_4 = arith.constant 128 : i32
    %mul3A_5 = arith.constant 636 : i32
    %mul3A_6 = arith.muli %arg1, %mul3A_5 : i32
    %add3A_7 = arith.constant 0 : i32
    %add3A_8 = arith.addi %mul3A_6, %add3A_7 : i32
    "tpu.region"() ({
      %run_scoped3A_39 = tpu.sem_alloc : memref<!tpu.dma_semaphore, #tpu.memory_space<semaphore_mem>>
      %dma_start3A = arith.constant 0 : i32
      %dma_start3A_40 = tpu.memref_slice %arg12[%add3A_8, %dma_start3A] : memref<10176x144xf32, #tpu.memory_space<vmem_shared>> -> memref<128x144xf32, #tpu.memory_space<vmem_shared>>
      %dma_start3A_41 = arith.constant 0 : i32
      %dma_start3A_42 = tpu.memref_slice %arg12[%add3A_8, %dma_start3A_41] : memref<10176x144xf32, #tpu.memory_space<vmem_shared>> -> memref<128x144xf32, #tpu.memory_space<vmem_shared>>
      tpu.enqueue_dma source(%arg11 : memref<128x144xf32, #tpu.memory_space<vmem>>) target(%dma_start3A_42 : memref<128x144xf32, #tpu.memory_space<vmem_shared>>) target_semaphore(%run_scoped3A_39 : memref<!tpu.dma_semaphore, #tpu.memory_space<semaphore_mem>>)
      %dma_wait3A = arith.constant 0 : i32
      %dma_wait3A_43 = tpu.memref_slice %arg12[%add3A_8, %dma_wait3A] : memref<10176x144xf32, #tpu.memory_space<vmem_shared>> -> memref<128x144xf32, #tpu.memory_space<vmem_shared>>
      %dma_wait3A_44 = arith.constant 0 : i32
      %dma_wait3A_45 = tpu.memref_slice %arg12[%add3A_8, %dma_wait3A_44] : memref<10176x144xf32, #tpu.memory_space<vmem_shared>> -> memref<128x144xf32, #tpu.memory_space<vmem_shared>>
      tpu.wait_dma2 semaphore(%run_scoped3A_39 : memref<!tpu.dma_semaphore, #tpu.memory_space<semaphore_mem>>) src(%arg11 : memref<128x144xf32, #tpu.memory_space<vmem>>) dst(%dma_wait3A_45 : memref<128x144xf32, #tpu.memory_space<vmem_shared>>)
      tpu.yield
    }) : () -> ()
    %mul3A_9 = arith.constant 636 : i32
    %mul3A_10 = arith.muli %arg1, %mul3A_9 : i32
    %add3A_11 = arith.constant 128 : i32
    %add3A_12 = arith.addi %mul3A_10, %add3A_11 : i32
    "tpu.region"() ({
      %run_scoped3A_39 = tpu.sem_alloc : memref<!tpu.dma_semaphore, #tpu.memory_space<semaphore_mem>>
      %dma_start3A = arith.constant 0 : i32
      %dma_start3A_40 = tpu.memref_slice %arg12[%add3A_12, %dma_start3A] : memref<10176x144xf32, #tpu.memory_space<vmem_shared>> -> memref<128x144xf32, #tpu.memory_space<vmem_shared>>
      %dma_start3A_41 = arith.constant 0 : i32
      %dma_start3A_42 = tpu.memref_slice %arg12[%add3A_12, %dma_start3A_41] : memref<10176x144xf32, #tpu.memory_space<vmem_shared>> -> memref<128x144xf32, #tpu.memory_space<vmem_shared>>
      tpu.enqueue_dma source(%arg11 : memref<128x144xf32, #tpu.memory_space<vmem>>) target(%dma_start3A_42 : memref<128x144xf32, #tpu.memory_space<vmem_shared>>) target_semaphore(%run_scoped3A_39 : memref<!tpu.dma_semaphore, #tpu.memory_space<semaphore_mem>>)
      %dma_wait3A = arith.constant 0 : i32
      %dma_wait3A_43 = tpu.memref_slice %arg12[%add3A_12, %dma_wait3A] : memref<10176x144xf32, #tpu.memory_space<vmem_shared>> -> memref<128x144xf32, #tpu.memory_space<vmem_shared>>
      %dma_wait3A_44 = arith.constant 0 : i32
      %dma_wait3A_45 = tpu.memref_slice %arg12[%add3A_12, %dma_wait3A_44] : memref<10176x144xf32, #tpu.memory_space<vmem_shared>> -> memref<128x144xf32, #tpu.memory_space<vmem_shared>>
      tpu.wait_dma2 semaphore(%run_scoped3A_39 : memref<!tpu.dma_semaphore, #tpu.memory_space<semaphore_mem>>) src(%arg11 : memref<128x144xf32, #tpu.memory_space<vmem>>) dst(%dma_wait3A_45 : memref<128x144xf32, #tpu.memory_space<vmem_shared>>)
      tpu.yield
    }) : () -> ()
    %mul3A_13 = arith.constant 636 : i32
    %mul3A_14 = arith.muli %arg1, %mul3A_13 : i32
    %add3A_15 = arith.constant 256 : i32
    %add3A_16 = arith.addi %mul3A_14, %add3A_15 : i32
    "tpu.region"() ({
      %run_scoped3A_39 = tpu.sem_alloc : memref<!tpu.dma_semaphore, #tpu.memory_space<semaphore_mem>>
      %dma_start3A = arith.constant 0 : i32
      %dma_start3A_40 = tpu.memref_slice %arg12[%add3A_16, %dma_start3A] : memref<10176x144xf32, #tpu.memory_space<vmem_shared>> -> memref<128x144xf32, #tpu.memory_space<vmem_shared>>
      %dma_start3A_41 = arith.constant 0 : i32
      %dma_start3A_42 = tpu.memref_slice %arg12[%add3A_16, %dma_start3A_41] : memref<10176x144xf32, #tpu.memory_space<vmem_shared>> -> memref<128x144xf32, #tpu.memory_space<vmem_shared>>
      tpu.enqueue_dma source(%arg11 : memref<128x144xf32, #tpu.memory_space<vmem>>) target(%dma_start3A_42 : memref<128x144xf32, #tpu.memory_space<vmem_shared>>) target_semaphore(%run_scoped3A_39 : memref<!tpu.dma_semaphore, #tpu.memory_space<semaphore_mem>>)
      %dma_wait3A = arith.constant 0 : i32
      %dma_wait3A_43 = tpu.memref_slice %arg12[%add3A_16, %dma_wait3A] : memref<10176x144xf32, #tpu.memory_space<vmem_shared>> -> memref<128x144xf32, #tpu.memory_space<vmem_shared>>
      %dma_wait3A_44 = arith.constant 0 : i32
      %dma_wait3A_45 = tpu.memref_slice %arg12[%add3A_16, %dma_wait3A_44] : memref<10176x144xf32, #tpu.memory_space<vmem_shared>> -> memref<128x144xf32, #tpu.memory_space<vmem_shared>>
      tpu.wait_dma2 semaphore(%run_scoped3A_39 : memref<!tpu.dma_semaphore, #tpu.memory_space<semaphore_mem>>) src(%arg11 : memref<128x144xf32, #tpu.memory_space<vmem>>) dst(%dma_wait3A_45 : memref<128x144xf32, #tpu.memory_space<vmem_shared>>)
      tpu.yield
    }) : () -> ()
    %mul3A_17 = arith.constant 636 : i32
    %mul3A_18 = arith.muli %arg1, %mul3A_17 : i32
    %add3A_19 = arith.constant 384 : i32
    %add3A_20 = arith.addi %mul3A_18, %add3A_19 : i32
    "tpu.region"() ({
      %run_scoped3A_39 = tpu.sem_alloc : memref<!tpu.dma_semaphore, #tpu.memory_space<semaphore_mem>>
      %dma_start3A = arith.constant 0 : i32
      %dma_start3A_40 = tpu.memref_slice %arg12[%add3A_20, %dma_start3A] : memref<10176x144xf32, #tpu.memory_space<vmem_shared>> -> memref<128x144xf32, #tpu.memory_space<vmem_shared>>
      %dma_start3A_41 = arith.constant 0 : i32
      %dma_start3A_42 = tpu.memref_slice %arg12[%add3A_20, %dma_start3A_41] : memref<10176x144xf32, #tpu.memory_space<vmem_shared>> -> memref<128x144xf32, #tpu.memory_space<vmem_shared>>
      tpu.enqueue_dma source(%arg11 : memref<128x144xf32, #tpu.memory_space<vmem>>) target(%dma_start3A_42 : memref<128x144xf32, #tpu.memory_space<vmem_shared>>) target_semaphore(%run_scoped3A_39 : memref<!tpu.dma_semaphore, #tpu.memory_space<semaphore_mem>>)
      %dma_wait3A = arith.constant 0 : i32
      %dma_wait3A_43 = tpu.memref_slice %arg12[%add3A_20, %dma_wait3A] : memref<10176x144xf32, #tpu.memory_space<vmem_shared>> -> memref<128x144xf32, #tpu.memory_space<vmem_shared>>
      %dma_wait3A_44 = arith.constant 0 : i32
      %dma_wait3A_45 = tpu.memref_slice %arg12[%add3A_20, %dma_wait3A_44] : memref<10176x144xf32, #tpu.memory_space<vmem_shared>> -> memref<128x144xf32, #tpu.memory_space<vmem_shared>>
      tpu.wait_dma2 semaphore(%run_scoped3A_39 : memref<!tpu.dma_semaphore, #tpu.memory_space<semaphore_mem>>) src(%arg11 : memref<128x144xf32, #tpu.memory_space<vmem>>) dst(%dma_wait3A_45 : memref<128x144xf32, #tpu.memory_space<vmem_shared>>)
      tpu.yield
    }) : () -> ()
    %mul3A_21 = arith.constant 636 : i32
    %mul3A_22 = arith.muli %arg1, %mul3A_21 : i32
    %add3A_23 = arith.constant 636 : i32
    %add3A_24 = arith.addi %mul3A_22, %add3A_23 : i32
    %sub3A = arith.constant 124 : i32
    %sub3A_25 = arith.subi %add3A_24, %sub3A : i32
    "tpu.region"() ({
      %run_scoped3A_39 = tpu.sem_alloc : memref<!tpu.dma_semaphore, #tpu.memory_space<semaphore_mem>>
      %dma_start3A = arith.constant 0 : i32
      %dma_start3A_40 = arith.constant 0 : i32
      %dma_start3A_41 = tpu.memref_slice %arg11[%dma_start3A, %dma_start3A_40] : memref<128x144xf32, #tpu.memory_space<vmem>> -> memref<124x144xf32, #tpu.memory_space<vmem>>
      %dma_start3A_42 = arith.constant 0 : i32
      %dma_start3A_43 = tpu.memref_slice %arg12[%sub3A_25, %dma_start3A_42] : memref<10176x144xf32, #tpu.memory_space<vmem_shared>> -> memref<124x144xf32, #tpu.memory_space<vmem_shared>>
      %dma_start3A_44 = arith.constant 0 : i32
      %dma_start3A_45 = tpu.memref_slice %arg12[%sub3A_25, %dma_start3A_44] : memref<10176x144xf32, #tpu.memory_space<vmem_shared>> -> memref<124x144xf32, #tpu.memory_space<vmem_shared>>
      %dma_start3A_46 = arith.constant 0 : i32
      %dma_start3A_47 = arith.constant 0 : i32
      %dma_start3A_48 = tpu.memref_slice %arg11[%dma_start3A_46, %dma_start3A_47] : memref<128x144xf32, #tpu.memory_space<vmem>> -> memref<124x144xf32, #tpu.memory_space<vmem>>
      tpu.enqueue_dma source(%dma_start3A_48 : memref<124x144xf32, #tpu.memory_space<vmem>>) target(%dma_start3A_45 : memref<124x144xf32, #tpu.memory_space<vmem_shared>>) target_semaphore(%run_scoped3A_39 : memref<!tpu.dma_semaphore, #tpu.memory_space<semaphore_mem>>)
      %dma_wait3A = arith.constant 0 : i32
      %dma_wait3A_49 = arith.constant 0 : i32
      %dma_wait3A_50 = tpu.memref_slice %arg11[%dma_wait3A, %dma_wait3A_49] : memref<128x144xf32, #tpu.memory_space<vmem>> -> memref<124x144xf32, #tpu.memory_space<vmem>>
      %dma_wait3A_51 = arith.constant 0 : i32
      %dma_wait3A_52 = tpu.memref_slice %arg12[%sub3A_25, %dma_wait3A_51] : memref<10176x144xf32, #tpu.memory_space<vmem_shared>> -> memref<124x144xf32, #tpu.memory_space<vmem_shared>>
      %dma_wait3A_53 = arith.constant 0 : i32
      %dma_wait3A_54 = tpu.memref_slice %arg12[%sub3A_25, %dma_wait3A_53] : memref<10176x144xf32, #tpu.memory_space<vmem_shared>> -> memref<124x144xf32, #tpu.memory_space<vmem_shared>>
      %dma_wait3A_55 = arith.constant 0 : i32
      %dma_wait3A_56 = arith.constant 0 : i32
      %dma_wait3A_57 = tpu.memref_slice %arg11[%dma_wait3A_55, %dma_wait3A_56] : memref<128x144xf32, #tpu.memory_space<vmem>> -> memref<124x144xf32, #tpu.memory_space<vmem>>
      tpu.wait_dma2 semaphore(%run_scoped3A_39 : memref<!tpu.dma_semaphore, #tpu.memory_space<semaphore_mem>>) src(%dma_wait3A_57 : memref<124x144xf32, #tpu.memory_space<vmem>>) dst(%dma_wait3A_54 : memref<124x144xf32, #tpu.memory_space<vmem_shared>>)
      tpu.yield
    }) : () -> ()
    %run_scoped3A = arith.constant 0 : i32
    "tpu.region"() ({
      %run_scoped3A_39 = tpu.sem_alloc : memref<!tpu.dma_semaphore, #tpu.memory_space<semaphore_mem>>
      %dma_start3A = arith.constant 0 : i32
      %dma_start3A_40 = tpu.memref_slice %arg4[%run_scoped3A, %dma_start3A] : memref<8x10240xf32, #tpu.memory_space<hbm>> -> memref<1x10240xf32, #tpu.memory_space<hbm>>
      %dma_start3A_41 = tpu.memref_squeeze %dma_start3A_40 : memref<1x10240xf32, #tpu.memory_space<hbm>> -> memref<10240xf32, #tpu.memory_space<hbm>>
      %dma_start3A_42 = arith.constant 0 : i32
      %dma_start3A_43 = tpu.memref_slice %arg4[%run_scoped3A, %dma_start3A_42] : memref<8x10240xf32, #tpu.memory_space<hbm>> -> memref<1x10240xf32, #tpu.memory_space<hbm>>
      %dma_start3A_44 = tpu.memref_squeeze %dma_start3A_43 : memref<1x10240xf32, #tpu.memory_space<hbm>> -> memref<10240xf32, #tpu.memory_space<hbm>>
      tpu.enqueue_dma source(%dma_start3A_44 : memref<10240xf32, #tpu.memory_space<hbm>>) target(%arg7 : memref<10240xf32, #tpu.memory_space<vmem>>) target_semaphore(%run_scoped3A_39 : memref<!tpu.dma_semaphore, #tpu.memory_space<semaphore_mem>>)
      %dma_wait3A = arith.constant 0 : i32
      %dma_wait3A_45 = tpu.memref_slice %arg4[%run_scoped3A, %dma_wait3A] : memref<8x10240xf32, #tpu.memory_space<hbm>> -> memref<1x10240xf32, #tpu.memory_space<hbm>>
      %dma_wait3A_46 = tpu.memref_squeeze %dma_wait3A_45 : memref<1x10240xf32, #tpu.memory_space<hbm>> -> memref<10240xf32, #tpu.memory_space<hbm>>
      %dma_wait3A_47 = arith.constant 0 : i32
      %dma_wait3A_48 = tpu.memref_slice %arg4[%run_scoped3A, %dma_wait3A_47] : memref<8x10240xf32, #tpu.memory_space<hbm>> -> memref<1x10240xf32, #tpu.memory_space<hbm>>
      %dma_wait3A_49 = tpu.memref_squeeze %dma_wait3A_48 : memref<1x10240xf32, #tpu.memory_space<hbm>> -> memref<10240xf32, #tpu.memory_space<hbm>>
      tpu.wait_dma2 semaphore(%run_scoped3A_39 : memref<!tpu.dma_semaphore, #tpu.memory_space<semaphore_mem>>) src(%dma_wait3A_49 : memref<10240xf32, #tpu.memory_space<hbm>>) dst(%arg7 : memref<10240xf32, #tpu.memory_space<vmem>>)
      tpu.yield
    }) : () -> ()
    %run_scoped3A_26 = arith.constant 1 : i32
    "tpu.region"() ({
      %run_scoped3A_39 = tpu.sem_alloc : memref<!tpu.dma_semaphore, #tpu.memory_space<semaphore_mem>>
      %dma_start3A = arith.constant 0 : i32
      %dma_start3A_40 = tpu.memref_slice %arg4[%run_scoped3A_26, %dma_start3A] : memref<8x10240xf32, #tpu.memory_space<hbm>> -> memref<1x10240xf32, #tpu.memory_space<hbm>>
      %dma_start3A_41 = tpu.memref_squeeze %dma_start3A_40 : memref<1x10240xf32, #tpu.memory_space<hbm>> -> memref<10240xf32, #tpu.memory_space<hbm>>
      %dma_start3A_42 = arith.constant 0 : i32
      %dma_start3A_43 = tpu.memref_slice %arg4[%run_scoped3A_26, %dma_start3A_42] : memref<8x10240xf32, #tpu.memory_space<hbm>> -> memref<1x10240xf32, #tpu.memory_space<hbm>>
      %dma_start3A_44 = tpu.memref_squeeze %dma_start3A_43 : memref<1x10240xf32, #tpu.memory_space<hbm>> -> memref<10240xf32, #tpu.memory_space<hbm>>
      tpu.enqueue_dma source(%dma_start3A_44 : memref<10240xf32, #tpu.memory_space<hbm>>) target(%arg8 : memref<10240xf32, #tpu.memory_space<vmem>>) target_semaphore(%run_scoped3A_39 : memref<!tpu.dma_semaphore, #tpu.memory_space<semaphore_mem>>)
      %dma_wait3A = arith.constant 0 : i32
      %dma_wait3A_45 = tpu.memref_slice %arg4[%run_scoped3A_26, %dma_wait3A] : memref<8x10240xf32, #tpu.memory_space<hbm>> -> memref<1x10240xf32, #tpu.memory_space<hbm>>
      %dma_wait3A_46 = tpu.memref_squeeze %dma_wait3A_45 : memref<1x10240xf32, #tpu.memory_space<hbm>> -> memref<10240xf32, #tpu.memory_space<hbm>>
      %dma_wait3A_47 = arith.constant 0 : i32
      %dma_wait3A_48 = tpu.memref_slice %arg4[%run_scoped3A_26, %dma_wait3A_47] : memref<8x10240xf32, #tpu.memory_space<hbm>> -> memref<1x10240xf32, #tpu.memory_space<hbm>>
      %dma_wait3A_49 = tpu.memref_squeeze %dma_wait3A_48 : memref<1x10240xf32, #tpu.memory_space<hbm>> -> memref<10240xf32, #tpu.memory_space<hbm>>
      tpu.wait_dma2 semaphore(%run_scoped3A_39 : memref<!tpu.dma_semaphore, #tpu.memory_space<semaphore_mem>>) src(%dma_wait3A_49 : memref<10240xf32, #tpu.memory_space<hbm>>) dst(%arg8 : memref<10240xf32, #tpu.memory_space<vmem>>)
      tpu.yield
    }) : () -> ()
    %barrier3A = arith.constant 0 : index
    tpu.barrier barrier_id(%barrier3A)
    %mul3A_27 = arith.constant 10112 : i32
    %mul3A_28 = arith.muli %add3A, %mul3A_27 : i32
    %scan3A_29 = arith.constant 0 : i32
    %scan3A_30 = arith.constant 79 : i32
    %scan3A_31 = arith.addi %scan3A_29, %scan3A_30 : i32
    %scan3A_32 = arith.constant 1 : i32
    scf.for %scan3A_39 = %scan3A_29 to %scan3A_31 step %scan3A_32  : i32 {
      %mul3A_40 = arith.constant 1 : i32
      %mul3A_41 = arith.muli %scan3A_39, %mul3A_40 : i32
      %add3A_42 = arith.constant 0 : i32
      %add3A_43 = arith.addi %add3A_42, %mul3A_41 : i32
      %mul3A_44 = arith.constant 128 : i32
      %mul3A_45 = arith.muli %add3A_43, %mul3A_44 : i32
      %add3A_46 = arith.addi %mul3A_28, %mul3A_45 : i32
      "tpu.region"() ({
        %run_scoped3A_52 = tpu.sem_alloc : memref<!tpu.dma_semaphore, #tpu.memory_space<semaphore_mem>>
        %dma_start3A = tpu.memref_slice %arg2[%add3A_46] : memref<323584xi32, #tpu.memory_space<hbm>> -> memref<128xi32, #tpu.memory_space<hbm>>
        %dma_start3A_53 = tpu.memref_slice %arg2[%add3A_46] : memref<323584xi32, #tpu.memory_space<hbm>> -> memref<128xi32, #tpu.memory_space<hbm>>
        tpu.enqueue_dma source(%dma_start3A_53 : memref<128xi32, #tpu.memory_space<hbm>>) target(%arg9 : memref<128xi32, #tpu.memory_space<vmem>>) target_semaphore(%run_scoped3A_52 : memref<!tpu.dma_semaphore, #tpu.memory_space<semaphore_mem>>)
        %dma_wait3A = tpu.memref_slice %arg2[%add3A_46] : memref<323584xi32, #tpu.memory_space<hbm>> -> memref<128xi32, #tpu.memory_space<hbm>>
        %dma_wait3A_54 = tpu.memref_slice %arg2[%add3A_46] : memref<323584xi32, #tpu.memory_space<hbm>> -> memref<128xi32, #tpu.memory_space<hbm>>
        tpu.wait_dma2 semaphore(%run_scoped3A_52 : memref<!tpu.dma_semaphore, #tpu.memory_space<semaphore_mem>>) src(%dma_wait3A_54 : memref<128xi32, #tpu.memory_space<hbm>>) dst(%arg9 : memref<128xi32, #tpu.memory_space<vmem>>)
        tpu.yield
      }) : () -> ()
      "tpu.region"() ({
        %run_scoped3A_52 = tpu.sem_alloc : memref<!tpu.dma_semaphore, #tpu.memory_space<semaphore_mem>>
        %dma_start3A = tpu.memref_slice %arg3[%add3A_46] : memref<323584xi32, #tpu.memory_space<hbm>> -> memref<128xi32, #tpu.memory_space<hbm>>
        %dma_start3A_53 = tpu.memref_slice %arg3[%add3A_46] : memref<323584xi32, #tpu.memory_space<hbm>> -> memref<128xi32, #tpu.memory_space<hbm>>
        tpu.enqueue_dma source(%dma_start3A_53 : memref<128xi32, #tpu.memory_space<hbm>>) target(%arg10 : memref<128xi32, #tpu.memory_space<vmem>>) target_semaphore(%run_scoped3A_52 : memref<!tpu.dma_semaphore, #tpu.memory_space<semaphore_mem>>)
        %dma_wait3A = tpu.memref_slice %arg3[%add3A_46] : memref<323584xi32, #tpu.memory_space<hbm>> -> memref<128xi32, #tpu.memory_space<hbm>>
        %dma_wait3A_54 = tpu.memref_slice %arg3[%add3A_46] : memref<323584xi32, #tpu.memory_space<hbm>> -> memref<128xi32, #tpu.memory_space<hbm>>
        tpu.wait_dma2 semaphore(%run_scoped3A_52 : memref<!tpu.dma_semaphore, #tpu.memory_space<semaphore_mem>>) src(%dma_wait3A_54 : memref<128xi32, #tpu.memory_space<hbm>>) dst(%arg10 : memref<128xi32, #tpu.memory_space<vmem>>)
        tpu.yield
      }) : () -> ()
      "tpu.region"() ({
        %run_scoped3A_52 = tpu.sem_alloc : memref<!tpu.dma_semaphore, #tpu.memory_space<semaphore_mem>>
        %dma_start3A = arith.constant 0 : i32
        %dma_start3A_53 = arith.constant 0 : i32
        %dma_start3A_54 = tpu.memref_slice %arg5[%dma_start3A, %dma_start3A_53] : memref<10240x144xf32, #tpu.memory_space<hbm>> -> memref<10240x144xf32, #tpu.memory_space<hbm>>
        tpu.enqueue_indirect_dma source(%dma_start3A_54 : memref<10240x144xf32, #tpu.memory_space<hbm>>) target(%arg11 : memref<128x144xf32, #tpu.memory_space<vmem>>) offsets(%arg9 : memref<128xi32, #tpu.memory_space<vmem>>) semaphore(%run_scoped3A_52 : memref<!tpu.dma_semaphore, #tpu.memory_space<semaphore_mem>>)
        %dma_wait3A = arith.constant 0 : i32
        %dma_wait3A_55 = arith.constant 0 : i32
        %dma_wait3A_56 = tpu.memref_slice %arg5[%dma_wait3A, %dma_wait3A_55] : memref<10240x144xf32, #tpu.memory_space<hbm>> -> memref<10240x144xf32, #tpu.memory_space<hbm>>
        tpu.wait_indirect_dma semaphore(%run_scoped3A_52 : memref<!tpu.dma_semaphore, #tpu.memory_space<semaphore_mem>>) src(%dma_wait3A_56 : memref<10240x144xf32, #tpu.memory_space<hbm>>) dst(%arg11 : memref<128x144xf32, #tpu.memory_space<vmem>>)
        tpu.yield
      }) : () -> ()
      %scan3A_47 = arith.constant 0 : i32
      %scan3A_48 = arith.constant 8 : i32
      %scan3A_49 = arith.addi %scan3A_47, %scan3A_48 : i32
      %scan3A_50 = arith.constant 1 : i32
      scf.for %scan3A_52 = %scan3A_47 to %scan3A_49 step %scan3A_50  : i32 {
        %mul3A_53 = arith.constant 16 : i32
        %mul3A_54 = arith.muli %scan3A_52, %mul3A_53 : i32
        %add3A_55 = arith.constant 0 : i32
        %add3A_56 = arith.addi %add3A_55, %mul3A_54 : i32
        %get3A = arith.index_cast %add3A_56 : i32 to index
        %get3A_57 = tpu.vector_load %arg9[%get3A] {strides = array<i32>} : memref<128xi32, #tpu.memory_space<vmem>>, vector<16xi32>,
        %gather3A = tpu.vector_load_idx %arg7[%get3A_57] : memref<10240xf32, #tpu.memory_space<vmem>>[vector<16xi32>], vector<16xf32>,
        %get3A_58 = arith.index_cast %add3A_56 : i32 to index
        %get3A_59 = tpu.vector_load %arg10[%get3A_58] {strides = array<i32>} : memref<128xi32, #tpu.memory_space<vmem>>, vector<16xi32>,
        %gather3A_60 = tpu.vector_load_idx %arg8[%get3A_59] : memref<10240xf32, #tpu.memory_space<vmem>>[vector<16xi32>], vector<16xf32>,
        %add3A_61 = arith.addf %gather3A, %gather3A_60 : vector<16xf32>
        %ge3A = arith.constant 0.000000e+00 : f32
        %ge3A_62 = vector.broadcast %ge3A : f32 to vector<16xf32>
        %ge3A_63 = arith.cmpf oge, %add3A_61, %ge3A_62 : vector<16xf32>
        %mul3A_64 = arith.constant 2.000000e-01 : f32
        %mul3A_65 = vector.broadcast %mul3A_64 : f32 to vector<16xf32>
        %mul3A_66 = arith.mulf %mul3A_65, %add3A_61 : vector<16xf32>
        %select_n3A = arith.select %ge3A_63, %add3A_61, %mul3A_66 : vector<16xi1>, vector<16xf32>
        %exp3A = math.exp %select_n3A : vector<16xf32>
        %slice3A = vector.extract_strided_slice %exp3A {offsets = [0], sizes = [1], strides = [1]} : vector<16xf32> to vector<1xf32>
        %squeeze3A = vector.extract %slice3A[0] : f32 from vector<1xf32>
        %broadcast_in_dim3A = vector.broadcast %squeeze3A : f32 to vector<16xf32>
        %add3A_67 = arith.constant 0 : i32
        %add3A_68 = arith.addi %add3A_56, %add3A_67 : i32
        %get3A_69 = arith.index_cast %add3A_68 : i32 to index
        %get3A_70 = arith.constant 0 : index
        %get3A_71 = tpu.vector_load %arg11[%get3A_69, %get3A_70] {strides = array<i32>} : memref<128x144xf32, #tpu.memory_space<vmem>>, vector<16xf32>,
        %mul3A_72 = arith.mulf %get3A_71, %broadcast_in_dim3A : vector<16xf32>
        %add3A_73 = arith.constant 0 : i32
        %add3A_74 = arith.addi %add3A_56, %add3A_73 : i32
        %swap3A = arith.index_cast %add3A_74 : i32 to index
        %swap3A_75 = arith.constant 0 : index
        %swap3A_76 = tpu.vector_load %arg11[%swap3A, %swap3A_75] {strides = array<i32>} : memref<128x144xf32, #tpu.memory_space<vmem>>, vector<16xf32>,
        tpu.vector_store %arg11[%swap3A, %swap3A_75], %mul3A_72 {strides = array<i32>} : memref<128x144xf32, #tpu.memory_space<vmem>>, vector<16xf32>,
        %add3A_77 = arith.constant 0 : i32
        %add3A_78 = arith.addi %add3A_56, %add3A_77 : i32
        %get3A_79 = arith.index_cast %add3A_78 : i32 to index
        %get3A_80 = arith.constant 16 : index
        %get3A_81 = tpu.vector_load %arg11[%get3A_79, %get3A_80] {strides = array<i32>} : memref<128x144xf32, #tpu.memory_space<vmem>>, vector<16xf32>,
        %mul3A_82 = arith.mulf %get3A_81, %broadcast_in_dim3A : vector<16xf32>
        %add3A_83 = arith.constant 0 : i32
        %add3A_84 = arith.addi %add3A_56, %add3A_83 : i32
        %swap3A_85 = arith.index_cast %add3A_84 : i32 to index
        %swap3A_86 = arith.constant 16 : index
        %swap3A_87 = tpu.vector_load %arg11[%swap3A_85, %swap3A_86] {strides = array<i32>} : memref<128x144xf32, #tpu.memory_space<vmem>>, vector<16xf32>,
        tpu.vector_store %arg11[%swap3A_85, %swap3A_86], %mul3A_82 {strides = array<i32>} : memref<128x144xf32, #tpu.memory_space<vmem>>, vector<16xf32>,
        %add3A_88 = arith.constant 0 : i32
        %add3A_89 = arith.addi %add3A_56, %add3A_88 : i32
        %get3A_90 = arith.index_cast %add3A_89 : i32 to index
        %get3A_91 = arith.constant 32 : index
        %get3A_92 = tpu.vector_load %arg11[%get3A_90, %get3A_91] {strides = array<i32>} : memref<128x144xf32, #tpu.memory_space<vmem>>, vector<16xf32>,
        %mul3A_93 = arith.mulf %get3A_92, %broadcast_in_dim3A : vector<16xf32>
        %add3A_94 = arith.constant 0 : i32
        %add3A_95 = arith.addi %add3A_56, %add3A_94 : i32
        %swap3A_96 = arith.index_cast %add3A_95 : i32 to index
        %swap3A_97 = arith.constant 32 : index
        %swap3A_98 = tpu.vector_load %arg11[%swap3A_96, %swap3A_97] {strides = array<i32>} : memref<128x144xf32, #tpu.memory_space<vmem>>, vector<16xf32>,
        tpu.vector_store %arg11[%swap3A_96, %swap3A_97], %mul3A_93 {strides = array<i32>} : memref<128x144xf32, #tpu.memory_space<vmem>>, vector<16xf32>,
        %add3A_99 = arith.constant 0 : i32
        %add3A_100 = arith.addi %add3A_56, %add3A_99 : i32
        %get3A_101 = arith.index_cast %add3A_100 : i32 to index
        %get3A_102 = arith.constant 48 : index
        %get3A_103 = tpu.vector_load %arg11[%get3A_101, %get3A_102] {strides = array<i32>} : memref<128x144xf32, #tpu.memory_space<vmem>>, vector<16xf32>,
        %mul3A_104 = arith.mulf %get3A_103, %broadcast_in_dim3A : vector<16xf32>
        %add3A_105 = arith.constant 0 : i32
        %add3A_106 = arith.addi %add3A_56, %add3A_105 : i32
        %swap3A_107 = arith.index_cast %add3A_106 : i32 to index
        %swap3A_108 = arith.constant 48 : index
        %swap3A_109 = tpu.vector_load %arg11[%swap3A_107, %swap3A_108] {strides = array<i32>} : memref<128x144xf32, #tpu.memory_space<vmem>>, vector<16xf32>,
        tpu.vector_store %arg11[%swap3A_107, %swap3A_108], %mul3A_104 {strides = array<i32>} : memref<128x144xf32, #tpu.memory_space<vmem>>, vector<16xf32>,
        %add3A_110 = arith.constant 0 : i32
        %add3A_111 = arith.addi %add3A_56, %add3A_110 : i32
        %get3A_112 = arith.index_cast %add3A_111 : i32 to index
        %get3A_113 = arith.constant 64 : index
        %get3A_114 = tpu.vector_load %arg11[%get3A_112, %get3A_113] {strides = array<i32>} : memref<128x144xf32, #tpu.memory_space<vmem>>, vector<16xf32>,
        %mul3A_115 = arith.mulf %get3A_114, %broadcast_in_dim3A : vector<16xf32>
        %add3A_116 = arith.constant 0 : i32
        %add3A_117 = arith.addi %add3A_56, %add3A_116 : i32
        %swap3A_118 = arith.index_cast %add3A_117 : i32 to index
        %swap3A_119 = arith.constant 64 : index
        %swap3A_120 = tpu.vector_load %arg11[%swap3A_118, %swap3A_119] {strides = array<i32>} : memref<128x144xf32, #tpu.memory_space<vmem>>, vector<16xf32>,
        tpu.vector_store %arg11[%swap3A_118, %swap3A_119], %mul3A_115 {strides = array<i32>} : memref<128x144xf32, #tpu.memory_space<vmem>>, vector<16xf32>,
        %add3A_121 = arith.constant 0 : i32
        %add3A_122 = arith.addi %add3A_56, %add3A_121 : i32
        %get3A_123 = arith.index_cast %add3A_122 : i32 to index
        %get3A_124 = arith.constant 80 : index
        %get3A_125 = tpu.vector_load %arg11[%get3A_123, %get3A_124] {strides = array<i32>} : memref<128x144xf32, #tpu.memory_space<vmem>>, vector<16xf32>,
        %mul3A_126 = arith.mulf %get3A_125, %broadcast_in_dim3A : vector<16xf32>
        %add3A_127 = arith.constant 0 : i32
        %add3A_128 = arith.addi %add3A_56, %add3A_127 : i32
        %swap3A_129 = arith.index_cast %add3A_128 : i32 to index
        %swap3A_130 = arith.constant 80 : index
        %swap3A_131 = tpu.vector_load %arg11[%swap3A_129, %swap3A_130] {strides = array<i32>} : memref<128x144xf32, #tpu.memory_space<vmem>>, vector<16xf32>,
        tpu.vector_store %arg11[%swap3A_129, %swap3A_130], %mul3A_126 {strides = array<i32>} : memref<128x144xf32, #tpu.memory_space<vmem>>, vector<16xf32>,
        %add3A_132 = arith.constant 0 : i32
        %add3A_133 = arith.addi %add3A_56, %add3A_132 : i32
        %get3A_134 = arith.index_cast %add3A_133 : i32 to index
        %get3A_135 = arith.constant 96 : index
        %get3A_136 = tpu.vector_load %arg11[%get3A_134, %get3A_135] {strides = array<i32>} : memref<128x144xf32, #tpu.memory_space<vmem>>, vector<16xf32>,
        %mul3A_137 = arith.mulf %get3A_136, %broadcast_in_dim3A : vector<16xf32>
        %add3A_138 = arith.constant 0 : i32
        %add3A_139 = arith.addi %add3A_56, %add3A_138 : i32
        %swap3A_140 = arith.index_cast %add3A_139 : i32 to index
        %swap3A_141 = arith.constant 96 : index
        %swap3A_142 = tpu.vector_load %arg11[%swap3A_140, %swap3A_141] {strides = array<i32>} : memref<128x144xf32, #tpu.memory_space<vmem>>, vector<16xf32>,
        tpu.vector_store %arg11[%swap3A_140, %swap3A_141], %mul3A_137 {strides = array<i32>} : memref<128x144xf32, #tpu.memory_space<vmem>>, vector<16xf32>,
        %add3A_143 = arith.constant 0 : i32
        %add3A_144 = arith.addi %add3A_56, %add3A_143 : i32
        %get3A_145 = arith.index_cast %add3A_144 : i32 to index
        %get3A_146 = arith.constant 112 : index
        %get3A_147 = tpu.vector_load %arg11[%get3A_145, %get3A_146] {strides = array<i32>} : memref<128x144xf32, #tpu.memory_space<vmem>>, vector<16xf32>,
        %mul3A_148 = arith.mulf %get3A_147, %broadcast_in_dim3A : vector<16xf32>
        %add3A_149 = arith.constant 0 : i32
        %add3A_150 = arith.addi %add3A_56, %add3A_149 : i32
        %swap3A_151 = arith.index_cast %add3A_150 : i32 to index
        %swap3A_152 = arith.constant 112 : index
        %swap3A_153 = tpu.vector_load %arg11[%swap3A_151, %swap3A_152] {strides = array<i32>} : memref<128x144xf32, #tpu.memory_space<vmem>>, vector<16xf32>,
        tpu.vector_store %arg11[%swap3A_151, %swap3A_152], %mul3A_148 {strides = array<i32>} : memref<128x144xf32, #tpu.memory_space<vmem>>, vector<16xf32>,
        %add3A_154 = arith.constant 0 : i32
        %add3A_155 = arith.addi %add3A_56, %add3A_154 : i32
        %get3A_156 = arith.index_cast %add3A_155 : i32 to index
        %get3A_157 = arith.constant 128 : index
        %get3A_158 = tpu.vector_load %arg11[%get3A_156, %get3A_157] {strides = array<i32>} : memref<128x144xf32, #tpu.memory_space<vmem>>, vector<16xf32>,
        %mul3A_159 = arith.mulf %get3A_158, %broadcast_in_dim3A : vector<16xf32>
        %add3A_160 = arith.constant 0 : i32
        %add3A_161 = arith.addi %add3A_56, %add3A_160 : i32
        %swap3A_162 = arith.index_cast %add3A_161 : i32 to index
        %swap3A_163 = arith.constant 128 : index
        %swap3A_164 = tpu.vector_load %arg11[%swap3A_162, %swap3A_163] {strides = array<i32>} : memref<128x144xf32, #tpu.memory_space<vmem>>, vector<16xf32>,
        tpu.vector_store %arg11[%swap3A_162, %swap3A_163], %mul3A_159 {strides = array<i32>} : memref<128x144xf32, #tpu.memory_space<vmem>>, vector<16xf32>,
        %slice3A_165 = vector.extract_strided_slice %exp3A {offsets = [1], sizes = [1], strides = [1]} : vector<16xf32> to vector<1xf32>
        %squeeze3A_166 = vector.extract %slice3A_165[0] : f32 from vector<1xf32>
        %broadcast_in_dim3A_167 = vector.broadcast %squeeze3A_166 : f32 to vector<16xf32>
        %add3A_168 = arith.constant 1 : i32
        %add3A_169 = arith.addi %add3A_56, %add3A_168 : i32
        %get3A_170 = arith.index_cast %add3A_169 : i32 to index
        %get3A_171 = arith.constant 0 : index
        %get3A_172 = tpu.vector_load %arg11[%get3A_170, %get3A_171] {strides = array<i32>} : memref<128x144xf32, #tpu.memory_space<vmem>>, vector<16xf32>,
        %mul3A_173 = arith.mulf %get3A_172, %broadcast_in_dim3A_167 : vector<16xf32>
        %add3A_174 = arith.constant 1 : i32
        %add3A_175 = arith.addi %add3A_56, %add3A_174 : i32
        %swap3A_176 = arith.index_cast %add3A_175 : i32 to index
        %swap3A_177 = arith.constant 0 : index
        %swap3A_178 = tpu.vector_load %arg11[%swap3A_176, %swap3A_177] {strides = array<i32>} : memref<128x144xf32, #tpu.memory_space<vmem>>, vector<16xf32>,
        tpu.vector_store %arg11[%swap3A_176, %swap3A_177], %mul3A_173 {strides = array<i32>} : memref<128x144xf32, #tpu.memory_space<vmem>>, vector<16xf32>,
        %add3A_179 = arith.constant 1 : i32
        %add3A_180 = arith.addi %add3A_56, %add3A_179 : i32
        %get3A_181 = arith.index_cast %add3A_180 : i32 to index
        %get3A_182 = arith.constant 16 : index
        %get3A_183 = tpu.vector_load %arg11[%get3A_181, %get3A_182] {strides = array<i32>} : memref<128x144xf32, #tpu.memory_space<vmem>>, vector<16xf32>,
        %mul3A_184 = arith.mulf %get3A_183, %broadcast_in_dim3A_167 : vector<16xf32>
        %add3A_185 = arith.constant 1 : i32
        %add3A_186 = arith.addi %add3A_56, %add3A_185 : i32
        %swap3A_187 = arith.index_cast %add3A_186 : i32 to index
        %swap3A_188 = arith.constant 16 : index
        %swap3A_189 = tpu.vector_load %arg11[%swap3A_187, %swap3A_188] {strides = array<i32>} : memref<128x144xf32, #tpu.memory_space<vmem>>, vector<16xf32>,
        tpu.vector_store %arg11[%swap3A_187, %swap3A_188], %mul3A_184 {strides = array<i32>} : memref<128x144xf32, #tpu.memory_space<vmem>>, vector<16xf32>,
        %add3A_190 = arith.constant 1 : i32
        %add3A_191 = arith.addi %add3A_56, %add3A_190 : i32
        %get3A_192 = arith.index_cast %add3A_191 : i32 to index
        %get3A_193 = arith.constant 32 : index
        %get3A_194 = tpu.vector_load %arg11[%get3A_192, %get3A_193] {strides = array<i32>} : memref<128x144xf32, #tpu.memory_space<vmem>>, vector<16xf32>,
        %mul3A_195 = arith.mulf %get3A_194, %broadcast_in_dim3A_167 : vector<16xf32>
        %add3A_196 = arith.constant 1 : i32
        %add3A_197 = arith.addi %add3A_56, %add3A_196 : i32
        %swap3A_198 = arith.index_cast %add3A_197 : i32 to index
        %swap3A_199 = arith.constant 32 : index
        %swap3A_200 = tpu.vector_load %arg11[%swap3A_198, %swap3A_199] {strides = array<i32>} : memref<128x144xf32, #tpu.memory_space<vmem>>, vector<16xf32>,
        tpu.vector_store %arg11[%swap3A_198, %swap3A_199], %mul3A_195 {strides = array<i32>} : memref<128x144xf32, #tpu.memory_space<vmem>>, vector<16xf32>,
        %add3A_201 = arith.constant 1 : i32
        %add3A_202 = arith.addi %add3A_56, %add3A_201 : i32
        %get3A_203 = arith.index_cast %add3A_202 : i32 to index
        %get3A_204 = arith.constant 48 : index
        %get3A_205 = tpu.vector_load %arg11[%get3A_203, %get3A_204] {strides = array<i32>} : memref<128x144xf32, #tpu.memory_space<vmem>>, vector<16xf32>,
        %mul3A_206 = arith.mulf %get3A_205, %broadcast_in_dim3A_167 : vector<16xf32>
        %add3A_207 = arith.constant 1 : i32
        %add3A_208 = arith.addi %add3A_56, %add3A_207 : i32
        %swap3A_209 = arith.index_cast %add3A_208 : i32 to index
        %swap3A_210 = arith.constant 48 : index
        %swap3A_211 = tpu.vector_load %arg11[%swap3A_209, %swap3A_210] {strides = array<i32>} : memref<128x144xf32, #tpu.memory_space<vmem>>, vector<16xf32>,
        tpu.vector_store %arg11[%swap3A_209, %swap3A_210], %mul3A_206 {strides = array<i32>} : memref<128x144xf32, #tpu.memory_space<vmem>>, vector<16xf32>,
        %add3A_212 = arith.constant 1 : i32
        %add3A_213 = arith.addi %add3A_56, %add3A_212 : i32
        %get3A_214 = arith.index_cast %add3A_213 : i32 to index
        %get3A_215 = arith.constant 64 : index
        %get3A_216 = tpu.vector_load %arg11[%get3A_214, %get3A_215] {strides = array<i32>} : memref<128x144xf32, #tpu.memory_space<vmem>>, vector<16xf32>,
        %mul3A_217 = arith.mulf %get3A_216, %broadcast_in_dim3A_167 : vector<16xf32>
        %add3A_218 = arith.constant 1 : i32
        %add3A_219 = arith.addi %add3A_56, %add3A_218 : i32
        %swap3A_220 = arith.index_cast %add3A_219 : i32 to index
        %swap3A_221 = arith.constant 64 : index
        %swap3A_222 = tpu.vector_load %arg11[%swap3A_220, %swap3A_221] {strides = array<i32>} : memref<128x144xf32, #tpu.memory_space<vmem>>, vector<16xf32>,
        tpu.vector_store %arg11[%swap3A_220, %swap3A_221], %mul3A_217 {strides = array<i32>} : memref<128x144xf32, #tpu.memory_space<vmem>>, vector<16xf32>,
        %add3A_223 = arith.constant 1 : i32
        %add3A_224 = arith.addi %add3A_56, %add3A_223 : i32
        %get3A_225 = arith.index_cast %add3A_224 : i32 to index
        %get3A_226 = arith.constant 80 : index
        %get3A_227 = tpu.vector_load %arg11[%get3A_225, %get3A_226] {strides = array<i32>} : memref<128x144xf32, #tpu.memory_space<vmem>>, vector<16xf32>,
        %mul3A_228 = arith.mulf %get3A_227, %broadcast_in_dim3A_167 : vector<16xf32>
        %add3A_229 = arith.constant 1 : i32
        %add3A_230 = arith.addi %add3A_56, %add3A_229 : i32
        %swap3A_231 = arith.index_cast %add3A_230 : i32 to index
        %swap3A_232 = arith.constant 80 : index
        %swap3A_233 = tpu.vector_load %arg11[%swap3A_231, %swap3A_232] {strides = array<i32>} : memref<128x144xf32, #tpu.memory_space<vmem>>, vector<16xf32>,
        tpu.vector_store %arg11[%swap3A_231, %swap3A_232], %mul3A_228 {strides = array<i32>} : memref<128x144xf32, #tpu.memory_space<vmem>>, vector<16xf32>,
        %add3A_234 = arith.constant 1 : i32
        %add3A_235 = arith.addi %add3A_56, %add3A_234 : i32
        %get3A_236 = arith.index_cast %add3A_235 : i32 to index
        %get3A_237 = arith.constant 96 : index
        %get3A_238 = tpu.vector_load %arg11[%get3A_236, %get3A_237] {strides = array<i32>} : memref<128x144xf32, #tpu.memory_space<vmem>>, vector<16xf32>,
        %mul3A_239 = arith.mulf %get3A_238, %broadcast_in_dim3A_167 : vector<16xf32>
        %add3A_240 = arith.constant 1 : i32
        %add3A_241 = arith.addi %add3A_56, %add3A_240 : i32
        %swap3A_242 = arith.index_cast %add3A_241 : i32 to index
        %swap3A_243 = arith.constant 96 : index
        %swap3A_244 = tpu.vector_load %arg11[%swap3A_242, %swap3A_243] {strides = array<i32>} : memref<128x144xf32, #tpu.memory_space<vmem>>, vector<16xf32>,
        tpu.vector_store %arg11[%swap3A_242, %swap3A_243], %mul3A_239 {strides = array<i32>} : memref<128x144xf32, #tpu.memory_space<vmem>>, vector<16xf32>,
        %add3A_245 = arith.constant 1 : i32
        %add3A_246 = arith.addi %add3A_56, %add3A_245 : i32
        %get3A_247 = arith.index_cast %add3A_246 : i32 to index
        %get3A_248 = arith.constant 112 : index
        %get3A_249 = tpu.vector_load %arg11[%get3A_247, %get3A_248] {strides = array<i32>} : memref<128x144xf32, #tpu.memory_space<vmem>>, vector<16xf32>,
        %mul3A_250 = arith.mulf %get3A_249, %broadcast_in_dim3A_167 : vector<16xf32>
        %add3A_251 = arith.constant 1 : i32
        %add3A_252 = arith.addi %add3A_56, %add3A_251 : i32
        %swap3A_253 = arith.index_cast %add3A_252 : i32 to index
        %swap3A_254 = arith.constant 112 : index
        %swap3A_255 = tpu.vector_load %arg11[%swap3A_253, %swap3A_254] {strides = array<i32>} : memref<128x144xf32, #tpu.memory_space<vmem>>, vector<16xf32>,
        tpu.vector_store %arg11[%swap3A_253, %swap3A_254], %mul3A_250 {strides = array<i32>} : memref<128x144xf32, #tpu.memory_space<vmem>>, vector<16xf32>,
        %add3A_256 = arith.constant 1 : i32
        %add3A_257 = arith.addi %add3A_56, %add3A_256 : i32
        %get3A_258 = arith.index_cast %add3A_257 : i32 to index
        %get3A_259 = arith.constant 128 : index
        %get3A_260 = tpu.vector_load %arg11[%get3A_258, %get3A_259] {strides = array<i32>} : memref<128x144xf32, #tpu.memory_space<vmem>>, vector<16xf32>,
        %mul3A_261 = arith.mulf %get3A_260, %broadcast_in_dim3A_167 : vector<16xf32>
        %add3A_262 = arith.constant 1 : i32
        %add3A_263 = arith.addi %add3A_56, %add3A_262 : i32
        %swap3A_264 = arith.index_cast %add3A_263 : i32 to index
        %swap3A_265 = arith.constant 128 : index
        %swap3A_266 = tpu.vector_load %arg11[%swap3A_264, %swap3A_265] {strides = array<i32>} : memref<128x144xf32, #tpu.memory_space<vmem>>, vector<16xf32>,
        tpu.vector_store %arg11[%swap3A_264, %swap3A_265], %mul3A_261 {strides = array<i32>} : memref<128x144xf32, #tpu.memory_space<vmem>>, vector<16xf32>,
        %slice3A_267 = vector.extract_strided_slice %exp3A {offsets = [2], sizes = [1], strides = [1]} : vector<16xf32> to vector<1xf32>
        %squeeze3A_268 = vector.extract %slice3A_267[0] : f32 from vector<1xf32>
        %broadcast_in_dim3A_269 = vector.broadcast %squeeze3A_268 : f32 to vector<16xf32>
        %add3A_270 = arith.constant 2 : i32
        %add3A_271 = arith.addi %add3A_56, %add3A_270 : i32
        %get3A_272 = arith.index_cast %add3A_271 : i32 to index
        %get3A_273 = arith.constant 0 : index
        %get3A_274 = tpu.vector_load %arg11[%get3A_272, %get3A_273] {strides = array<i32>} : memref<128x144xf32, #tpu.memory_space<vmem>>, vector<16xf32>,
        %mul3A_275 = arith.mulf %get3A_274, %broadcast_in_dim3A_269 : vector<16xf32>
        %add3A_276 = arith.constant 2 : i32
        %add3A_277 = arith.addi %add3A_56, %add3A_276 : i32
        %swap3A_278 = arith.index_cast %add3A_277 : i32 to index
        %swap3A_279 = arith.constant 0 : index
        %swap3A_280 = tpu.vector_load %arg11[%swap3A_278, %swap3A_279] {strides = array<i32>} : memref<128x144xf32, #tpu.memory_space<vmem>>, vector<16xf32>,
        tpu.vector_store %arg11[%swap3A_278, %swap3A_279], %mul3A_275 {strides = array<i32>} : memref<128x144xf32, #tpu.memory_space<vmem>>, vector<16xf32>,
        %add3A_281 = arith.constant 2 : i32
        %add3A_282 = arith.addi %add3A_56, %add3A_281 : i32
        %get3A_283 = arith.index_cast %add3A_282 : i32 to index
        %get3A_284 = arith.constant 16 : index
        %get3A_285 = tpu.vector_load %arg11[%get3A_283, %get3A_284] {strides = array<i32>} : memref<128x144xf32, #tpu.memory_space<vmem>>, vector<16xf32>,
        %mul3A_286 = arith.mulf %get3A_285, %broadcast_in_dim3A_269 : vector<16xf32>
        %add3A_287 = arith.constant 2 : i32
        %add3A_288 = arith.addi %add3A_56, %add3A_287 : i32
        %swap3A_289 = arith.index_cast %add3A_288 : i32 to index
        %swap3A_290 = arith.constant 16 : index
        %swap3A_291 = tpu.vector_load %arg11[%swap3A_289, %swap3A_290] {strides = array<i32>} : memref<128x144xf32, #tpu.memory_space<vmem>>, vector<16xf32>,
        tpu.vector_store %arg11[%swap3A_289, %swap3A_290], %mul3A_286 {strides = array<i32>} : memref<128x144xf32, #tpu.memory_space<vmem>>, vector<16xf32>,
        %add3A_292 = arith.constant 2 : i32
        %add3A_293 = arith.addi %add3A_56, %add3A_292 : i32
        %get3A_294 = arith.index_cast %add3A_293 : i32 to index
        %get3A_295 = arith.constant 32 : index
        %get3A_296 = tpu.vector_load %arg11[%get3A_294, %get3A_295] {strides = array<i32>} : memref<128x144xf32, #tpu.memory_space<vmem>>, vector<16xf32>,
        %mul3A_297 = arith.mulf %get3A_296, %broadcast_in_dim3A_269 : vector<16xf32>
        %add3A_298 = arith.constant 2 : i32
        %add3A_299 = arith.addi %add3A_56, %add3A_298 : i32
        %swap3A_300 = arith.index_cast %add3A_299 : i32 to index
        %swap3A_301 = arith.constant 32 : index
        %swap3A_302 = tpu.vector_load %arg11[%swap3A_300, %swap3A_301] {strides = array<i32>} : memref<128x144xf32, #tpu.memory_space<vmem>>, vector<16xf32>,
        tpu.vector_store %arg11[%swap3A_300, %swap3A_301], %mul3A_297 {strides = array<i32>} : memref<128x144xf32, #tpu.memory_space<vmem>>, vector<16xf32>,
        %add3A_303 = arith.constant 2 : i32
        %add3A_304 = arith.addi %add3A_56, %add3A_303 : i32
        %get3A_305 = arith.index_cast %add3A_304 : i32 to index
        %get3A_306 = arith.constant 48 : index
        %get3A_307 = tpu.vector_load %arg11[%get3A_305, %get3A_306] {strides = array<i32>} : memref<128x144xf32, #tpu.memory_space<vmem>>, vector<16xf32>,
        %mul3A_308 = arith.mulf %get3A_307, %broadcast_in_dim3A_269 : vector<16xf32>
        %add3A_309 = arith.constant 2 : i32
        %add3A_310 = arith.addi %add3A_56, %add3A_309 : i32
        %swap3A_311 = arith.index_cast %add3A_310 : i32 to index
        %swap3A_312 = arith.constant 48 : index
        %swap3A_313 = tpu.vector_load %arg11[%swap3A_311, %swap3A_312] {strides = array<i32>} : memref<128x144xf32, #tpu.memory_space<vmem>>, vector<16xf32>,
        tpu.vector_store %arg11[%swap3A_311, %swap3A_312], %mul3A_308 {strides = array<i32>} : memref<128x144xf32, #tpu.memory_space<vmem>>, vector<16xf32>,
        %add3A_314 = arith.constant 2 : i32
        %add3A_315 = arith.addi %add3A_56, %add3A_314 : i32
        %get3A_316 = arith.index_cast %add3A_315 : i32 to index
        %get3A_317 = arith.constant 64 : index
        %get3A_318 = tpu.vector_load %arg11[%get3A_316, %get3A_317] {strides = array<i32>} : memref<128x144xf32, #tpu.memory_space<vmem>>, vector<16xf32>,
        %mul3A_319 = arith.mulf %get3A_318, %broadcast_in_dim3A_269 : vector<16xf32>
        %add3A_320 = arith.constant 2 : i32
        %add3A_321 = arith.addi %add3A_56, %add3A_320 : i32
        %swap3A_322 = arith.index_cast %add3A_321 : i32 to index
        %swap3A_323 = arith.constant 64 : index
        %swap3A_324 = tpu.vector_load %arg11[%swap3A_322, %swap3A_323] {strides = array<i32>} : memref<128x144xf32, #tpu.memory_space<vmem>>, vector<16xf32>,
        tpu.vector_store %arg11[%swap3A_322, %swap3A_323], %mul3A_319 {strides = array<i32>} : memref<128x144xf32, #tpu.memory_space<vmem>>, vector<16xf32>,
        %add3A_325 = arith.constant 2 : i32
        %add3A_326 = arith.addi %add3A_56, %add3A_325 : i32
        %get3A_327 = arith.index_cast %add3A_326 : i32 to index
        %get3A_328 = arith.constant 80 : index
        %get3A_329 = tpu.vector_load %arg11[%get3A_327, %get3A_328] {strides = array<i32>} : memref<128x144xf32, #tpu.memory_space<vmem>>, vector<16xf32>,
        %mul3A_330 = arith.mulf %get3A_329, %broadcast_in_dim3A_269 : vector<16xf32>
        %add3A_331 = arith.constant 2 : i32
        %add3A_332 = arith.addi %add3A_56, %add3A_331 : i32
        %swap3A_333 = arith.index_cast %add3A_332 : i32 to index
        %swap3A_334 = arith.constant 80 : index
        %swap3A_335 = tpu.vector_load %arg11[%swap3A_333, %swap3A_334] {strides = array<i32>} : memref<128x144xf32, #tpu.memory_space<vmem>>, vector<16xf32>,
        tpu.vector_store %arg11[%swap3A_333, %swap3A_334], %mul3A_330 {strides = array<i32>} : memref<128x144xf32, #tpu.memory_space<vmem>>, vector<16xf32>,
        %add3A_336 = arith.constant 2 : i32
        %add3A_337 = arith.addi %add3A_56, %add3A_336 : i32
        %get3A_338 = arith.index_cast %add3A_337 : i32 to index
        %get3A_339 = arith.constant 96 : index
        %get3A_340 = tpu.vector_load %arg11[%get3A_338, %get3A_339] {strides = array<i32>} : memref<128x144xf32, #tpu.memory_space<vmem>>, vector<16xf32>,
        %mul3A_341 = arith.mulf %get3A_340, %broadcast_in_dim3A_269 : vector<16xf32>
        %add3A_342 = arith.constant 2 : i32
        %add3A_343 = arith.addi %add3A_56, %add3A_342 : i32
        %swap3A_344 = arith.index_cast %add3A_343 : i32 to index
        %swap3A_345 = arith.constant 96 : index
        %swap3A_346 = tpu.vector_load %arg11[%swap3A_344, %swap3A_345] {strides = array<i32>} : memref<128x144xf32, #tpu.memory_space<vmem>>, vector<16xf32>,
        tpu.vector_store %arg11[%swap3A_344, %swap3A_345], %mul3A_341 {strides = array<i32>} : memref<128x144xf32, #tpu.memory_space<vmem>>, vector<16xf32>,
        %add3A_347 = arith.constant 2 : i32
        %add3A_348 = arith.addi %add3A_56, %add3A_347 : i32
        %get3A_349 = arith.index_cast %add3A_348 : i32 to index
        %get3A_350 = arith.constant 112 : index
        %get3A_351 = tpu.vector_load %arg11[%get3A_349, %get3A_350] {strides = array<i32>} : memref<128x144xf32, #tpu.memory_space<vmem>>, vector<16xf32>,
        %mul3A_352 = arith.mulf %get3A_351, %broadcast_in_dim3A_269 : vector<16xf32>
        %add3A_353 = arith.constant 2 : i32
        %add3A_354 = arith.addi %add3A_56, %add3A_353 : i32
        %swap3A_355 = arith.index_cast %add3A_354 : i32 to index
        %swap3A_356 = arith.constant 112 : index
        %swap3A_357 = tpu.vector_load %arg11[%swap3A_355, %swap3A_356] {strides = array<i32>} : memref<128x144xf32, #tpu.memory_space<vmem>>, vector<16xf32>,
        tpu.vector_store %arg11[%swap3A_355, %swap3A_356], %mul3A_352 {strides = array<i32>} : memref<128x144xf32, #tpu.memory_space<vmem>>, vector<16xf32>,
        %add3A_358 = arith.constant 2 : i32
        %add3A_359 = arith.addi %add3A_56, %add3A_358 : i32
        %get3A_360 = arith.index_cast %add3A_359 : i32 to index
        %get3A_361 = arith.constant 128 : index
        %get3A_362 = tpu.vector_load %arg11[%get3A_360, %get3A_361] {strides = array<i32>} : memref<128x144xf32, #tpu.memory_space<vmem>>, vector<16xf32>,
        %mul3A_363 = arith.mulf %get3A_362, %broadcast_in_dim3A_269 : vector<16xf32>
        %add3A_364 = arith.constant 2 : i32
        %add3A_365 = arith.addi %add3A_56, %add3A_364 : i32
        %swap3A_366 = arith.index_cast %add3A_365 : i32 to index
        %swap3A_367 = arith.constant 128 : index
        %swap3A_368 = tpu.vector_load %arg11[%swap3A_366, %swap3A_367] {strides = array<i32>} : memref<128x144xf32, #tpu.memory_space<vmem>>, vector<16xf32>,
        tpu.vector_store %arg11[%swap3A_366, %swap3A_367], %mul3A_363 {strides = array<i32>} : memref<128x144xf32, #tpu.memory_space<vmem>>, vector<16xf32>,
        %slice3A_369 = vector.extract_strided_slice %exp3A {offsets = [3], sizes = [1], strides = [1]} : vector<16xf32> to vector<1xf32>
        %squeeze3A_370 = vector.extract %slice3A_369[0] : f32 from vector<1xf32>
        %broadcast_in_dim3A_371 = vector.broadcast %squeeze3A_370 : f32 to vector<16xf32>
        %add3A_372 = arith.constant 3 : i32
        %add3A_373 = arith.addi %add3A_56, %add3A_372 : i32
        %get3A_374 = arith.index_cast %add3A_373 : i32 to index
        %get3A_375 = arith.constant 0 : index
        %get3A_376 = tpu.vector_load %arg11[%get3A_374, %get3A_375] {strides = array<i32>} : memref<128x144xf32, #tpu.memory_space<vmem>>, vector<16xf32>,
        %mul3A_377 = arith.mulf %get3A_376, %broadcast_in_dim3A_371 : vector<16xf32>
        %add3A_378 = arith.constant 3 : i32
        %add3A_379 = arith.addi %add3A_56, %add3A_378 : i32
        %swap3A_380 = arith.index_cast %add3A_379 : i32 to index
        %swap3A_381 = arith.constant 0 : index
        %swap3A_382 = tpu.vector_load %arg11[%swap3A_380, %swap3A_381] {strides = array<i32>} : memref<128x144xf32, #tpu.memory_space<vmem>>, vector<16xf32>,
        tpu.vector_store %arg11[%swap3A_380, %swap3A_381], %mul3A_377 {strides = array<i32>} : memref<128x144xf32, #tpu.memory_space<vmem>>, vector<16xf32>,
        %add3A_383 = arith.constant 3 : i32
        %add3A_384 = arith.addi %add3A_56, %add3A_383 : i32
        %get3A_385 = arith.index_cast %add3A_384 : i32 to index
        %get3A_386 = arith.constant 16 : index
        %get3A_387 = tpu.vector_load %arg11[%get3A_385, %get3A_386] {strides = array<i32>} : memref<128x144xf32, #tpu.memory_space<vmem>>, vector<16xf32>,
        %mul3A_388 = arith.mulf %get3A_387, %broadcast_in_dim3A_371 : vector<16xf32>
        %add3A_389 = arith.constant 3 : i32
        %add3A_390 = arith.addi %add3A_56, %add3A_389 : i32
        %swap3A_391 = arith.index_cast %add3A_390 : i32 to index
        %swap3A_392 = arith.constant 16 : index
        %swap3A_393 = tpu.vector_load %arg11[%swap3A_391, %swap3A_392] {strides = array<i32>} : memref<128x144xf32, #tpu.memory_space<vmem>>, vector<16xf32>,
        tpu.vector_store %arg11[%swap3A_391, %swap3A_392], %mul3A_388 {strides = array<i32>} : memref<128x144xf32, #tpu.memory_space<vmem>>, vector<16xf32>,
        %add3A_394 = arith.constant 3 : i32
        %add3A_395 = arith.addi %add3A_56, %add3A_394 : i32
        %get3A_396 = arith.index_cast %add3A_395 : i32 to index
        %get3A_397 = arith.constant 32 : index
        %get3A_398 = tpu.vector_load %arg11[%get3A_396, %get3A_397] {strides = array<i32>} : memref<128x144xf32, #tpu.memory_space<vmem>>, vector<16xf32>,
        %mul3A_399 = arith.mulf %get3A_398, %broadcast_in_dim3A_371 : vector<16xf32>
        %add3A_400 = arith.constant 3 : i32
        %add3A_401 = arith.addi %add3A_56, %add3A_400 : i32
        %swap3A_402 = arith.index_cast %add3A_401 : i32 to index
        %swap3A_403 = arith.constant 32 : index
        %swap3A_404 = tpu.vector_load %arg11[%swap3A_402, %swap3A_403] {strides = array<i32>} : memref<128x144xf32, #tpu.memory_space<vmem>>, vector<16xf32>,
        tpu.vector_store %arg11[%swap3A_402, %swap3A_403], %mul3A_399 {strides = array<i32>} : memref<128x144xf32, #tpu.memory_space<vmem>>, vector<16xf32>,
        %add3A_405 = arith.constant 3 : i32
        %add3A_406 = arith.addi %add3A_56, %add3A_405 : i32
        %get3A_407 = arith.index_cast %add3A_406 : i32 to index
        %get3A_408 = arith.constant 48 : index
        %get3A_409 = tpu.vector_load %arg11[%get3A_407, %get3A_408] {strides = array<i32>} : memref<128x144xf32, #tpu.memory_space<vmem>>, vector<16xf32>,
        %mul3A_410 = arith.mulf %get3A_409, %broadcast_in_dim3A_371 : vector<16xf32>
        %add3A_411 = arith.constant 3 : i32
        %add3A_412 = arith.addi %add3A_56, %add3A_411 : i32
        %swap3A_413 = arith.index_cast %add3A_412 : i32 to index
        %swap3A_414 = arith.constant 48 : index
        %swap3A_415 = tpu.vector_load %arg11[%swap3A_413, %swap3A_414] {strides = array<i32>} : memref<128x144xf32, #tpu.memory_space<vmem>>, vector<16xf32>,
        tpu.vector_store %arg11[%swap3A_413, %swap3A_414], %mul3A_410 {strides = array<i32>} : memref<128x144xf32, #tpu.memory_space<vmem>>, vector<16xf32>,
        %add3A_416 = arith.constant 3 : i32
        %add3A_417 = arith.addi %add3A_56, %add3A_416 : i32
        %get3A_418 = arith.index_cast %add3A_417 : i32 to index
        %get3A_419 = arith.constant 64 : index
        %get3A_420 = tpu.vector_load %arg11[%get3A_418, %get3A_419] {strides = array<i32>} : memref<128x144xf32, #tpu.memory_space<vmem>>, vector<16xf32>,
        %mul3A_421 = arith.mulf %get3A_420, %broadcast_in_dim3A_371 : vector<16xf32>
        %add3A_422 = arith.constant 3 : i32
        %add3A_423 = arith.addi %add3A_56, %add3A_422 : i32
        %swap3A_424 = arith.index_cast %add3A_423 : i32 to index
        %swap3A_425 = arith.constant 64 : index
        %swap3A_426 = tpu.vector_load %arg11[%swap3A_424, %swap3A_425] {strides = array<i32>} : memref<128x144xf32, #tpu.memory_space<vmem>>, vector<16xf32>,
        tpu.vector_store %arg11[%swap3A_424, %swap3A_425], %mul3A_421 {strides = array<i32>} : memref<128x144xf32, #tpu.memory_space<vmem>>, vector<16xf32>,
        %add3A_427 = arith.constant 3 : i32
        %add3A_428 = arith.addi %add3A_56, %add3A_427 : i32
        %get3A_429 = arith.index_cast %add3A_428 : i32 to index
        %get3A_430 = arith.constant 80 : index
        %get3A_431 = tpu.vector_load %arg11[%get3A_429, %get3A_430] {strides = array<i32>} : memref<128x144xf32, #tpu.memory_space<vmem>>, vector<16xf32>,
        %mul3A_432 = arith.mulf %get3A_431, %broadcast_in_dim3A_371 : vector<16xf32>
        %add3A_433 = arith.constant 3 : i32
        %add3A_434 = arith.addi %add3A_56, %add3A_433 : i32
        %swap3A_435 = arith.index_cast %add3A_434 : i32 to index
        %swap3A_436 = arith.constant 80 : index
        %swap3A_437 = tpu.vector_load %arg11[%swap3A_435, %swap3A_436] {strides = array<i32>} : memref<128x144xf32, #tpu.memory_space<vmem>>, vector<16xf32>,
        tpu.vector_store %arg11[%swap3A_435, %swap3A_436], %mul3A_432 {strides = array<i32>} : memref<128x144xf32, #tpu.memory_space<vmem>>, vector<16xf32>,
        %add3A_438 = arith.constant 3 : i32
        %add3A_439 = arith.addi %add3A_56, %add3A_438 : i32
        %get3A_440 = arith.index_cast %add3A_439 : i32 to index
        %get3A_441 = arith.constant 96 : index
        %get3A_442 = tpu.vector_load %arg11[%get3A_440, %get3A_441] {strides = array<i32>} : memref<128x144xf32, #tpu.memory_space<vmem>>, vector<16xf32>,
        %mul3A_443 = arith.mulf %get3A_442, %broadcast_in_dim3A_371 : vector<16xf32>
        %add3A_444 = arith.constant 3 : i32
        %add3A_445 = arith.addi %add3A_56, %add3A_444 : i32
        %swap3A_446 = arith.index_cast %add3A_445 : i32 to index
        %swap3A_447 = arith.constant 96 : index
        %swap3A_448 = tpu.vector_load %arg11[%swap3A_446, %swap3A_447] {strides = array<i32>} : memref<128x144xf32, #tpu.memory_space<vmem>>, vector<16xf32>,
        tpu.vector_store %arg11[%swap3A_446, %swap3A_447], %mul3A_443 {strides = array<i32>} : memref<128x144xf32, #tpu.memory_space<vmem>>, vector<16xf32>,
        %add3A_449 = arith.constant 3 : i32
        %add3A_450 = arith.addi %add3A_56, %add3A_449 : i32
        %get3A_451 = arith.index_cast %add3A_450 : i32 to index
        %get3A_452 = arith.constant 112 : index
        %get3A_453 = tpu.vector_load %arg11[%get3A_451, %get3A_452] {strides = array<i32>} : memref<128x144xf32, #tpu.memory_space<vmem>>, vector<16xf32>,
        %mul3A_454 = arith.mulf %get3A_453, %broadcast_in_dim3A_371 : vector<16xf32>
        %add3A_455 = arith.constant 3 : i32
        %add3A_456 = arith.addi %add3A_56, %add3A_455 : i32
        %swap3A_457 = arith.index_cast %add3A_456 : i32 to index
        %swap3A_458 = arith.constant 112 : index
        %swap3A_459 = tpu.vector_load %arg11[%swap3A_457, %swap3A_458] {strides = array<i32>} : memref<128x144xf32, #tpu.memory_space<vmem>>, vector<16xf32>,
        tpu.vector_store %arg11[%swap3A_457, %swap3A_458], %mul3A_454 {strides = array<i32>} : memref<128x144xf32, #tpu.memory_space<vmem>>, vector<16xf32>,
        %add3A_460 = arith.constant 3 : i32
        %add3A_461 = arith.addi %add3A_56, %add3A_460 : i32
        %get3A_462 = arith.index_cast %add3A_461 : i32 to index
        %get3A_463 = arith.constant 128 : index
        %get3A_464 = tpu.vector_load %arg11[%get3A_462, %get3A_463] {strides = array<i32>} : memref<128x144xf32, #tpu.memory_space<vmem>>, vector<16xf32>,
        %mul3A_465 = arith.mulf %get3A_464, %broadcast_in_dim3A_371 : vector<16xf32>
        %add3A_466 = arith.constant 3 : i32
        %add3A_467 = arith.addi %add3A_56, %add3A_466 : i32
        %swap3A_468 = arith.index_cast %add3A_467 : i32 to index
        %swap3A_469 = arith.constant 128 : index
        %swap3A_470 = tpu.vector_load %arg11[%swap3A_468, %swap3A_469] {strides = array<i32>} : memref<128x144xf32, #tpu.memory_space<vmem>>, vector<16xf32>,
        tpu.vector_store %arg11[%swap3A_468, %swap3A_469], %mul3A_465 {strides = array<i32>} : memref<128x144xf32, #tpu.memory_space<vmem>>, vector<16xf32>,
        %slice3A_471 = vector.extract_strided_slice %exp3A {offsets = [4], sizes = [1], strides = [1]} : vector<16xf32> to vector<1xf32>
        %squeeze3A_472 = vector.extract %slice3A_471[0] : f32 from vector<1xf32>
        %broadcast_in_dim3A_473 = vector.broadcast %squeeze3A_472 : f32 to vector<16xf32>
        %add3A_474 = arith.constant 4 : i32
        %add3A_475 = arith.addi %add3A_56, %add3A_474 : i32
        %get3A_476 = arith.index_cast %add3A_475 : i32 to index
        %get3A_477 = arith.constant 0 : index
        %get3A_478 = tpu.vector_load %arg11[%get3A_476, %get3A_477] {strides = array<i32>} : memref<128x144xf32, #tpu.memory_space<vmem>>, vector<16xf32>,
        %mul3A_479 = arith.mulf %get3A_478, %broadcast_in_dim3A_473 : vector<16xf32>
        %add3A_480 = arith.constant 4 : i32
        %add3A_481 = arith.addi %add3A_56, %add3A_480 : i32
        %swap3A_482 = arith.index_cast %add3A_481 : i32 to index
        %swap3A_483 = arith.constant 0 : index
        %swap3A_484 = tpu.vector_load %arg11[%swap3A_482, %swap3A_483] {strides = array<i32>} : memref<128x144xf32, #tpu.memory_space<vmem>>, vector<16xf32>,
        tpu.vector_store %arg11[%swap3A_482, %swap3A_483], %mul3A_479 {strides = array<i32>} : memref<128x144xf32, #tpu.memory_space<vmem>>, vector<16xf32>,
        %add3A_485 = arith.constant 4 : i32
        %add3A_486 = arith.addi %add3A_56, %add3A_485 : i32
        %get3A_487 = arith.index_cast %add3A_486 : i32 to index
        %get3A_488 = arith.constant 16 : index
        %get3A_489 = tpu.vector_load %arg11[%get3A_487, %get3A_488] {strides = array<i32>} : memref<128x144xf32, #tpu.memory_space<vmem>>, vector<16xf32>,
        %mul3A_490 = arith.mulf %get3A_489, %broadcast_in_dim3A_473 : vector<16xf32>
        %add3A_491 = arith.constant 4 : i32
        %add3A_492 = arith.addi %add3A_56, %add3A_491 : i32
        %swap3A_493 = arith.index_cast %add3A_492 : i32 to index
        %swap3A_494 = arith.constant 16 : index
        %swap3A_495 = tpu.vector_load %arg11[%swap3A_493, %swap3A_494] {strides = array<i32>} : memref<128x144xf32, #tpu.memory_space<vmem>>, vector<16xf32>,
        tpu.vector_store %arg11[%swap3A_493, %swap3A_494], %mul3A_490 {strides = array<i32>} : memref<128x144xf32, #tpu.memory_space<vmem>>, vector<16xf32>,
        %add3A_496 = arith.constant 4 : i32
        %add3A_497 = arith.addi %add3A_56, %add3A_496 : i32
        %get3A_498 = arith.index_cast %add3A_497 : i32 to index
        %get3A_499 = arith.constant 32 : index
        %get3A_500 = tpu.vector_load %arg11[%get3A_498, %get3A_499] {strides = array<i32>} : memref<128x144xf32, #tpu.memory_space<vmem>>, vector<16xf32>,
        %mul3A_501 = arith.mulf %get3A_500, %broadcast_in_dim3A_473 : vector<16xf32>
        %add3A_502 = arith.constant 4 : i32
        %add3A_503 = arith.addi %add3A_56, %add3A_502 : i32
        %swap3A_504 = arith.index_cast %add3A_503 : i32 to index
        %swap3A_505 = arith.constant 32 : index
        %swap3A_506 = tpu.vector_load %arg11[%swap3A_504, %swap3A_505] {strides = array<i32>} : memref<128x144xf32, #tpu.memory_space<vmem>>, vector<16xf32>,
        tpu.vector_store %arg11[%swap3A_504, %swap3A_505], %mul3A_501 {strides = array<i32>} : memref<128x144xf32, #tpu.memory_space<vmem>>, vector<16xf32>,
        %add3A_507 = arith.constant 4 : i32
        %add3A_508 = arith.addi %add3A_56, %add3A_507 : i32
        %get3A_509 = arith.index_cast %add3A_508 : i32 to index
        %get3A_510 = arith.constant 48 : index
        %get3A_511 = tpu.vector_load %arg11[%get3A_509, %get3A_510] {strides = array<i32>} : memref<128x144xf32, #tpu.memory_space<vmem>>, vector<16xf32>,
        %mul3A_512 = arith.mulf %get3A_511, %broadcast_in_dim3A_473 : vector<16xf32>
        %add3A_513 = arith.constant 4 : i32
        %add3A_514 = arith.addi %add3A_56, %add3A_513 : i32
        %swap3A_515 = arith.index_cast %add3A_514 : i32 to index
        %swap3A_516 = arith.constant 48 : index
        %swap3A_517 = tpu.vector_load %arg11[%swap3A_515, %swap3A_516] {strides = array<i32>} : memref<128x144xf32, #tpu.memory_space<vmem>>, vector<16xf32>,
        tpu.vector_store %arg11[%swap3A_515, %swap3A_516], %mul3A_512 {strides = array<i32>} : memref<128x144xf32, #tpu.memory_space<vmem>>, vector<16xf32>,
        %add3A_518 = arith.constant 4 : i32
        %add3A_519 = arith.addi %add3A_56, %add3A_518 : i32
        %get3A_520 = arith.index_cast %add3A_519 : i32 to index
        %get3A_521 = arith.constant 64 : index
        %get3A_522 = tpu.vector_load %arg11[%get3A_520, %get3A_521] {strides = array<i32>} : memref<128x144xf32, #tpu.memory_space<vmem>>, vector<16xf32>,
        %mul3A_523 = arith.mulf %get3A_522, %broadcast_in_dim3A_473 : vector<16xf32>
        %add3A_524 = arith.constant 4 : i32
        %add3A_525 = arith.addi %add3A_56, %add3A_524 : i32
        %swap3A_526 = arith.index_cast %add3A_525 : i32 to index
        %swap3A_527 = arith.constant 64 : index
        %swap3A_528 = tpu.vector_load %arg11[%swap3A_526, %swap3A_527] {strides = array<i32>} : memref<128x144xf32, #tpu.memory_space<vmem>>, vector<16xf32>,
        tpu.vector_store %arg11[%swap3A_526, %swap3A_527], %mul3A_523 {strides = array<i32>} : memref<128x144xf32, #tpu.memory_space<vmem>>, vector<16xf32>,
        %add3A_529 = arith.constant 4 : i32
        %add3A_530 = arith.addi %add3A_56, %add3A_529 : i32
        %get3A_531 = arith.index_cast %add3A_530 : i32 to index
        %get3A_532 = arith.constant 80 : index
        %get3A_533 = tpu.vector_load %arg11[%get3A_531, %get3A_532] {strides = array<i32>} : memref<128x144xf32, #tpu.memory_space<vmem>>, vector<16xf32>,
        %mul3A_534 = arith.mulf %get3A_533, %broadcast_in_dim3A_473 : vector<16xf32>
        %add3A_535 = arith.constant 4 : i32
        %add3A_536 = arith.addi %add3A_56, %add3A_535 : i32
        %swap3A_537 = arith.index_cast %add3A_536 : i32 to index
        %swap3A_538 = arith.constant 80 : index
        %swap3A_539 = tpu.vector_load %arg11[%swap3A_537, %swap3A_538] {strides = array<i32>} : memref<128x144xf32, #tpu.memory_space<vmem>>, vector<16xf32>,
        tpu.vector_store %arg11[%swap3A_537, %swap3A_538], %mul3A_534 {strides = array<i32>} : memref<128x144xf32, #tpu.memory_space<vmem>>, vector<16xf32>,
        %add3A_540 = arith.constant 4 : i32
        %add3A_541 = arith.addi %add3A_56, %add3A_540 : i32
        %get3A_542 = arith.index_cast %add3A_541 : i32 to index
        %get3A_543 = arith.constant 96 : index
        %get3A_544 = tpu.vector_load %arg11[%get3A_542, %get3A_543] {strides = array<i32>} : memref<128x144xf32, #tpu.memory_space<vmem>>, vector<16xf32>,
        %mul3A_545 = arith.mulf %get3A_544, %broadcast_in_dim3A_473 : vector<16xf32>
        %add3A_546 = arith.constant 4 : i32
        %add3A_547 = arith.addi %add3A_56, %add3A_546 : i32
        %swap3A_548 = arith.index_cast %add3A_547 : i32 to index
        %swap3A_549 = arith.constant 96 : index
        %swap3A_550 = tpu.vector_load %arg11[%swap3A_548, %swap3A_549] {strides = array<i32>} : memref<128x144xf32, #tpu.memory_space<vmem>>, vector<16xf32>,
        tpu.vector_store %arg11[%swap3A_548, %swap3A_549], %mul3A_545 {strides = array<i32>} : memref<128x144xf32, #tpu.memory_space<vmem>>, vector<16xf32>,
        %add3A_551 = arith.constant 4 : i32
        %add3A_552 = arith.addi %add3A_56, %add3A_551 : i32
        %get3A_553 = arith.index_cast %add3A_552 : i32 to index
        %get3A_554 = arith.constant 112 : index
        %get3A_555 = tpu.vector_load %arg11[%get3A_553, %get3A_554] {strides = array<i32>} : memref<128x144xf32, #tpu.memory_space<vmem>>, vector<16xf32>,
        %mul3A_556 = arith.mulf %get3A_555, %broadcast_in_dim3A_473 : vector<16xf32>
        %add3A_557 = arith.constant 4 : i32
        %add3A_558 = arith.addi %add3A_56, %add3A_557 : i32
        %swap3A_559 = arith.index_cast %add3A_558 : i32 to index
        %swap3A_560 = arith.constant 112 : index
        %swap3A_561 = tpu.vector_load %arg11[%swap3A_559, %swap3A_560] {strides = array<i32>} : memref<128x144xf32, #tpu.memory_space<vmem>>, vector<16xf32>,
        tpu.vector_store %arg11[%swap3A_559, %swap3A_560], %mul3A_556 {strides = array<i32>} : memref<128x144xf32, #tpu.memory_space<vmem>>, vector<16xf32>,
        %add3A_562 = arith.constant 4 : i32
        %add3A_563 = arith.addi %add3A_56, %add3A_562 : i32
        %get3A_564 = arith.index_cast %add3A_563 : i32 to index
        %get3A_565 = arith.constant 128 : index
        %get3A_566 = tpu.vector_load %arg11[%get3A_564, %get3A_565] {strides = array<i32>} : memref<128x144xf32, #tpu.memory_space<vmem>>, vector<16xf32>,
        %mul3A_567 = arith.mulf %get3A_566, %broadcast_in_dim3A_473 : vector<16xf32>
        %add3A_568 = arith.constant 4 : i32
        %add3A_569 = arith.addi %add3A_56, %add3A_568 : i32
        %swap3A_570 = arith.index_cast %add3A_569 : i32 to index
        %swap3A_571 = arith.constant 128 : index
        %swap3A_572 = tpu.vector_load %arg11[%swap3A_570, %swap3A_571] {strides = array<i32>} : memref<128x144xf32, #tpu.memory_space<vmem>>, vector<16xf32>,
        tpu.vector_store %arg11[%swap3A_570, %swap3A_571], %mul3A_567 {strides = array<i32>} : memref<128x144xf32, #tpu.memory_space<vmem>>, vector<16xf32>,
        %slice3A_573 = vector.extract_strided_slice %exp3A {offsets = [5], sizes = [1], strides = [1]} : vector<16xf32> to vector<1xf32>
        %squeeze3A_574 = vector.extract %slice3A_573[0] : f32 from vector<1xf32>
        %broadcast_in_dim3A_575 = vector.broadcast %squeeze3A_574 : f32 to vector<16xf32>
        %add3A_576 = arith.constant 5 : i32
        %add3A_577 = arith.addi %add3A_56, %add3A_576 : i32
        %get3A_578 = arith.index_cast %add3A_577 : i32 to index
        %get3A_579 = arith.constant 0 : index
        %get3A_580 = tpu.vector_load %arg11[%get3A_578, %get3A_579] {strides = array<i32>} : memref<128x144xf32, #tpu.memory_space<vmem>>, vector<16xf32>,
        %mul3A_581 = arith.mulf %get3A_580, %broadcast_in_dim3A_575 : vector<16xf32>
        %add3A_582 = arith.constant 5 : i32
        %add3A_583 = arith.addi %add3A_56, %add3A_582 : i32
        %swap3A_584 = arith.index_cast %add3A_583 : i32 to index
        %swap3A_585 = arith.constant 0 : index
        %swap3A_586 = tpu.vector_load %arg11[%swap3A_584, %swap3A_585] {strides = array<i32>} : memref<128x144xf32, #tpu.memory_space<vmem>>, vector<16xf32>,
        tpu.vector_store %arg11[%swap3A_584, %swap3A_585], %mul3A_581 {strides = array<i32>} : memref<128x144xf32, #tpu.memory_space<vmem>>, vector<16xf32>,
        %add3A_587 = arith.constant 5 : i32
        %add3A_588 = arith.addi %add3A_56, %add3A_587 : i32
        %get3A_589 = arith.index_cast %add3A_588 : i32 to index
        %get3A_590 = arith.constant 16 : index
        %get3A_591 = tpu.vector_load %arg11[%get3A_589, %get3A_590] {strides = array<i32>} : memref<128x144xf32, #tpu.memory_space<vmem>>, vector<16xf32>,
        %mul3A_592 = arith.mulf %get3A_591, %broadcast_in_dim3A_575 : vector<16xf32>
        %add3A_593 = arith.constant 5 : i32
        %add3A_594 = arith.addi %add3A_56, %add3A_593 : i32
        %swap3A_595 = arith.index_cast %add3A_594 : i32 to index
        %swap3A_596 = arith.constant 16 : index
        %swap3A_597 = tpu.vector_load %arg11[%swap3A_595, %swap3A_596] {strides = array<i32>} : memref<128x144xf32, #tpu.memory_space<vmem>>, vector<16xf32>,
        tpu.vector_store %arg11[%swap3A_595, %swap3A_596], %mul3A_592 {strides = array<i32>} : memref<128x144xf32, #tpu.memory_space<vmem>>, vector<16xf32>,
        %add3A_598 = arith.constant 5 : i32
        %add3A_599 = arith.addi %add3A_56, %add3A_598 : i32
        %get3A_600 = arith.index_cast %add3A_599 : i32 to index
        %get3A_601 = arith.constant 32 : index
        %get3A_602 = tpu.vector_load %arg11[%get3A_600, %get3A_601] {strides = array<i32>} : memref<128x144xf32, #tpu.memory_space<vmem>>, vector<16xf32>,
        %mul3A_603 = arith.mulf %get3A_602, %broadcast_in_dim3A_575 : vector<16xf32>
        %add3A_604 = arith.constant 5 : i32
        %add3A_605 = arith.addi %add3A_56, %add3A_604 : i32
        %swap3A_606 = arith.index_cast %add3A_605 : i32 to index
        %swap3A_607 = arith.constant 32 : index
        %swap3A_608 = tpu.vector_load %arg11[%swap3A_606, %swap3A_607] {strides = array<i32>} : memref<128x144xf32, #tpu.memory_space<vmem>>, vector<16xf32>,
        tpu.vector_store %arg11[%swap3A_606, %swap3A_607], %mul3A_603 {strides = array<i32>} : memref<128x144xf32, #tpu.memory_space<vmem>>, vector<16xf32>,
        %add3A_609 = arith.constant 5 : i32
        %add3A_610 = arith.addi %add3A_56, %add3A_609 : i32
        %get3A_611 = arith.index_cast %add3A_610 : i32 to index
        %get3A_612 = arith.constant 48 : index
        %get3A_613 = tpu.vector_load %arg11[%get3A_611, %get3A_612] {strides = array<i32>} : memref<128x144xf32, #tpu.memory_space<vmem>>, vector<16xf32>,
        %mul3A_614 = arith.mulf %get3A_613, %broadcast_in_dim3A_575 : vector<16xf32>
        %add3A_615 = arith.constant 5 : i32
        %add3A_616 = arith.addi %add3A_56, %add3A_615 : i32
        %swap3A_617 = arith.index_cast %add3A_616 : i32 to index
        %swap3A_618 = arith.constant 48 : index
        %swap3A_619 = tpu.vector_load %arg11[%swap3A_617, %swap3A_618] {strides = array<i32>} : memref<128x144xf32, #tpu.memory_space<vmem>>, vector<16xf32>,
        tpu.vector_store %arg11[%swap3A_617, %swap3A_618], %mul3A_614 {strides = array<i32>} : memref<128x144xf32, #tpu.memory_space<vmem>>, vector<16xf32>,
        %add3A_620 = arith.constant 5 : i32
        %add3A_621 = arith.addi %add3A_56, %add3A_620 : i32
        %get3A_622 = arith.index_cast %add3A_621 : i32 to index
        %get3A_623 = arith.constant 64 : index
        %get3A_624 = tpu.vector_load %arg11[%get3A_622, %get3A_623] {strides = array<i32>} : memref<128x144xf32, #tpu.memory_space<vmem>>, vector<16xf32>,
        %mul3A_625 = arith.mulf %get3A_624, %broadcast_in_dim3A_575 : vector<16xf32>
        %add3A_626 = arith.constant 5 : i32
        %add3A_627 = arith.addi %add3A_56, %add3A_626 : i32
        %swap3A_628 = arith.index_cast %add3A_627 : i32 to index
        %swap3A_629 = arith.constant 64 : index
        %swap3A_630 = tpu.vector_load %arg11[%swap3A_628, %swap3A_629] {strides = array<i32>} : memref<128x144xf32, #tpu.memory_space<vmem>>, vector<16xf32>,
        tpu.vector_store %arg11[%swap3A_628, %swap3A_629], %mul3A_625 {strides = array<i32>} : memref<128x144xf32, #tpu.memory_space<vmem>>, vector<16xf32>,
        %add3A_631 = arith.constant 5 : i32
        %add3A_632 = arith.addi %add3A_56, %add3A_631 : i32
        %get3A_633 = arith.index_cast %add3A_632 : i32 to index
        %get3A_634 = arith.constant 80 : index
        %get3A_635 = tpu.vector_load %arg11[%get3A_633, %get3A_634] {strides = array<i32>} : memref<128x144xf32, #tpu.memory_space<vmem>>, vector<16xf32>,
        %mul3A_636 = arith.mulf %get3A_635, %broadcast_in_dim3A_575 : vector<16xf32>
        %add3A_637 = arith.constant 5 : i32
        %add3A_638 = arith.addi %add3A_56, %add3A_637 : i32
        %swap3A_639 = arith.index_cast %add3A_638 : i32 to index
        %swap3A_640 = arith.constant 80 : index
        %swap3A_641 = tpu.vector_load %arg11[%swap3A_639, %swap3A_640] {strides = array<i32>} : memref<128x144xf32, #tpu.memory_space<vmem>>, vector<16xf32>,
        tpu.vector_store %arg11[%swap3A_639, %swap3A_640], %mul3A_636 {strides = array<i32>} : memref<128x144xf32, #tpu.memory_space<vmem>>, vector<16xf32>,
        %add3A_642 = arith.constant 5 : i32
        %add3A_643 = arith.addi %add3A_56, %add3A_642 : i32
        %get3A_644 = arith.index_cast %add3A_643 : i32 to index
        %get3A_645 = arith.constant 96 : index
        %get3A_646 = tpu.vector_load %arg11[%get3A_644, %get3A_645] {strides = array<i32>} : memref<128x144xf32, #tpu.memory_space<vmem>>, vector<16xf32>,
        %mul3A_647 = arith.mulf %get3A_646, %broadcast_in_dim3A_575 : vector<16xf32>
        %add3A_648 = arith.constant 5 : i32
        %add3A_649 = arith.addi %add3A_56, %add3A_648 : i32
        %swap3A_650 = arith.index_cast %add3A_649 : i32 to index
        %swap3A_651 = arith.constant 96 : index
        %swap3A_652 = tpu.vector_load %arg11[%swap3A_650, %swap3A_651] {strides = array<i32>} : memref<128x144xf32, #tpu.memory_space<vmem>>, vector<16xf32>,
        tpu.vector_store %arg11[%swap3A_650, %swap3A_651], %mul3A_647 {strides = array<i32>} : memref<128x144xf32, #tpu.memory_space<vmem>>, vector<16xf32>,
        %add3A_653 = arith.constant 5 : i32
        %add3A_654 = arith.addi %add3A_56, %add3A_653 : i32
        %get3A_655 = arith.index_cast %add3A_654 : i32 to index
        %get3A_656 = arith.constant 112 : index
        %get3A_657 = tpu.vector_load %arg11[%get3A_655, %get3A_656] {strides = array<i32>} : memref<128x144xf32, #tpu.memory_space<vmem>>, vector<16xf32>,
        %mul3A_658 = arith.mulf %get3A_657, %broadcast_in_dim3A_575 : vector<16xf32>
        %add3A_659 = arith.constant 5 : i32
        %add3A_660 = arith.addi %add3A_56, %add3A_659 : i32
        %swap3A_661 = arith.index_cast %add3A_660 : i32 to index
        %swap3A_662 = arith.constant 112 : index
        %swap3A_663 = tpu.vector_load %arg11[%swap3A_661, %swap3A_662] {strides = array<i32>} : memref<128x144xf32, #tpu.memory_space<vmem>>, vector<16xf32>,
        tpu.vector_store %arg11[%swap3A_661, %swap3A_662], %mul3A_658 {strides = array<i32>} : memref<128x144xf32, #tpu.memory_space<vmem>>, vector<16xf32>,
        %add3A_664 = arith.constant 5 : i32
        %add3A_665 = arith.addi %add3A_56, %add3A_664 : i32
        %get3A_666 = arith.index_cast %add3A_665 : i32 to index
        %get3A_667 = arith.constant 128 : index
        %get3A_668 = tpu.vector_load %arg11[%get3A_666, %get3A_667] {strides = array<i32>} : memref<128x144xf32, #tpu.memory_space<vmem>>, vector<16xf32>,
        %mul3A_669 = arith.mulf %get3A_668, %broadcast_in_dim3A_575 : vector<16xf32>
        %add3A_670 = arith.constant 5 : i32
        %add3A_671 = arith.addi %add3A_56, %add3A_670 : i32
        %swap3A_672 = arith.index_cast %add3A_671 : i32 to index
        %swap3A_673 = arith.constant 128 : index
        %swap3A_674 = tpu.vector_load %arg11[%swap3A_672, %swap3A_673] {strides = array<i32>} : memref<128x144xf32, #tpu.memory_space<vmem>>, vector<16xf32>,
        tpu.vector_store %arg11[%swap3A_672, %swap3A_673], %mul3A_669 {strides = array<i32>} : memref<128x144xf32, #tpu.memory_space<vmem>>, vector<16xf32>,
        %slice3A_675 = vector.extract_strided_slice %exp3A {offsets = [6], sizes = [1], strides = [1]} : vector<16xf32> to vector<1xf32>
        %squeeze3A_676 = vector.extract %slice3A_675[0] : f32 from vector<1xf32>
        %broadcast_in_dim3A_677 = vector.broadcast %squeeze3A_676 : f32 to vector<16xf32>
        %add3A_678 = arith.constant 6 : i32
        %add3A_679 = arith.addi %add3A_56, %add3A_678 : i32
        %get3A_680 = arith.index_cast %add3A_679 : i32 to index
        %get3A_681 = arith.constant 0 : index
        %get3A_682 = tpu.vector_load %arg11[%get3A_680, %get3A_681] {strides = array<i32>} : memref<128x144xf32, #tpu.memory_space<vmem>>, vector<16xf32>,
        %mul3A_683 = arith.mulf %get3A_682, %broadcast_in_dim3A_677 : vector<16xf32>
        %add3A_684 = arith.constant 6 : i32
        %add3A_685 = arith.addi %add3A_56, %add3A_684 : i32
        %swap3A_686 = arith.index_cast %add3A_685 : i32 to index
        %swap3A_687 = arith.constant 0 : index
        %swap3A_688 = tpu.vector_load %arg11[%swap3A_686, %swap3A_687] {strides = array<i32>} : memref<128x144xf32, #tpu.memory_space<vmem>>, vector<16xf32>,
        tpu.vector_store %arg11[%swap3A_686, %swap3A_687], %mul3A_683 {strides = array<i32>} : memref<128x144xf32, #tpu.memory_space<vmem>>, vector<16xf32>,
        %add3A_689 = arith.constant 6 : i32
        %add3A_690 = arith.addi %add3A_56, %add3A_689 : i32
        %get3A_691 = arith.index_cast %add3A_690 : i32 to index
        %get3A_692 = arith.constant 16 : index
        %get3A_693 = tpu.vector_load %arg11[%get3A_691, %get3A_692] {strides = array<i32>} : memref<128x144xf32, #tpu.memory_space<vmem>>, vector<16xf32>,
        %mul3A_694 = arith.mulf %get3A_693, %broadcast_in_dim3A_677 : vector<16xf32>
        %add3A_695 = arith.constant 6 : i32
        %add3A_696 = arith.addi %add3A_56, %add3A_695 : i32
        %swap3A_697 = arith.index_cast %add3A_696 : i32 to index
        %swap3A_698 = arith.constant 16 : index
        %swap3A_699 = tpu.vector_load %arg11[%swap3A_697, %swap3A_698] {strides = array<i32>} : memref<128x144xf32, #tpu.memory_space<vmem>>, vector<16xf32>,
        tpu.vector_store %arg11[%swap3A_697, %swap3A_698], %mul3A_694 {strides = array<i32>} : memref<128x144xf32, #tpu.memory_space<vmem>>, vector<16xf32>,
        %add3A_700 = arith.constant 6 : i32
        %add3A_701 = arith.addi %add3A_56, %add3A_700 : i32
        %get3A_702 = arith.index_cast %add3A_701 : i32 to index
        %get3A_703 = arith.constant 32 : index
        %get3A_704 = tpu.vector_load %arg11[%get3A_702, %get3A_703] {strides = array<i32>} : memref<128x144xf32, #tpu.memory_space<vmem>>, vector<16xf32>,
        %mul3A_705 = arith.mulf %get3A_704, %broadcast_in_dim3A_677 : vector<16xf32>
        %add3A_706 = arith.constant 6 : i32
        %add3A_707 = arith.addi %add3A_56, %add3A_706 : i32
        %swap3A_708 = arith.index_cast %add3A_707 : i32 to index
        %swap3A_709 = arith.constant 32 : index
        %swap3A_710 = tpu.vector_load %arg11[%swap3A_708, %swap3A_709] {strides = array<i32>} : memref<128x144xf32, #tpu.memory_space<vmem>>, vector<16xf32>,
        tpu.vector_store %arg11[%swap3A_708, %swap3A_709], %mul3A_705 {strides = array<i32>} : memref<128x144xf32, #tpu.memory_space<vmem>>, vector<16xf32>,
        %add3A_711 = arith.constant 6 : i32
        %add3A_712 = arith.addi %add3A_56, %add3A_711 : i32
        %get3A_713 = arith.index_cast %add3A_712 : i32 to index
        %get3A_714 = arith.constant 48 : index
        %get3A_715 = tpu.vector_load %arg11[%get3A_713, %get3A_714] {strides = array<i32>} : memref<128x144xf32, #tpu.memory_space<vmem>>, vector<16xf32>,
        %mul3A_716 = arith.mulf %get3A_715, %broadcast_in_dim3A_677 : vector<16xf32>
        %add3A_717 = arith.constant 6 : i32
        %add3A_718 = arith.addi %add3A_56, %add3A_717 : i32
        %swap3A_719 = arith.index_cast %add3A_718 : i32 to index
        %swap3A_720 = arith.constant 48 : index
        %swap3A_721 = tpu.vector_load %arg11[%swap3A_719, %swap3A_720] {strides = array<i32>} : memref<128x144xf32, #tpu.memory_space<vmem>>, vector<16xf32>,
        tpu.vector_store %arg11[%swap3A_719, %swap3A_720], %mul3A_716 {strides = array<i32>} : memref<128x144xf32, #tpu.memory_space<vmem>>, vector<16xf32>,
        %add3A_722 = arith.constant 6 : i32
        %add3A_723 = arith.addi %add3A_56, %add3A_722 : i32
        %get3A_724 = arith.index_cast %add3A_723 : i32 to index
        %get3A_725 = arith.constant 64 : index
        %get3A_726 = tpu.vector_load %arg11[%get3A_724, %get3A_725] {strides = array<i32>} : memref<128x144xf32, #tpu.memory_space<vmem>>, vector<16xf32>,
        %mul3A_727 = arith.mulf %get3A_726, %broadcast_in_dim3A_677 : vector<16xf32>
        %add3A_728 = arith.constant 6 : i32
        %add3A_729 = arith.addi %add3A_56, %add3A_728 : i32
        %swap3A_730 = arith.index_cast %add3A_729 : i32 to index
        %swap3A_731 = arith.constant 64 : index
        %swap3A_732 = tpu.vector_load %arg11[%swap3A_730, %swap3A_731] {strides = array<i32>} : memref<128x144xf32, #tpu.memory_space<vmem>>, vector<16xf32>,
        tpu.vector_store %arg11[%swap3A_730, %swap3A_731], %mul3A_727 {strides = array<i32>} : memref<128x144xf32, #tpu.memory_space<vmem>>, vector<16xf32>,
        %add3A_733 = arith.constant 6 : i32
        %add3A_734 = arith.addi %add3A_56, %add3A_733 : i32
        %get3A_735 = arith.index_cast %add3A_734 : i32 to index
        %get3A_736 = arith.constant 80 : index
        %get3A_737 = tpu.vector_load %arg11[%get3A_735, %get3A_736] {strides = array<i32>} : memref<128x144xf32, #tpu.memory_space<vmem>>, vector<16xf32>,
        %mul3A_738 = arith.mulf %get3A_737, %broadcast_in_dim3A_677 : vector<16xf32>
        %add3A_739 = arith.constant 6 : i32
        %add3A_740 = arith.addi %add3A_56, %add3A_739 : i32
        %swap3A_741 = arith.index_cast %add3A_740 : i32 to index
        %swap3A_742 = arith.constant 80 : index
        %swap3A_743 = tpu.vector_load %arg11[%swap3A_741, %swap3A_742] {strides = array<i32>} : memref<128x144xf32, #tpu.memory_space<vmem>>, vector<16xf32>,
        tpu.vector_store %arg11[%swap3A_741, %swap3A_742], %mul3A_738 {strides = array<i32>} : memref<128x144xf32, #tpu.memory_space<vmem>>, vector<16xf32>,
        %add3A_744 = arith.constant 6 : i32
        %add3A_745 = arith.addi %add3A_56, %add3A_744 : i32
        %get3A_746 = arith.index_cast %add3A_745 : i32 to index
        %get3A_747 = arith.constant 96 : index
        %get3A_748 = tpu.vector_load %arg11[%get3A_746, %get3A_747] {strides = array<i32>} : memref<128x144xf32, #tpu.memory_space<vmem>>, vector<16xf32>,
        %mul3A_749 = arith.mulf %get3A_748, %broadcast_in_dim3A_677 : vector<16xf32>
        %add3A_750 = arith.constant 6 : i32
        %add3A_751 = arith.addi %add3A_56, %add3A_750 : i32
        %swap3A_752 = arith.index_cast %add3A_751 : i32 to index
        %swap3A_753 = arith.constant 96 : index
        %swap3A_754 = tpu.vector_load %arg11[%swap3A_752, %swap3A_753] {strides = array<i32>} : memref<128x144xf32, #tpu.memory_space<vmem>>, vector<16xf32>,
        tpu.vector_store %arg11[%swap3A_752, %swap3A_753], %mul3A_749 {strides = array<i32>} : memref<128x144xf32, #tpu.memory_space<vmem>>, vector<16xf32>,
        %add3A_755 = arith.constant 6 : i32
        %add3A_756 = arith.addi %add3A_56, %add3A_755 : i32
        %get3A_757 = arith.index_cast %add3A_756 : i32 to index
        %get3A_758 = arith.constant 112 : index
        %get3A_759 = tpu.vector_load %arg11[%get3A_757, %get3A_758] {strides = array<i32>} : memref<128x144xf32, #tpu.memory_space<vmem>>, vector<16xf32>,
        %mul3A_760 = arith.mulf %get3A_759, %broadcast_in_dim3A_677 : vector<16xf32>
        %add3A_761 = arith.constant 6 : i32
        %add3A_762 = arith.addi %add3A_56, %add3A_761 : i32
        %swap3A_763 = arith.index_cast %add3A_762 : i32 to index
        %swap3A_764 = arith.constant 112 : index
        %swap3A_765 = tpu.vector_load %arg11[%swap3A_763, %swap3A_764] {strides = array<i32>} : memref<128x144xf32, #tpu.memory_space<vmem>>, vector<16xf32>,
        tpu.vector_store %arg11[%swap3A_763, %swap3A_764], %mul3A_760 {strides = array<i32>} : memref<128x144xf32, #tpu.memory_space<vmem>>, vector<16xf32>,
        %add3A_766 = arith.constant 6 : i32
        %add3A_767 = arith.addi %add3A_56, %add3A_766 : i32
        %get3A_768 = arith.index_cast %add3A_767 : i32 to index
        %get3A_769 = arith.constant 128 : index
        %get3A_770 = tpu.vector_load %arg11[%get3A_768, %get3A_769] {strides = array<i32>} : memref<128x144xf32, #tpu.memory_space<vmem>>, vector<16xf32>,
        %mul3A_771 = arith.mulf %get3A_770, %broadcast_in_dim3A_677 : vector<16xf32>
        %add3A_772 = arith.constant 6 : i32
        %add3A_773 = arith.addi %add3A_56, %add3A_772 : i32
        %swap3A_774 = arith.index_cast %add3A_773 : i32 to index
        %swap3A_775 = arith.constant 128 : index
        %swap3A_776 = tpu.vector_load %arg11[%swap3A_774, %swap3A_775] {strides = array<i32>} : memref<128x144xf32, #tpu.memory_space<vmem>>, vector<16xf32>,
        tpu.vector_store %arg11[%swap3A_774, %swap3A_775], %mul3A_771 {strides = array<i32>} : memref<128x144xf32, #tpu.memory_space<vmem>>, vector<16xf32>,
        %slice3A_777 = vector.extract_strided_slice %exp3A {offsets = [7], sizes = [1], strides = [1]} : vector<16xf32> to vector<1xf32>
        %squeeze3A_778 = vector.extract %slice3A_777[0] : f32 from vector<1xf32>
        %broadcast_in_dim3A_779 = vector.broadcast %squeeze3A_778 : f32 to vector<16xf32>
        %add3A_780 = arith.constant 7 : i32
        %add3A_781 = arith.addi %add3A_56, %add3A_780 : i32
        %get3A_782 = arith.index_cast %add3A_781 : i32 to index
        %get3A_783 = arith.constant 0 : index
        %get3A_784 = tpu.vector_load %arg11[%get3A_782, %get3A_783] {strides = array<i32>} : memref<128x144xf32, #tpu.memory_space<vmem>>, vector<16xf32>,
        %mul3A_785 = arith.mulf %get3A_784, %broadcast_in_dim3A_779 : vector<16xf32>
        %add3A_786 = arith.constant 7 : i32
        %add3A_787 = arith.addi %add3A_56, %add3A_786 : i32
        %swap3A_788 = arith.index_cast %add3A_787 : i32 to index
        %swap3A_789 = arith.constant 0 : index
        %swap3A_790 = tpu.vector_load %arg11[%swap3A_788, %swap3A_789] {strides = array<i32>} : memref<128x144xf32, #tpu.memory_space<vmem>>, vector<16xf32>,
        tpu.vector_store %arg11[%swap3A_788, %swap3A_789], %mul3A_785 {strides = array<i32>} : memref<128x144xf32, #tpu.memory_space<vmem>>, vector<16xf32>,
        %add3A_791 = arith.constant 7 : i32
        %add3A_792 = arith.addi %add3A_56, %add3A_791 : i32
        %get3A_793 = arith.index_cast %add3A_792 : i32 to index
        %get3A_794 = arith.constant 16 : index
        %get3A_795 = tpu.vector_load %arg11[%get3A_793, %get3A_794] {strides = array<i32>} : memref<128x144xf32, #tpu.memory_space<vmem>>, vector<16xf32>,
        %mul3A_796 = arith.mulf %get3A_795, %broadcast_in_dim3A_779 : vector<16xf32>
        %add3A_797 = arith.constant 7 : i32
        %add3A_798 = arith.addi %add3A_56, %add3A_797 : i32
        %swap3A_799 = arith.index_cast %add3A_798 : i32 to index
        %swap3A_800 = arith.constant 16 : index
        %swap3A_801 = tpu.vector_load %arg11[%swap3A_799, %swap3A_800] {strides = array<i32>} : memref<128x144xf32, #tpu.memory_space<vmem>>, vector<16xf32>,
        tpu.vector_store %arg11[%swap3A_799, %swap3A_800], %mul3A_796 {strides = array<i32>} : memref<128x144xf32, #tpu.memory_space<vmem>>, vector<16xf32>,
        %add3A_802 = arith.constant 7 : i32
        %add3A_803 = arith.addi %add3A_56, %add3A_802 : i32
        %get3A_804 = arith.index_cast %add3A_803 : i32 to index
        %get3A_805 = arith.constant 32 : index
        %get3A_806 = tpu.vector_load %arg11[%get3A_804, %get3A_805] {strides = array<i32>} : memref<128x144xf32, #tpu.memory_space<vmem>>, vector<16xf32>,
        %mul3A_807 = arith.mulf %get3A_806, %broadcast_in_dim3A_779 : vector<16xf32>
        %add3A_808 = arith.constant 7 : i32
        %add3A_809 = arith.addi %add3A_56, %add3A_808 : i32
        %swap3A_810 = arith.index_cast %add3A_809 : i32 to index
        %swap3A_811 = arith.constant 32 : index
        %swap3A_812 = tpu.vector_load %arg11[%swap3A_810, %swap3A_811] {strides = array<i32>} : memref<128x144xf32, #tpu.memory_space<vmem>>, vector<16xf32>,
        tpu.vector_store %arg11[%swap3A_810, %swap3A_811], %mul3A_807 {strides = array<i32>} : memref<128x144xf32, #tpu.memory_space<vmem>>, vector<16xf32>,
        %add3A_813 = arith.constant 7 : i32
        %add3A_814 = arith.addi %add3A_56, %add3A_813 : i32
        %get3A_815 = arith.index_cast %add3A_814 : i32 to index
        %get3A_816 = arith.constant 48 : index
        %get3A_817 = tpu.vector_load %arg11[%get3A_815, %get3A_816] {strides = array<i32>} : memref<128x144xf32, #tpu.memory_space<vmem>>, vector<16xf32>,
        %mul3A_818 = arith.mulf %get3A_817, %broadcast_in_dim3A_779 : vector<16xf32>
        %add3A_819 = arith.constant 7 : i32
        %add3A_820 = arith.addi %add3A_56, %add3A_819 : i32
        %swap3A_821 = arith.index_cast %add3A_820 : i32 to index
        %swap3A_822 = arith.constant 48 : index
        %swap3A_823 = tpu.vector_load %arg11[%swap3A_821, %swap3A_822] {strides = array<i32>} : memref<128x144xf32, #tpu.memory_space<vmem>>, vector<16xf32>,
        tpu.vector_store %arg11[%swap3A_821, %swap3A_822], %mul3A_818 {strides = array<i32>} : memref<128x144xf32, #tpu.memory_space<vmem>>, vector<16xf32>,
        %add3A_824 = arith.constant 7 : i32
        %add3A_825 = arith.addi %add3A_56, %add3A_824 : i32
        %get3A_826 = arith.index_cast %add3A_825 : i32 to index
        %get3A_827 = arith.constant 64 : index
        %get3A_828 = tpu.vector_load %arg11[%get3A_826, %get3A_827] {strides = array<i32>} : memref<128x144xf32, #tpu.memory_space<vmem>>, vector<16xf32>,
        %mul3A_829 = arith.mulf %get3A_828, %broadcast_in_dim3A_779 : vector<16xf32>
        %add3A_830 = arith.constant 7 : i32
        %add3A_831 = arith.addi %add3A_56, %add3A_830 : i32
        %swap3A_832 = arith.index_cast %add3A_831 : i32 to index
        %swap3A_833 = arith.constant 64 : index
        %swap3A_834 = tpu.vector_load %arg11[%swap3A_832, %swap3A_833] {strides = array<i32>} : memref<128x144xf32, #tpu.memory_space<vmem>>, vector<16xf32>,
        tpu.vector_store %arg11[%swap3A_832, %swap3A_833], %mul3A_829 {strides = array<i32>} : memref<128x144xf32, #tpu.memory_space<vmem>>, vector<16xf32>,
        %add3A_835 = arith.constant 7 : i32
        %add3A_836 = arith.addi %add3A_56, %add3A_835 : i32
        %get3A_837 = arith.index_cast %add3A_836 : i32 to index
        %get3A_838 = arith.constant 80 : index
        %get3A_839 = tpu.vector_load %arg11[%get3A_837, %get3A_838] {strides = array<i32>} : memref<128x144xf32, #tpu.memory_space<vmem>>, vector<16xf32>,
        %mul3A_840 = arith.mulf %get3A_839, %broadcast_in_dim3A_779 : vector<16xf32>
        %add3A_841 = arith.constant 7 : i32
        %add3A_842 = arith.addi %add3A_56, %add3A_841 : i32
        %swap3A_843 = arith.index_cast %add3A_842 : i32 to index
        %swap3A_844 = arith.constant 80 : index
        %swap3A_845 = tpu.vector_load %arg11[%swap3A_843, %swap3A_844] {strides = array<i32>} : memref<128x144xf32, #tpu.memory_space<vmem>>, vector<16xf32>,
        tpu.vector_store %arg11[%swap3A_843, %swap3A_844], %mul3A_840 {strides = array<i32>} : memref<128x144xf32, #tpu.memory_space<vmem>>, vector<16xf32>,
        %add3A_846 = arith.constant 7 : i32
        %add3A_847 = arith.addi %add3A_56, %add3A_846 : i32
        %get3A_848 = arith.index_cast %add3A_847 : i32 to index
        %get3A_849 = arith.constant 96 : index
        %get3A_850 = tpu.vector_load %arg11[%get3A_848, %get3A_849] {strides = array<i32>} : memref<128x144xf32, #tpu.memory_space<vmem>>, vector<16xf32>,
        %mul3A_851 = arith.mulf %get3A_850, %broadcast_in_dim3A_779 : vector<16xf32>
        %add3A_852 = arith.constant 7 : i32
        %add3A_853 = arith.addi %add3A_56, %add3A_852 : i32
        %swap3A_854 = arith.index_cast %add3A_853 : i32 to index
        %swap3A_855 = arith.constant 96 : index
        %swap3A_856 = tpu.vector_load %arg11[%swap3A_854, %swap3A_855] {strides = array<i32>} : memref<128x144xf32, #tpu.memory_space<vmem>>, vector<16xf32>,
        tpu.vector_store %arg11[%swap3A_854, %swap3A_855], %mul3A_851 {strides = array<i32>} : memref<128x144xf32, #tpu.memory_space<vmem>>, vector<16xf32>,
        %add3A_857 = arith.constant 7 : i32
        %add3A_858 = arith.addi %add3A_56, %add3A_857 : i32
        %get3A_859 = arith.index_cast %add3A_858 : i32 to index
        %get3A_860 = arith.constant 112 : index
        %get3A_861 = tpu.vector_load %arg11[%get3A_859, %get3A_860] {strides = array<i32>} : memref<128x144xf32, #tpu.memory_space<vmem>>, vector<16xf32>,
        %mul3A_862 = arith.mulf %get3A_861, %broadcast_in_dim3A_779 : vector<16xf32>
        %add3A_863 = arith.constant 7 : i32
        %add3A_864 = arith.addi %add3A_56, %add3A_863 : i32
        %swap3A_865 = arith.index_cast %add3A_864 : i32 to index
        %swap3A_866 = arith.constant 112 : index
        %swap3A_867 = tpu.vector_load %arg11[%swap3A_865, %swap3A_866] {strides = array<i32>} : memref<128x144xf32, #tpu.memory_space<vmem>>, vector<16xf32>,
        tpu.vector_store %arg11[%swap3A_865, %swap3A_866], %mul3A_862 {strides = array<i32>} : memref<128x144xf32, #tpu.memory_space<vmem>>, vector<16xf32>,
        %add3A_868 = arith.constant 7 : i32
        %add3A_869 = arith.addi %add3A_56, %add3A_868 : i32
        %get3A_870 = arith.index_cast %add3A_869 : i32 to index
        %get3A_871 = arith.constant 128 : index
        %get3A_872 = tpu.vector_load %arg11[%get3A_870, %get3A_871] {strides = array<i32>} : memref<128x144xf32, #tpu.memory_space<vmem>>, vector<16xf32>,
        %mul3A_873 = arith.mulf %get3A_872, %broadcast_in_dim3A_779 : vector<16xf32>
        %add3A_874 = arith.constant 7 : i32
        %add3A_875 = arith.addi %add3A_56, %add3A_874 : i32
        %swap3A_876 = arith.index_cast %add3A_875 : i32 to index
        %swap3A_877 = arith.constant 128 : index
        %swap3A_878 = tpu.vector_load %arg11[%swap3A_876, %swap3A_877] {strides = array<i32>} : memref<128x144xf32, #tpu.memory_space<vmem>>, vector<16xf32>,
        tpu.vector_store %arg11[%swap3A_876, %swap3A_877], %mul3A_873 {strides = array<i32>} : memref<128x144xf32, #tpu.memory_space<vmem>>, vector<16xf32>,
        %slice3A_879 = vector.extract_strided_slice %exp3A {offsets = [8], sizes = [1], strides = [1]} : vector<16xf32> to vector<1xf32>
        %squeeze3A_880 = vector.extract %slice3A_879[0] : f32 from vector<1xf32>
        %broadcast_in_dim3A_881 = vector.broadcast %squeeze3A_880 : f32 to vector<16xf32>
        %add3A_882 = arith.constant 8 : i32
        %add3A_883 = arith.addi %add3A_56, %add3A_882 : i32
        %get3A_884 = arith.index_cast %add3A_883 : i32 to index
        %get3A_885 = arith.constant 0 : index
        %get3A_886 = tpu.vector_load %arg11[%get3A_884, %get3A_885] {strides = array<i32>} : memref<128x144xf32, #tpu.memory_space<vmem>>, vector<16xf32>,
        %mul3A_887 = arith.mulf %get3A_886, %broadcast_in_dim3A_881 : vector<16xf32>
        %add3A_888 = arith.constant 8 : i32
        %add3A_889 = arith.addi %add3A_56, %add3A_888 : i32
        %swap3A_890 = arith.index_cast %add3A_889 : i32 to index
        %swap3A_891 = arith.constant 0 : index
        %swap3A_892 = tpu.vector_load %arg11[%swap3A_890, %swap3A_891] {strides = array<i32>} : memref<128x144xf32, #tpu.memory_space<vmem>>, vector<16xf32>,
        tpu.vector_store %arg11[%swap3A_890, %swap3A_891], %mul3A_887 {strides = array<i32>} : memref<128x144xf32, #tpu.memory_space<vmem>>, vector<16xf32>,
        %add3A_893 = arith.constant 8 : i32
        %add3A_894 = arith.addi %add3A_56, %add3A_893 : i32
        %get3A_895 = arith.index_cast %add3A_894 : i32 to index
        %get3A_896 = arith.constant 16 : index
        %get3A_897 = tpu.vector_load %arg11[%get3A_895, %get3A_896] {strides = array<i32>} : memref<128x144xf32, #tpu.memory_space<vmem>>, vector<16xf32>,
        %mul3A_898 = arith.mulf %get3A_897, %broadcast_in_dim3A_881 : vector<16xf32>
        %add3A_899 = arith.constant 8 : i32
        %add3A_900 = arith.addi %add3A_56, %add3A_899 : i32
        %swap3A_901 = arith.index_cast %add3A_900 : i32 to index
        %swap3A_902 = arith.constant 16 : index
        %swap3A_903 = tpu.vector_load %arg11[%swap3A_901, %swap3A_902] {strides = array<i32>} : memref<128x144xf32, #tpu.memory_space<vmem>>, vector<16xf32>,
        tpu.vector_store %arg11[%swap3A_901, %swap3A_902], %mul3A_898 {strides = array<i32>} : memref<128x144xf32, #tpu.memory_space<vmem>>, vector<16xf32>,
        %add3A_904 = arith.constant 8 : i32
        %add3A_905 = arith.addi %add3A_56, %add3A_904 : i32
        %get3A_906 = arith.index_cast %add3A_905 : i32 to index
        %get3A_907 = arith.constant 32 : index
        %get3A_908 = tpu.vector_load %arg11[%get3A_906, %get3A_907] {strides = array<i32>} : memref<128x144xf32, #tpu.memory_space<vmem>>, vector<16xf32>,
        %mul3A_909 = arith.mulf %get3A_908, %broadcast_in_dim3A_881 : vector<16xf32>
        %add3A_910 = arith.constant 8 : i32
        %add3A_911 = arith.addi %add3A_56, %add3A_910 : i32
        %swap3A_912 = arith.index_cast %add3A_911 : i32 to index
        %swap3A_913 = arith.constant 32 : index
        %swap3A_914 = tpu.vector_load %arg11[%swap3A_912, %swap3A_913] {strides = array<i32>} : memref<128x144xf32, #tpu.memory_space<vmem>>, vector<16xf32>,
        tpu.vector_store %arg11[%swap3A_912, %swap3A_913], %mul3A_909 {strides = array<i32>} : memref<128x144xf32, #tpu.memory_space<vmem>>, vector<16xf32>,
        %add3A_915 = arith.constant 8 : i32
        %add3A_916 = arith.addi %add3A_56, %add3A_915 : i32
        %get3A_917 = arith.index_cast %add3A_916 : i32 to index
        %get3A_918 = arith.constant 48 : index
        %get3A_919 = tpu.vector_load %arg11[%get3A_917, %get3A_918] {strides = array<i32>} : memref<128x144xf32, #tpu.memory_space<vmem>>, vector<16xf32>,
        %mul3A_920 = arith.mulf %get3A_919, %broadcast_in_dim3A_881 : vector<16xf32>
        %add3A_921 = arith.constant 8 : i32
        %add3A_922 = arith.addi %add3A_56, %add3A_921 : i32
        %swap3A_923 = arith.index_cast %add3A_922 : i32 to index
        %swap3A_924 = arith.constant 48 : index
        %swap3A_925 = tpu.vector_load %arg11[%swap3A_923, %swap3A_924] {strides = array<i32>} : memref<128x144xf32, #tpu.memory_space<vmem>>, vector<16xf32>,
        tpu.vector_store %arg11[%swap3A_923, %swap3A_924], %mul3A_920 {strides = array<i32>} : memref<128x144xf32, #tpu.memory_space<vmem>>, vector<16xf32>,
        %add3A_926 = arith.constant 8 : i32
        %add3A_927 = arith.addi %add3A_56, %add3A_926 : i32
        %get3A_928 = arith.index_cast %add3A_927 : i32 to index
        %get3A_929 = arith.constant 64 : index
        %get3A_930 = tpu.vector_load %arg11[%get3A_928, %get3A_929] {strides = array<i32>} : memref<128x144xf32, #tpu.memory_space<vmem>>, vector<16xf32>,
        %mul3A_931 = arith.mulf %get3A_930, %broadcast_in_dim3A_881 : vector<16xf32>
        %add3A_932 = arith.constant 8 : i32
        %add3A_933 = arith.addi %add3A_56, %add3A_932 : i32
        %swap3A_934 = arith.index_cast %add3A_933 : i32 to index
        %swap3A_935 = arith.constant 64 : index
        %swap3A_936 = tpu.vector_load %arg11[%swap3A_934, %swap3A_935] {strides = array<i32>} : memref<128x144xf32, #tpu.memory_space<vmem>>, vector<16xf32>,
        tpu.vector_store %arg11[%swap3A_934, %swap3A_935], %mul3A_931 {strides = array<i32>} : memref<128x144xf32, #tpu.memory_space<vmem>>, vector<16xf32>,
        %add3A_937 = arith.constant 8 : i32
        %add3A_938 = arith.addi %add3A_56, %add3A_937 : i32
        %get3A_939 = arith.index_cast %add3A_938 : i32 to index
        %get3A_940 = arith.constant 80 : index
        %get3A_941 = tpu.vector_load %arg11[%get3A_939, %get3A_940] {strides = array<i32>} : memref<128x144xf32, #tpu.memory_space<vmem>>, vector<16xf32>,
        %mul3A_942 = arith.mulf %get3A_941, %broadcast_in_dim3A_881 : vector<16xf32>
        %add3A_943 = arith.constant 8 : i32
        %add3A_944 = arith.addi %add3A_56, %add3A_943 : i32
        %swap3A_945 = arith.index_cast %add3A_944 : i32 to index
        %swap3A_946 = arith.constant 80 : index
        %swap3A_947 = tpu.vector_load %arg11[%swap3A_945, %swap3A_946] {strides = array<i32>} : memref<128x144xf32, #tpu.memory_space<vmem>>, vector<16xf32>,
        tpu.vector_store %arg11[%swap3A_945, %swap3A_946], %mul3A_942 {strides = array<i32>} : memref<128x144xf32, #tpu.memory_space<vmem>>, vector<16xf32>,
        %add3A_948 = arith.constant 8 : i32
        %add3A_949 = arith.addi %add3A_56, %add3A_948 : i32
        %get3A_950 = arith.index_cast %add3A_949 : i32 to index
        %get3A_951 = arith.constant 96 : index
        %get3A_952 = tpu.vector_load %arg11[%get3A_950, %get3A_951] {strides = array<i32>} : memref<128x144xf32, #tpu.memory_space<vmem>>, vector<16xf32>,
        %mul3A_953 = arith.mulf %get3A_952, %broadcast_in_dim3A_881 : vector<16xf32>
        %add3A_954 = arith.constant 8 : i32
        %add3A_955 = arith.addi %add3A_56, %add3A_954 : i32
        %swap3A_956 = arith.index_cast %add3A_955 : i32 to index
        %swap3A_957 = arith.constant 96 : index
        %swap3A_958 = tpu.vector_load %arg11[%swap3A_956, %swap3A_957] {strides = array<i32>} : memref<128x144xf32, #tpu.memory_space<vmem>>, vector<16xf32>,
        tpu.vector_store %arg11[%swap3A_956, %swap3A_957], %mul3A_953 {strides = array<i32>} : memref<128x144xf32, #tpu.memory_space<vmem>>, vector<16xf32>,
        %add3A_959 = arith.constant 8 : i32
        %add3A_960 = arith.addi %add3A_56, %add3A_959 : i32
        %get3A_961 = arith.index_cast %add3A_960 : i32 to index
        %get3A_962 = arith.constant 112 : index
        %get3A_963 = tpu.vector_load %arg11[%get3A_961, %get3A_962] {strides = array<i32>} : memref<128x144xf32, #tpu.memory_space<vmem>>, vector<16xf32>,
        %mul3A_964 = arith.mulf %get3A_963, %broadcast_in_dim3A_881 : vector<16xf32>
        %add3A_965 = arith.constant 8 : i32
        %add3A_966 = arith.addi %add3A_56, %add3A_965 : i32
        %swap3A_967 = arith.index_cast %add3A_966 : i32 to index
        %swap3A_968 = arith.constant 112 : index
        %swap3A_969 = tpu.vector_load %arg11[%swap3A_967, %swap3A_968] {strides = array<i32>} : memref<128x144xf32, #tpu.memory_space<vmem>>, vector<16xf32>,
        tpu.vector_store %arg11[%swap3A_967, %swap3A_968], %mul3A_964 {strides = array<i32>} : memref<128x144xf32, #tpu.memory_space<vmem>>, vector<16xf32>,
        %add3A_970 = arith.constant 8 : i32
        %add3A_971 = arith.addi %add3A_56, %add3A_970 : i32
        %get3A_972 = arith.index_cast %add3A_971 : i32 to index
        %get3A_973 = arith.constant 128 : index
        %get3A_974 = tpu.vector_load %arg11[%get3A_972, %get3A_973] {strides = array<i32>} : memref<128x144xf32, #tpu.memory_space<vmem>>, vector<16xf32>,
        %mul3A_975 = arith.mulf %get3A_974, %broadcast_in_dim3A_881 : vector<16xf32>
        %add3A_976 = arith.constant 8 : i32
        %add3A_977 = arith.addi %add3A_56, %add3A_976 : i32
        %swap3A_978 = arith.index_cast %add3A_977 : i32 to index
        %swap3A_979 = arith.constant 128 : index
        %swap3A_980 = tpu.vector_load %arg11[%swap3A_978, %swap3A_979] {strides = array<i32>} : memref<128x144xf32, #tpu.memory_space<vmem>>, vector<16xf32>,
        tpu.vector_store %arg11[%swap3A_978, %swap3A_979], %mul3A_975 {strides = array<i32>} : memref<128x144xf32, #tpu.memory_space<vmem>>, vector<16xf32>,
        %slice3A_981 = vector.extract_strided_slice %exp3A {offsets = [9], sizes = [1], strides = [1]} : vector<16xf32> to vector<1xf32>
        %squeeze3A_982 = vector.extract %slice3A_981[0] : f32 from vector<1xf32>
        %broadcast_in_dim3A_983 = vector.broadcast %squeeze3A_982 : f32 to vector<16xf32>
        %add3A_984 = arith.constant 9 : i32
        %add3A_985 = arith.addi %add3A_56, %add3A_984 : i32
        %get3A_986 = arith.index_cast %add3A_985 : i32 to index
        %get3A_987 = arith.constant 0 : index
        %get3A_988 = tpu.vector_load %arg11[%get3A_986, %get3A_987] {strides = array<i32>} : memref<128x144xf32, #tpu.memory_space<vmem>>, vector<16xf32>,
        %mul3A_989 = arith.mulf %get3A_988, %broadcast_in_dim3A_983 : vector<16xf32>
        %add3A_990 = arith.constant 9 : i32
        %add3A_991 = arith.addi %add3A_56, %add3A_990 : i32
        %swap3A_992 = arith.index_cast %add3A_991 : i32 to index
        %swap3A_993 = arith.constant 0 : index
        %swap3A_994 = tpu.vector_load %arg11[%swap3A_992, %swap3A_993] {strides = array<i32>} : memref<128x144xf32, #tpu.memory_space<vmem>>, vector<16xf32>,
        tpu.vector_store %arg11[%swap3A_992, %swap3A_993], %mul3A_989 {strides = array<i32>} : memref<128x144xf32, #tpu.memory_space<vmem>>, vector<16xf32>,
        %add3A_995 = arith.constant 9 : i32
        %add3A_996 = arith.addi %add3A_56, %add3A_995 : i32
        %get3A_997 = arith.index_cast %add3A_996 : i32 to index
        %get3A_998 = arith.constant 16 : index
        %get3A_999 = tpu.vector_load %arg11[%get3A_997, %get3A_998] {strides = array<i32>} : memref<128x144xf32, #tpu.memory_space<vmem>>, vector<16xf32>,
        %mul3A_1000 = arith.mulf %get3A_999, %broadcast_in_dim3A_983 : vector<16xf32>
        %add3A_1001 = arith.constant 9 : i32
        %add3A_1002 = arith.addi %add3A_56, %add3A_1001 : i32
        %swap3A_1003 = arith.index_cast %add3A_1002 : i32 to index
        %swap3A_1004 = arith.constant 16 : index
        %swap3A_1005 = tpu.vector_load %arg11[%swap3A_1003, %swap3A_1004] {strides = array<i32>} : memref<128x144xf32, #tpu.memory_space<vmem>>, vector<16xf32>,
        tpu.vector_store %arg11[%swap3A_1003, %swap3A_1004], %mul3A_1000 {strides = array<i32>} : memref<128x144xf32, #tpu.memory_space<vmem>>, vector<16xf32>,
        %add3A_1006 = arith.constant 9 : i32
        %add3A_1007 = arith.addi %add3A_56, %add3A_1006 : i32
        %get3A_1008 = arith.index_cast %add3A_1007 : i32 to index
        %get3A_1009 = arith.constant 32 : index
        %get3A_1010 = tpu.vector_load %arg11[%get3A_1008, %get3A_1009] {strides = array<i32>} : memref<128x144xf32, #tpu.memory_space<vmem>>, vector<16xf32>,
        %mul3A_1011 = arith.mulf %get3A_1010, %broadcast_in_dim3A_983 : vector<16xf32>
        %add3A_1012 = arith.constant 9 : i32
        %add3A_1013 = arith.addi %add3A_56, %add3A_1012 : i32
        %swap3A_1014 = arith.index_cast %add3A_1013 : i32 to index
        %swap3A_1015 = arith.constant 32 : index
        %swap3A_1016 = tpu.vector_load %arg11[%swap3A_1014, %swap3A_1015] {strides = array<i32>} : memref<128x144xf32, #tpu.memory_space<vmem>>, vector<16xf32>,
        tpu.vector_store %arg11[%swap3A_1014, %swap3A_1015], %mul3A_1011 {strides = array<i32>} : memref<128x144xf32, #tpu.memory_space<vmem>>, vector<16xf32>,
        %add3A_1017 = arith.constant 9 : i32
        %add3A_1018 = arith.addi %add3A_56, %add3A_1017 : i32
        %get3A_1019 = arith.index_cast %add3A_1018 : i32 to index
        %get3A_1020 = arith.constant 48 : index
        %get3A_1021 = tpu.vector_load %arg11[%get3A_1019, %get3A_1020] {strides = array<i32>} : memref<128x144xf32, #tpu.memory_space<vmem>>, vector<16xf32>,
        %mul3A_1022 = arith.mulf %get3A_1021, %broadcast_in_dim3A_983 : vector<16xf32>
        %add3A_1023 = arith.constant 9 : i32
        %add3A_1024 = arith.addi %add3A_56, %add3A_1023 : i32
        %swap3A_1025 = arith.index_cast %add3A_1024 : i32 to index
        %swap3A_1026 = arith.constant 48 : index
        %swap3A_1027 = tpu.vector_load %arg11[%swap3A_1025, %swap3A_1026] {strides = array<i32>} : memref<128x144xf32, #tpu.memory_space<vmem>>, vector<16xf32>,
        tpu.vector_store %arg11[%swap3A_1025, %swap3A_1026], %mul3A_1022 {strides = array<i32>} : memref<128x144xf32, #tpu.memory_space<vmem>>, vector<16xf32>,
        %add3A_1028 = arith.constant 9 : i32
        %add3A_1029 = arith.addi %add3A_56, %add3A_1028 : i32
        %get3A_1030 = arith.index_cast %add3A_1029 : i32 to index
        %get3A_1031 = arith.constant 64 : index
        %get3A_1032 = tpu.vector_load %arg11[%get3A_1030, %get3A_1031] {strides = array<i32>} : memref<128x144xf32, #tpu.memory_space<vmem>>, vector<16xf32>,
        %mul3A_1033 = arith.mulf %get3A_1032, %broadcast_in_dim3A_983 : vector<16xf32>
        %add3A_1034 = arith.constant 9 : i32
        %add3A_1035 = arith.addi %add3A_56, %add3A_1034 : i32
        %swap3A_1036 = arith.index_cast %add3A_1035 : i32 to index
        %swap3A_1037 = arith.constant 64 : index
        %swap3A_1038 = tpu.vector_load %arg11[%swap3A_1036, %swap3A_1037] {strides = array<i32>} : memref<128x144xf32, #tpu.memory_space<vmem>>, vector<16xf32>,
        tpu.vector_store %arg11[%swap3A_1036, %swap3A_1037], %mul3A_1033 {strides = array<i32>} : memref<128x144xf32, #tpu.memory_space<vmem>>, vector<16xf32>,
        %add3A_1039 = arith.constant 9 : i32
        %add3A_1040 = arith.addi %add3A_56, %add3A_1039 : i32
        %get3A_1041 = arith.index_cast %add3A_1040 : i32 to index
        %get3A_1042 = arith.constant 80 : index
        %get3A_1043 = tpu.vector_load %arg11[%get3A_1041, %get3A_1042] {strides = array<i32>} : memref<128x144xf32, #tpu.memory_space<vmem>>, vector<16xf32>,
        %mul3A_1044 = arith.mulf %get3A_1043, %broadcast_in_dim3A_983 : vector<16xf32>
        %add3A_1045 = arith.constant 9 : i32
        %add3A_1046 = arith.addi %add3A_56, %add3A_1045 : i32
        %swap3A_1047 = arith.index_cast %add3A_1046 : i32 to index
        %swap3A_1048 = arith.constant 80 : index
        %swap3A_1049 = tpu.vector_load %arg11[%swap3A_1047, %swap3A_1048] {strides = array<i32>} : memref<128x144xf32, #tpu.memory_space<vmem>>, vector<16xf32>,
        tpu.vector_store %arg11[%swap3A_1047, %swap3A_1048], %mul3A_1044 {strides = array<i32>} : memref<128x144xf32, #tpu.memory_space<vmem>>, vector<16xf32>,
        %add3A_1050 = arith.constant 9 : i32
        %add3A_1051 = arith.addi %add3A_56, %add3A_1050 : i32
        %get3A_1052 = arith.index_cast %add3A_1051 : i32 to index
        %get3A_1053 = arith.constant 96 : index
        %get3A_1054 = tpu.vector_load %arg11[%get3A_1052, %get3A_1053] {strides = array<i32>} : memref<128x144xf32, #tpu.memory_space<vmem>>, vector<16xf32>,
        %mul3A_1055 = arith.mulf %get3A_1054, %broadcast_in_dim3A_983 : vector<16xf32>
        %add3A_1056 = arith.constant 9 : i32
        %add3A_1057 = arith.addi %add3A_56, %add3A_1056 : i32
        %swap3A_1058 = arith.index_cast %add3A_1057 : i32 to index
        %swap3A_1059 = arith.constant 96 : index
        %swap3A_1060 = tpu.vector_load %arg11[%swap3A_1058, %swap3A_1059] {strides = array<i32>} : memref<128x144xf32, #tpu.memory_space<vmem>>, vector<16xf32>,
        tpu.vector_store %arg11[%swap3A_1058, %swap3A_1059], %mul3A_1055 {strides = array<i32>} : memref<128x144xf32, #tpu.memory_space<vmem>>, vector<16xf32>,
        %add3A_1061 = arith.constant 9 : i32
        %add3A_1062 = arith.addi %add3A_56, %add3A_1061 : i32
        %get3A_1063 = arith.index_cast %add3A_1062 : i32 to index
        %get3A_1064 = arith.constant 112 : index
        %get3A_1065 = tpu.vector_load %arg11[%get3A_1063, %get3A_1064] {strides = array<i32>} : memref<128x144xf32, #tpu.memory_space<vmem>>, vector<16xf32>,
        %mul3A_1066 = arith.mulf %get3A_1065, %broadcast_in_dim3A_983 : vector<16xf32>
        %add3A_1067 = arith.constant 9 : i32
        %add3A_1068 = arith.addi %add3A_56, %add3A_1067 : i32
        %swap3A_1069 = arith.index_cast %add3A_1068 : i32 to index
        %swap3A_1070 = arith.constant 112 : index
        %swap3A_1071 = tpu.vector_load %arg11[%swap3A_1069, %swap3A_1070] {strides = array<i32>} : memref<128x144xf32, #tpu.memory_space<vmem>>, vector<16xf32>,
        tpu.vector_store %arg11[%swap3A_1069, %swap3A_1070], %mul3A_1066 {strides = array<i32>} : memref<128x144xf32, #tpu.memory_space<vmem>>, vector<16xf32>,
        %add3A_1072 = arith.constant 9 : i32
        %add3A_1073 = arith.addi %add3A_56, %add3A_1072 : i32
        %get3A_1074 = arith.index_cast %add3A_1073 : i32 to index
        %get3A_1075 = arith.constant 128 : index
        %get3A_1076 = tpu.vector_load %arg11[%get3A_1074, %get3A_1075] {strides = array<i32>} : memref<128x144xf32, #tpu.memory_space<vmem>>, vector<16xf32>,
        %mul3A_1077 = arith.mulf %get3A_1076, %broadcast_in_dim3A_983 : vector<16xf32>
        %add3A_1078 = arith.constant 9 : i32
        %add3A_1079 = arith.addi %add3A_56, %add3A_1078 : i32
        %swap3A_1080 = arith.index_cast %add3A_1079 : i32 to index
        %swap3A_1081 = arith.constant 128 : index
        %swap3A_1082 = tpu.vector_load %arg11[%swap3A_1080, %swap3A_1081] {strides = array<i32>} : memref<128x144xf32, #tpu.memory_space<vmem>>, vector<16xf32>,
        tpu.vector_store %arg11[%swap3A_1080, %swap3A_1081], %mul3A_1077 {strides = array<i32>} : memref<128x144xf32, #tpu.memory_space<vmem>>, vector<16xf32>,
        %slice3A_1083 = vector.extract_strided_slice %exp3A {offsets = [10], sizes = [1], strides = [1]} : vector<16xf32> to vector<1xf32>
        %squeeze3A_1084 = vector.extract %slice3A_1083[0] : f32 from vector<1xf32>
        %broadcast_in_dim3A_1085 = vector.broadcast %squeeze3A_1084 : f32 to vector<16xf32>
        %add3A_1086 = arith.constant 10 : i32
        %add3A_1087 = arith.addi %add3A_56, %add3A_1086 : i32
        %get3A_1088 = arith.index_cast %add3A_1087 : i32 to index
        %get3A_1089 = arith.constant 0 : index
        %get3A_1090 = tpu.vector_load %arg11[%get3A_1088, %get3A_1089] {strides = array<i32>} : memref<128x144xf32, #tpu.memory_space<vmem>>, vector<16xf32>,
        %mul3A_1091 = arith.mulf %get3A_1090, %broadcast_in_dim3A_1085 : vector<16xf32>
        %add3A_1092 = arith.constant 10 : i32
        %add3A_1093 = arith.addi %add3A_56, %add3A_1092 : i32
        %swap3A_1094 = arith.index_cast %add3A_1093 : i32 to index
        %swap3A_1095 = arith.constant 0 : index
        %swap3A_1096 = tpu.vector_load %arg11[%swap3A_1094, %swap3A_1095] {strides = array<i32>} : memref<128x144xf32, #tpu.memory_space<vmem>>, vector<16xf32>,
        tpu.vector_store %arg11[%swap3A_1094, %swap3A_1095], %mul3A_1091 {strides = array<i32>} : memref<128x144xf32, #tpu.memory_space<vmem>>, vector<16xf32>,
        %add3A_1097 = arith.constant 10 : i32
        %add3A_1098 = arith.addi %add3A_56, %add3A_1097 : i32
        %get3A_1099 = arith.index_cast %add3A_1098 : i32 to index
        %get3A_1100 = arith.constant 16 : index
        %get3A_1101 = tpu.vector_load %arg11[%get3A_1099, %get3A_1100] {strides = array<i32>} : memref<128x144xf32, #tpu.memory_space<vmem>>, vector<16xf32>,
        %mul3A_1102 = arith.mulf %get3A_1101, %broadcast_in_dim3A_1085 : vector<16xf32>
        %add3A_1103 = arith.constant 10 : i32
        %add3A_1104 = arith.addi %add3A_56, %add3A_1103 : i32
        %swap3A_1105 = arith.index_cast %add3A_1104 : i32 to index
        %swap3A_1106 = arith.constant 16 : index
        %swap3A_1107 = tpu.vector_load %arg11[%swap3A_1105, %swap3A_1106] {strides = array<i32>} : memref<128x144xf32, #tpu.memory_space<vmem>>, vector<16xf32>,
        tpu.vector_store %arg11[%swap3A_1105, %swap3A_1106], %mul3A_1102 {strides = array<i32>} : memref<128x144xf32, #tpu.memory_space<vmem>>, vector<16xf32>,
        %add3A_1108 = arith.constant 10 : i32
        %add3A_1109 = arith.addi %add3A_56, %add3A_1108 : i32
        %get3A_1110 = arith.index_cast %add3A_1109 : i32 to index
        %get3A_1111 = arith.constant 32 : index
        %get3A_1112 = tpu.vector_load %arg11[%get3A_1110, %get3A_1111] {strides = array<i32>} : memref<128x144xf32, #tpu.memory_space<vmem>>, vector<16xf32>,
        %mul3A_1113 = arith.mulf %get3A_1112, %broadcast_in_dim3A_1085 : vector<16xf32>
        %add3A_1114 = arith.constant 10 : i32
        %add3A_1115 = arith.addi %add3A_56, %add3A_1114 : i32
        %swap3A_1116 = arith.index_cast %add3A_1115 : i32 to index
        %swap3A_1117 = arith.constant 32 : index
        %swap3A_1118 = tpu.vector_load %arg11[%swap3A_1116, %swap3A_1117] {strides = array<i32>} : memref<128x144xf32, #tpu.memory_space<vmem>>, vector<16xf32>,
        tpu.vector_store %arg11[%swap3A_1116, %swap3A_1117], %mul3A_1113 {strides = array<i32>} : memref<128x144xf32, #tpu.memory_space<vmem>>, vector<16xf32>,
        %add3A_1119 = arith.constant 10 : i32
        %add3A_1120 = arith.addi %add3A_56, %add3A_1119 : i32
        %get3A_1121 = arith.index_cast %add3A_1120 : i32 to index
        %get3A_1122 = arith.constant 48 : index
        %get3A_1123 = tpu.vector_load %arg11[%get3A_1121, %get3A_1122] {strides = array<i32>} : memref<128x144xf32, #tpu.memory_space<vmem>>, vector<16xf32>,
        %mul3A_1124 = arith.mulf %get3A_1123, %broadcast_in_dim3A_1085 : vector<16xf32>
        %add3A_1125 = arith.constant 10 : i32
        %add3A_1126 = arith.addi %add3A_56, %add3A_1125 : i32
        %swap3A_1127 = arith.index_cast %add3A_1126 : i32 to index
        %swap3A_1128 = arith.constant 48 : index
        %swap3A_1129 = tpu.vector_load %arg11[%swap3A_1127, %swap3A_1128] {strides = array<i32>} : memref<128x144xf32, #tpu.memory_space<vmem>>, vector<16xf32>,
        tpu.vector_store %arg11[%swap3A_1127, %swap3A_1128], %mul3A_1124 {strides = array<i32>} : memref<128x144xf32, #tpu.memory_space<vmem>>, vector<16xf32>,
        %add3A_1130 = arith.constant 10 : i32
        %add3A_1131 = arith.addi %add3A_56, %add3A_1130 : i32
        %get3A_1132 = arith.index_cast %add3A_1131 : i32 to index
        %get3A_1133 = arith.constant 64 : index
        %get3A_1134 = tpu.vector_load %arg11[%get3A_1132, %get3A_1133] {strides = array<i32>} : memref<128x144xf32, #tpu.memory_space<vmem>>, vector<16xf32>,
        %mul3A_1135 = arith.mulf %get3A_1134, %broadcast_in_dim3A_1085 : vector<16xf32>
        %add3A_1136 = arith.constant 10 : i32
        %add3A_1137 = arith.addi %add3A_56, %add3A_1136 : i32
        %swap3A_1138 = arith.index_cast %add3A_1137 : i32 to index
        %swap3A_1139 = arith.constant 64 : index
        %swap3A_1140 = tpu.vector_load %arg11[%swap3A_1138, %swap3A_1139] {strides = array<i32>} : memref<128x144xf32, #tpu.memory_space<vmem>>, vector<16xf32>,
        tpu.vector_store %arg11[%swap3A_1138, %swap3A_1139], %mul3A_1135 {strides = array<i32>} : memref<128x144xf32, #tpu.memory_space<vmem>>, vector<16xf32>,
        %add3A_1141 = arith.constant 10 : i32
        %add3A_1142 = arith.addi %add3A_56, %add3A_1141 : i32
        %get3A_1143 = arith.index_cast %add3A_1142 : i32 to index
        %get3A_1144 = arith.constant 80 : index
        %get3A_1145 = tpu.vector_load %arg11[%get3A_1143, %get3A_1144] {strides = array<i32>} : memref<128x144xf32, #tpu.memory_space<vmem>>, vector<16xf32>,
        %mul3A_1146 = arith.mulf %get3A_1145, %broadcast_in_dim3A_1085 : vector<16xf32>
        %add3A_1147 = arith.constant 10 : i32
        %add3A_1148 = arith.addi %add3A_56, %add3A_1147 : i32
        %swap3A_1149 = arith.index_cast %add3A_1148 : i32 to index
        %swap3A_1150 = arith.constant 80 : index
        %swap3A_1151 = tpu.vector_load %arg11[%swap3A_1149, %swap3A_1150] {strides = array<i32>} : memref<128x144xf32, #tpu.memory_space<vmem>>, vector<16xf32>,
        tpu.vector_store %arg11[%swap3A_1149, %swap3A_1150], %mul3A_1146 {strides = array<i32>} : memref<128x144xf32, #tpu.memory_space<vmem>>, vector<16xf32>,
        %add3A_1152 = arith.constant 10 : i32
        %add3A_1153 = arith.addi %add3A_56, %add3A_1152 : i32
        %get3A_1154 = arith.index_cast %add3A_1153 : i32 to index
        %get3A_1155 = arith.constant 96 : index
        %get3A_1156 = tpu.vector_load %arg11[%get3A_1154, %get3A_1155] {strides = array<i32>} : memref<128x144xf32, #tpu.memory_space<vmem>>, vector<16xf32>,
        %mul3A_1157 = arith.mulf %get3A_1156, %broadcast_in_dim3A_1085 : vector<16xf32>
        %add3A_1158 = arith.constant 10 : i32
        %add3A_1159 = arith.addi %add3A_56, %add3A_1158 : i32
        %swap3A_1160 = arith.index_cast %add3A_1159 : i32 to index
        %swap3A_1161 = arith.constant 96 : index
        %swap3A_1162 = tpu.vector_load %arg11[%swap3A_1160, %swap3A_1161] {strides = array<i32>} : memref<128x144xf32, #tpu.memory_space<vmem>>, vector<16xf32>,
        tpu.vector_store %arg11[%swap3A_1160, %swap3A_1161], %mul3A_1157 {strides = array<i32>} : memref<128x144xf32, #tpu.memory_space<vmem>>, vector<16xf32>,
        %add3A_1163 = arith.constant 10 : i32
        %add3A_1164 = arith.addi %add3A_56, %add3A_1163 : i32
        %get3A_1165 = arith.index_cast %add3A_1164 : i32 to index
        %get3A_1166 = arith.constant 112 : index
        %get3A_1167 = tpu.vector_load %arg11[%get3A_1165, %get3A_1166] {strides = array<i32>} : memref<128x144xf32, #tpu.memory_space<vmem>>, vector<16xf32>,
        %mul3A_1168 = arith.mulf %get3A_1167, %broadcast_in_dim3A_1085 : vector<16xf32>
        %add3A_1169 = arith.constant 10 : i32
        %add3A_1170 = arith.addi %add3A_56, %add3A_1169 : i32
        %swap3A_1171 = arith.index_cast %add3A_1170 : i32 to index
        %swap3A_1172 = arith.constant 112 : index
        %swap3A_1173 = tpu.vector_load %arg11[%swap3A_1171, %swap3A_1172] {strides = array<i32>} : memref<128x144xf32, #tpu.memory_space<vmem>>, vector<16xf32>,
        tpu.vector_store %arg11[%swap3A_1171, %swap3A_1172], %mul3A_1168 {strides = array<i32>} : memref<128x144xf32, #tpu.memory_space<vmem>>, vector<16xf32>,
        %add3A_1174 = arith.constant 10 : i32
        %add3A_1175 = arith.addi %add3A_56, %add3A_1174 : i32
        %get3A_1176 = arith.index_cast %add3A_1175 : i32 to index
        %get3A_1177 = arith.constant 128 : index
        %get3A_1178 = tpu.vector_load %arg11[%get3A_1176, %get3A_1177] {strides = array<i32>} : memref<128x144xf32, #tpu.memory_space<vmem>>, vector<16xf32>,
        %mul3A_1179 = arith.mulf %get3A_1178, %broadcast_in_dim3A_1085 : vector<16xf32>
        %add3A_1180 = arith.constant 10 : i32
        %add3A_1181 = arith.addi %add3A_56, %add3A_1180 : i32
        %swap3A_1182 = arith.index_cast %add3A_1181 : i32 to index
        %swap3A_1183 = arith.constant 128 : index
        %swap3A_1184 = tpu.vector_load %arg11[%swap3A_1182, %swap3A_1183] {strides = array<i32>} : memref<128x144xf32, #tpu.memory_space<vmem>>, vector<16xf32>,
        tpu.vector_store %arg11[%swap3A_1182, %swap3A_1183], %mul3A_1179 {strides = array<i32>} : memref<128x144xf32, #tpu.memory_space<vmem>>, vector<16xf32>,
        %slice3A_1185 = vector.extract_strided_slice %exp3A {offsets = [11], sizes = [1], strides = [1]} : vector<16xf32> to vector<1xf32>
        %squeeze3A_1186 = vector.extract %slice3A_1185[0] : f32 from vector<1xf32>
        %broadcast_in_dim3A_1187 = vector.broadcast %squeeze3A_1186 : f32 to vector<16xf32>
        %add3A_1188 = arith.constant 11 : i32
        %add3A_1189 = arith.addi %add3A_56, %add3A_1188 : i32
        %get3A_1190 = arith.index_cast %add3A_1189 : i32 to index
        %get3A_1191 = arith.constant 0 : index
        %get3A_1192 = tpu.vector_load %arg11[%get3A_1190, %get3A_1191] {strides = array<i32>} : memref<128x144xf32, #tpu.memory_space<vmem>>, vector<16xf32>,
        %mul3A_1193 = arith.mulf %get3A_1192, %broadcast_in_dim3A_1187 : vector<16xf32>
        %add3A_1194 = arith.constant 11 : i32
        %add3A_1195 = arith.addi %add3A_56, %add3A_1194 : i32
        %swap3A_1196 = arith.index_cast %add3A_1195 : i32 to index
        %swap3A_1197 = arith.constant 0 : index
        %swap3A_1198 = tpu.vector_load %arg11[%swap3A_1196, %swap3A_1197] {strides = array<i32>} : memref<128x144xf32, #tpu.memory_space<vmem>>, vector<16xf32>,
        tpu.vector_store %arg11[%swap3A_1196, %swap3A_1197], %mul3A_1193 {strides = array<i32>} : memref<128x144xf32, #tpu.memory_space<vmem>>, vector<16xf32>,
        %add3A_1199 = arith.constant 11 : i32
        %add3A_1200 = arith.addi %add3A_56, %add3A_1199 : i32
        %get3A_1201 = arith.index_cast %add3A_1200 : i32 to index
        %get3A_1202 = arith.constant 16 : index
        %get3A_1203 = tpu.vector_load %arg11[%get3A_1201, %get3A_1202] {strides = array<i32>} : memref<128x144xf32, #tpu.memory_space<vmem>>, vector<16xf32>,
        %mul3A_1204 = arith.mulf %get3A_1203, %broadcast_in_dim3A_1187 : vector<16xf32>
        %add3A_1205 = arith.constant 11 : i32
        %add3A_1206 = arith.addi %add3A_56, %add3A_1205 : i32
        %swap3A_1207 = arith.index_cast %add3A_1206 : i32 to index
        %swap3A_1208 = arith.constant 16 : index
        %swap3A_1209 = tpu.vector_load %arg11[%swap3A_1207, %swap3A_1208] {strides = array<i32>} : memref<128x144xf32, #tpu.memory_space<vmem>>, vector<16xf32>,
        tpu.vector_store %arg11[%swap3A_1207, %swap3A_1208], %mul3A_1204 {strides = array<i32>} : memref<128x144xf32, #tpu.memory_space<vmem>>, vector<16xf32>,
        %add3A_1210 = arith.constant 11 : i32
        %add3A_1211 = arith.addi %add3A_56, %add3A_1210 : i32
        %get3A_1212 = arith.index_cast %add3A_1211 : i32 to index
        %get3A_1213 = arith.constant 32 : index
        %get3A_1214 = tpu.vector_load %arg11[%get3A_1212, %get3A_1213] {strides = array<i32>} : memref<128x144xf32, #tpu.memory_space<vmem>>, vector<16xf32>,
        %mul3A_1215 = arith.mulf %get3A_1214, %broadcast_in_dim3A_1187 : vector<16xf32>
        %add3A_1216 = arith.constant 11 : i32
        %add3A_1217 = arith.addi %add3A_56, %add3A_1216 : i32
        %swap3A_1218 = arith.index_cast %add3A_1217 : i32 to index
        %swap3A_1219 = arith.constant 32 : index
        %swap3A_1220 = tpu.vector_load %arg11[%swap3A_1218, %swap3A_1219] {strides = array<i32>} : memref<128x144xf32, #tpu.memory_space<vmem>>, vector<16xf32>,
        tpu.vector_store %arg11[%swap3A_1218, %swap3A_1219], %mul3A_1215 {strides = array<i32>} : memref<128x144xf32, #tpu.memory_space<vmem>>, vector<16xf32>,
        %add3A_1221 = arith.constant 11 : i32
        %add3A_1222 = arith.addi %add3A_56, %add3A_1221 : i32
        %get3A_1223 = arith.index_cast %add3A_1222 : i32 to index
        %get3A_1224 = arith.constant 48 : index
        %get3A_1225 = tpu.vector_load %arg11[%get3A_1223, %get3A_1224] {strides = array<i32>} : memref<128x144xf32, #tpu.memory_space<vmem>>, vector<16xf32>,
        %mul3A_1226 = arith.mulf %get3A_1225, %broadcast_in_dim3A_1187 : vector<16xf32>
        %add3A_1227 = arith.constant 11 : i32
        %add3A_1228 = arith.addi %add3A_56, %add3A_1227 : i32
        %swap3A_1229 = arith.index_cast %add3A_1228 : i32 to index
        %swap3A_1230 = arith.constant 48 : index
        %swap3A_1231 = tpu.vector_load %arg11[%swap3A_1229, %swap3A_1230] {strides = array<i32>} : memref<128x144xf32, #tpu.memory_space<vmem>>, vector<16xf32>,
        tpu.vector_store %arg11[%swap3A_1229, %swap3A_1230], %mul3A_1226 {strides = array<i32>} : memref<128x144xf32, #tpu.memory_space<vmem>>, vector<16xf32>,
        %add3A_1232 = arith.constant 11 : i32
        %add3A_1233 = arith.addi %add3A_56, %add3A_1232 : i32
        %get3A_1234 = arith.index_cast %add3A_1233 : i32 to index
        %get3A_1235 = arith.constant 64 : index
        %get3A_1236 = tpu.vector_load %arg11[%get3A_1234, %get3A_1235] {strides = array<i32>} : memref<128x144xf32, #tpu.memory_space<vmem>>, vector<16xf32>,
        %mul3A_1237 = arith.mulf %get3A_1236, %broadcast_in_dim3A_1187 : vector<16xf32>
        %add3A_1238 = arith.constant 11 : i32
        %add3A_1239 = arith.addi %add3A_56, %add3A_1238 : i32
        %swap3A_1240 = arith.index_cast %add3A_1239 : i32 to index
        %swap3A_1241 = arith.constant 64 : index
        %swap3A_1242 = tpu.vector_load %arg11[%swap3A_1240, %swap3A_1241] {strides = array<i32>} : memref<128x144xf32, #tpu.memory_space<vmem>>, vector<16xf32>,
        tpu.vector_store %arg11[%swap3A_1240, %swap3A_1241], %mul3A_1237 {strides = array<i32>} : memref<128x144xf32, #tpu.memory_space<vmem>>, vector<16xf32>,
        %add3A_1243 = arith.constant 11 : i32
        %add3A_1244 = arith.addi %add3A_56, %add3A_1243 : i32
        %get3A_1245 = arith.index_cast %add3A_1244 : i32 to index
        %get3A_1246 = arith.constant 80 : index
        %get3A_1247 = tpu.vector_load %arg11[%get3A_1245, %get3A_1246] {strides = array<i32>} : memref<128x144xf32, #tpu.memory_space<vmem>>, vector<16xf32>,
        %mul3A_1248 = arith.mulf %get3A_1247, %broadcast_in_dim3A_1187 : vector<16xf32>
        %add3A_1249 = arith.constant 11 : i32
        %add3A_1250 = arith.addi %add3A_56, %add3A_1249 : i32
        %swap3A_1251 = arith.index_cast %add3A_1250 : i32 to index
        %swap3A_1252 = arith.constant 80 : index
        %swap3A_1253 = tpu.vector_load %arg11[%swap3A_1251, %swap3A_1252] {strides = array<i32>} : memref<128x144xf32, #tpu.memory_space<vmem>>, vector<16xf32>,
        tpu.vector_store %arg11[%swap3A_1251, %swap3A_1252], %mul3A_1248 {strides = array<i32>} : memref<128x144xf32, #tpu.memory_space<vmem>>, vector<16xf32>,
        %add3A_1254 = arith.constant 11 : i32
        %add3A_1255 = arith.addi %add3A_56, %add3A_1254 : i32
        %get3A_1256 = arith.index_cast %add3A_1255 : i32 to index
        %get3A_1257 = arith.constant 96 : index
        %get3A_1258 = tpu.vector_load %arg11[%get3A_1256, %get3A_1257] {strides = array<i32>} : memref<128x144xf32, #tpu.memory_space<vmem>>, vector<16xf32>,
        %mul3A_1259 = arith.mulf %get3A_1258, %broadcast_in_dim3A_1187 : vector<16xf32>
        %add3A_1260 = arith.constant 11 : i32
        %add3A_1261 = arith.addi %add3A_56, %add3A_1260 : i32
        %swap3A_1262 = arith.index_cast %add3A_1261 : i32 to index
        %swap3A_1263 = arith.constant 96 : index
        %swap3A_1264 = tpu.vector_load %arg11[%swap3A_1262, %swap3A_1263] {strides = array<i32>} : memref<128x144xf32, #tpu.memory_space<vmem>>, vector<16xf32>,
        tpu.vector_store %arg11[%swap3A_1262, %swap3A_1263], %mul3A_1259 {strides = array<i32>} : memref<128x144xf32, #tpu.memory_space<vmem>>, vector<16xf32>,
        %add3A_1265 = arith.constant 11 : i32
        %add3A_1266 = arith.addi %add3A_56, %add3A_1265 : i32
        %get3A_1267 = arith.index_cast %add3A_1266 : i32 to index
        %get3A_1268 = arith.constant 112 : index
        %get3A_1269 = tpu.vector_load %arg11[%get3A_1267, %get3A_1268] {strides = array<i32>} : memref<128x144xf32, #tpu.memory_space<vmem>>, vector<16xf32>,
        %mul3A_1270 = arith.mulf %get3A_1269, %broadcast_in_dim3A_1187 : vector<16xf32>
        %add3A_1271 = arith.constant 11 : i32
        %add3A_1272 = arith.addi %add3A_56, %add3A_1271 : i32
        %swap3A_1273 = arith.index_cast %add3A_1272 : i32 to index
        %swap3A_1274 = arith.constant 112 : index
        %swap3A_1275 = tpu.vector_load %arg11[%swap3A_1273, %swap3A_1274] {strides = array<i32>} : memref<128x144xf32, #tpu.memory_space<vmem>>, vector<16xf32>,
        tpu.vector_store %arg11[%swap3A_1273, %swap3A_1274], %mul3A_1270 {strides = array<i32>} : memref<128x144xf32, #tpu.memory_space<vmem>>, vector<16xf32>,
        %add3A_1276 = arith.constant 11 : i32
        %add3A_1277 = arith.addi %add3A_56, %add3A_1276 : i32
        %get3A_1278 = arith.index_cast %add3A_1277 : i32 to index
        %get3A_1279 = arith.constant 128 : index
        %get3A_1280 = tpu.vector_load %arg11[%get3A_1278, %get3A_1279] {strides = array<i32>} : memref<128x144xf32, #tpu.memory_space<vmem>>, vector<16xf32>,
        %mul3A_1281 = arith.mulf %get3A_1280, %broadcast_in_dim3A_1187 : vector<16xf32>
        %add3A_1282 = arith.constant 11 : i32
        %add3A_1283 = arith.addi %add3A_56, %add3A_1282 : i32
        %swap3A_1284 = arith.index_cast %add3A_1283 : i32 to index
        %swap3A_1285 = arith.constant 128 : index
        %swap3A_1286 = tpu.vector_load %arg11[%swap3A_1284, %swap3A_1285] {strides = array<i32>} : memref<128x144xf32, #tpu.memory_space<vmem>>, vector<16xf32>,
        tpu.vector_store %arg11[%swap3A_1284, %swap3A_1285], %mul3A_1281 {strides = array<i32>} : memref<128x144xf32, #tpu.memory_space<vmem>>, vector<16xf32>,
        %slice3A_1287 = vector.extract_strided_slice %exp3A {offsets = [12], sizes = [1], strides = [1]} : vector<16xf32> to vector<1xf32>
        %squeeze3A_1288 = vector.extract %slice3A_1287[0] : f32 from vector<1xf32>
        %broadcast_in_dim3A_1289 = vector.broadcast %squeeze3A_1288 : f32 to vector<16xf32>
        %add3A_1290 = arith.constant 12 : i32
        %add3A_1291 = arith.addi %add3A_56, %add3A_1290 : i32
        %get3A_1292 = arith.index_cast %add3A_1291 : i32 to index
        %get3A_1293 = arith.constant 0 : index
        %get3A_1294 = tpu.vector_load %arg11[%get3A_1292, %get3A_1293] {strides = array<i32>} : memref<128x144xf32, #tpu.memory_space<vmem>>, vector<16xf32>,
        %mul3A_1295 = arith.mulf %get3A_1294, %broadcast_in_dim3A_1289 : vector<16xf32>
        %add3A_1296 = arith.constant 12 : i32
        %add3A_1297 = arith.addi %add3A_56, %add3A_1296 : i32
        %swap3A_1298 = arith.index_cast %add3A_1297 : i32 to index
        %swap3A_1299 = arith.constant 0 : index
        %swap3A_1300 = tpu.vector_load %arg11[%swap3A_1298, %swap3A_1299] {strides = array<i32>} : memref<128x144xf32, #tpu.memory_space<vmem>>, vector<16xf32>,
        tpu.vector_store %arg11[%swap3A_1298, %swap3A_1299], %mul3A_1295 {strides = array<i32>} : memref<128x144xf32, #tpu.memory_space<vmem>>, vector<16xf32>,
        %add3A_1301 = arith.constant 12 : i32
        %add3A_1302 = arith.addi %add3A_56, %add3A_1301 : i32
        %get3A_1303 = arith.index_cast %add3A_1302 : i32 to index
        %get3A_1304 = arith.constant 16 : index
        %get3A_1305 = tpu.vector_load %arg11[%get3A_1303, %get3A_1304] {strides = array<i32>} : memref<128x144xf32, #tpu.memory_space<vmem>>, vector<16xf32>,
        %mul3A_1306 = arith.mulf %get3A_1305, %broadcast_in_dim3A_1289 : vector<16xf32>
        %add3A_1307 = arith.constant 12 : i32
        %add3A_1308 = arith.addi %add3A_56, %add3A_1307 : i32
        %swap3A_1309 = arith.index_cast %add3A_1308 : i32 to index
        %swap3A_1310 = arith.constant 16 : index
        %swap3A_1311 = tpu.vector_load %arg11[%swap3A_1309, %swap3A_1310] {strides = array<i32>} : memref<128x144xf32, #tpu.memory_space<vmem>>, vector<16xf32>,
        tpu.vector_store %arg11[%swap3A_1309, %swap3A_1310], %mul3A_1306 {strides = array<i32>} : memref<128x144xf32, #tpu.memory_space<vmem>>, vector<16xf32>,
        %add3A_1312 = arith.constant 12 : i32
        %add3A_1313 = arith.addi %add3A_56, %add3A_1312 : i32
        %get3A_1314 = arith.index_cast %add3A_1313 : i32 to index
        %get3A_1315 = arith.constant 32 : index
        %get3A_1316 = tpu.vector_load %arg11[%get3A_1314, %get3A_1315] {strides = array<i32>} : memref<128x144xf32, #tpu.memory_space<vmem>>, vector<16xf32>,
        %mul3A_1317 = arith.mulf %get3A_1316, %broadcast_in_dim3A_1289 : vector<16xf32>
        %add3A_1318 = arith.constant 12 : i32
        %add3A_1319 = arith.addi %add3A_56, %add3A_1318 : i32
        %swap3A_1320 = arith.index_cast %add3A_1319 : i32 to index
        %swap3A_1321 = arith.constant 32 : index
        %swap3A_1322 = tpu.vector_load %arg11[%swap3A_1320, %swap3A_1321] {strides = array<i32>} : memref<128x144xf32, #tpu.memory_space<vmem>>, vector<16xf32>,
        tpu.vector_store %arg11[%swap3A_1320, %swap3A_1321], %mul3A_1317 {strides = array<i32>} : memref<128x144xf32, #tpu.memory_space<vmem>>, vector<16xf32>,
        %add3A_1323 = arith.constant 12 : i32
        %add3A_1324 = arith.addi %add3A_56, %add3A_1323 : i32
        %get3A_1325 = arith.index_cast %add3A_1324 : i32 to index
        %get3A_1326 = arith.constant 48 : index
        %get3A_1327 = tpu.vector_load %arg11[%get3A_1325, %get3A_1326] {strides = array<i32>} : memref<128x144xf32, #tpu.memory_space<vmem>>, vector<16xf32>,
        %mul3A_1328 = arith.mulf %get3A_1327, %broadcast_in_dim3A_1289 : vector<16xf32>
        %add3A_1329 = arith.constant 12 : i32
        %add3A_1330 = arith.addi %add3A_56, %add3A_1329 : i32
        %swap3A_1331 = arith.index_cast %add3A_1330 : i32 to index
        %swap3A_1332 = arith.constant 48 : index
        %swap3A_1333 = tpu.vector_load %arg11[%swap3A_1331, %swap3A_1332] {strides = array<i32>} : memref<128x144xf32, #tpu.memory_space<vmem>>, vector<16xf32>,
        tpu.vector_store %arg11[%swap3A_1331, %swap3A_1332], %mul3A_1328 {strides = array<i32>} : memref<128x144xf32, #tpu.memory_space<vmem>>, vector<16xf32>,
        %add3A_1334 = arith.constant 12 : i32
        %add3A_1335 = arith.addi %add3A_56, %add3A_1334 : i32
        %get3A_1336 = arith.index_cast %add3A_1335 : i32 to index
        %get3A_1337 = arith.constant 64 : index
        %get3A_1338 = tpu.vector_load %arg11[%get3A_1336, %get3A_1337] {strides = array<i32>} : memref<128x144xf32, #tpu.memory_space<vmem>>, vector<16xf32>,
        %mul3A_1339 = arith.mulf %get3A_1338, %broadcast_in_dim3A_1289 : vector<16xf32>
        %add3A_1340 = arith.constant 12 : i32
        %add3A_1341 = arith.addi %add3A_56, %add3A_1340 : i32
        %swap3A_1342 = arith.index_cast %add3A_1341 : i32 to index
        %swap3A_1343 = arith.constant 64 : index
        %swap3A_1344 = tpu.vector_load %arg11[%swap3A_1342, %swap3A_1343] {strides = array<i32>} : memref<128x144xf32, #tpu.memory_space<vmem>>, vector<16xf32>,
        tpu.vector_store %arg11[%swap3A_1342, %swap3A_1343], %mul3A_1339 {strides = array<i32>} : memref<128x144xf32, #tpu.memory_space<vmem>>, vector<16xf32>,
        %add3A_1345 = arith.constant 12 : i32
        %add3A_1346 = arith.addi %add3A_56, %add3A_1345 : i32
        %get3A_1347 = arith.index_cast %add3A_1346 : i32 to index
        %get3A_1348 = arith.constant 80 : index
        %get3A_1349 = tpu.vector_load %arg11[%get3A_1347, %get3A_1348] {strides = array<i32>} : memref<128x144xf32, #tpu.memory_space<vmem>>, vector<16xf32>,
        %mul3A_1350 = arith.mulf %get3A_1349, %broadcast_in_dim3A_1289 : vector<16xf32>
        %add3A_1351 = arith.constant 12 : i32
        %add3A_1352 = arith.addi %add3A_56, %add3A_1351 : i32
        %swap3A_1353 = arith.index_cast %add3A_1352 : i32 to index
        %swap3A_1354 = arith.constant 80 : index
        %swap3A_1355 = tpu.vector_load %arg11[%swap3A_1353, %swap3A_1354] {strides = array<i32>} : memref<128x144xf32, #tpu.memory_space<vmem>>, vector<16xf32>,
        tpu.vector_store %arg11[%swap3A_1353, %swap3A_1354], %mul3A_1350 {strides = array<i32>} : memref<128x144xf32, #tpu.memory_space<vmem>>, vector<16xf32>,
        %add3A_1356 = arith.constant 12 : i32
        %add3A_1357 = arith.addi %add3A_56, %add3A_1356 : i32
        %get3A_1358 = arith.index_cast %add3A_1357 : i32 to index
        %get3A_1359 = arith.constant 96 : index
        %get3A_1360 = tpu.vector_load %arg11[%get3A_1358, %get3A_1359] {strides = array<i32>} : memref<128x144xf32, #tpu.memory_space<vmem>>, vector<16xf32>,
        %mul3A_1361 = arith.mulf %get3A_1360, %broadcast_in_dim3A_1289 : vector<16xf32>
        %add3A_1362 = arith.constant 12 : i32
        %add3A_1363 = arith.addi %add3A_56, %add3A_1362 : i32
        %swap3A_1364 = arith.index_cast %add3A_1363 : i32 to index
        %swap3A_1365 = arith.constant 96 : index
        %swap3A_1366 = tpu.vector_load %arg11[%swap3A_1364, %swap3A_1365] {strides = array<i32>} : memref<128x144xf32, #tpu.memory_space<vmem>>, vector<16xf32>,
        tpu.vector_store %arg11[%swap3A_1364, %swap3A_1365], %mul3A_1361 {strides = array<i32>} : memref<128x144xf32, #tpu.memory_space<vmem>>, vector<16xf32>,
        %add3A_1367 = arith.constant 12 : i32
        %add3A_1368 = arith.addi %add3A_56, %add3A_1367 : i32
        %get3A_1369 = arith.index_cast %add3A_1368 : i32 to index
        %get3A_1370 = arith.constant 112 : index
        %get3A_1371 = tpu.vector_load %arg11[%get3A_1369, %get3A_1370] {strides = array<i32>} : memref<128x144xf32, #tpu.memory_space<vmem>>, vector<16xf32>,
        %mul3A_1372 = arith.mulf %get3A_1371, %broadcast_in_dim3A_1289 : vector<16xf32>
        %add3A_1373 = arith.constant 12 : i32
        %add3A_1374 = arith.addi %add3A_56, %add3A_1373 : i32
        %swap3A_1375 = arith.index_cast %add3A_1374 : i32 to index
        %swap3A_1376 = arith.constant 112 : index
        %swap3A_1377 = tpu.vector_load %arg11[%swap3A_1375, %swap3A_1376] {strides = array<i32>} : memref<128x144xf32, #tpu.memory_space<vmem>>, vector<16xf32>,
        tpu.vector_store %arg11[%swap3A_1375, %swap3A_1376], %mul3A_1372 {strides = array<i32>} : memref<128x144xf32, #tpu.memory_space<vmem>>, vector<16xf32>,
        %add3A_1378 = arith.constant 12 : i32
        %add3A_1379 = arith.addi %add3A_56, %add3A_1378 : i32
        %get3A_1380 = arith.index_cast %add3A_1379 : i32 to index
        %get3A_1381 = arith.constant 128 : index
        %get3A_1382 = tpu.vector_load %arg11[%get3A_1380, %get3A_1381] {strides = array<i32>} : memref<128x144xf32, #tpu.memory_space<vmem>>, vector<16xf32>,
        %mul3A_1383 = arith.mulf %get3A_1382, %broadcast_in_dim3A_1289 : vector<16xf32>
        %add3A_1384 = arith.constant 12 : i32
        %add3A_1385 = arith.addi %add3A_56, %add3A_1384 : i32
        %swap3A_1386 = arith.index_cast %add3A_1385 : i32 to index
        %swap3A_1387 = arith.constant 128 : index
        %swap3A_1388 = tpu.vector_load %arg11[%swap3A_1386, %swap3A_1387] {strides = array<i32>} : memref<128x144xf32, #tpu.memory_space<vmem>>, vector<16xf32>,
        tpu.vector_store %arg11[%swap3A_1386, %swap3A_1387], %mul3A_1383 {strides = array<i32>} : memref<128x144xf32, #tpu.memory_space<vmem>>, vector<16xf32>,
        %slice3A_1389 = vector.extract_strided_slice %exp3A {offsets = [13], sizes = [1], strides = [1]} : vector<16xf32> to vector<1xf32>
        %squeeze3A_1390 = vector.extract %slice3A_1389[0] : f32 from vector<1xf32>
        %broadcast_in_dim3A_1391 = vector.broadcast %squeeze3A_1390 : f32 to vector<16xf32>
        %add3A_1392 = arith.constant 13 : i32
        %add3A_1393 = arith.addi %add3A_56, %add3A_1392 : i32
        %get3A_1394 = arith.index_cast %add3A_1393 : i32 to index
        %get3A_1395 = arith.constant 0 : index
        %get3A_1396 = tpu.vector_load %arg11[%get3A_1394, %get3A_1395] {strides = array<i32>} : memref<128x144xf32, #tpu.memory_space<vmem>>, vector<16xf32>,
        %mul3A_1397 = arith.mulf %get3A_1396, %broadcast_in_dim3A_1391 : vector<16xf32>
        %add3A_1398 = arith.constant 13 : i32
        %add3A_1399 = arith.addi %add3A_56, %add3A_1398 : i32
        %swap3A_1400 = arith.index_cast %add3A_1399 : i32 to index
        %swap3A_1401 = arith.constant 0 : index
        %swap3A_1402 = tpu.vector_load %arg11[%swap3A_1400, %swap3A_1401] {strides = array<i32>} : memref<128x144xf32, #tpu.memory_space<vmem>>, vector<16xf32>,
        tpu.vector_store %arg11[%swap3A_1400, %swap3A_1401], %mul3A_1397 {strides = array<i32>} : memref<128x144xf32, #tpu.memory_space<vmem>>, vector<16xf32>,
        %add3A_1403 = arith.constant 13 : i32
        %add3A_1404 = arith.addi %add3A_56, %add3A_1403 : i32
        %get3A_1405 = arith.index_cast %add3A_1404 : i32 to index
        %get3A_1406 = arith.constant 16 : index
        %get3A_1407 = tpu.vector_load %arg11[%get3A_1405, %get3A_1406] {strides = array<i32>} : memref<128x144xf32, #tpu.memory_space<vmem>>, vector<16xf32>,
        %mul3A_1408 = arith.mulf %get3A_1407, %broadcast_in_dim3A_1391 : vector<16xf32>
        %add3A_1409 = arith.constant 13 : i32
        %add3A_1410 = arith.addi %add3A_56, %add3A_1409 : i32
        %swap3A_1411 = arith.index_cast %add3A_1410 : i32 to index
        %swap3A_1412 = arith.constant 16 : index
        %swap3A_1413 = tpu.vector_load %arg11[%swap3A_1411, %swap3A_1412] {strides = array<i32>} : memref<128x144xf32, #tpu.memory_space<vmem>>, vector<16xf32>,
        tpu.vector_store %arg11[%swap3A_1411, %swap3A_1412], %mul3A_1408 {strides = array<i32>} : memref<128x144xf32, #tpu.memory_space<vmem>>, vector<16xf32>,
        %add3A_1414 = arith.constant 13 : i32
        %add3A_1415 = arith.addi %add3A_56, %add3A_1414 : i32
        %get3A_1416 = arith.index_cast %add3A_1415 : i32 to index
        %get3A_1417 = arith.constant 32 : index
        %get3A_1418 = tpu.vector_load %arg11[%get3A_1416, %get3A_1417] {strides = array<i32>} : memref<128x144xf32, #tpu.memory_space<vmem>>, vector<16xf32>,
        %mul3A_1419 = arith.mulf %get3A_1418, %broadcast_in_dim3A_1391 : vector<16xf32>
        %add3A_1420 = arith.constant 13 : i32
        %add3A_1421 = arith.addi %add3A_56, %add3A_1420 : i32
        %swap3A_1422 = arith.index_cast %add3A_1421 : i32 to index
        %swap3A_1423 = arith.constant 32 : index
        %swap3A_1424 = tpu.vector_load %arg11[%swap3A_1422, %swap3A_1423] {strides = array<i32>} : memref<128x144xf32, #tpu.memory_space<vmem>>, vector<16xf32>,
        tpu.vector_store %arg11[%swap3A_1422, %swap3A_1423], %mul3A_1419 {strides = array<i32>} : memref<128x144xf32, #tpu.memory_space<vmem>>, vector<16xf32>,
        %add3A_1425 = arith.constant 13 : i32
        %add3A_1426 = arith.addi %add3A_56, %add3A_1425 : i32
        %get3A_1427 = arith.index_cast %add3A_1426 : i32 to index
        %get3A_1428 = arith.constant 48 : index
        %get3A_1429 = tpu.vector_load %arg11[%get3A_1427, %get3A_1428] {strides = array<i32>} : memref<128x144xf32, #tpu.memory_space<vmem>>, vector<16xf32>,
        %mul3A_1430 = arith.mulf %get3A_1429, %broadcast_in_dim3A_1391 : vector<16xf32>
        %add3A_1431 = arith.constant 13 : i32
        %add3A_1432 = arith.addi %add3A_56, %add3A_1431 : i32
        %swap3A_1433 = arith.index_cast %add3A_1432 : i32 to index
        %swap3A_1434 = arith.constant 48 : index
        %swap3A_1435 = tpu.vector_load %arg11[%swap3A_1433, %swap3A_1434] {strides = array<i32>} : memref<128x144xf32, #tpu.memory_space<vmem>>, vector<16xf32>,
        tpu.vector_store %arg11[%swap3A_1433, %swap3A_1434], %mul3A_1430 {strides = array<i32>} : memref<128x144xf32, #tpu.memory_space<vmem>>, vector<16xf32>,
        %add3A_1436 = arith.constant 13 : i32
        %add3A_1437 = arith.addi %add3A_56, %add3A_1436 : i32
        %get3A_1438 = arith.index_cast %add3A_1437 : i32 to index
        %get3A_1439 = arith.constant 64 : index
        %get3A_1440 = tpu.vector_load %arg11[%get3A_1438, %get3A_1439] {strides = array<i32>} : memref<128x144xf32, #tpu.memory_space<vmem>>, vector<16xf32>,
        %mul3A_1441 = arith.mulf %get3A_1440, %broadcast_in_dim3A_1391 : vector<16xf32>
        %add3A_1442 = arith.constant 13 : i32
        %add3A_1443 = arith.addi %add3A_56, %add3A_1442 : i32
        %swap3A_1444 = arith.index_cast %add3A_1443 : i32 to index
        %swap3A_1445 = arith.constant 64 : index
        %swap3A_1446 = tpu.vector_load %arg11[%swap3A_1444, %swap3A_1445] {strides = array<i32>} : memref<128x144xf32, #tpu.memory_space<vmem>>, vector<16xf32>,
        tpu.vector_store %arg11[%swap3A_1444, %swap3A_1445], %mul3A_1441 {strides = array<i32>} : memref<128x144xf32, #tpu.memory_space<vmem>>, vector<16xf32>,
        %add3A_1447 = arith.constant 13 : i32
        %add3A_1448 = arith.addi %add3A_56, %add3A_1447 : i32
        %get3A_1449 = arith.index_cast %add3A_1448 : i32 to index
        %get3A_1450 = arith.constant 80 : index
        %get3A_1451 = tpu.vector_load %arg11[%get3A_1449, %get3A_1450] {strides = array<i32>} : memref<128x144xf32, #tpu.memory_space<vmem>>, vector<16xf32>,
        %mul3A_1452 = arith.mulf %get3A_1451, %broadcast_in_dim3A_1391 : vector<16xf32>
        %add3A_1453 = arith.constant 13 : i32
        %add3A_1454 = arith.addi %add3A_56, %add3A_1453 : i32
        %swap3A_1455 = arith.index_cast %add3A_1454 : i32 to index
        %swap3A_1456 = arith.constant 80 : index
        %swap3A_1457 = tpu.vector_load %arg11[%swap3A_1455, %swap3A_1456] {strides = array<i32>} : memref<128x144xf32, #tpu.memory_space<vmem>>, vector<16xf32>,
        tpu.vector_store %arg11[%swap3A_1455, %swap3A_1456], %mul3A_1452 {strides = array<i32>} : memref<128x144xf32, #tpu.memory_space<vmem>>, vector<16xf32>,
        %add3A_1458 = arith.constant 13 : i32
        %add3A_1459 = arith.addi %add3A_56, %add3A_1458 : i32
        %get3A_1460 = arith.index_cast %add3A_1459 : i32 to index
        %get3A_1461 = arith.constant 96 : index
        %get3A_1462 = tpu.vector_load %arg11[%get3A_1460, %get3A_1461] {strides = array<i32>} : memref<128x144xf32, #tpu.memory_space<vmem>>, vector<16xf32>,
        %mul3A_1463 = arith.mulf %get3A_1462, %broadcast_in_dim3A_1391 : vector<16xf32>
        %add3A_1464 = arith.constant 13 : i32
        %add3A_1465 = arith.addi %add3A_56, %add3A_1464 : i32
        %swap3A_1466 = arith.index_cast %add3A_1465 : i32 to index
        %swap3A_1467 = arith.constant 96 : index
        %swap3A_1468 = tpu.vector_load %arg11[%swap3A_1466, %swap3A_1467] {strides = array<i32>} : memref<128x144xf32, #tpu.memory_space<vmem>>, vector<16xf32>,
        tpu.vector_store %arg11[%swap3A_1466, %swap3A_1467], %mul3A_1463 {strides = array<i32>} : memref<128x144xf32, #tpu.memory_space<vmem>>, vector<16xf32>,
        %add3A_1469 = arith.constant 13 : i32
        %add3A_1470 = arith.addi %add3A_56, %add3A_1469 : i32
        %get3A_1471 = arith.index_cast %add3A_1470 : i32 to index
        %get3A_1472 = arith.constant 112 : index
        %get3A_1473 = tpu.vector_load %arg11[%get3A_1471, %get3A_1472] {strides = array<i32>} : memref<128x144xf32, #tpu.memory_space<vmem>>, vector<16xf32>,
        %mul3A_1474 = arith.mulf %get3A_1473, %broadcast_in_dim3A_1391 : vector<16xf32>
        %add3A_1475 = arith.constant 13 : i32
        %add3A_1476 = arith.addi %add3A_56, %add3A_1475 : i32
        %swap3A_1477 = arith.index_cast %add3A_1476 : i32 to index
        %swap3A_1478 = arith.constant 112 : index
        %swap3A_1479 = tpu.vector_load %arg11[%swap3A_1477, %swap3A_1478] {strides = array<i32>} : memref<128x144xf32, #tpu.memory_space<vmem>>, vector<16xf32>,
        tpu.vector_store %arg11[%swap3A_1477, %swap3A_1478], %mul3A_1474 {strides = array<i32>} : memref<128x144xf32, #tpu.memory_space<vmem>>, vector<16xf32>,
        %add3A_1480 = arith.constant 13 : i32
        %add3A_1481 = arith.addi %add3A_56, %add3A_1480 : i32
        %get3A_1482 = arith.index_cast %add3A_1481 : i32 to index
        %get3A_1483 = arith.constant 128 : index
        %get3A_1484 = tpu.vector_load %arg11[%get3A_1482, %get3A_1483] {strides = array<i32>} : memref<128x144xf32, #tpu.memory_space<vmem>>, vector<16xf32>,
        %mul3A_1485 = arith.mulf %get3A_1484, %broadcast_in_dim3A_1391 : vector<16xf32>
        %add3A_1486 = arith.constant 13 : i32
        %add3A_1487 = arith.addi %add3A_56, %add3A_1486 : i32
        %swap3A_1488 = arith.index_cast %add3A_1487 : i32 to index
        %swap3A_1489 = arith.constant 128 : index
        %swap3A_1490 = tpu.vector_load %arg11[%swap3A_1488, %swap3A_1489] {strides = array<i32>} : memref<128x144xf32, #tpu.memory_space<vmem>>, vector<16xf32>,
        tpu.vector_store %arg11[%swap3A_1488, %swap3A_1489], %mul3A_1485 {strides = array<i32>} : memref<128x144xf32, #tpu.memory_space<vmem>>, vector<16xf32>,
        %slice3A_1491 = vector.extract_strided_slice %exp3A {offsets = [14], sizes = [1], strides = [1]} : vector<16xf32> to vector<1xf32>
        %squeeze3A_1492 = vector.extract %slice3A_1491[0] : f32 from vector<1xf32>
        %broadcast_in_dim3A_1493 = vector.broadcast %squeeze3A_1492 : f32 to vector<16xf32>
        %add3A_1494 = arith.constant 14 : i32
        %add3A_1495 = arith.addi %add3A_56, %add3A_1494 : i32
        %get3A_1496 = arith.index_cast %add3A_1495 : i32 to index
        %get3A_1497 = arith.constant 0 : index
        %get3A_1498 = tpu.vector_load %arg11[%get3A_1496, %get3A_1497] {strides = array<i32>} : memref<128x144xf32, #tpu.memory_space<vmem>>, vector<16xf32>,
        %mul3A_1499 = arith.mulf %get3A_1498, %broadcast_in_dim3A_1493 : vector<16xf32>
        %add3A_1500 = arith.constant 14 : i32
        %add3A_1501 = arith.addi %add3A_56, %add3A_1500 : i32
        %swap3A_1502 = arith.index_cast %add3A_1501 : i32 to index
        %swap3A_1503 = arith.constant 0 : index
        %swap3A_1504 = tpu.vector_load %arg11[%swap3A_1502, %swap3A_1503] {strides = array<i32>} : memref<128x144xf32, #tpu.memory_space<vmem>>, vector<16xf32>,
        tpu.vector_store %arg11[%swap3A_1502, %swap3A_1503], %mul3A_1499 {strides = array<i32>} : memref<128x144xf32, #tpu.memory_space<vmem>>, vector<16xf32>,
        %add3A_1505 = arith.constant 14 : i32
        %add3A_1506 = arith.addi %add3A_56, %add3A_1505 : i32
        %get3A_1507 = arith.index_cast %add3A_1506 : i32 to index
        %get3A_1508 = arith.constant 16 : index
        %get3A_1509 = tpu.vector_load %arg11[%get3A_1507, %get3A_1508] {strides = array<i32>} : memref<128x144xf32, #tpu.memory_space<vmem>>, vector<16xf32>,
        %mul3A_1510 = arith.mulf %get3A_1509, %broadcast_in_dim3A_1493 : vector<16xf32>
        %add3A_1511 = arith.constant 14 : i32
        %add3A_1512 = arith.addi %add3A_56, %add3A_1511 : i32
        %swap3A_1513 = arith.index_cast %add3A_1512 : i32 to index
        %swap3A_1514 = arith.constant 16 : index
        %swap3A_1515 = tpu.vector_load %arg11[%swap3A_1513, %swap3A_1514] {strides = array<i32>} : memref<128x144xf32, #tpu.memory_space<vmem>>, vector<16xf32>,
        tpu.vector_store %arg11[%swap3A_1513, %swap3A_1514], %mul3A_1510 {strides = array<i32>} : memref<128x144xf32, #tpu.memory_space<vmem>>, vector<16xf32>,
        %add3A_1516 = arith.constant 14 : i32
        %add3A_1517 = arith.addi %add3A_56, %add3A_1516 : i32
        %get3A_1518 = arith.index_cast %add3A_1517 : i32 to index
        %get3A_1519 = arith.constant 32 : index
        %get3A_1520 = tpu.vector_load %arg11[%get3A_1518, %get3A_1519] {strides = array<i32>} : memref<128x144xf32, #tpu.memory_space<vmem>>, vector<16xf32>,
        %mul3A_1521 = arith.mulf %get3A_1520, %broadcast_in_dim3A_1493 : vector<16xf32>
        %add3A_1522 = arith.constant 14 : i32
        %add3A_1523 = arith.addi %add3A_56, %add3A_1522 : i32
        %swap3A_1524 = arith.index_cast %add3A_1523 : i32 to index
        %swap3A_1525 = arith.constant 32 : index
        %swap3A_1526 = tpu.vector_load %arg11[%swap3A_1524, %swap3A_1525] {strides = array<i32>} : memref<128x144xf32, #tpu.memory_space<vmem>>, vector<16xf32>,
        tpu.vector_store %arg11[%swap3A_1524, %swap3A_1525], %mul3A_1521 {strides = array<i32>} : memref<128x144xf32, #tpu.memory_space<vmem>>, vector<16xf32>,
        %add3A_1527 = arith.constant 14 : i32
        %add3A_1528 = arith.addi %add3A_56, %add3A_1527 : i32
        %get3A_1529 = arith.index_cast %add3A_1528 : i32 to index
        %get3A_1530 = arith.constant 48 : index
        %get3A_1531 = tpu.vector_load %arg11[%get3A_1529, %get3A_1530] {strides = array<i32>} : memref<128x144xf32, #tpu.memory_space<vmem>>, vector<16xf32>,
        %mul3A_1532 = arith.mulf %get3A_1531, %broadcast_in_dim3A_1493 : vector<16xf32>
        %add3A_1533 = arith.constant 14 : i32
        %add3A_1534 = arith.addi %add3A_56, %add3A_1533 : i32
        %swap3A_1535 = arith.index_cast %add3A_1534 : i32 to index
        %swap3A_1536 = arith.constant 48 : index
        %swap3A_1537 = tpu.vector_load %arg11[%swap3A_1535, %swap3A_1536] {strides = array<i32>} : memref<128x144xf32, #tpu.memory_space<vmem>>, vector<16xf32>,
        tpu.vector_store %arg11[%swap3A_1535, %swap3A_1536], %mul3A_1532 {strides = array<i32>} : memref<128x144xf32, #tpu.memory_space<vmem>>, vector<16xf32>,
        %add3A_1538 = arith.constant 14 : i32
        %add3A_1539 = arith.addi %add3A_56, %add3A_1538 : i32
        %get3A_1540 = arith.index_cast %add3A_1539 : i32 to index
        %get3A_1541 = arith.constant 64 : index
        %get3A_1542 = tpu.vector_load %arg11[%get3A_1540, %get3A_1541] {strides = array<i32>} : memref<128x144xf32, #tpu.memory_space<vmem>>, vector<16xf32>,
        %mul3A_1543 = arith.mulf %get3A_1542, %broadcast_in_dim3A_1493 : vector<16xf32>
        %add3A_1544 = arith.constant 14 : i32
        %add3A_1545 = arith.addi %add3A_56, %add3A_1544 : i32
        %swap3A_1546 = arith.index_cast %add3A_1545 : i32 to index
        %swap3A_1547 = arith.constant 64 : index
        %swap3A_1548 = tpu.vector_load %arg11[%swap3A_1546, %swap3A_1547] {strides = array<i32>} : memref<128x144xf32, #tpu.memory_space<vmem>>, vector<16xf32>,
        tpu.vector_store %arg11[%swap3A_1546, %swap3A_1547], %mul3A_1543 {strides = array<i32>} : memref<128x144xf32, #tpu.memory_space<vmem>>, vector<16xf32>,
        %add3A_1549 = arith.constant 14 : i32
        %add3A_1550 = arith.addi %add3A_56, %add3A_1549 : i32
        %get3A_1551 = arith.index_cast %add3A_1550 : i32 to index
        %get3A_1552 = arith.constant 80 : index
        %get3A_1553 = tpu.vector_load %arg11[%get3A_1551, %get3A_1552] {strides = array<i32>} : memref<128x144xf32, #tpu.memory_space<vmem>>, vector<16xf32>,
        %mul3A_1554 = arith.mulf %get3A_1553, %broadcast_in_dim3A_1493 : vector<16xf32>
        %add3A_1555 = arith.constant 14 : i32
        %add3A_1556 = arith.addi %add3A_56, %add3A_1555 : i32
        %swap3A_1557 = arith.index_cast %add3A_1556 : i32 to index
        %swap3A_1558 = arith.constant 80 : index
        %swap3A_1559 = tpu.vector_load %arg11[%swap3A_1557, %swap3A_1558] {strides = array<i32>} : memref<128x144xf32, #tpu.memory_space<vmem>>, vector<16xf32>,
        tpu.vector_store %arg11[%swap3A_1557, %swap3A_1558], %mul3A_1554 {strides = array<i32>} : memref<128x144xf32, #tpu.memory_space<vmem>>, vector<16xf32>,
        %add3A_1560 = arith.constant 14 : i32
        %add3A_1561 = arith.addi %add3A_56, %add3A_1560 : i32
        %get3A_1562 = arith.index_cast %add3A_1561 : i32 to index
        %get3A_1563 = arith.constant 96 : index
        %get3A_1564 = tpu.vector_load %arg11[%get3A_1562, %get3A_1563] {strides = array<i32>} : memref<128x144xf32, #tpu.memory_space<vmem>>, vector<16xf32>,
        %mul3A_1565 = arith.mulf %get3A_1564, %broadcast_in_dim3A_1493 : vector<16xf32>
        %add3A_1566 = arith.constant 14 : i32
        %add3A_1567 = arith.addi %add3A_56, %add3A_1566 : i32
        %swap3A_1568 = arith.index_cast %add3A_1567 : i32 to index
        %swap3A_1569 = arith.constant 96 : index
        %swap3A_1570 = tpu.vector_load %arg11[%swap3A_1568, %swap3A_1569] {strides = array<i32>} : memref<128x144xf32, #tpu.memory_space<vmem>>, vector<16xf32>,
        tpu.vector_store %arg11[%swap3A_1568, %swap3A_1569], %mul3A_1565 {strides = array<i32>} : memref<128x144xf32, #tpu.memory_space<vmem>>, vector<16xf32>,
        %add3A_1571 = arith.constant 14 : i32
        %add3A_1572 = arith.addi %add3A_56, %add3A_1571 : i32
        %get3A_1573 = arith.index_cast %add3A_1572 : i32 to index
        %get3A_1574 = arith.constant 112 : index
        %get3A_1575 = tpu.vector_load %arg11[%get3A_1573, %get3A_1574] {strides = array<i32>} : memref<128x144xf32, #tpu.memory_space<vmem>>, vector<16xf32>,
        %mul3A_1576 = arith.mulf %get3A_1575, %broadcast_in_dim3A_1493 : vector<16xf32>
        %add3A_1577 = arith.constant 14 : i32
        %add3A_1578 = arith.addi %add3A_56, %add3A_1577 : i32
        %swap3A_1579 = arith.index_cast %add3A_1578 : i32 to index
        %swap3A_1580 = arith.constant 112 : index
        %swap3A_1581 = tpu.vector_load %arg11[%swap3A_1579, %swap3A_1580] {strides = array<i32>} : memref<128x144xf32, #tpu.memory_space<vmem>>, vector<16xf32>,
        tpu.vector_store %arg11[%swap3A_1579, %swap3A_1580], %mul3A_1576 {strides = array<i32>} : memref<128x144xf32, #tpu.memory_space<vmem>>, vector<16xf32>,
        %add3A_1582 = arith.constant 14 : i32
        %add3A_1583 = arith.addi %add3A_56, %add3A_1582 : i32
        %get3A_1584 = arith.index_cast %add3A_1583 : i32 to index
        %get3A_1585 = arith.constant 128 : index
        %get3A_1586 = tpu.vector_load %arg11[%get3A_1584, %get3A_1585] {strides = array<i32>} : memref<128x144xf32, #tpu.memory_space<vmem>>, vector<16xf32>,
        %mul3A_1587 = arith.mulf %get3A_1586, %broadcast_in_dim3A_1493 : vector<16xf32>
        %add3A_1588 = arith.constant 14 : i32
        %add3A_1589 = arith.addi %add3A_56, %add3A_1588 : i32
        %swap3A_1590 = arith.index_cast %add3A_1589 : i32 to index
        %swap3A_1591 = arith.constant 128 : index
        %swap3A_1592 = tpu.vector_load %arg11[%swap3A_1590, %swap3A_1591] {strides = array<i32>} : memref<128x144xf32, #tpu.memory_space<vmem>>, vector<16xf32>,
        tpu.vector_store %arg11[%swap3A_1590, %swap3A_1591], %mul3A_1587 {strides = array<i32>} : memref<128x144xf32, #tpu.memory_space<vmem>>, vector<16xf32>,
        %slice3A_1593 = vector.extract_strided_slice %exp3A {offsets = [15], sizes = [1], strides = [1]} : vector<16xf32> to vector<1xf32>
        %squeeze3A_1594 = vector.extract %slice3A_1593[0] : f32 from vector<1xf32>
        %broadcast_in_dim3A_1595 = vector.broadcast %squeeze3A_1594 : f32 to vector<16xf32>
        %add3A_1596 = arith.constant 15 : i32
        %add3A_1597 = arith.addi %add3A_56, %add3A_1596 : i32
        %get3A_1598 = arith.index_cast %add3A_1597 : i32 to index
        %get3A_1599 = arith.constant 0 : index
        %get3A_1600 = tpu.vector_load %arg11[%get3A_1598, %get3A_1599] {strides = array<i32>} : memref<128x144xf32, #tpu.memory_space<vmem>>, vector<16xf32>,
        %mul3A_1601 = arith.mulf %get3A_1600, %broadcast_in_dim3A_1595 : vector<16xf32>
        %add3A_1602 = arith.constant 15 : i32
        %add3A_1603 = arith.addi %add3A_56, %add3A_1602 : i32
        %swap3A_1604 = arith.index_cast %add3A_1603 : i32 to index
        %swap3A_1605 = arith.constant 0 : index
        %swap3A_1606 = tpu.vector_load %arg11[%swap3A_1604, %swap3A_1605] {strides = array<i32>} : memref<128x144xf32, #tpu.memory_space<vmem>>, vector<16xf32>,
        tpu.vector_store %arg11[%swap3A_1604, %swap3A_1605], %mul3A_1601 {strides = array<i32>} : memref<128x144xf32, #tpu.memory_space<vmem>>, vector<16xf32>,
        %add3A_1607 = arith.constant 15 : i32
        %add3A_1608 = arith.addi %add3A_56, %add3A_1607 : i32
        %get3A_1609 = arith.index_cast %add3A_1608 : i32 to index
        %get3A_1610 = arith.constant 16 : index
        %get3A_1611 = tpu.vector_load %arg11[%get3A_1609, %get3A_1610] {strides = array<i32>} : memref<128x144xf32, #tpu.memory_space<vmem>>, vector<16xf32>,
        %mul3A_1612 = arith.mulf %get3A_1611, %broadcast_in_dim3A_1595 : vector<16xf32>
        %add3A_1613 = arith.constant 15 : i32
        %add3A_1614 = arith.addi %add3A_56, %add3A_1613 : i32
        %swap3A_1615 = arith.index_cast %add3A_1614 : i32 to index
        %swap3A_1616 = arith.constant 16 : index
        %swap3A_1617 = tpu.vector_load %arg11[%swap3A_1615, %swap3A_1616] {strides = array<i32>} : memref<128x144xf32, #tpu.memory_space<vmem>>, vector<16xf32>,
        tpu.vector_store %arg11[%swap3A_1615, %swap3A_1616], %mul3A_1612 {strides = array<i32>} : memref<128x144xf32, #tpu.memory_space<vmem>>, vector<16xf32>,
        %add3A_1618 = arith.constant 15 : i32
        %add3A_1619 = arith.addi %add3A_56, %add3A_1618 : i32
        %get3A_1620 = arith.index_cast %add3A_1619 : i32 to index
        %get3A_1621 = arith.constant 32 : index
        %get3A_1622 = tpu.vector_load %arg11[%get3A_1620, %get3A_1621] {strides = array<i32>} : memref<128x144xf32, #tpu.memory_space<vmem>>, vector<16xf32>,
        %mul3A_1623 = arith.mulf %get3A_1622, %broadcast_in_dim3A_1595 : vector<16xf32>
        %add3A_1624 = arith.constant 15 : i32
        %add3A_1625 = arith.addi %add3A_56, %add3A_1624 : i32
        %swap3A_1626 = arith.index_cast %add3A_1625 : i32 to index
        %swap3A_1627 = arith.constant 32 : index
        %swap3A_1628 = tpu.vector_load %arg11[%swap3A_1626, %swap3A_1627] {strides = array<i32>} : memref<128x144xf32, #tpu.memory_space<vmem>>, vector<16xf32>,
        tpu.vector_store %arg11[%swap3A_1626, %swap3A_1627], %mul3A_1623 {strides = array<i32>} : memref<128x144xf32, #tpu.memory_space<vmem>>, vector<16xf32>,
        %add3A_1629 = arith.constant 15 : i32
        %add3A_1630 = arith.addi %add3A_56, %add3A_1629 : i32
        %get3A_1631 = arith.index_cast %add3A_1630 : i32 to index
        %get3A_1632 = arith.constant 48 : index
        %get3A_1633 = tpu.vector_load %arg11[%get3A_1631, %get3A_1632] {strides = array<i32>} : memref<128x144xf32, #tpu.memory_space<vmem>>, vector<16xf32>,
        %mul3A_1634 = arith.mulf %get3A_1633, %broadcast_in_dim3A_1595 : vector<16xf32>
        %add3A_1635 = arith.constant 15 : i32
        %add3A_1636 = arith.addi %add3A_56, %add3A_1635 : i32
        %swap3A_1637 = arith.index_cast %add3A_1636 : i32 to index
        %swap3A_1638 = arith.constant 48 : index
        %swap3A_1639 = tpu.vector_load %arg11[%swap3A_1637, %swap3A_1638] {strides = array<i32>} : memref<128x144xf32, #tpu.memory_space<vmem>>, vector<16xf32>,
        tpu.vector_store %arg11[%swap3A_1637, %swap3A_1638], %mul3A_1634 {strides = array<i32>} : memref<128x144xf32, #tpu.memory_space<vmem>>, vector<16xf32>,
        %add3A_1640 = arith.constant 15 : i32
        %add3A_1641 = arith.addi %add3A_56, %add3A_1640 : i32
        %get3A_1642 = arith.index_cast %add3A_1641 : i32 to index
        %get3A_1643 = arith.constant 64 : index
        %get3A_1644 = tpu.vector_load %arg11[%get3A_1642, %get3A_1643] {strides = array<i32>} : memref<128x144xf32, #tpu.memory_space<vmem>>, vector<16xf32>,
        %mul3A_1645 = arith.mulf %get3A_1644, %broadcast_in_dim3A_1595 : vector<16xf32>
        %add3A_1646 = arith.constant 15 : i32
        %add3A_1647 = arith.addi %add3A_56, %add3A_1646 : i32
        %swap3A_1648 = arith.index_cast %add3A_1647 : i32 to index
        %swap3A_1649 = arith.constant 64 : index
        %swap3A_1650 = tpu.vector_load %arg11[%swap3A_1648, %swap3A_1649] {strides = array<i32>} : memref<128x144xf32, #tpu.memory_space<vmem>>, vector<16xf32>,
        tpu.vector_store %arg11[%swap3A_1648, %swap3A_1649], %mul3A_1645 {strides = array<i32>} : memref<128x144xf32, #tpu.memory_space<vmem>>, vector<16xf32>,
        %add3A_1651 = arith.constant 15 : i32
        %add3A_1652 = arith.addi %add3A_56, %add3A_1651 : i32
        %get3A_1653 = arith.index_cast %add3A_1652 : i32 to index
        %get3A_1654 = arith.constant 80 : index
        %get3A_1655 = tpu.vector_load %arg11[%get3A_1653, %get3A_1654] {strides = array<i32>} : memref<128x144xf32, #tpu.memory_space<vmem>>, vector<16xf32>,
        %mul3A_1656 = arith.mulf %get3A_1655, %broadcast_in_dim3A_1595 : vector<16xf32>
        %add3A_1657 = arith.constant 15 : i32
        %add3A_1658 = arith.addi %add3A_56, %add3A_1657 : i32
        %swap3A_1659 = arith.index_cast %add3A_1658 : i32 to index
        %swap3A_1660 = arith.constant 80 : index
        %swap3A_1661 = tpu.vector_load %arg11[%swap3A_1659, %swap3A_1660] {strides = array<i32>} : memref<128x144xf32, #tpu.memory_space<vmem>>, vector<16xf32>,
        tpu.vector_store %arg11[%swap3A_1659, %swap3A_1660], %mul3A_1656 {strides = array<i32>} : memref<128x144xf32, #tpu.memory_space<vmem>>, vector<16xf32>,
        %add3A_1662 = arith.constant 15 : i32
        %add3A_1663 = arith.addi %add3A_56, %add3A_1662 : i32
        %get3A_1664 = arith.index_cast %add3A_1663 : i32 to index
        %get3A_1665 = arith.constant 96 : index
        %get3A_1666 = tpu.vector_load %arg11[%get3A_1664, %get3A_1665] {strides = array<i32>} : memref<128x144xf32, #tpu.memory_space<vmem>>, vector<16xf32>,
        %mul3A_1667 = arith.mulf %get3A_1666, %broadcast_in_dim3A_1595 : vector<16xf32>
        %add3A_1668 = arith.constant 15 : i32
        %add3A_1669 = arith.addi %add3A_56, %add3A_1668 : i32
        %swap3A_1670 = arith.index_cast %add3A_1669 : i32 to index
        %swap3A_1671 = arith.constant 96 : index
        %swap3A_1672 = tpu.vector_load %arg11[%swap3A_1670, %swap3A_1671] {strides = array<i32>} : memref<128x144xf32, #tpu.memory_space<vmem>>, vector<16xf32>,
        tpu.vector_store %arg11[%swap3A_1670, %swap3A_1671], %mul3A_1667 {strides = array<i32>} : memref<128x144xf32, #tpu.memory_space<vmem>>, vector<16xf32>,
        %add3A_1673 = arith.constant 15 : i32
        %add3A_1674 = arith.addi %add3A_56, %add3A_1673 : i32
        %get3A_1675 = arith.index_cast %add3A_1674 : i32 to index
        %get3A_1676 = arith.constant 112 : index
        %get3A_1677 = tpu.vector_load %arg11[%get3A_1675, %get3A_1676] {strides = array<i32>} : memref<128x144xf32, #tpu.memory_space<vmem>>, vector<16xf32>,
        %mul3A_1678 = arith.mulf %get3A_1677, %broadcast_in_dim3A_1595 : vector<16xf32>
        %add3A_1679 = arith.constant 15 : i32
        %add3A_1680 = arith.addi %add3A_56, %add3A_1679 : i32
        %swap3A_1681 = arith.index_cast %add3A_1680 : i32 to index
        %swap3A_1682 = arith.constant 112 : index
        %swap3A_1683 = tpu.vector_load %arg11[%swap3A_1681, %swap3A_1682] {strides = array<i32>} : memref<128x144xf32, #tpu.memory_space<vmem>>, vector<16xf32>,
        tpu.vector_store %arg11[%swap3A_1681, %swap3A_1682], %mul3A_1678 {strides = array<i32>} : memref<128x144xf32, #tpu.memory_space<vmem>>, vector<16xf32>,
        %add3A_1684 = arith.constant 15 : i32
        %add3A_1685 = arith.addi %add3A_56, %add3A_1684 : i32
        %get3A_1686 = arith.index_cast %add3A_1685 : i32 to index
        %get3A_1687 = arith.constant 128 : index
        %get3A_1688 = tpu.vector_load %arg11[%get3A_1686, %get3A_1687] {strides = array<i32>} : memref<128x144xf32, #tpu.memory_space<vmem>>, vector<16xf32>,
        %mul3A_1689 = arith.mulf %get3A_1688, %broadcast_in_dim3A_1595 : vector<16xf32>
        %add3A_1690 = arith.constant 15 : i32
        %add3A_1691 = arith.addi %add3A_56, %add3A_1690 : i32
        %swap3A_1692 = arith.index_cast %add3A_1691 : i32 to index
        %swap3A_1693 = arith.constant 128 : index
        %swap3A_1694 = tpu.vector_load %arg11[%swap3A_1692, %swap3A_1693] {strides = array<i32>} : memref<128x144xf32, #tpu.memory_space<vmem>>, vector<16xf32>,
        tpu.vector_store %arg11[%swap3A_1692, %swap3A_1693], %mul3A_1689 {strides = array<i32>} : memref<128x144xf32, #tpu.memory_space<vmem>>, vector<16xf32>,
      }
      %scan3A_51 = arith.constant 8 : i32
      "tpu.region"() ({
        %run_scoped3A_52 = tpu.sem_alloc : memref<!tpu.dma_semaphore, #tpu.memory_space<semaphore_mem>>
        %dma_start3A = arith.constant 0 : i32
        %dma_start3A_53 = arith.constant 0 : i32
        %dma_start3A_54 = tpu.memref_slice %arg12[%dma_start3A, %dma_start3A_53] : memref<10176x144xf32, #tpu.memory_space<vmem_shared>> -> memref<10176x144xf32, #tpu.memory_space<vmem_shared>>
        tpu.enqueue_indirect_dma source(%arg11 : memref<128x144xf32, #tpu.memory_space<vmem>>) target(%dma_start3A_54 : memref<10176x144xf32, #tpu.memory_space<vmem_shared>>) offsets(%arg10 : memref<128xi32, #tpu.memory_space<vmem>>) semaphore(%run_scoped3A_52 : memref<!tpu.dma_semaphore, #tpu.memory_space<semaphore_mem>>) {add = true}
        %dma_wait3A = arith.constant 0 : i32
        %dma_wait3A_55 = arith.constant 0 : i32
        %dma_wait3A_56 = tpu.memref_slice %arg12[%dma_wait3A, %dma_wait3A_55] : memref<10176x144xf32, #tpu.memory_space<vmem_shared>> -> memref<10176x144xf32, #tpu.memory_space<vmem_shared>>
        tpu.wait_indirect_dma semaphore(%run_scoped3A_52 : memref<!tpu.dma_semaphore, #tpu.memory_space<semaphore_mem>>) src(%arg11 : memref<128x144xf32, #tpu.memory_space<vmem>>) dst(%dma_wait3A_56 : memref<10176x144xf32, #tpu.memory_space<vmem_shared>>)
        tpu.yield
      }) : () -> ()
    }
    %scan3A_33 = arith.constant 79 : i32
    %barrier3A_34 = arith.constant 0 : index
    tpu.barrier barrier_id(%barrier3A_34)
    %mul3A_35 = arith.constant 636 : i32
    %mul3A_36 = arith.muli %arg1, %mul3A_35 : i32
    %mul3A_37 = arith.constant 636 : i32
    %mul3A_38 = arith.muli %arg1, %mul3A_37 : i32
    "tpu.region"() ({
      %run_scoped3A_39 = tpu.sem_alloc : memref<!tpu.dma_semaphore, #tpu.memory_space<semaphore_mem>>
      %dma_start3A = arith.constant 0 : i32
      %dma_start3A_40 = tpu.memref_slice %arg6[%arg0, %mul3A_38, %dma_start3A] : memref<2x10240x144xf32, #tpu.memory_space<hbm>> -> memref<1x636x144xf32, #tpu.memory_space<hbm>>
      %dma_start3A_41 = tpu.memref_squeeze %dma_start3A_40 : memref<1x636x144xf32, #tpu.memory_space<hbm>> -> memref<636x144xf32, #tpu.memory_space<hbm>>
      %dma_start3A_42 = arith.constant 0 : i32
      %dma_start3A_43 = tpu.memref_slice %arg12[%mul3A_36, %dma_start3A_42] : memref<10176x144xf32, #tpu.memory_space<vmem_shared>> -> memref<636x144xf32, #tpu.memory_space<vmem_shared>>
      tpu.enqueue_dma source(%dma_start3A_43 : memref<636x144xf32, #tpu.memory_space<vmem_shared>>) target(%dma_start3A_41 : memref<636x144xf32, #tpu.memory_space<hbm>>) target_semaphore(%run_scoped3A_39 : memref<!tpu.dma_semaphore, #tpu.memory_space<semaphore_mem>>)
      %dma_wait3A = arith.constant 0 : i32
      %dma_wait3A_44 = tpu.memref_slice %arg6[%arg0, %mul3A_38, %dma_wait3A] : memref<2x10240x144xf32, #tpu.memory_space<hbm>> -> memref<1x636x144xf32, #tpu.memory_space<hbm>>
      %dma_wait3A_45 = tpu.memref_squeeze %dma_wait3A_44 : memref<1x636x144xf32, #tpu.memory_space<hbm>> -> memref<636x144xf32, #tpu.memory_space<hbm>>
      %dma_wait3A_46 = arith.constant 0 : i32
      %dma_wait3A_47 = tpu.memref_slice %arg12[%mul3A_36, %dma_wait3A_46] : memref<10176x144xf32, #tpu.memory_space<vmem_shared>> -> memref<636x144xf32, #tpu.memory_space<vmem_shared>>
      tpu.wait_dma2 semaphore(%run_scoped3A_39 : memref<!tpu.dma_semaphore, #tpu.memory_space<semaphore_mem>>) src(%dma_wait3A_47 : memref<636x144xf32, #tpu.memory_space<vmem_shared>>) dst(%dma_wait3A_45 : memref<636x144xf32, #tpu.memory_space<hbm>>)
      tpu.yield
    }) : () -> ()
    return
  }
}

module attributes {stable_mosaic.version = 14 : i64} {
  func.func @_embed_body(%arg0: i32, %arg1: memref<1024x128xf32, #tpu.memory_space<vmem>>, %arg2: memref<128x128xf32, #tpu.memory_space<vmem>>, %arg3: memref<128x8xf32, #tpu.memory_space<vmem>>, %arg4: memref<1024x144xf32, #tpu.memory_space<vmem>>, %arg5: memref<8x1024xf32, #tpu.memory_space<vmem>>) attributes {dimension_semantics = [#tpu.dimension_semantics<arbitrary>], iteration_bounds = array<i64: 10>, scalar_prefetch = 0 : i64, scratch_operands = 0 : i64, tpu.core_type = #tpu.core_type<tc>, window_params = [{transform_indices = @transform_0, window_bounds = array<i64: 1024, 128>}, {pipeline_mode = #tpu.pipeline_mode<synchronous>, transform_indices = @transform_1, window_bounds = array<i64: 128, 128>}, {pipeline_mode = #tpu.pipeline_mode<synchronous>, transform_indices = @transform_2, window_bounds = array<i64: 128, 8>}, {transform_indices = @transform_3, window_bounds = array<i64: 1024, 144>}, {transform_indices = @transform_4, window_bounds = array<i64: 8, 1024>}]} {
    %get3A = arith.constant 0 : index
    %get3A_0 = arith.constant 0 : index
    %get3A_1 = vector.load %arg1[%get3A, %get3A_0] : memref<1024x128xf32, #tpu.memory_space<vmem>>, vector<1024x128xf32>
    %get3A_2 = arith.constant 0 : index
    %get3A_3 = arith.constant 0 : index
    %get3A_4 = vector.load %arg2[%get3A_2, %get3A_3] : memref<128x128xf32, #tpu.memory_space<vmem>>, vector<128x128xf32>
    %dot_general3A = arith.constant dense<0.000000e+00> : vector<1024x128xf32>
    %dot_general3A_5 = tpu.matmul %get3A_1, %get3A_4, %dot_general3A {dimension_numbers = #tpu.dot_dimension_numbers<[1], [0], [0], [1], [0, 0, 1, 1], [], []>, transpose_lhs_hint = false} : vector<1024x128xf32>, vector<128x128xf32>, vector<1024x128xf32> -> vector<1024x128xf32>
    %get3A_6 = arith.constant 0 : index
    %get3A_7 = arith.constant 0 : index
    %get3A_8 = vector.load %arg3[%get3A_6, %get3A_7] : memref<128x8xf32, #tpu.memory_space<vmem>>, vector<128x8xf32>
    %dot_general3A_9 = arith.constant dense<0.000000e+00> : vector<1024x8xf32>
    %dot_general3A_10 = tpu.matmul %dot_general3A_5, %get3A_8, %dot_general3A_9 {dimension_numbers = #tpu.dot_dimension_numbers<[1], [0], [0], [1], [0, 0, 1, 1], [], []>, transpose_lhs_hint = false} : vector<1024x128xf32>, vector<128x8xf32>, vector<1024x8xf32> -> vector<1024x8xf32>
    %transpose3A = tpu.transpose %dot_general3A_10, [1, 0] : vector<1024x8xf32> -> vector<8x1024xf32>
    %swap3A = arith.constant 0 : index
    %swap3A_11 = arith.constant 0 : index
    %swap3A_12 = vector.load %arg5[%swap3A, %swap3A_11] : memref<8x1024xf32, #tpu.memory_space<vmem>>, vector<8x1024xf32>
    tpu.vector_store %arg5[%swap3A, %swap3A_11], %transpose3A {strides = array<i32>} : memref<8x1024xf32, #tpu.memory_space<vmem>>, vector<8x1024xf32>,
    %iota3A = tpu.iota {dimensions = array<i32: 1>} : vector<1024x16xi32>
    %eq3A = arith.constant 0 : i32
    %eq3A_13 = vector.broadcast %eq3A : i32 to vector<1024x16xi32>
    %eq3A_14 = arith.cmpi eq, %iota3A, %eq3A_13 : vector<1024x16xi32>
    %jit3A = arith.constant 1.000000e+00 : f32
    %jit3A_15 = arith.constant 0.000000e+00 : f32
    %broadcast_in_dim3A = vector.broadcast %jit3A : f32 to vector<1024x16xf32>
    %broadcast_in_dim3A_16 = vector.broadcast %jit3A_15 : f32 to vector<1024x16xf32>
    %select_n3A = arith.select %eq3A_14, %broadcast_in_dim3A, %broadcast_in_dim3A_16 : vector<1024x16xi1>, vector<1024x16xf32>
    %concatenate3A = tpu.concatenate %dot_general3A_5, %select_n3A in 1 : vector<1024x128xf32>, vector<1024x16xf32> -> vector<1024x144xf32>
    %swap3A_17 = arith.constant 0 : index
    %swap3A_18 = arith.constant 0 : index
    %swap3A_19 = vector.load %arg4[%swap3A_17, %swap3A_18] : memref<1024x144xf32, #tpu.memory_space<vmem>>, vector<1024x144xf32>
    tpu.vector_store %arg4[%swap3A_17, %swap3A_18], %concatenate3A {strides = array<i32>} : memref<1024x144xf32, #tpu.memory_space<vmem>>, vector<1024x144xf32>,
    return
  }
  func.func @transform_0(%arg0: i32) -> (i32, i32) {
    %c0_i32 = arith.constant 0 : i32
    %c0_i32_0 = arith.constant 0 : i32
    return %arg0, %c0_i32 : i32, i32
  }
  func.func @transform_1(%arg0: i32) -> (i32, i32) {
    %c0_i32 = arith.constant 0 : i32
    %c0_i32_0 = arith.constant 0 : i32
    %c0_i32_1 = arith.constant 0 : i32
    return %c0_i32, %c0_i32_0 : i32, i32
  }
  func.func @transform_2(%arg0: i32) -> (i32, i32) {
    %c0_i32 = arith.constant 0 : i32
    %c0_i32_0 = arith.constant 0 : i32
    %c0_i32_1 = arith.constant 0 : i32
    return %c0_i32, %c0_i32_0 : i32, i32
  }
  func.func @transform_3(%arg0: i32) -> (i32, i32) {
    %c0_i32 = arith.constant 0 : i32
    %c0_i32_0 = arith.constant 0 : i32
    return %arg0, %c0_i32 : i32, i32
  }
  func.func @transform_4(%arg0: i32) -> (i32, i32) {
    %c0_i32 = arith.constant 0 : i32
    %c0_i32_0 = arith.constant 0 : i32
    return %c0_i32, %arg0 : i32, i32
  }
}

module attributes {stable_mosaic.version = 14 : i64} {
  func.func @_combine_body(%arg0: i32, %arg1: memref<1x1024x144xf32, #tpu.memory_space<vmem>>, %arg2: memref<1x1024x144xf32, #tpu.memory_space<vmem>>, %arg3: memref<1024x144xf32, #tpu.memory_space<vmem>>, %arg4: memref<128x8xf32, #tpu.memory_space<vmem>>, %arg5: memref<1x128xf32, #tpu.memory_space<vmem>>, %arg6: memref<128x128xf32, #tpu.memory_space<vmem>>, %arg7: memref<128x8xf32, #tpu.memory_space<vmem>>, %arg8: memref<1024x144xf32, #tpu.memory_space<vmem>>, %arg9: memref<8x1024xf32, #tpu.memory_space<vmem>>) attributes {dimension_semantics = [#tpu.dimension_semantics<arbitrary>], iteration_bounds = array<i64: 10>, scalar_prefetch = 0 : i64, scratch_operands = 0 : i64, tpu.core_type = #tpu.core_type<tc>, window_params = [{transform_indices = @transform_0, window_bounds = array<i64: 1, 1024, 144>}, {transform_indices = @transform_1, window_bounds = array<i64: 1, 1024, 144>}, {transform_indices = @transform_2, window_bounds = array<i64: 1024, 144>}, {pipeline_mode = #tpu.pipeline_mode<synchronous>, transform_indices = @transform_3, window_bounds = array<i64: 128, 8>}, {pipeline_mode = #tpu.pipeline_mode<synchronous>, transform_indices = @transform_4, window_bounds = array<i64: 1, 128>}, {pipeline_mode = #tpu.pipeline_mode<synchronous>, transform_indices = @transform_5, window_bounds = array<i64: 128, 128>}, {pipeline_mode = #tpu.pipeline_mode<synchronous>, transform_indices = @transform_6, window_bounds = array<i64: 128, 8>}, {transform_indices = @transform_7, window_bounds = array<i64: 1024, 144>}, {transform_indices = @transform_8, window_bounds = array<i64: 8, 1024>}]} {
    %get3A = arith.constant 0 : index
    %get3A_0 = arith.constant 0 : index
    %get3A_1 = vector.load %arg3[%get3A, %get3A_0] : memref<1024x144xf32, #tpu.memory_space<vmem>>, vector<1024x144xf32>
    %slice3A = vector.extract_strided_slice %get3A_1 {offsets = [0, 0], sizes = [1024, 128], strides = [1, 1]} : vector<1024x144xf32> to vector<1024x128xf32>
    %get3A_2 = arith.constant 0 : index
    %get3A_3 = arith.constant 0 : index
    %get3A_4 = vector.load %arg4[%get3A_2, %get3A_3] : memref<128x8xf32, #tpu.memory_space<vmem>>, vector<128x8xf32>
    %dot_general3A = arith.constant dense<0.000000e+00> : vector<1024x8xf32>
    %dot_general3A_5 = tpu.matmul %slice3A, %get3A_4, %dot_general3A {dimension_numbers = #tpu.dot_dimension_numbers<[1], [0], [0], [1], [0, 0, 1, 1], [], []>, transpose_lhs_hint = false} : vector<1024x128xf32>, vector<128x8xf32>, vector<1024x8xf32> -> vector<1024x8xf32>
    %slice3A_6 = vector.extract_strided_slice %dot_general3A_5 {offsets = [0, 0], sizes = [1024, 1], strides = [1, 1]} : vector<1024x8xf32> to vector<1024x1xf32>
    %slice3A_7 = vector.extract_strided_slice %dot_general3A_5 {offsets = [0, 1], sizes = [1024, 1], strides = [1, 1]} : vector<1024x8xf32> to vector<1024x1xf32>
    %add3A = arith.addf %slice3A_6, %slice3A_7 : vector<1024x1xf32>
    %ge3A = arith.constant 0.000000e+00 : f32
    %ge3A_8 = vector.broadcast %ge3A : f32 to vector<1024x1xf32>
    %ge3A_9 = arith.cmpf oge, %add3A, %ge3A_8 : vector<1024x1xf32>
    %mul3A = arith.constant 2.000000e-01 : f32
    %mul3A_10 = vector.broadcast %mul3A : f32 to vector<1024x1xf32>
    %mul3A_11 = arith.mulf %mul3A_10, %add3A : vector<1024x1xf32>
    %select_n3A = arith.select %ge3A_9, %add3A, %mul3A_11 : vector<1024x1xi1>, vector<1024x1xf32>
    %get3A_12 = arith.constant 0 : index
    %get3A_13 = arith.constant 0 : index
    %get3A_14 = arith.constant 0 : index
    %get3A_15 = vector.load %arg1[%get3A_12, %get3A_13, %get3A_14] : memref<1x1024x144xf32, #tpu.memory_space<vmem>>, vector<1x1024x144xf32>
    %get3A_16 = vector.shape_cast %get3A_15 : vector<1x1024x144xf32> to vector<1024x144xf32>
    %get3A_17 = arith.constant 0 : index
    %get3A_18 = arith.constant 0 : index
    %get3A_19 = arith.constant 0 : index
    %get3A_20 = vector.load %arg2[%get3A_17, %get3A_18, %get3A_19] : memref<1x1024x144xf32, #tpu.memory_space<vmem>>, vector<1x1024x144xf32>
    %get3A_21 = vector.shape_cast %get3A_20 : vector<1x1024x144xf32> to vector<1024x144xf32>
    %add3A_22 = arith.addf %get3A_16, %get3A_21 : vector<1024x144xf32>
    %exp3A = math.exp %select_n3A : vector<1024x1xf32>
    %mul3A_23 = vector.broadcast %exp3A : vector<1024x1xf32> to vector<1024x144xf32>
    %mul3A_24 = arith.mulf %mul3A_23, %get3A_1 : vector<1024x144xf32>
    %add3A_25 = arith.addf %add3A_22, %mul3A_24 : vector<1024x144xf32>
    %slice3A_26 = vector.extract_strided_slice %add3A_25 {offsets = [0, 0], sizes = [1024, 128], strides = [1, 1]} : vector<1024x144xf32> to vector<1024x128xf32>
    %slice3A_27 = vector.extract_strided_slice %add3A_25 {offsets = [0, 128], sizes = [1024, 1], strides = [1, 1]} : vector<1024x144xf32> to vector<1024x1xf32>
    %div3A = vector.broadcast %slice3A_27 : vector<1024x1xf32> to vector<1024x128xf32>
    %div3A_28 = arith.divf %slice3A_26, %div3A : vector<1024x128xf32>
    %get3A_29 = arith.constant 0 : index
    %get3A_30 = arith.constant 0 : index
    %get3A_31 = vector.load %arg5[%get3A_29, %get3A_30] : memref<1x128xf32, #tpu.memory_space<vmem>>, vector<1x128xf32>
    %add3A_32 = vector.broadcast %get3A_31 : vector<1x128xf32> to vector<1024x128xf32>
    %add3A_33 = arith.addf %div3A_28, %add3A_32 : vector<1024x128xf32>
    %max3A = arith.constant 0.000000e+00 : f32
    %max3A_34 = vector.broadcast %max3A : f32 to vector<1024x128xf32>
    %max3A_35 = arith.maximumf %add3A_33, %max3A_34 : vector<1024x128xf32>
    %get3A_36 = arith.constant 0 : index
    %get3A_37 = arith.constant 0 : index
    %get3A_38 = vector.load %arg6[%get3A_36, %get3A_37] : memref<128x128xf32, #tpu.memory_space<vmem>>, vector<128x128xf32>
    %dot_general3A_39 = arith.constant dense<0.000000e+00> : vector<1024x128xf32>
    %dot_general3A_40 = tpu.matmul %max3A_35, %get3A_38, %dot_general3A_39 {dimension_numbers = #tpu.dot_dimension_numbers<[1], [0], [0], [1], [0, 0, 1, 1], [], []>, transpose_lhs_hint = false} : vector<1024x128xf32>, vector<128x128xf32>, vector<1024x128xf32> -> vector<1024x128xf32>
    %get3A_41 = arith.constant 0 : index
    %get3A_42 = arith.constant 0 : index
    %get3A_43 = vector.load %arg7[%get3A_41, %get3A_42] : memref<128x8xf32, #tpu.memory_space<vmem>>, vector<128x8xf32>
    %dot_general3A_44 = arith.constant dense<0.000000e+00> : vector<1024x8xf32>
    %dot_general3A_45 = tpu.matmul %dot_general3A_40, %get3A_43, %dot_general3A_44 {dimension_numbers = #tpu.dot_dimension_numbers<[1], [0], [0], [1], [0, 0, 1, 1], [], []>, transpose_lhs_hint = false} : vector<1024x128xf32>, vector<128x8xf32>, vector<1024x8xf32> -> vector<1024x8xf32>
    %transpose3A = tpu.transpose %dot_general3A_45, [1, 0] : vector<1024x8xf32> -> vector<8x1024xf32>
    %swap3A = arith.constant 0 : index
    %swap3A_46 = arith.constant 0 : index
    %swap3A_47 = vector.load %arg9[%swap3A, %swap3A_46] : memref<8x1024xf32, #tpu.memory_space<vmem>>, vector<8x1024xf32>
    tpu.vector_store %arg9[%swap3A, %swap3A_46], %transpose3A {strides = array<i32>} : memref<8x1024xf32, #tpu.memory_space<vmem>>, vector<8x1024xf32>,
    %iota3A = tpu.iota {dimensions = array<i32: 1>} : vector<1024x16xi32>
    %eq3A = arith.constant 0 : i32
    %eq3A_48 = vector.broadcast %eq3A : i32 to vector<1024x16xi32>
    %eq3A_49 = arith.cmpi eq, %iota3A, %eq3A_48 : vector<1024x16xi32>
    %jit3A = arith.constant 1.000000e+00 : f32
    %jit3A_50 = arith.constant 0.000000e+00 : f32
    %broadcast_in_dim3A = vector.broadcast %jit3A : f32 to vector<1024x16xf32>
    %broadcast_in_dim3A_51 = vector.broadcast %jit3A_50 : f32 to vector<1024x16xf32>
    %select_n3A_52 = arith.select %eq3A_49, %broadcast_in_dim3A, %broadcast_in_dim3A_51 : vector<1024x16xi1>, vector<1024x16xf32>
    %concatenate3A = tpu.concatenate %dot_general3A_40, %select_n3A_52 in 1 : vector<1024x128xf32>, vector<1024x16xf32> -> vector<1024x144xf32>
    %swap3A_53 = arith.constant 0 : index
    %swap3A_54 = arith.constant 0 : index
    %swap3A_55 = vector.load %arg8[%swap3A_53, %swap3A_54] : memref<1024x144xf32, #tpu.memory_space<vmem>>, vector<1024x144xf32>
    tpu.vector_store %arg8[%swap3A_53, %swap3A_54], %concatenate3A {strides = array<i32>} : memref<1024x144xf32, #tpu.memory_space<vmem>>, vector<1024x144xf32>,
    return
  }
  func.func @transform_0(%arg0: i32) -> (i32, i32, i32) {
    %c0_i32 = arith.constant 0 : i32
    %c0_i32_0 = arith.constant 0 : i32
    %c0_i32_1 = arith.constant 0 : i32
    return %c0_i32, %arg0, %c0_i32_0 : i32, i32, i32
  }
  func.func @transform_1(%arg0: i32) -> (i32, i32, i32) {
    %c1_i32 = arith.constant 1 : i32
    %c0_i32 = arith.constant 0 : i32
    %c0_i32_0 = arith.constant 0 : i32
    return %c1_i32, %arg0, %c0_i32 : i32, i32, i32
  }
  func.func @transform_2(%arg0: i32) -> (i32, i32) {
    %c0_i32 = arith.constant 0 : i32
    %c0_i32_0 = arith.constant 0 : i32
    return %arg0, %c0_i32 : i32, i32
  }
  func.func @transform_3(%arg0: i32) -> (i32, i32) {
    %c0_i32 = arith.constant 0 : i32
    %c0_i32_0 = arith.constant 0 : i32
    %c0_i32_1 = arith.constant 0 : i32
    return %c0_i32, %c0_i32_0 : i32, i32
  }
  func.func @transform_4(%arg0: i32) -> (i32, i32) {
    %c0_i32 = arith.constant 0 : i32
    %c0_i32_0 = arith.constant 0 : i32
    %c0_i32_1 = arith.constant 0 : i32
    return %c0_i32, %c0_i32_0 : i32, i32
  }
  func.func @transform_5(%arg0: i32) -> (i32, i32) {
    %c0_i32 = arith.constant 0 : i32
    %c0_i32_0 = arith.constant 0 : i32
    %c0_i32_1 = arith.constant 0 : i32
    return %c0_i32, %c0_i32_0 : i32, i32
  }
  func.func @transform_6(%arg0: i32) -> (i32, i32) {
    %c0_i32 = arith.constant 0 : i32
    %c0_i32_0 = arith.constant 0 : i32
    %c0_i32_1 = arith.constant 0 : i32
    return %c0_i32, %c0_i32_0 : i32, i32
  }
  func.func @transform_7(%arg0: i32) -> (i32, i32) {
    %c0_i32 = arith.constant 0 : i32
    %c0_i32_0 = arith.constant 0 : i32
    return %arg0, %c0_i32 : i32, i32
  }
  func.func @transform_8(%arg0: i32) -> (i32, i32) {
    %c0_i32 = arith.constant 0 : i32
    %c0_i32_0 = arith.constant 0 : i32
    return %c0_i32, %arg0 : i32, i32
  }
}

module attributes {stable_mosaic.version = 14 : i64} {
  func.func @_final_body(%arg0: i32, %arg1: memref<1x1024x144xf32, #tpu.memory_space<vmem>>, %arg2: memref<1x1024x144xf32, #tpu.memory_space<vmem>>, %arg3: memref<1024x144xf32, #tpu.memory_space<vmem>>, %arg4: memref<128x8xf32, #tpu.memory_space<vmem>>, %arg5: memref<1x128xf32, #tpu.memory_space<vmem>>, %arg6: memref<128x128xf32, #tpu.memory_space<vmem>>, %arg7: memref<1x128xf32, #tpu.memory_space<vmem>>, %arg8: memref<128x64xf32, #tpu.memory_space<vmem>>, %arg9: memref<1x64xf32, #tpu.memory_space<vmem>>, %arg10: memref<1024x64xf32, #tpu.memory_space<vmem>>) attributes {dimension_semantics = [#tpu.dimension_semantics<arbitrary>], iteration_bounds = array<i64: 10>, scalar_prefetch = 0 : i64, scratch_operands = 0 : i64, tpu.core_type = #tpu.core_type<tc>, window_params = [{transform_indices = @transform_0, window_bounds = array<i64: 1, 1024, 144>}, {transform_indices = @transform_1, window_bounds = array<i64: 1, 1024, 144>}, {transform_indices = @transform_2, window_bounds = array<i64: 1024, 144>}, {pipeline_mode = #tpu.pipeline_mode<synchronous>, transform_indices = @transform_3, window_bounds = array<i64: 128, 8>}, {pipeline_mode = #tpu.pipeline_mode<synchronous>, transform_indices = @transform_4, window_bounds = array<i64: 1, 128>}, {pipeline_mode = #tpu.pipeline_mode<synchronous>, transform_indices = @transform_5, window_bounds = array<i64: 128, 128>}, {pipeline_mode = #tpu.pipeline_mode<synchronous>, transform_indices = @transform_6, window_bounds = array<i64: 1, 128>}, {pipeline_mode = #tpu.pipeline_mode<synchronous>, transform_indices = @transform_7, window_bounds = array<i64: 128, 64>}, {pipeline_mode = #tpu.pipeline_mode<synchronous>, transform_indices = @transform_8, window_bounds = array<i64: 1, 64>}, {transform_indices = @transform_9, window_bounds = array<i64: 1024, 64>}]} {
    %get3A = arith.constant 0 : index
    %get3A_0 = arith.constant 0 : index
    %get3A_1 = vector.load %arg3[%get3A, %get3A_0] : memref<1024x144xf32, #tpu.memory_space<vmem>>, vector<1024x144xf32>
    %slice3A = vector.extract_strided_slice %get3A_1 {offsets = [0, 0], sizes = [1024, 128], strides = [1, 1]} : vector<1024x144xf32> to vector<1024x128xf32>
    %get3A_2 = arith.constant 0 : index
    %get3A_3 = arith.constant 0 : index
    %get3A_4 = vector.load %arg4[%get3A_2, %get3A_3] : memref<128x8xf32, #tpu.memory_space<vmem>>, vector<128x8xf32>
    %dot_general3A = arith.constant dense<0.000000e+00> : vector<1024x8xf32>
    %dot_general3A_5 = tpu.matmul %slice3A, %get3A_4, %dot_general3A {dimension_numbers = #tpu.dot_dimension_numbers<[1], [0], [0], [1], [0, 0, 1, 1], [], []>, transpose_lhs_hint = false} : vector<1024x128xf32>, vector<128x8xf32>, vector<1024x8xf32> -> vector<1024x8xf32>
    %slice3A_6 = vector.extract_strided_slice %dot_general3A_5 {offsets = [0, 0], sizes = [1024, 1], strides = [1, 1]} : vector<1024x8xf32> to vector<1024x1xf32>
    %slice3A_7 = vector.extract_strided_slice %dot_general3A_5 {offsets = [0, 1], sizes = [1024, 1], strides = [1, 1]} : vector<1024x8xf32> to vector<1024x1xf32>
    %add3A = arith.addf %slice3A_6, %slice3A_7 : vector<1024x1xf32>
    %ge3A = arith.constant 0.000000e+00 : f32
    %ge3A_8 = vector.broadcast %ge3A : f32 to vector<1024x1xf32>
    %ge3A_9 = arith.cmpf oge, %add3A, %ge3A_8 : vector<1024x1xf32>
    %mul3A = arith.constant 2.000000e-01 : f32
    %mul3A_10 = vector.broadcast %mul3A : f32 to vector<1024x1xf32>
    %mul3A_11 = arith.mulf %mul3A_10, %add3A : vector<1024x1xf32>
    %select_n3A = arith.select %ge3A_9, %add3A, %mul3A_11 : vector<1024x1xi1>, vector<1024x1xf32>
    %get3A_12 = arith.constant 0 : index
    %get3A_13 = arith.constant 0 : index
    %get3A_14 = arith.constant 0 : index
    %get3A_15 = vector.load %arg1[%get3A_12, %get3A_13, %get3A_14] : memref<1x1024x144xf32, #tpu.memory_space<vmem>>, vector<1x1024x144xf32>
    %get3A_16 = vector.shape_cast %get3A_15 : vector<1x1024x144xf32> to vector<1024x144xf32>
    %get3A_17 = arith.constant 0 : index
    %get3A_18 = arith.constant 0 : index
    %get3A_19 = arith.constant 0 : index
    %get3A_20 = vector.load %arg2[%get3A_17, %get3A_18, %get3A_19] : memref<1x1024x144xf32, #tpu.memory_space<vmem>>, vector<1x1024x144xf32>
    %get3A_21 = vector.shape_cast %get3A_20 : vector<1x1024x144xf32> to vector<1024x144xf32>
    %add3A_22 = arith.addf %get3A_16, %get3A_21 : vector<1024x144xf32>
    %exp3A = math.exp %select_n3A : vector<1024x1xf32>
    %mul3A_23 = vector.broadcast %exp3A : vector<1024x1xf32> to vector<1024x144xf32>
    %mul3A_24 = arith.mulf %mul3A_23, %get3A_1 : vector<1024x144xf32>
    %add3A_25 = arith.addf %add3A_22, %mul3A_24 : vector<1024x144xf32>
    %slice3A_26 = vector.extract_strided_slice %add3A_25 {offsets = [0, 0], sizes = [1024, 128], strides = [1, 1]} : vector<1024x144xf32> to vector<1024x128xf32>
    %slice3A_27 = vector.extract_strided_slice %add3A_25 {offsets = [0, 128], sizes = [1024, 1], strides = [1, 1]} : vector<1024x144xf32> to vector<1024x1xf32>
    %div3A = vector.broadcast %slice3A_27 : vector<1024x1xf32> to vector<1024x128xf32>
    %div3A_28 = arith.divf %slice3A_26, %div3A : vector<1024x128xf32>
    %get3A_29 = arith.constant 0 : index
    %get3A_30 = arith.constant 0 : index
    %get3A_31 = vector.load %arg5[%get3A_29, %get3A_30] : memref<1x128xf32, #tpu.memory_space<vmem>>, vector<1x128xf32>
    %add3A_32 = vector.broadcast %get3A_31 : vector<1x128xf32> to vector<1024x128xf32>
    %add3A_33 = arith.addf %div3A_28, %add3A_32 : vector<1024x128xf32>
    %max3A = arith.constant 0.000000e+00 : f32
    %max3A_34 = vector.broadcast %max3A : f32 to vector<1024x128xf32>
    %max3A_35 = arith.maximumf %add3A_33, %max3A_34 : vector<1024x128xf32>
    %get3A_36 = arith.constant 0 : index
    %get3A_37 = arith.constant 0 : index
    %get3A_38 = vector.load %arg6[%get3A_36, %get3A_37] : memref<128x128xf32, #tpu.memory_space<vmem>>, vector<128x128xf32>
    %dot_general3A_39 = arith.constant dense<0.000000e+00> : vector<1024x128xf32>
    %dot_general3A_40 = tpu.matmul %max3A_35, %get3A_38, %dot_general3A_39 {dimension_numbers = #tpu.dot_dimension_numbers<[1], [0], [0], [1], [0, 0, 1, 1], [], []>, transpose_lhs_hint = false} : vector<1024x128xf32>, vector<128x128xf32>, vector<1024x128xf32> -> vector<1024x128xf32>
    %get3A_41 = arith.constant 0 : index
    %get3A_42 = arith.constant 0 : index
    %get3A_43 = vector.load %arg7[%get3A_41, %get3A_42] : memref<1x128xf32, #tpu.memory_space<vmem>>, vector<1x128xf32>
    %add3A_44 = vector.broadcast %get3A_43 : vector<1x128xf32> to vector<1024x128xf32>
    %add3A_45 = arith.addf %dot_general3A_40, %add3A_44 : vector<1024x128xf32>
    %max3A_46 = arith.constant 0.000000e+00 : f32
    %max3A_47 = vector.broadcast %max3A_46 : f32 to vector<1024x128xf32>
    %max3A_48 = arith.maximumf %add3A_45, %max3A_47 : vector<1024x128xf32>
    %get3A_49 = arith.constant 0 : index
    %get3A_50 = arith.constant 0 : index
    %get3A_51 = vector.load %arg8[%get3A_49, %get3A_50] : memref<128x64xf32, #tpu.memory_space<vmem>>, vector<128x64xf32>
    %dot_general3A_52 = arith.constant dense<0.000000e+00> : vector<1024x64xf32>
    %dot_general3A_53 = tpu.matmul %max3A_48, %get3A_51, %dot_general3A_52 {dimension_numbers = #tpu.dot_dimension_numbers<[1], [0], [0], [1], [0, 0, 1, 1], [], []>, transpose_lhs_hint = false} : vector<1024x128xf32>, vector<128x64xf32>, vector<1024x64xf32> -> vector<1024x64xf32>
    %get3A_54 = arith.constant 0 : index
    %get3A_55 = arith.constant 0 : index
    %get3A_56 = vector.load %arg9[%get3A_54, %get3A_55] : memref<1x64xf32, #tpu.memory_space<vmem>>, vector<1x64xf32>
    %add3A_57 = vector.broadcast %get3A_56 : vector<1x64xf32> to vector<1024x64xf32>
    %add3A_58 = arith.addf %dot_general3A_53, %add3A_57 : vector<1024x64xf32>
    %reduce_max3A = arith.constant dense<0xFF800000> : vector<1024xf32>
    %reduce_max3A_59 = vector.multi_reduction <maximumf>, %add3A_58, %reduce_max3A [1] : vector<1024x64xf32> to vector<1024xf32>
    %broadcast_in_dim3A = vector.shape_cast %reduce_max3A_59 : vector<1024xf32> to vector<1024x1xf32>
    %sub3A = vector.broadcast %broadcast_in_dim3A : vector<1024x1xf32> to vector<1024x64xf32>
    %sub3A_60 = arith.subf %add3A_58, %sub3A : vector<1024x64xf32>
    %exp3A_61 = math.exp %sub3A_60 : vector<1024x64xf32>
    %reduce_sum3A = arith.constant dense<0.000000e+00> : vector<1024xf32>
    %reduce_sum3A_62 = vector.multi_reduction <add>, %exp3A_61, %reduce_sum3A [1] : vector<1024x64xf32> to vector<1024xf32>
    %broadcast_in_dim3A_63 = vector.shape_cast %reduce_sum3A_62 : vector<1024xf32> to vector<1024x1xf32>
    %div3A_64 = vector.broadcast %broadcast_in_dim3A_63 : vector<1024x1xf32> to vector<1024x64xf32>
    %div3A_65 = arith.divf %exp3A_61, %div3A_64 : vector<1024x64xf32>
    %swap3A = arith.constant 0 : index
    %swap3A_66 = arith.constant 0 : index
    %swap3A_67 = vector.load %arg10[%swap3A, %swap3A_66] : memref<1024x64xf32, #tpu.memory_space<vmem>>, vector<1024x64xf32>
    tpu.vector_store %arg10[%swap3A, %swap3A_66], %div3A_65 {strides = array<i32>} : memref<1024x64xf32, #tpu.memory_space<vmem>>, vector<1024x64xf32>,
    return
  }
  func.func @transform_0(%arg0: i32) -> (i32, i32, i32) {
    %c0_i32 = arith.constant 0 : i32
    %c0_i32_0 = arith.constant 0 : i32
    %c0_i32_1 = arith.constant 0 : i32
    return %c0_i32, %arg0, %c0_i32_0 : i32, i32, i32
  }
  func.func @transform_1(%arg0: i32) -> (i32, i32, i32) {
    %c1_i32 = arith.constant 1 : i32
    %c0_i32 = arith.constant 0 : i32
    %c0_i32_0 = arith.constant 0 : i32
    return %c1_i32, %arg0, %c0_i32 : i32, i32, i32
  }
  func.func @transform_2(%arg0: i32) -> (i32, i32) {
    %c0_i32 = arith.constant 0 : i32
    %c0_i32_0 = arith.constant 0 : i32
    return %arg0, %c0_i32 : i32, i32
  }
  func.func @transform_3(%arg0: i32) -> (i32, i32) {
    %c0_i32 = arith.constant 0 : i32
    %c0_i32_0 = arith.constant 0 : i32
    %c0_i32_1 = arith.constant 0 : i32
    return %c0_i32, %c0_i32_0 : i32, i32
  }
  func.func @transform_4(%arg0: i32) -> (i32, i32) {
    %c0_i32 = arith.constant 0 : i32
    %c0_i32_0 = arith.constant 0 : i32
    %c0_i32_1 = arith.constant 0 : i32
    return %c0_i32, %c0_i32_0 : i32, i32
  }
  func.func @transform_5(%arg0: i32) -> (i32, i32) {
    %c0_i32 = arith.constant 0 : i32
    %c0_i32_0 = arith.constant 0 : i32
    %c0_i32_1 = arith.constant 0 : i32
    return %c0_i32, %c0_i32_0 : i32, i32
  }
  func.func @transform_6(%arg0: i32) -> (i32, i32) {
    %c0_i32 = arith.constant 0 : i32
    %c0_i32_0 = arith.constant 0 : i32
    %c0_i32_1 = arith.constant 0 : i32
    return %c0_i32, %c0_i32_0 : i32, i32
  }
  func.func @transform_7(%arg0: i32) -> (i32, i32) {
    %c0_i32 = arith.constant 0 : i32
    %c0_i32_0 = arith.constant 0 : i32
    %c0_i32_1 = arith.constant 0 : i32
    return %c0_i32, %c0_i32_0 : i32, i32
  }
  func.func @transform_8(%arg0: i32) -> (i32, i32) {
    %c0_i32 = arith.constant 0 : i32
    %c0_i32_0 = arith.constant 0 : i32
    %c0_i32_1 = arith.constant 0 : i32
    return %c0_i32, %c0_i32_0 : i32, i32
  }
  func.func @transform_9(%arg0: i32) -> (i32, i32) {
    %c0_i32 = arith.constant 0 : i32
    %c0_i32_0 = arith.constant 0 : i32
    return %arg0, %c0_i32 : i32, i32
  }
}

</mosaic_0001>

<sc_bundles>
// kernel: kernel.10.cloned.1.call-start
scs
__scs_entry_jumppad:
0x0: {  	(pc) =	sbr.rel $0x88, $3  }
0x1: {  	(tag) =	ssettag $0x0;
	lr =	simm.s32 $0x1  }
0x2: {  	[smem:$0x3F93] =	sst lr;
	_ =	strace $0xD0000000  }
0x3: {  	_ = 	snop  }
0x4: {  	_ = 	snop  }
0x5: {  	_ = 	snop  }
0x6: {  	_ = 	snop  }
0x7: {  	_ = 	snop  }
__scs_overlays_trampoline_lowered:
0x8: {  	[smem:$0x3FA2] =	sst s0  }
0x9: {  	[smem:$0x3FA3] =	sst s1  }
0xa: {  	[smem:$0x3FA4] =	sst s2  }
0xb: {  	[smem:$0x3FA5] =	sst s3  }
0xc: {  	[smem:$0x3FA6] =	sst s4  }
0xd: {  	[smem:$0x3FA7] =	sst s5  }
0xe: {  	[smem:$0x3FA8] =	sst s6  }
0xf: {  	[smem:$0x3FA9] =	sst s7  }
0x10: {  	[smem:$0x3FAA] =	sst s8  }
0x11: {  	[smem:$0x3FAB] =	sst s9;
	s0 =	simm.s32 @!p0 $0x0  }
0x12: {  	s1 =	sld [smem:$0x3F91];
	s0 =	simm.s32 @p0 $0x1  }
0x13: {  	[smem:$0x3FAC] =	sst s0;
	s0 =	simm.s32 @!p1 $0x0  }
0x14: {  	s2 =	sld [smem:$0x3F90];
	s0 =	simm.s32 @p1 $0x1  }
0x15: {  	[smem:$0x3FAD] =	sst s0;
	s0 =	simm.s32 @!p2 $0x0  }
0x16: {  	s3 =	sld [smem:$0x3FDB];
	s0 =	simm.s32 @p2 $0x1  }
0x17: {  	s4 =	simm.s32 $0x1BF5;
	[smem:$0x3FAF] =	sst s0  }
0x18: {  	s0 =	sld [smem:$0x3F92];
	_ =	swait.ge [sflag:s4], $0x0  }
0x19: {  	s7 =	sld [smem:$0x3F93]  }
0x1a: {  	s8 =	sadd.s32 $0xFFFFE003, lr  }
0x1b: {  	s9 =	sadd.s32 $0xFFFFFEF7, lr;
	s5 =	simm.s32 $0xFFFFFFFF;
	p2 =	slt.u32 s8, $0xFFFFF086  }
0x1c: {  	p1 =	slt.u32 s9, $0xF7A;
	s5 =	simm.s32 @!p2 $0x0  }
0x1d: {  	s5 =	simm.s32 @p1 $0x1;
	p0 =	seq.s32 s7, s2  }
0x1e: {  	s7 =	smul.u32 @!p0 $0xF7A, s2;
	p2 =	seq.s32 @!p0 s5, $0x0  }
0x1f: {  	s9 =	smul.u32 $0xF7A, s1;
	s8 =	simm.s32 @!p0 $0x1BF5;
	p2 =	por !p2, p0  }
0x20: {  	[sflag:s8] =	ssyncset.s32 @!p0 $0xFFFFF086;
	s6 =	sadd.s32 @!p0 s3, s7;
	s7 =	simm.s32 @!p0 $0x108  }
0x21: {  	s3 =	sadd.s32 s3, s9;
	s6 =	sadd.s32 @!p0 $0x88, s6;
	s7 =	simm.s32 @p2 $0x1082  }
0x22: {  	[simem:s7], [sflag:s8] =	dma.local @!p0 [hbm:s6], $0xF7A  }
0x23: {  	s9 =	sor.u32 $0xD0000000, s2;
	s6 =	simm.s32 $0x108;
	_ =	swait.ge @!p0 [sflag:s8], $0x0  }
0x24: {  	s3 =	sadd.s32 $0x88, s3;
	s6 =	simm.s32 @!p1 $0x1082;
	[sflag:s4] =	ssyncset.s32 $0xFFFFF086  }
0x25: {  	[simem:s6], [sflag:s4] =	dma.local [hbm:s3], $0xF7A  }
0x26: {  	[smem:$0x3F93] =	sst s1;
	(tag) =	ssettag s2;
	_ =	strace s9  }
0x27: {  	s1 =	sld [smem:$0x3FA3]  }
0x28: {  	s2 =	sld [smem:$0x3FA4]  }
0x29: {  	s4 =	sld [smem:$0x3FA6]  }
0x2a: {  	p0 =	seq.s32 s5, $0x0;
	s5 =	sld [smem:$0x3FA7]  }
0x2b: {  	s6 =	sld [smem:$0x3FA8]  }
0x2c: {  	s7 =	sld [smem:$0x3FA9]  }
0x2d: {  	s3 =	simm.s32 $0x108;
	s8 =	sld [smem:$0x3FAA]  }
0x2e: {  	s3 =	simm.s32 @!p0 $0x1082;
	s9 =	sld [smem:$0x3FAB]  }
0x2f: {  	lr =	sadd.s32 s0, s3;
	s0 =	sld [smem:$0x3FA2]  }
0x30: {  	s3 =	sld [smem:$0x3FA5]  }
0x31: {  	[smem:$0x3FAE] =	sst s10  }
0x32: {  	s10 =	sld [smem:$0x3FAC];
	_ =	sdelay $0x3  }
0x33: {  	p0 =	seq.s32 s10, $0x1;
	s10 =	sld [smem:$0x3FAE];
	_ =	sdelay $0x3  }
0x34: {  	[smem:$0x3FAE] =	sst s10  }
0x35: {  	s10 =	sld [smem:$0x3FAD];
	_ =	sdelay $0x3  }
0x36: {  	p1 =	seq.s32 s10, $0x1;
	s10 =	sld [smem:$0x3FAE];
	_ =	sdelay $0x3  }
0x37: {  	[smem:$0x3FAE] =	sst s10  }
0x38: {  	s10 =	sld [smem:$0x3FAF]  }
0x39: {  	_ = 	snop;
	(pc) =	sbr.ind lr, $3  }
0x3a: {  	_ = 	snop  }
0x3b: {  	_ = 	snop  }
0x3c: {  	p2 =	seq.s32 s10, $0x1;
	s10 =	sld [smem:$0x3FAE]  }
0x3d: {  	_ =	shalt  }
0x3e: {  	_ =	shalt  }
0x3f: {  	_ =	shalt  }
0x40: {  	_ =	shalt  }
0x41: {  	_ =	shalt  }
0x42: {  	_ =	shalt  }
0x43: {  	_ =	shalt  }
0x44: {  	_ =	shalt  }
0x45: {  	_ =	shalt  }
0x46: {  	_ =	shalt  }
0x47: {  	_ =	shalt  }
0x48: {  	_ =	shalt  }
0x49: {  	_ =	shalt  }
0x4a: {  	_ =	shalt  }
0x4b: {  	_ =	shalt  }
0x4c: {  	_ =	shalt  }
0x4d: {  	_ =	shalt  }
0x4e: {  	_ =	shalt  }
0x4f: {  	_ =	shalt  }
0x50: {  	_ =	shalt  }
0x51: {  	_ =	shalt  }
0x52: {  	_ =	shalt  }
0x53: {  	_ =	shalt  }
0x54: {  	_ =	shalt  }
0x55: {  	_ =	shalt  }
0x56: {  	_ =	shalt  }
0x57: {  	_ =	shalt  }
0x58: {  	_ =	shalt  }
0x59: {  	_ =	shalt  }
0x5a: {  	_ =	shalt  }
0x5b: {  	_ =	shalt  }
0x5c: {  	_ =	shalt  }
0x5d: {  	_ =	shalt  }
0x5e: {  	_ =	shalt  }
0x5f: {  	_ =	shalt  }
0x60: {  	_ =	shalt  }
0x61: {  	_ =	shalt  }
0x62: {  	_ =	shalt  }
0x63: {  	_ =	shalt  }
0x64: {  	_ =	shalt  }
0x65: {  	_ =	shalt  }
0x66: {  	_ =	shalt  }
0x67: {  	_ =	shalt  }
0x68: {  	_ =	shalt  }
0x69: {  	_ =	shalt  }
0x6a: {  	_ =	shalt  }
0x6b: {  	_ =	shalt  }
0x6c: {  	_ =	shalt  }
0x6d: {  	_ =	shalt  }
0x6e: {  	_ =	shalt  }
0x6f: {  	_ =	shalt  }
0x70: {  	_ =	shalt  }
0x71: {  	_ =	shalt  }
0x72: {  	_ =	shalt  }
0x73: {  	_ =	shalt  }
0x74: {  	_ =	shalt  }
0x75: {  	_ =	shalt  }
0x76: {  	_ =	shalt  }
0x77: {  	_ =	shalt  }
0x78: {  	_ =	shalt  }
0x79: {  	_ =	shalt  }
0x7a: {  	_ =	shalt  }
0x7b: {  	_ =	shalt  }
0x7c: {  	_ =	shalt  }
0x7d: {  	_ =	shalt  }
0x7e: {  	_ =	shalt  }
0x7f: {  	_ =	shalt  }
0x80: {  	_ =	shalt  }
0x81: {  	_ =	shalt  }
0x82: {  	_ =	shalt  }
0x83: {  	_ =	shalt  }
0x84: {  	_ =	shalt  }
0x85: {  	_ =	shalt  }
0x86: {  	_ =	shalt  }
0x87: {  	_ =	shalt  }
.Lfunc_end0:
.L_simem_size_0:
called_computation.1_lowered:
.L_overlay_start_0:
0x88: {  	s2 =	sld [smem:$0x3FD9]  }
0x89: {  	s3 =	sld [smem:$0x3FFE];
	_ =	sdelay $0x1  }
0x8a: {  	s1 =	srdreg.scid  }
0x8b: {  	s0 =	sand.u32 $0x1, s1  }
0x8c: {  	s17 =	sshll.u32 s0, $0xA;
	s2 =	sadd.s32 s3, s2  }
0x8d: {  	s2 =	sadd.s32 s2, s17  }
0x8e: {  	[smem:$0x3FBA] =	sst s2  }
0x8f: {  	_ = 	snop  }
0x90: {  	s2 =	sld [smem:$0x3FD0];
	(tm) =	ssettm $0x1  }
0x91: {  	s18 =	sld [smem:$0x3FFB];
	_ =	sdelay $0x3  }
0x92: {  	_ =	strace s18  }
0x93: {  	s3 =	sld [smem:$0x3FFC];
	_ =	sdelay $0x3  }
0x94: {  	_ =	strace s3  }
0x95: {  	s3 =	sld [smem:$0x3FFD];
	_ =	sdelay $0x3  }
0x96: {  	_ =	strace s3  }
0x97: {  	_ =	strace $0x8FFFFFFF  }
0x98: {  	s19 =	sld [smem:$0x3FDB];
	_ =	sdelay $0x1  }
0x99: {  	s4 =	simm.s32 $_scs_section_size  }
0x9a: {  	s5 =	simm.s32 $_size__tile_overlayer_lowered;
	s6 =	simm.s32 $_tile_overlayer_lowered  }
0x9b: {  	s22 =	simm.s32 $0x1BFF;
	s21 =	sshll.u32 s6, $0x1;
	s3 =	sadd.s32 s4, s19  }
0x9c: {  	s7 =	simm.s32 $0x0;
	s20 =	sshll.u32 s5, $0x1;
	s5 =	sadd.s32 s21, s3  }
0x9d: {  	[timem:s7], [sflag:s22] =	dma.local [hbm:s5], s20  }
0x9e: {  	_ =	swait.ge [sflag:s22], s20  }
0x9f: {  	s4 =	ssub.s32 $0x0, s20;
	[sflag:s22] =	ssyncset.done $0x0  }
0xa0: {  	[sflag:s22] =	ssyncadd.s32 s4;
	_ =	sdelay $0x1  }
0xa1: {  	s23 =	simm.s32 $0x1B8B  }
0xa2: {  	_ =	swait.ge [sflag:s23], $0x1  }
0xa3: {  	[sflag:s23] =	ssyncset.done $0x0  }
0xa4: {  	s25 =	simm.s32 $0x1B8E;
	s24 =	sld [smem:$0x3FFE];
	[sflag:s23] =	ssyncadd.s32 $0xFFFFFFFF  }
0xa5: {  	s26 =	simm.s32 $execute0_lowered;
	[smem:$0x3FD2] =	sst s25  }
0xa6: {  	s5 =	sshll.u32 s26, $0x1;
	_ =	strace $0x80000049;
	[dreg:$0x1] =	wrdreg $0xFFFFFFFF  }
0xa7: {  	s28 =	simm.s32 $_size_execute0_lowered;
	s3 =	sadd.s32 s3, s5;
	[dreg:$0x0] =	wrdreg $0x0  }
0xa8: {  	s5 =	sshll.u32 s28, $0x1;
	[dreg:$0x2] =	wrdreg s3  }
0xa9: {  	[dreg:$0x3] =	wrdreg s5  }
0xaa: {  	[dreg:$0x4] =	wrdreg $0xC0  }
0xab: {  	_ =	task [dreg:s7], $0x5FFFF  }
0xac: {  	[dreg:$0x1] =	wrdreg $0xFFFFFFFF  }
0xad: {  	[dreg:$0x0] =	wrdreg $0x60  }
0xae: {  	[dreg:$0x2] =	wrdreg s2  }
0xaf: {  	[dreg:$0x3] =	wrdreg s24  }
0xb0: {  	[dreg:$0x4] =	wrdreg $0x99000  }
0xb1: {  	[dreg:$0x5] =	wrdreg $0x9  }
0xb2: {  	_ =	task.clear_ibuf [dreg:s7], $0x6FFFF;
	_ =	strace $0x90000049  }
0xb3: {  	s29 =	simm.s32 $0x9;
	_ =	strace $0x8000004B  }
0xb4: {  	_ =	swait.ge [sflag:s29], $0x1  }
0xb5: {  	[sflag:s29] =	ssyncadd.s32 $0xFFFFFFFF  }
0xb6: {  	_ =	strace $0x9000004B  }
0xb7: {  	_ =	sfence  }
0xb8: {  	s30 =	sld [smem:$0x0];
	_ =	sdelay $0x2  }
0xb9: {  	s31 =	sshll.u32 s1, $0xD;
	s1 =	sshrl.u32 s1, $0x2  }
0xba: {  	s3 =	sand.u32 $0x4000, s31;
	s1 =	sadd.s32 s1, s30  }
0xbb: {  	s0 =	sor.u32 s3, s0;
	s1 =	sshll.u32 s1, $0x11  }
0xbc: {  	s0 =	sor.u32 s1, s0  }
0xbd: {  	s0 =	sadd.s32 $0x8F2B, s0  }
0xbe: {  	[sflag:s0] =	ssyncadd.remote.s32 $0x1  }
0xbf: {  	_ =	sfence.sel $0xFFFF  }
0xc0: {  	[dreg:$0x0] =	wrdreg $0xFFFFFFFF;
	(pc) =	sbr.abs _section_cstart, $3  }
0xc1: {  	[dreg:$0x1] =	wrdreg $0xFFFFFFFF  }
0xc2: {  	_ =	task.clear_ibuf [dreg:s7], $0x2FFFF;
	_ =	strace $0x9FFFFFFF  }
0xc3: {  	(tm) =	ssettm $0x7FFFFFFF  }
tec
execute0_lowered:
.L_overlay_start_1:
0x0: {  	(tag) =	ssettag $0x1  }
0x1: {  	s1 =	rddreg [dreg:$0x0]  }
0x2: {  	s13 =	rddreg [dreg:$0x1]  }
0x3: {  	s3 =	rddreg [dreg:$0x2]  }
0x4: {  	s0 =	rddreg [dreg:$0x3]  }
0x5: {  	s5 =	srdreg.scid;
	s2 =	stileid.u32  }
0x6: {  	s4 =	simm.s32 $0x0;
	s17 =	simm.s32 $0x5100;
	s18 =	simm.s32 $0x1  }
0x7: {  	s19 =	simm.s32 $0x2800;
	s20 =	simm.s32 $0x5000;
	s21 =	simm.s32 $0x5080  }
0x8: {  	s22 =	simm.s32 $0x80;
	s23 =	simm.s32 $0x0;
	s9 =	smul.u32 $0x165C0, s2  }
0x9: {  	s8 =	sand.u32 $0x1, s5;
	[smem:$0x7FF] =	sst s4;
	s12 =	smul.u32 $0x59700, s2  }
0xa: {  	s5 =	sadd.s32 $0x30600, s13;
	s6 =	sadd.s32 $0x2DE00, s13;
	s7 =	smul.u32 $0x168000, s8  }
0xb: {  	_ =	strace $0x8000004A;
	s11 =	ssub.s32 $0x2, s8;
	s8 =	sshll.u32 s8, $0x4  }
0xc: {  	s30 =	sshrl.u32 s11, $0x1;
	s31 =	sshrl.u32 s12, $0x2;
	s14 =	sor.u32 s2, s8  }
0xd: {  	s8 =	sadd.s32 s9, s3;
	s7 =	sadd.s32 s9, s7;
	s16 =	ssub.s32 s11, s30  }
0xe: {  	s12 =	sadd.s32 s31, s3;
	s14 =	smul.u32 $0x2780, s14;
	s10 =	sshrl.u32 s7, $0x3  }
0xf: {  	s7 =	sadd.s32 $0xE00, s13;
	s9 =	sadd.s32 $0x4800, s12;
	s11 =	sadd.s32 $0xD800, s12  }
0x10: {  	s16 =	smax.u32 s16, $0x1;
	s15 =	sadd.s32 s10, s13;
	s10 =	sadd.s32 $0x9000, s12  }
0x11: {  	v0 =	vimm.f32 $0.0e+00;
	s12 =	sadd.s32 $0x12000, s12;
	s13 =	sadd.s32 $0x2E300, s13;
	s15 =	sadd.s32 $0x3A400, s15  }
.LBB2_1:
0x12: {  	s24 =	simm.s32 $0x0;
	s25 =	simm.s32 $0x240  }
.LBB2_2:
0x13: {  	p0 =	sne.s32 s25, $0x11DC0;
	[tilespmem:s24+$0x5180] =	vst v0  }
0x14: {  	[tilespmem:s24+$0x5100] =	vst v0  }
0x15: {  	[tilespmem:s24+$0x5110] =	vst v0  }
0x16: {  	[tilespmem:s24+$0x5120] =	vst v0  }
.Ltmp0:
0x17: {  	[tilespmem:s24+$0x5130] =	vst v0;
	(pc) =	sbr.rel @p0 .LBB2_2-.Ltmp0, $4  }
0x18: {  	[tilespmem:s24+$0x5140] =	vst v0  }
0x19: {  	[tilespmem:s24+$0x5150] =	vst v0  }
0x1a: {  	[tilespmem:s24+$0x5160] =	vst v0  }
0x1b: {  	[tilespmem:s24+$0x5170] =	vst v0;
	s24 =	sshra.s32 s25, $0x2;
	s25 =	sadd.s32 $0x240, s25  }
0x1c: {  	[tilespmem:s24+$0x5180] =	vst v0  }
0x1d: {  	[tilespmem:s24+$0x5100] =	vst v0  }
0x1e: {  	[tilespmem:s24+$0x5110] =	vst v0  }
0x1f: {  	[tilespmem:s24+$0x5120] =	vst v0  }
0x20: {  	[tilespmem:s24+$0x5130] =	vst v0  }
0x21: {  	[tilespmem:s24+$0x5140] =	vst v0  }
0x22: {  	[tilespmem:s24+$0x5150] =	vst v0  }
0x23: {  	[tilespmem:s24+$0x5160] =	vst v0  }
0x24: {  	[tilespmem:s24+$0x5170] =	vst v0  }
0x25: {  	[spmem:s8] =	stream.linear.scatter [tilespmem:s17], [sflag:$0x1], $0x4800, $0x38;
	[tilespmem:$0x1FEC0] =	vst v63  }
0x26: {  	_ =	swait.ge [sflag:s18], $0x4800  }
0x27: {  	[sflag:s18] =	ssyncset.done $0x0  }
0x28: {  	[sflag:s18] =	ssyncadd.s32 $0xFFFFB800  }
0x29: {  	[spmem:s9] =	stream.linear.scatter [tilespmem:s17], [sflag:$0x1], $0x4800, $0x38;
	[tilespmem:$0x1FEC0] =	vst v63  }
0x2a: {  	_ =	swait.ge [sflag:s18], $0x4800  }
0x2b: {  	[sflag:s18] =	ssyncset.done $0x0  }
0x2c: {  	[sflag:s18] =	ssyncadd.s32 $0xFFFFB800  }
0x2d: {  	[spmem:s10] =	stream.linear.scatter [tilespmem:s17], [sflag:$0x1], $0x4800, $0x38;
	[tilespmem:$0x1FEC0] =	vst v63  }
0x2e: {  	_ =	swait.ge [sflag:s18], $0x4800  }
0x2f: {  	[sflag:s18] =	ssyncset.done $0x0  }
0x30: {  	[sflag:s18] =	ssyncadd.s32 $0xFFFFB800  }
0x31: {  	[spmem:s11] =	stream.linear.scatter [tilespmem:s17], [sflag:$0x1], $0x4800, $0x38;
	[tilespmem:$0x1FEC0] =	vst v63  }
0x32: {  	_ =	swait.ge [sflag:s18], $0x4800  }
0x33: {  	[sflag:s18] =	ssyncset.done $0x0  }
0x34: {  	[sflag:s18] =	ssyncadd.s32 $0xFFFFB800  }
0x35: {  	[spmem:s12] =	stream.linear.scatter [tilespmem:s17], [sflag:$0x1], $0x45C0, $0x38;
	[tilespmem:$0x1FEC0] =	vst v63  }
0x36: {  	_ =	swait.ge [sflag:s18], $0x45C0  }
0x37: {  	[sflag:s18] =	ssyncset.done $0x0  }
0x38: {  	s24 =	simm.s32 $0x0;
	[sflag:s18] =	ssyncadd.s32 $0xFFFFBA40  }
0x39: {  	[tilespmem:s24], [sflag:$0x1] =	stream.linear.gather [hbm4b:s6+s24], $0x2800, $0x38;
	[tilespmem:$0x1FEC0] =	vst v63  }
0x3a: {  	_ =	swait.ge [sflag:s18], $0x2800  }
0x3b: {  	[sflag:s18] =	ssyncset.done $0x0  }
0x3c: {  	[sflag:s18] =	ssyncadd.s32 $0xFFFFD800  }
0x3d: {  	[tilespmem:s19], [sflag:$0x1] =	stream.linear.gather [hbm4b:s13+s24], $0x2800, $0x38;
	[tilespmem:$0x1FEC0] =	vst v63  }
0x3e: {  	_ =	swait.ge [sflag:s18], $0x2800  }
0x3f: {  	[sflag:s18] =	ssyncset.done $0x0  }
0x40: {  	[sflag:s18] =	ssyncadd.s32 $0xFFFFD800  }
0x41: {  	s25 =	simm.s32 $0x0;
	[bflag:$0x0] =	sbarrier.arrive $0xFFFF  }
.LBB2_4:
0x42: {  	s26 =	sshll.u32 s25, $0x7  }
0x43: {  	s26 =	sadd.s32 s14, s26  }
0x44: {  	s26 =	sshrl.u32 s26, $0x3  }
0x45: {  	s28 =	sadd.s32 s1, s26  }
0x46: {  	[tilespmem:s20], [sflag:$0x1] =	stream.linear.gather [hbm4b:s28+s24], $0x80, $0x38;
	[tilespmem:$0x1FEC0] =	vst v63  }
0x47: {  	_ =	swait.ge [sflag:s18], $0x80  }
0x48: {  	[sflag:s18] =	ssyncset.done $0x0  }
0x49: {  	s26 =	sadd.s32 s5, s26;
	[sflag:s18] =	ssyncadd.s32 $0xFFFFFF80  }
0x4a: {  	[tilespmem:s21], [sflag:$0x1] =	stream.linear.gather [hbm4b:s26+s24], $0x80, $0x38;
	[tilespmem:$0x1FEC0] =	vst v63  }
0x4b: {  	_ =	swait.ge [sflag:s18], $0x80  }
0x4c: {  	[sflag:s18] =	ssyncset.done $0x0  }
0x4d: {  	[sflag:s18] =	ssyncadd.s32 $0xFFFFFF80  }
0x4e: {  	[tilespmem:s17], [sflag:$0x1] =	stream.indirect.gather [hbm4b:s7+s22], $0x90, s20, s22, $0xb8;
	[tilespmem:$0x1FEC0] =	vst v63  }
0x4f: {  	_ =	swait.ge [sflag:s18], $0x4800  }
0x50: {  	[sflag:s18] =	ssyncset.done $0x0  }
0x51: {  	s26 =	simm.s32 $0x0;
	[sflag:s18] =	ssyncadd.s32 $0xFFFFB800  }
.LBB2_5:
0x52: {  	s28 =	sshll.u32 s26, $0x4  }
0x53: {  	v1 =	vld [tilespmem:s28+$0x5000]  }
0x54: {  	v2 =	vld [tilespmem:s28+$0x5080];
	_ =	sdelay $0x6  }
0x55: {  	v1 =	vld.idx.msk [tilespmem:v1+s4+$0x0], $0xffff  }
0x56: {  	v2 =	vld.idx.msk [tilespmem:v2+s19+$0x0], $0xffff;
	_ =	sdelay $0x4  }
0x57: {  	v1 =	vadd.f32 v2, v1;
	_ =	sdelay $0x1  }
0x58: {  	v2 =	vmul.f32 $2.000000030e-01, v1  }
0x59: {  	vm0 =	vge.f32 v1, $0.0e+00  }
0x5a: {  	v1 =	vsel vm0, v1, v2  }
0x5b: {  	v1 =	vmul.f32 $1.442695020e+00, v1;
	_ =	sdelay $0x1  }
0x5c: {  	(erf) = vpow2.f32 v1;
	_ =	sdelay $0x3  }
0x5d: {  	s31 =	smul.u32 $0x2400, s26;
	_ =	sdelay $0x1  }
0x5e: {  	s28 =	sshra.s32 s31, $0x2  }
0x5f: {  	v2 =	vld [tilespmem:s28+$0x5100]  }
0x60: {  	v3 =	vld [tilespmem:s28+$0x5110]  }
0x61: {  	v4 =	vld [tilespmem:s28+$0x5120];
	v1 =	vpop (erf)  }
0x62: {  	v6 =	vld [tilespmem:s28+$0x5130];
	v5 =	vbroadcast v1, $0x0  }
0x63: {  	v7 =	vld [tilespmem:s28+$0x5140]  }
0x64: {  	v8 =	vld [tilespmem:s28+$0x5150];
	v2 =	vmul.f32 v5, v2  }
0x65: {  	v9 =	vld [tilespmem:s28+$0x5160];
	v3 =	vmul.f32 v5, v3  }
0x66: {  	v18 =	vld [tilespmem:s28+$0x5170];
	[tilespmem:s28+$0x5100] =	vst v2;
	v2 =	vmul.f32 v5, v4  }
0x67: {  	v19 =	vld [tilespmem:s28+$0x5180];
	[tilespmem:s28+$0x5110] =	vst v3;
	v3 =	vmul.f32 v6, v5  }
0x68: {  	v20 =	vld [tilespmem:s28+$0x5190];
	[tilespmem:s28+$0x5120] =	vst v2;
	v2 =	vmul.f32 v7, v5  }
0x69: {  	v21 =	vld [tilespmem:s28+$0x51A0];
	[tilespmem:s28+$0x5130] =	vst v3;
	v3 =	vmul.f32 v8, v5  }
0x6a: {  	v22 =	vld [tilespmem:s28+$0x51B0];
	[tilespmem:s28+$0x5140] =	vst v2;
	v2 =	vmul.f32 v9, v5  }
0x6b: {  	v10 =	vld [tilespmem:s28+$0x51C0];
	v23 =	vbroadcast v1, $0x1;
	[tilespmem:s28+$0x5150] =	vst v3;
	v3 =	vmul.f32 v18, v5  }
0x6c: {  	v24 =	vld [tilespmem:s28+$0x51D0];
	[tilespmem:s28+$0x5160] =	vst v2;
	v2 =	vmul.f32 v19, v5  }
0x6d: {  	v25 =	vld [tilespmem:s28+$0x51E0];
	[tilespmem:s28+$0x5170] =	vst v3;
	v3 =	vmul.f32 v20, v23  }
0x6e: {  	v26 =	vld [tilespmem:s28+$0x51F0];
	[tilespmem:s28+$0x5180] =	vst v2;
	v2 =	vmul.f32 v21, v23  }
0x6f: {  	v27 =	vld [tilespmem:s28+$0x5200];
	[tilespmem:s28+$0x5190] =	vst v3;
	v3 =	vmul.f32 v22, v23  }
0x70: {  	v28 =	vld [tilespmem:s28+$0x5210];
	[tilespmem:s28+$0x51A0] =	vst v2;
	v2 =	vmul.f32 v10, v23  }
0x71: {  	v29 =	vld [tilespmem:s28+$0x5220];
	[tilespmem:s28+$0x51B0] =	vst v3;
	v3 =	vmul.f32 v24, v23  }
0x72: {  	v30 =	vld [tilespmem:s28+$0x5230];
	[tilespmem:s28+$0x51C0] =	vst v2;
	v2 =	vmul.f32 v25, v23  }
0x73: {  	v31 =	vld [tilespmem:s28+$0x5240];
	[tilespmem:s28+$0x51D0] =	vst v3;
	v3 =	vmul.f32 v26, v23  }
0x74: {  	v33 =	vld [tilespmem:s28+$0x5250];
	v32 =	vbroadcast v1, $0x2;
	[tilespmem:s28+$0x51E0] =	vst v2;
	v2 =	vmul.f32 v27, v23  }
0x75: {  	v34 =	vld [tilespmem:s28+$0x5260];
	[tilespmem:s28+$0x51F0] =	vst v3;
	v3 =	vmul.f32 v28, v23  }
0x76: {  	v35 =	vld [tilespmem:s28+$0x5270];
	[tilespmem:s28+$0x5200] =	vst v2;
	v2 =	vmul.f32 v29, v32  }
0x77: {  	v36 =	vld [tilespmem:s28+$0x5280];
	[tilespmem:s28+$0x5210] =	vst v3;
	v3 =	vmul.f32 v30, v32  }
0x78: {  	v37 =	vld [tilespmem:s28+$0x5290];
	[tilespmem:s28+$0x5220] =	vst v2;
	v2 =	vmul.f32 v31, v32  }
0x79: {  	v38 =	vld [tilespmem:s28+$0x52A0];
	[tilespmem:s28+$0x5230] =	vst v3;
	v3 =	vmul.f32 v33, v32  }
0x7a: {  	v39 =	vld [tilespmem:s28+$0x52B0];
	[tilespmem:s28+$0x5240] =	vst v2;
	v2 =	vmul.f32 v34, v32  }
0x7b: {  	v40 =	vld [tilespmem:s28+$0x52C0];
	[tilespmem:s28+$0x5250] =	vst v3;
	v3 =	vmul.f32 v35, v32  }
0x7c: {  	v41 =	vld [tilespmem:s28+$0x52D0];
	[tilespmem:s28+$0x5260] =	vst v2;
	v2 =	vmul.f32 v36, v32  }
0x7d: {  	v43 =	vld [tilespmem:s28+$0x52E0];
	v42 =	vbroadcast v1, $0x3;
	[tilespmem:s28+$0x5270] =	vst v3;
	v3 =	vmul.f32 v37, v32  }
0x7e: {  	v44 =	vld [tilespmem:s28+$0x52F0];
	[tilespmem:s28+$0x5280] =	vst v2;
	v2 =	vmul.f32 v38, v32  }
0x7f: {  	v45 =	vld [tilespmem:s28+$0x5300];
	[tilespmem:s28+$0x5290] =	vst v3;
	v3 =	vmul.f32 v39, v42  }
0x80: {  	v46 =	vld [tilespmem:s28+$0x5310];
	[tilespmem:s28+$0x52A0] =	vst v2;
	v2 =	vmul.f32 v40, v42  }
0x81: {  	v47 =	vld [tilespmem:s28+$0x5320];
	[tilespmem:s28+$0x52B0] =	vst v3;
	v3 =	vmul.f32 v41, v42  }
0x82: {  	v48 =	vld [tilespmem:s28+$0x5330];
	[tilespmem:s28+$0x52C0] =	vst v2;
	v2 =	vmul.f32 v43, v42  }
0x83: {  	v49 =	vld [tilespmem:s28+$0x5340];
	[tilespmem:s28+$0x52D0] =	vst v3;
	v3 =	vmul.f32 v44, v42  }
0x84: {  	v50 =	vld [tilespmem:s28+$0x5350];
	[tilespmem:s28+$0x52E0] =	vst v2;
	v2 =	vmul.f32 v45, v42  }
0x85: {  	v51 =	vld [tilespmem:s28+$0x5360];
	[tilespmem:s28+$0x52F0] =	vst v3;
	v3 =	vmul.f32 v46, v42  }
0x86: {  	v53 =	vld [tilespmem:s28+$0x5370];
	v52 =	vbroadcast v1, $0x4;
	[tilespmem:s28+$0x5300] =	vst v2;
	v2 =	vmul.f32 v47, v42  }
0x87: {  	v54 =	vld [tilespmem:s28+$0x5380];
	[tilespmem:s28+$0x5310] =	vst v3;
	v3 =	vmul.f32 v48, v42  }
0x88: {  	v55 =	vld [tilespmem:s28+$0x5390];
	[tilespmem:s28+$0x5320] =	vst v2;
	v2 =	vmul.f32 v49, v52  }
0x89: {  	v56 =	vld [tilespmem:s28+$0x53A0];
	[tilespmem:s28+$0x5330] =	vst v3;
	v3 =	vmul.f32 v50, v52  }
0x8a: {  	v57 =	vld [tilespmem:s28+$0x53B0];
	[tilespmem:s28+$0x5340] =	vst v2;
	v2 =	vmul.f32 v51, v52  }
0x8b: {  	v58 =	vld [tilespmem:s28+$0x53C0];
	[tilespmem:s28+$0x5350] =	vst v3;
	v3 =	vmul.f32 v53, v52  }
0x8c: {  	v59 =	vld [tilespmem:s28+$0x53D0];
	[tilespmem:s28+$0x5360] =	vst v2;
	v2 =	vmul.f32 v54, v52  }
0x8d: {  	v60 =	vld [tilespmem:s28+$0x53E0];
	[tilespmem:s28+$0x5370] =	vst v3;
	v3 =	vmul.f32 v55, v52  }
0x8e: {  	v61 =	vld [tilespmem:s28+$0x53F0];
	[tilespmem:s28+$0x5380] =	vst v2;
	v2 =	vmul.f32 v56, v52  }
0x8f: {  	v63 =	vld [tilespmem:s28+$0x5400];
	v62 =	vbroadcast v1, $0x5;
	[tilespmem:s28+$0x5390] =	vst v3;
	v3 =	vmul.f32 v57, v52  }
0x90: {  	v12 =	vld [tilespmem:s28+$0x5410];
	[tilespmem:s28+$0x53A0] =	vst v2;
	v2 =	vmul.f32 v58, v52  }
0x91: {  	v13 =	vld [tilespmem:s28+$0x5420];
	[tilespmem:s28+$0x53B0] =	vst v3;
	v3 =	vmul.f32 v59, v62  }
0x92: {  	v14 =	vld [tilespmem:s28+$0x5430];
	[tilespmem:s28+$0x53C0] =	vst v2;
	v2 =	vmul.f32 v60, v62  }
0x93: {  	v15 =	vld [tilespmem:s28+$0x5440];
	[tilespmem:s28+$0x53D0] =	vst v3;
	v3 =	vmul.f32 v61, v62  }
0x94: {  	v16 =	vld [tilespmem:s28+$0x5450];
	[tilespmem:s28+$0x53E0] =	vst v2;
	v2 =	vmul.f32 v63, v62  }
0x95: {  	v17 =	vld [tilespmem:s28+$0x5460];
	[tilespmem:s28+$0x53F0] =	vst v3;
	v3 =	vmul.f32 v12, v62  }
0x96: {  	v18 =	vld [tilespmem:s28+$0x5470];
	[tilespmem:s28+$0x5400] =	vst v2;
	v2 =	vmul.f32 v13, v62  }
0x97: {  	v19 =	vld [tilespmem:s28+$0x5480];
	[tilespmem:s28+$0x5410] =	vst v3;
	v3 =	vmul.f32 v14, v62  }
0x98: {  	v20 =	vbroadcast v1, $0x6;
	v21 =	vld [tilespmem:s28+$0x5490];
	[tilespmem:s28+$0x5420] =	vst v2;
	v2 =	vmul.f32 v15, v62  }
0x99: {  	v22 =	vld [tilespmem:s28+$0x54A0];
	[tilespmem:s28+$0x5430] =	vst v3;
	v3 =	vmul.f32 v16, v62  }
0x9a: {  	v23 =	vld [tilespmem:s28+$0x54B0];
	[tilespmem:s28+$0x5440] =	vst v2;
	v2 =	vmul.f32 v17, v20  }
0x9b: {  	v24 =	vld [tilespmem:s28+$0x54C0];
	[tilespmem:s28+$0x5450] =	vst v3;
	v3 =	vmul.f32 v18, v20  }
0x9c: {  	v25 =	vld [tilespmem:s28+$0x54D0];
	[tilespmem:s28+$0x5460] =	vst v2;
	v2 =	vmul.f32 v19, v20  }
0x9d: {  	v26 =	vld [tilespmem:s28+$0x54E0];
	[tilespmem:s28+$0x5470] =	vst v3;
	v3 =	vmul.f32 v21, v20  }
0x9e: {  	v27 =	vld [tilespmem:s28+$0x54F0];
	[tilespmem:s28+$0x5480] =	vst v2;
	v2 =	vmul.f32 v22, v20  }
0x9f: {  	v28 =	vld [tilespmem:s28+$0x5500];
	[tilespmem:s28+$0x5490] =	vst v3;
	v3 =	vmul.f32 v23, v20  }
0xa0: {  	v29 =	vld [tilespmem:s28+$0x5510];
	[tilespmem:s28+$0x54A0] =	vst v2;
	v2 =	vmul.f32 v24, v20  }
0xa1: {  	v30 =	vbroadcast v1, $0x7;
	v31 =	vld [tilespmem:s28+$0x5520];
	[tilespmem:s28+$0x54B0] =	vst v3;
	v3 =	vmul.f32 v25, v20  }
0xa2: {  	v32 =	vld [tilespmem:s28+$0x5530];
	[tilespmem:s28+$0x54C0] =	vst v2;
	v2 =	vmul.f32 v26, v20  }
0xa3: {  	v33 =	vld [tilespmem:s28+$0x5540];
	[tilespmem:s28+$0x54D0] =	vst v3;
	v3 =	vmul.f32 v27, v30  }
0xa4: {  	v34 =	vld [tilespmem:s28+$0x5550];
	[tilespmem:s28+$0x54E0] =	vst v2;
	v2 =	vmul.f32 v28, v30  }
0xa5: {  	v35 =	vld [tilespmem:s28+$0x5560];
	[tilespmem:s28+$0x54F0] =	vst v3;
	v3 =	vmul.f32 v29, v30  }
0xa6: {  	v36 =	vld [tilespmem:s28+$0x5570];
	[tilespmem:s28+$0x5500] =	vst v2;
	v2 =	vmul.f32 v31, v30  }
0xa7: {  	v37 =	vld [tilespmem:s28+$0x5580];
	[tilespmem:s28+$0x5510] =	vst v3;
	v3 =	vmul.f32 v32, v30  }
0xa8: {  	v38 =	vld [tilespmem:s28+$0x5590];
	[tilespmem:s28+$0x5520] =	vst v2;
	v2 =	vmul.f32 v33, v30  }
0xa9: {  	v39 =	vld [tilespmem:s28+$0x55A0];
	[tilespmem:s28+$0x5530] =	vst v3;
	v3 =	vmul.f32 v34, v30  }
0xaa: {  	v40 =	vbroadcast v1, $0x8;
	v41 =	vld [tilespmem:s28+$0x55B0];
	[tilespmem:s28+$0x5540] =	vst v2;
	v2 =	vmul.f32 v35, v30  }
0xab: {  	v42 =	vld [tilespmem:s28+$0x55C0];
	[tilespmem:s28+$0x5550] =	vst v3;
	v3 =	vmul.f32 v36, v30  }
0xac: {  	v43 =	vld [tilespmem:s28+$0x55D0];
	[tilespmem:s28+$0x5560] =	vst v2;
	v2 =	vmul.f32 v37, v40  }
0xad: {  	v44 =	vld [tilespmem:s28+$0x55E0];
	[tilespmem:s28+$0x5570] =	vst v3;
	v3 =	vmul.f32 v38, v40  }
0xae: {  	v45 =	vld [tilespmem:s28+$0x55F0];
	[tilespmem:s28+$0x5580] =	vst v2;
	v2 =	vmul.f32 v39, v40  }
0xaf: {  	v46 =	vld [tilespmem:s28+$0x5600];
	[tilespmem:s28+$0x5590] =	vst v3;
	v3 =	vmul.f32 v41, v40  }
0xb0: {  	v47 =	vld [tilespmem:s28+$0x5610];
	[tilespmem:s28+$0x55A0] =	vst v2;
	v2 =	vmul.f32 v42, v40  }
0xb1: {  	v48 =	vld [tilespmem:s28+$0x5620];
	[tilespmem:s28+$0x55B0] =	vst v3;
	v3 =	vmul.f32 v43, v40  }
0xb2: {  	v49 =	vld [tilespmem:s28+$0x5630];
	[tilespmem:s28+$0x55C0] =	vst v2;
	v2 =	vmul.f32 v44, v40  }
0xb3: {  	v50 =	vbroadcast v1, $0x9;
	v51 =	vld [tilespmem:s28+$0x5640];
	[tilespmem:s28+$0x55D0] =	vst v3;
	v3 =	vmul.f32 v45, v40  }
0xb4: {  	v52 =	vld [tilespmem:s28+$0x5650];
	[tilespmem:s28+$0x55E0] =	vst v2;
	v2 =	vmul.f32 v46, v40  }
0xb5: {  	v53 =	vld [tilespmem:s28+$0x5660];
	[tilespmem:s28+$0x55F0] =	vst v3;
	v3 =	vmul.f32 v47, v50  }
0xb6: {  	v54 =	vld [tilespmem:s28+$0x5670];
	[tilespmem:s28+$0x5600] =	vst v2;
	v2 =	vmul.f32 v48, v50  }
0xb7: {  	v55 =	vld [tilespmem:s28+$0x5680];
	[tilespmem:s28+$0x5610] =	vst v3;
	v3 =	vmul.f32 v49, v50  }
0xb8: {  	v56 =	vld [tilespmem:s28+$0x5690];
	[tilespmem:s28+$0x5620] =	vst v2;
	v2 =	vmul.f32 v51, v50  }
0xb9: {  	v57 =	vld [tilespmem:s28+$0x56A0];
	[tilespmem:s28+$0x5630] =	vst v3;
	v3 =	vmul.f32 v52, v50  }
0xba: {  	v58 =	vld [tilespmem:s28+$0x56B0];
	[tilespmem:s28+$0x5640] =	vst v2;
	v2 =	vmul.f32 v53, v50  }
0xbb: {  	v59 =	vld [tilespmem:s28+$0x56C0];
	[tilespmem:s28+$0x5650] =	vst v3;
	v3 =	vmul.f32 v54, v50  }
0xbc: {  	v60 =	vbroadcast v1, $0xA;
	v61 =	vld [tilespmem:s28+$0x56D0];
	[tilespmem:s28+$0x5660] =	vst v2;
	v2 =	vmul.f32 v55, v50  }
0xbd: {  	v62 =	vld [tilespmem:s28+$0x56E0];
	[tilespmem:s28+$0x5670] =	vst v3;
	v3 =	vmul.f32 v56, v50  }
0xbe: {  	v63 =	vld [tilespmem:s28+$0x56F0];
	[tilespmem:s28+$0x5680] =	vst v2;
	v2 =	vmul.f32 v57, v60  }
0xbf: {  	v12 =	vld [tilespmem:s28+$0x5700];
	[tilespmem:s28+$0x5690] =	vst v3;
	v3 =	vmul.f32 v58, v60  }
0xc0: {  	v13 =	vld [tilespmem:s28+$0x5710];
	[tilespmem:s28+$0x56A0] =	vst v2;
	v2 =	vmul.f32 v59, v60  }
0xc1: {  	v14 =	vld [tilespmem:s28+$0x5720];
	[tilespmem:s28+$0x56B0] =	vst v3;
	v3 =	vmul.f32 v61, v60  }
0xc2: {  	v15 =	vld [tilespmem:s28+$0x5730];
	[tilespmem:s28+$0x56C0] =	vst v2;
	v2 =	vmul.f32 v62, v60  }
0xc3: {  	v16 =	vld [tilespmem:s28+$0x5740];
	[tilespmem:s28+$0x56D0] =	vst v3;
	v3 =	vmul.f32 v63, v60  }
0xc4: {  	v17 =	vld [tilespmem:s28+$0x5750];
	[tilespmem:s28+$0x56E0] =	vst v2;
	v2 =	vmul.f32 v12, v60  }
0xc5: {  	v18 =	vbroadcast v1, $0xB;
	v19 =	vld [tilespmem:s28+$0x5760];
	[tilespmem:s28+$0x56F0] =	vst v3;
	v3 =	vmul.f32 v13, v60  }
0xc6: {  	v20 =	vld [tilespmem:s28+$0x5770];
	[tilespmem:s28+$0x5700] =	vst v2;
	v2 =	vmul.f32 v14, v60  }
0xc7: {  	v21 =	vld [tilespmem:s28+$0x5780];
	[tilespmem:s28+$0x5710] =	vst v3;
	v3 =	vmul.f32 v15, v18  }
0xc8: {  	v22 =	vld [tilespmem:s28+$0x5790];
	[tilespmem:s28+$0x5720] =	vst v2;
	v2 =	vmul.f32 v16, v18  }
0xc9: {  	v23 =	vld [tilespmem:s28+$0x57A0];
	[tilespmem:s28+$0x5730] =	vst v3;
	v3 =	vmul.f32 v17, v18  }
0xca: {  	v24 =	vld [tilespmem:s28+$0x57B0];
	[tilespmem:s28+$0x5740] =	vst v2;
	v2 =	vmul.f32 v19, v18  }
0xcb: {  	v25 =	vld [tilespmem:s28+$0x57C0];
	[tilespmem:s28+$0x5750] =	vst v3;
	v3 =	vmul.f32 v20, v18  }
0xcc: {  	v26 =	vld [tilespmem:s28+$0x57D0];
	[tilespmem:s28+$0x5760] =	vst v2;
	v2 =	vmul.f32 v21, v18  }
0xcd: {  	v27 =	vld [tilespmem:s28+$0x57E0];
	[tilespmem:s28+$0x5770] =	vst v3;
	v3 =	vmul.f32 v22, v18  }
0xce: {  	v28 =	vbroadcast v1, $0xC;
	v29 =	vld [tilespmem:s28+$0x57F0];
	[tilespmem:s28+$0x5780] =	vst v2;
	v2 =	vmul.f32 v23, v18  }
0xcf: {  	v30 =	vld [tilespmem:s28+$0x5800];
	[tilespmem:s28+$0x5790] =	vst v3;
	v3 =	vmul.f32 v24, v18  }
0xd0: {  	v31 =	vld [tilespmem:s28+$0x5810];
	[tilespmem:s28+$0x57A0] =	vst v2;
	v2 =	vmul.f32 v25, v28  }
0xd1: {  	v32 =	vld [tilespmem:s28+$0x5820];
	[tilespmem:s28+$0x57B0] =	vst v3;
	v3 =	vmul.f32 v26, v28  }
0xd2: {  	v33 =	vld [tilespmem:s28+$0x5830];
	[tilespmem:s28+$0x57C0] =	vst v2;
	v2 =	vmul.f32 v27, v28  }
0xd3: {  	v34 =	vld [tilespmem:s28+$0x5840];
	[tilespmem:s28+$0x57D0] =	vst v3;
	v3 =	vmul.f32 v29, v28  }
0xd4: {  	v35 =	vld [tilespmem:s28+$0x5850];
	[tilespmem:s28+$0x57E0] =	vst v2;
	v2 =	vmul.f32 v30, v28  }
0xd5: {  	v36 =	vld [tilespmem:s28+$0x5860];
	[tilespmem:s28+$0x57F0] =	vst v3;
	v3 =	vmul.f32 v31, v28  }
0xd6: {  	v37 =	vld [tilespmem:s28+$0x5870];
	[tilespmem:s28+$0x5800] =	vst v2;
	v2 =	vmul.f32 v32, v28  }
0xd7: {  	v38 =	vbroadcast v1, $0xD;
	v39 =	vld [tilespmem:s28+$0x5880];
	[tilespmem:s28+$0x5810] =	vst v3;
	v3 =	vmul.f32 v33, v28  }
0xd8: {  	v40 =	vld [tilespmem:s28+$0x5890];
	[tilespmem:s28+$0x5820] =	vst v2;
	v2 =	vmul.f32 v34, v28  }
0xd9: {  	v41 =	vld [tilespmem:s28+$0x58A0];
	[tilespmem:s28+$0x5830] =	vst v3;
	v3 =	vmul.f32 v35, v38  }
0xda: {  	v42 =	vld [tilespmem:s28+$0x58B0];
	[tilespmem:s28+$0x5840] =	vst v2;
	v2 =	vmul.f32 v36, v38  }
0xdb: {  	v43 =	vld [tilespmem:s28+$0x58C0];
	[tilespmem:s28+$0x5850] =	vst v3;
	v3 =	vmul.f32 v37, v38  }
0xdc: {  	v44 =	vld [tilespmem:s28+$0x58D0];
	[tilespmem:s28+$0x5860] =	vst v2;
	v2 =	vmul.f32 v39, v38  }
0xdd: {  	v45 =	vld [tilespmem:s28+$0x58E0];
	[tilespmem:s28+$0x5870] =	vst v3;
	v3 =	vmul.f32 v40, v38  }
0xde: {  	v46 =	vld [tilespmem:s28+$0x58F0];
	[tilespmem:s28+$0x5880] =	vst v2;
	v2 =	vmul.f32 v41, v38  }
0xdf: {  	v47 =	vld [tilespmem:s28+$0x5900];
	[tilespmem:s28+$0x5890] =	vst v3;
	v3 =	vmul.f32 v42, v38  }
0xe0: {  	v48 =	vbroadcast v1, $0xE;
	v49 =	vld [tilespmem:s28+$0x5910];
	[tilespmem:s28+$0x58A0] =	vst v2;
	v2 =	vmul.f32 v43, v38  }
0xe1: {  	v50 =	vld [tilespmem:s28+$0x5920];
	[tilespmem:s28+$0x58B0] =	vst v3;
	v3 =	vmul.f32 v44, v38  }
0xe2: {  	v51 =	vld [tilespmem:s28+$0x5930];
	[tilespmem:s28+$0x58C0] =	vst v2;
	v2 =	vmul.f32 v45, v48  }
0xe3: {  	v52 =	vld [tilespmem:s28+$0x5940];
	[tilespmem:s28+$0x58D0] =	vst v3;
	v3 =	vmul.f32 v46, v48  }
0xe4: {  	v53 =	vld [tilespmem:s28+$0x5950];
	[tilespmem:s28+$0x58E0] =	vst v2;
	v2 =	vmul.f32 v47, v48  }
0xe5: {  	v54 =	vld [tilespmem:s28+$0x5960];
	[tilespmem:s28+$0x58F0] =	vst v3;
	v3 =	vmul.f32 v49, v48  }
0xe6: {  	v55 =	vld [tilespmem:s28+$0x5970];
	[tilespmem:s28+$0x5900] =	vst v2;
	v2 =	vmul.f32 v50, v48  }
0xe7: {  	v56 =	vld [tilespmem:s28+$0x5980];
	[tilespmem:s28+$0x5910] =	vst v3;
	v3 =	vmul.f32 v51, v48  }
0xe8: {  	v57 =	vld [tilespmem:s28+$0x5990];
	[tilespmem:s28+$0x5920] =	vst v2;
	v2 =	vmul.f32 v52, v48  }
0xe9: {  	v1 =	vbroadcast v1, $0xF;
	v58 =	vld [tilespmem:s28+$0x59A0];
	[tilespmem:s28+$0x5930] =	vst v3;
	v3 =	vmul.f32 v53, v48  }
0xea: {  	v59 =	vld [tilespmem:s28+$0x59B0];
	[tilespmem:s28+$0x5940] =	vst v2;
	v2 =	vmul.f32 v54, v48  }
0xeb: {  	v60 =	vld [tilespmem:s28+$0x59C0];
	[tilespmem:s28+$0x5950] =	vst v3;
	v3 =	vmul.f32 v55, v1  }
0xec: {  	v61 =	vld [tilespmem:s28+$0x59D0];
	[tilespmem:s28+$0x5960] =	vst v2;
	v2 =	vmul.f32 v56, v1  }
0xed: {  	v62 =	vld [tilespmem:s28+$0x59E0];
	[tilespmem:s28+$0x5970] =	vst v3;
	v3 =	vmul.f32 v57, v1  }
0xee: {  	v63 =	vld [tilespmem:s28+$0x59F0];
	[tilespmem:s28+$0x5980] =	vst v2;
	v2 =	vmul.f32 v58, v1  }
0xef: {  	[tilespmem:s28+$0x5990] =	vst v3;
	v3 =	vmul.f32 v59, v1  }
0xf0: {  	p0 =	sne.s32 s26, $0x7;
	[tilespmem:s28+$0x59A0] =	vst v2;
	v2 =	vmul.f32 v60, v1  }
.Ltmp1:
0xf1: {  	[tilespmem:s28+$0x59B0] =	vst v3;
	v3 =	vmul.f32 v61, v1;
	(pc) =	sbr.rel @p0 .LBB2_5-.Ltmp1, $4  }
0xf2: {  	[tilespmem:s28+$0x59C0] =	vst v2;
	v2 =	vmul.f32 v62, v1  }
0xf3: {  	[tilespmem:s28+$0x59D0] =	vst v3;
	v1 =	vmul.f32 v63, v1  }
0xf4: {  	[tilespmem:s28+$0x59E0] =	vst v2  }
0xf5: {  	s26 =	sadd.s32 $0x1, s26;
	[tilespmem:s28+$0x59F0] =	vst v1  }
0xf6: {  	s25 =	sadd.s32 $0x1, s25  }
0xf7: {  	p0 =	sne.s32 s25, $0x4F  }
.Ltmp2:
0xf8: {  	_ = 	snop;
	(pc) =	sbr.rel @p0 .LBB2_4-.Ltmp2, $4  }
0xf9: {  	[spmem:s3] =	stream.indirect.scatter.add.f32 [tilespmem:s17], [sflag:$0x1], $0x90, s21, s22, $0xb8;
	[tilespmem:$0x1FEC0] =	vst v63  }
0xfa: {  	_ =	swait.ge [sflag:s18], $0x4800  }
0xfb: {  	[sflag:s18] =	ssyncset.done $0x0  }
0xfc: {  	[sflag:s18] =	ssyncadd.s32 $0xFFFFB800  }
0xfd: {  	s23 =	sadd.s32 $0x1, s23  }
0xfe: {  	s24 =	sshll.u32 s2, $0x6;
	[bflag:$0x0] =	sbarrier.arrive $0xFFFF;
	p0 =	sne.s32 s23, s16  }
.Ltmp3:
0xff: {  	s25 =	sshrl.u32 s8, $0x3;
	s24 =	sor.u32 $0x1C01, s24;
	(pc) =	sbr.rel @p0 .LBB2_1-.Ltmp3, $4  }
0x100: {  	[hbm:s15], [sflag:s24] =	dma.local [spmem:s25], $0x2CB8  }
0x101: {  	_ =	swait.ge [sflag:s18], $0x2CB8  }
0x102: {  	[sflag:s18] =	ssyncset.done $0x0  }
0x103: {  	[sflag:s18] =	ssyncadd.s32 $0xFFFFD348  }
0x104: {  	_ =	sfence.sel $0x180000  }
0x105: {  	[bflag:$0x0] =	sbarrier.arrive $0xFFFF  }
0x106: {  	p0 =	sne.s32 s2, $0x0;
	_ =	strace $0x9000004A  }
0x107: {  	s0 =	sadd.s32 @!p0 $0x100000, s0;
	[bflag:$0x2] =	sbarrier.arrive $0xFFFF  }
0x108: {  	[sflag:s0] =	ssyncadd.tile.s32 @!p0 $0x1;
	_ =	shalt  }
.Lfunc_end2:
_tile_overlayer_lowered:
.L_overlay_start_2:
0x109: {  	(tag) =	ssettag $0x2  }
0x10a: {  	s0 =	rddreg [dreg:$0x0];
	s2 =	stileid.u32  }
0x10b: {  	s1 =	rddreg [dreg:$0x1];
	p0 =	sne.s32 s2, $0x0  }
0x10c: {  	s3 =	rddreg [dreg:$0x2];
	[bflag:$0x3] =	sbarrier.arrive $0xFFFF;
	s2 =	simm.s32 @!p0 $0x1C01  }
0x10d: {  	[timem:s3], [sflag:s2] =	dma.local @!p0 [hbm:s0], s1  }
0x10e: {  	s0 =	simm.s32 @!p0 $0x1  }
0x10f: {  	_ =	swait.ge @!p0 [sflag:s0], s1  }
0x110: {  	s1 =	ssub.s32 @!p0 $0x0, s1;
	[sflag:s0] =	ssyncset.done @!p0 $0x0  }
0x111: {  	[sflag:s0] =	ssyncadd.s32 @!p0 s1  }
0x112: {  	[bflag:$0x3] =	sbarrier.arrive $0xFFFF  }
0x113: {  	_ =	shalt  }

// kernel: kernel.7.cloned.1.call-start
scs
__scs_entry_jumppad:
0x0: {  	(pc) =	sbr.rel $0x88, $3  }
0x1: {  	(tag) =	ssettag $0x0;
	lr =	simm.s32 $0x1  }
0x2: {  	[smem:$0x3F93] =	sst lr;
	_ =	strace $0xD0000000  }
0x3: {  	_ = 	snop  }
0x4: {  	_ = 	snop  }
0x5: {  	_ = 	snop  }
0x6: {  	_ = 	snop  }
0x7: {  	_ = 	snop  }
__scs_overlays_trampoline_lowered:
0x8: {  	[smem:$0x3FA2] =	sst s0  }
0x9: {  	[smem:$0x3FA3] =	sst s1  }
0xa: {  	[smem:$0x3FA4] =	sst s2  }
0xb: {  	[smem:$0x3FA5] =	sst s3  }
0xc: {  	[smem:$0x3FA6] =	sst s4  }
0xd: {  	[smem:$0x3FA7] =	sst s5  }
0xe: {  	[smem:$0x3FA8] =	sst s6  }
0xf: {  	[smem:$0x3FA9] =	sst s7  }
0x10: {  	[smem:$0x3FAA] =	sst s8  }
0x11: {  	[smem:$0x3FAB] =	sst s9;
	s0 =	simm.s32 @!p0 $0x0  }
0x12: {  	s1 =	sld [smem:$0x3F91];
	s0 =	simm.s32 @p0 $0x1  }
0x13: {  	[smem:$0x3FAC] =	sst s0;
	s0 =	simm.s32 @!p1 $0x0  }
0x14: {  	s2 =	sld [smem:$0x3F90];
	s0 =	simm.s32 @p1 $0x1  }
0x15: {  	[smem:$0x3FAD] =	sst s0;
	s0 =	simm.s32 @!p2 $0x0  }
0x16: {  	s3 =	sld [smem:$0x3FDB];
	s0 =	simm.s32 @p2 $0x1  }
0x17: {  	s4 =	simm.s32 $0x1BF5;
	[smem:$0x3FAF] =	sst s0  }
0x18: {  	s0 =	sld [smem:$0x3F92];
	_ =	swait.ge [sflag:s4], $0x0  }
0x19: {  	s7 =	sld [smem:$0x3F93]  }
0x1a: {  	s8 =	sadd.s32 $0xFFFFE003, lr  }
0x1b: {  	s9 =	sadd.s32 $0xFFFFFEF7, lr;
	s5 =	simm.s32 $0xFFFFFFFF;
	p2 =	slt.u32 s8, $0xFFFFF086  }
0x1c: {  	p1 =	slt.u32 s9, $0xF7A;
	s5 =	simm.s32 @!p2 $0x0  }
0x1d: {  	s5 =	simm.s32 @p1 $0x1;
	p0 =	seq.s32 s7, s2  }
0x1e: {  	s7 =	smul.u32 @!p0 $0xF7A, s2;
	p2 =	seq.s32 @!p0 s5, $0x0  }
0x1f: {  	s9 =	smul.u32 $0xF7A, s1;
	s8 =	simm.s32 @!p0 $0x1BF5;
	p2 =	por !p2, p0  }
0x20: {  	[sflag:s8] =	ssyncset.s32 @!p0 $0xFFFFF086;
	s6 =	sadd.s32 @!p0 s3, s7;
	s7 =	simm.s32 @!p0 $0x108  }
0x21: {  	s3 =	sadd.s32 s3, s9;
	s6 =	sadd.s32 @!p0 $0x88, s6;
	s7 =	simm.s32 @p2 $0x1082  }
0x22: {  	[simem:s7], [sflag:s8] =	dma.local @!p0 [hbm:s6], $0xF7A  }
0x23: {  	s9 =	sor.u32 $0xD0000000, s2;
	s6 =	simm.s32 $0x108;
	_ =	swait.ge @!p0 [sflag:s8], $0x0  }
0x24: {  	s3 =	sadd.s32 $0x88, s3;
	s6 =	simm.s32 @!p1 $0x1082;
	[sflag:s4] =	ssyncset.s32 $0xFFFFF086  }
0x25: {  	[simem:s6], [sflag:s4] =	dma.local [hbm:s3], $0xF7A  }
0x26: {  	[smem:$0x3F93] =	sst s1;
	(tag) =	ssettag s2;
	_ =	strace s9  }
0x27: {  	s1 =	sld [smem:$0x3FA3]  }
0x28: {  	s2 =	sld [smem:$0x3FA4]  }
0x29: {  	s4 =	sld [smem:$0x3FA6]  }
0x2a: {  	p0 =	seq.s32 s5, $0x0;
	s5 =	sld [smem:$0x3FA7]  }
0x2b: {  	s6 =	sld [smem:$0x3FA8]  }
0x2c: {  	s7 =	sld [smem:$0x3FA9]  }
0x2d: {  	s3 =	simm.s32 $0x108;
	s8 =	sld [smem:$0x3FAA]  }
0x2e: {  	s3 =	simm.s32 @!p0 $0x1082;
	s9 =	sld [smem:$0x3FAB]  }
0x2f: {  	lr =	sadd.s32 s0, s3;
	s0 =	sld [smem:$0x3FA2]  }
0x30: {  	s3 =	sld [smem:$0x3FA5]  }
0x31: {  	[smem:$0x3FAE] =	sst s10  }
0x32: {  	s10 =	sld [smem:$0x3FAC];
	_ =	sdelay $0x3  }
0x33: {  	p0 =	seq.s32 s10, $0x1;
	s10 =	sld [smem:$0x3FAE];
	_ =	sdelay $0x3  }
0x34: {  	[smem:$0x3FAE] =	sst s10  }
0x35: {  	s10 =	sld [smem:$0x3FAD];
	_ =	sdelay $0x3  }
0x36: {  	p1 =	seq.s32 s10, $0x1;
	s10 =	sld [smem:$0x3FAE];
	_ =	sdelay $0x3  }
0x37: {  	[smem:$0x3FAE] =	sst s10  }
0x38: {  	s10 =	sld [smem:$0x3FAF]  }
0x39: {  	_ = 	snop;
	(pc) =	sbr.ind lr, $3  }
0x3a: {  	_ = 	snop  }
0x3b: {  	_ = 	snop  }
0x3c: {  	p2 =	seq.s32 s10, $0x1;
	s10 =	sld [smem:$0x3FAE]  }
0x3d: {  	_ =	shalt  }
0x3e: {  	_ =	shalt  }
0x3f: {  	_ =	shalt  }
0x40: {  	_ =	shalt  }
0x41: {  	_ =	shalt  }
0x42: {  	_ =	shalt  }
0x43: {  	_ =	shalt  }
0x44: {  	_ =	shalt  }
0x45: {  	_ =	shalt  }
0x46: {  	_ =	shalt  }
0x47: {  	_ =	shalt  }
0x48: {  	_ =	shalt  }
0x49: {  	_ =	shalt  }
0x4a: {  	_ =	shalt  }
0x4b: {  	_ =	shalt  }
0x4c: {  	_ =	shalt  }
0x4d: {  	_ =	shalt  }
0x4e: {  	_ =	shalt  }
0x4f: {  	_ =	shalt  }
0x50: {  	_ =	shalt  }
0x51: {  	_ =	shalt  }
0x52: {  	_ =	shalt  }
0x53: {  	_ =	shalt  }
0x54: {  	_ =	shalt  }
0x55: {  	_ =	shalt  }
0x56: {  	_ =	shalt  }
0x57: {  	_ =	shalt  }
0x58: {  	_ =	shalt  }
0x59: {  	_ =	shalt  }
0x5a: {  	_ =	shalt  }
0x5b: {  	_ =	shalt  }
0x5c: {  	_ =	shalt  }
0x5d: {  	_ =	shalt  }
0x5e: {  	_ =	shalt  }
0x5f: {  	_ =	shalt  }
0x60: {  	_ =	shalt  }
0x61: {  	_ =	shalt  }
0x62: {  	_ =	shalt  }
0x63: {  	_ =	shalt  }
0x64: {  	_ =	shalt  }
0x65: {  	_ =	shalt  }
0x66: {  	_ =	shalt  }
0x67: {  	_ =	shalt  }
0x68: {  	_ =	shalt  }
0x69: {  	_ =	shalt  }
0x6a: {  	_ =	shalt  }
0x6b: {  	_ =	shalt  }
0x6c: {  	_ =	shalt  }
0x6d: {  	_ =	shalt  }
0x6e: {  	_ =	shalt  }
0x6f: {  	_ =	shalt  }
0x70: {  	_ =	shalt  }
0x71: {  	_ =	shalt  }
0x72: {  	_ =	shalt  }
0x73: {  	_ =	shalt  }
0x74: {  	_ =	shalt  }
0x75: {  	_ =	shalt  }
0x76: {  	_ =	shalt  }
0x77: {  	_ =	shalt  }
0x78: {  	_ =	shalt  }
0x79: {  	_ =	shalt  }
0x7a: {  	_ =	shalt  }
0x7b: {  	_ =	shalt  }
0x7c: {  	_ =	shalt  }
0x7d: {  	_ =	shalt  }
0x7e: {  	_ =	shalt  }
0x7f: {  	_ =	shalt  }
0x80: {  	_ =	shalt  }
0x81: {  	_ =	shalt  }
0x82: {  	_ =	shalt  }
0x83: {  	_ =	shalt  }
0x84: {  	_ =	shalt  }
0x85: {  	_ =	shalt  }
0x86: {  	_ =	shalt  }
0x87: {  	_ =	shalt  }
.Lfunc_end0:
.L_simem_size_0:
called_computation_lowered:
.L_overlay_start_0:
0x88: {  	s2 =	sld [smem:$0x3FD9]  }
0x89: {  	s3 =	sld [smem:$0x3FFE];
	_ =	sdelay $0x1  }
0x8a: {  	s1 =	srdreg.scid  }
0x8b: {  	s0 =	sand.u32 $0x1, s1  }
0x8c: {  	s17 =	sshll.u32 s0, $0xA;
	s2 =	sadd.s32 s3, s2  }
0x8d: {  	s2 =	sadd.s32 s2, s17  }
0x8e: {  	[smem:$0x3FBA] =	sst s2  }
0x8f: {  	_ = 	snop  }
0x90: {  	s2 =	sld [smem:$0x3FD0];
	(tm) =	ssettm $0x1  }
0x91: {  	s18 =	sld [smem:$0x3FFB];
	_ =	sdelay $0x3  }
0x92: {  	_ =	strace s18  }
0x93: {  	s3 =	sld [smem:$0x3FFC];
	_ =	sdelay $0x3  }
0x94: {  	_ =	strace s3  }
0x95: {  	s3 =	sld [smem:$0x3FFD];
	_ =	sdelay $0x3  }
0x96: {  	_ =	strace s3  }
0x97: {  	_ =	strace $0x8FFFFFFF  }
0x98: {  	s19 =	sld [smem:$0x3FDB];
	_ =	sdelay $0x1  }
0x99: {  	s4 =	simm.s32 $_scs_section_size  }
0x9a: {  	s5 =	simm.s32 $_size__tile_overlayer_lowered;
	s6 =	simm.s32 $_tile_overlayer_lowered  }
0x9b: {  	s22 =	simm.s32 $0x1BFF;
	s21 =	sshll.u32 s6, $0x1;
	s3 =	sadd.s32 s4, s19  }
0x9c: {  	s7 =	simm.s32 $0x0;
	s20 =	sshll.u32 s5, $0x1;
	s5 =	sadd.s32 s21, s3  }
0x9d: {  	[timem:s7], [sflag:s22] =	dma.local [hbm:s5], s20  }
0x9e: {  	_ =	swait.ge [sflag:s22], s20  }
0x9f: {  	s4 =	ssub.s32 $0x0, s20;
	[sflag:s22] =	ssyncset.done $0x0  }
0xa0: {  	[sflag:s22] =	ssyncadd.s32 s4;
	_ =	sdelay $0x1  }
0xa1: {  	s23 =	simm.s32 $0x1B8B  }
0xa2: {  	_ =	swait.ge [sflag:s23], $0x1  }
0xa3: {  	[sflag:s23] =	ssyncset.done $0x0  }
0xa4: {  	s25 =	simm.s32 $0x1B8E;
	s24 =	sld [smem:$0x3FFE];
	[sflag:s23] =	ssyncadd.s32 $0xFFFFFFFF  }
0xa5: {  	s26 =	simm.s32 $execute0_lowered;
	[smem:$0x3FD2] =	sst s25  }
0xa6: {  	s5 =	sshll.u32 s26, $0x1;
	_ =	strace $0x80000046;
	[dreg:$0x1] =	wrdreg $0xFFFFFFFF  }
0xa7: {  	s28 =	simm.s32 $_size_execute0_lowered;
	s3 =	sadd.s32 s3, s5;
	[dreg:$0x0] =	wrdreg $0x0  }
0xa8: {  	s5 =	sshll.u32 s28, $0x1;
	[dreg:$0x2] =	wrdreg s3  }
0xa9: {  	[dreg:$0x3] =	wrdreg s5  }
0xaa: {  	[dreg:$0x4] =	wrdreg $0xC0  }
0xab: {  	_ =	task [dreg:s7], $0x5FFFF  }
0xac: {  	[dreg:$0x1] =	wrdreg $0xFFFFFFFF  }
0xad: {  	[dreg:$0x0] =	wrdreg $0x60  }
0xae: {  	[dreg:$0x2] =	wrdreg s2  }
0xaf: {  	[dreg:$0x3] =	wrdreg s24  }
0xb0: {  	[dreg:$0x4] =	wrdreg $0x99000  }
0xb1: {  	[dreg:$0x5] =	wrdreg $0x9  }
0xb2: {  	_ =	task.clear_ibuf [dreg:s7], $0x6FFFF;
	_ =	strace $0x90000046  }
0xb3: {  	s29 =	simm.s32 $0x9;
	_ =	strace $0x80000048  }
0xb4: {  	_ =	swait.ge [sflag:s29], $0x1  }
0xb5: {  	[sflag:s29] =	ssyncadd.s32 $0xFFFFFFFF  }
0xb6: {  	_ =	strace $0x90000048  }
0xb7: {  	_ =	sfence  }
0xb8: {  	s30 =	sld [smem:$0x0];
	_ =	sdelay $0x2  }
0xb9: {  	s31 =	sshll.u32 s1, $0xD;
	s1 =	sshrl.u32 s1, $0x2  }
0xba: {  	s3 =	sand.u32 $0x4000, s31;
	s1 =	sadd.s32 s1, s30  }
0xbb: {  	s0 =	sor.u32 s3, s0;
	s1 =	sshll.u32 s1, $0x11  }
0xbc: {  	s0 =	sor.u32 s1, s0  }
0xbd: {  	s0 =	sadd.s32 $0x8F2B, s0  }
0xbe: {  	[sflag:s0] =	ssyncadd.remote.s32 $0x1  }
0xbf: {  	_ =	sfence.sel $0xFFFF  }
0xc0: {  	[dreg:$0x0] =	wrdreg $0xFFFFFFFF;
	(pc) =	sbr.abs _section_cstart, $3  }
0xc1: {  	[dreg:$0x1] =	wrdreg $0xFFFFFFFF  }
0xc2: {  	_ =	task.clear_ibuf [dreg:s7], $0x2FFFF;
	_ =	strace $0x9FFFFFFF  }
0xc3: {  	(tm) =	ssettm $0x7FFFFFFF  }
tec
execute0_lowered:
.L_overlay_start_1:
0x0: {  	(tag) =	ssettag $0x1  }
0x1: {  	s1 =	rddreg [dreg:$0x0]  }
0x2: {  	s13 =	rddreg [dreg:$0x1]  }
0x3: {  	s3 =	rddreg [dreg:$0x2]  }
0x4: {  	s0 =	rddreg [dreg:$0x3]  }
0x5: {  	s5 =	srdreg.scid;
	s2 =	stileid.u32  }
0x6: {  	s4 =	simm.s32 $0x0;
	s17 =	simm.s32 $0x5100;
	s18 =	simm.s32 $0x1  }
0x7: {  	s19 =	simm.s32 $0x2800;
	s20 =	simm.s32 $0x5000;
	s21 =	simm.s32 $0x5080  }
0x8: {  	s22 =	simm.s32 $0x80;
	s23 =	simm.s32 $0x0;
	s9 =	smul.u32 $0x165C0, s2  }
0x9: {  	s8 =	sand.u32 $0x1, s5;
	[smem:$0x7FF] =	sst s4;
	s12 =	smul.u32 $0x59700, s2  }
0xa: {  	s5 =	sadd.s32 $0x30600, s13;
	s6 =	sadd.s32 $0x2DE00, s13;
	s7 =	smul.u32 $0x168000, s8  }
0xb: {  	_ =	strace $0x80000047;
	s11 =	ssub.s32 $0x2, s8;
	s8 =	sshll.u32 s8, $0x4  }
0xc: {  	s30 =	sshrl.u32 s11, $0x1;
	s31 =	sshrl.u32 s12, $0x2;
	s14 =	sor.u32 s2, s8  }
0xd: {  	s8 =	sadd.s32 s9, s3;
	s7 =	sadd.s32 s9, s7;
	s16 =	ssub.s32 s11, s30  }
0xe: {  	s12 =	sadd.s32 s31, s3;
	s14 =	smul.u32 $0x2780, s14;
	s10 =	sshrl.u32 s7, $0x3  }
0xf: {  	s7 =	sadd.s32 $0xE00, s13;
	s9 =	sadd.s32 $0x4800, s12;
	s11 =	sadd.s32 $0xD800, s12  }
0x10: {  	s16 =	smax.u32 s16, $0x1;
	s15 =	sadd.s32 s10, s13;
	s10 =	sadd.s32 $0x9000, s12  }
0x11: {  	v0 =	vimm.f32 $0.0e+00;
	s12 =	sadd.s32 $0x12000, s12;
	s13 =	sadd.s32 $0x2E300, s13;
	s15 =	sadd.s32 $0x3A400, s15  }
.LBB2_1:
0x12: {  	s24 =	simm.s32 $0x0;
	s25 =	simm.s32 $0x240  }
.LBB2_2:
0x13: {  	p0 =	sne.s32 s25, $0x11DC0;
	[tilespmem:s24+$0x5180] =	vst v0  }
0x14: {  	[tilespmem:s24+$0x5100] =	vst v0  }
0x15: {  	[tilespmem:s24+$0x5110] =	vst v0  }
0x16: {  	[tilespmem:s24+$0x5120] =	vst v0  }
.Ltmp0:
0x17: {  	[tilespmem:s24+$0x5130] =	vst v0;
	(pc) =	sbr.rel @p0 .LBB2_2-.Ltmp0, $4  }
0x18: {  	[tilespmem:s24+$0x5140] =	vst v0  }
0x19: {  	[tilespmem:s24+$0x5150] =	vst v0  }
0x1a: {  	[tilespmem:s24+$0x5160] =	vst v0  }
0x1b: {  	[tilespmem:s24+$0x5170] =	vst v0;
	s24 =	sshra.s32 s25, $0x2;
	s25 =	sadd.s32 $0x240, s25  }
0x1c: {  	[tilespmem:s24+$0x5180] =	vst v0  }
0x1d: {  	[tilespmem:s24+$0x5100] =	vst v0  }
0x1e: {  	[tilespmem:s24+$0x5110] =	vst v0  }
0x1f: {  	[tilespmem:s24+$0x5120] =	vst v0  }
0x20: {  	[tilespmem:s24+$0x5130] =	vst v0  }
0x21: {  	[tilespmem:s24+$0x5140] =	vst v0  }
0x22: {  	[tilespmem:s24+$0x5150] =	vst v0  }
0x23: {  	[tilespmem:s24+$0x5160] =	vst v0  }
0x24: {  	[tilespmem:s24+$0x5170] =	vst v0  }
0x25: {  	[spmem:s8] =	stream.linear.scatter [tilespmem:s17], [sflag:$0x1], $0x4800, $0x38;
	[tilespmem:$0x1FEC0] =	vst v63  }
0x26: {  	_ =	swait.ge [sflag:s18], $0x4800  }
0x27: {  	[sflag:s18] =	ssyncset.done $0x0  }
0x28: {  	[sflag:s18] =	ssyncadd.s32 $0xFFFFB800  }
0x29: {  	[spmem:s9] =	stream.linear.scatter [tilespmem:s17], [sflag:$0x1], $0x4800, $0x38;
	[tilespmem:$0x1FEC0] =	vst v63  }
0x2a: {  	_ =	swait.ge [sflag:s18], $0x4800  }
0x2b: {  	[sflag:s18] =	ssyncset.done $0x0  }
0x2c: {  	[sflag:s18] =	ssyncadd.s32 $0xFFFFB800  }
0x2d: {  	[spmem:s10] =	stream.linear.scatter [tilespmem:s17], [sflag:$0x1], $0x4800, $0x38;
	[tilespmem:$0x1FEC0] =	vst v63  }
0x2e: {  	_ =	swait.ge [sflag:s18], $0x4800  }
0x2f: {  	[sflag:s18] =	ssyncset.done $0x0  }
0x30: {  	[sflag:s18] =	ssyncadd.s32 $0xFFFFB800  }
0x31: {  	[spmem:s11] =	stream.linear.scatter [tilespmem:s17], [sflag:$0x1], $0x4800, $0x38;
	[tilespmem:$0x1FEC0] =	vst v63  }
0x32: {  	_ =	swait.ge [sflag:s18], $0x4800  }
0x33: {  	[sflag:s18] =	ssyncset.done $0x0  }
0x34: {  	[sflag:s18] =	ssyncadd.s32 $0xFFFFB800  }
0x35: {  	[spmem:s12] =	stream.linear.scatter [tilespmem:s17], [sflag:$0x1], $0x45C0, $0x38;
	[tilespmem:$0x1FEC0] =	vst v63  }
0x36: {  	_ =	swait.ge [sflag:s18], $0x45C0  }
0x37: {  	[sflag:s18] =	ssyncset.done $0x0  }
0x38: {  	s24 =	simm.s32 $0x0;
	[sflag:s18] =	ssyncadd.s32 $0xFFFFBA40  }
0x39: {  	[tilespmem:s24], [sflag:$0x1] =	stream.linear.gather [hbm4b:s6+s24], $0x2800, $0x38;
	[tilespmem:$0x1FEC0] =	vst v63  }
0x3a: {  	_ =	swait.ge [sflag:s18], $0x2800  }
0x3b: {  	[sflag:s18] =	ssyncset.done $0x0  }
0x3c: {  	[sflag:s18] =	ssyncadd.s32 $0xFFFFD800  }
0x3d: {  	[tilespmem:s19], [sflag:$0x1] =	stream.linear.gather [hbm4b:s13+s24], $0x2800, $0x38;
	[tilespmem:$0x1FEC0] =	vst v63  }
0x3e: {  	_ =	swait.ge [sflag:s18], $0x2800  }
0x3f: {  	[sflag:s18] =	ssyncset.done $0x0  }
0x40: {  	[sflag:s18] =	ssyncadd.s32 $0xFFFFD800  }
0x41: {  	s25 =	simm.s32 $0x0;
	[bflag:$0x0] =	sbarrier.arrive $0xFFFF  }
.LBB2_4:
0x42: {  	s26 =	sshll.u32 s25, $0x7  }
0x43: {  	s26 =	sadd.s32 s14, s26  }
0x44: {  	s26 =	sshrl.u32 s26, $0x3  }
0x45: {  	s28 =	sadd.s32 s1, s26  }
0x46: {  	[tilespmem:s20], [sflag:$0x1] =	stream.linear.gather [hbm4b:s28+s24], $0x80, $0x38;
	[tilespmem:$0x1FEC0] =	vst v63  }
0x47: {  	_ =	swait.ge [sflag:s18], $0x80  }
0x48: {  	[sflag:s18] =	ssyncset.done $0x0  }
0x49: {  	s26 =	sadd.s32 s5, s26;
	[sflag:s18] =	ssyncadd.s32 $0xFFFFFF80  }
0x4a: {  	[tilespmem:s21], [sflag:$0x1] =	stream.linear.gather [hbm4b:s26+s24], $0x80, $0x38;
	[tilespmem:$0x1FEC0] =	vst v63  }
0x4b: {  	_ =	swait.ge [sflag:s18], $0x80  }
0x4c: {  	[sflag:s18] =	ssyncset.done $0x0  }
0x4d: {  	[sflag:s18] =	ssyncadd.s32 $0xFFFFFF80  }
0x4e: {  	[tilespmem:s17], [sflag:$0x1] =	stream.indirect.gather [hbm4b:s7+s22], $0x90, s20, s22, $0xb8;
	[tilespmem:$0x1FEC0] =	vst v63  }
0x4f: {  	_ =	swait.ge [sflag:s18], $0x4800  }
0x50: {  	[sflag:s18] =	ssyncset.done $0x0  }
0x51: {  	s26 =	simm.s32 $0x0;
	[sflag:s18] =	ssyncadd.s32 $0xFFFFB800  }
.LBB2_5:
0x52: {  	s28 =	sshll.u32 s26, $0x4  }
0x53: {  	v1 =	vld [tilespmem:s28+$0x5000]  }
0x54: {  	v2 =	vld [tilespmem:s28+$0x5080];
	_ =	sdelay $0x6  }
0x55: {  	v1 =	vld.idx.msk [tilespmem:v1+s4+$0x0], $0xffff  }
0x56: {  	v2 =	vld.idx.msk [tilespmem:v2+s19+$0x0], $0xffff;
	_ =	sdelay $0x4  }
0x57: {  	v1 =	vadd.f32 v2, v1;
	_ =	sdelay $0x1  }
0x58: {  	v2 =	vmul.f32 $2.000000030e-01, v1  }
0x59: {  	vm0 =	vge.f32 v1, $0.0e+00  }
0x5a: {  	v1 =	vsel vm0, v1, v2  }
0x5b: {  	v1 =	vmul.f32 $1.442695020e+00, v1;
	_ =	sdelay $0x1  }
0x5c: {  	(erf) = vpow2.f32 v1;
	_ =	sdelay $0x3  }
0x5d: {  	s31 =	smul.u32 $0x2400, s26;
	_ =	sdelay $0x1  }
0x5e: {  	s28 =	sshra.s32 s31, $0x2  }
0x5f: {  	v2 =	vld [tilespmem:s28+$0x5100]  }
0x60: {  	v3 =	vld [tilespmem:s28+$0x5110]  }
0x61: {  	v4 =	vld [tilespmem:s28+$0x5120];
	v1 =	vpop (erf)  }
0x62: {  	v6 =	vld [tilespmem:s28+$0x5130];
	v5 =	vbroadcast v1, $0x0  }
0x63: {  	v7 =	vld [tilespmem:s28+$0x5140]  }
0x64: {  	v8 =	vld [tilespmem:s28+$0x5150];
	v2 =	vmul.f32 v5, v2  }
0x65: {  	v9 =	vld [tilespmem:s28+$0x5160];
	v3 =	vmul.f32 v5, v3  }
0x66: {  	v18 =	vld [tilespmem:s28+$0x5170];
	[tilespmem:s28+$0x5100] =	vst v2;
	v2 =	vmul.f32 v5, v4  }
0x67: {  	v19 =	vld [tilespmem:s28+$0x5180];
	[tilespmem:s28+$0x5110] =	vst v3;
	v3 =	vmul.f32 v6, v5  }
0x68: {  	v20 =	vld [tilespmem:s28+$0x5190];
	[tilespmem:s28+$0x5120] =	vst v2;
	v2 =	vmul.f32 v7, v5  }
0x69: {  	v21 =	vld [tilespmem:s28+$0x51A0];
	[tilespmem:s28+$0x5130] =	vst v3;
	v3 =	vmul.f32 v8, v5  }
0x6a: {  	v22 =	vld [tilespmem:s28+$0x51B0];
	[tilespmem:s28+$0x5140] =	vst v2;
	v2 =	vmul.f32 v9, v5  }
0x6b: {  	v10 =	vld [tilespmem:s28+$0x51C0];
	v23 =	vbroadcast v1, $0x1;
	[tilespmem:s28+$0x5150] =	vst v3;
	v3 =	vmul.f32 v18, v5  }
0x6c: {  	v24 =	vld [tilespmem:s28+$0x51D0];
	[tilespmem:s28+$0x5160] =	vst v2;
	v2 =	vmul.f32 v19, v5  }
0x6d: {  	v25 =	vld [tilespmem:s28+$0x51E0];
	[tilespmem:s28+$0x5170] =	vst v3;
	v3 =	vmul.f32 v20, v23  }
0x6e: {  	v26 =	vld [tilespmem:s28+$0x51F0];
	[tilespmem:s28+$0x5180] =	vst v2;
	v2 =	vmul.f32 v21, v23  }
0x6f: {  	v27 =	vld [tilespmem:s28+$0x5200];
	[tilespmem:s28+$0x5190] =	vst v3;
	v3 =	vmul.f32 v22, v23  }
0x70: {  	v28 =	vld [tilespmem:s28+$0x5210];
	[tilespmem:s28+$0x51A0] =	vst v2;
	v2 =	vmul.f32 v10, v23  }
0x71: {  	v29 =	vld [tilespmem:s28+$0x5220];
	[tilespmem:s28+$0x51B0] =	vst v3;
	v3 =	vmul.f32 v24, v23  }
0x72: {  	v30 =	vld [tilespmem:s28+$0x5230];
	[tilespmem:s28+$0x51C0] =	vst v2;
	v2 =	vmul.f32 v25, v23  }
0x73: {  	v31 =	vld [tilespmem:s28+$0x5240];
	[tilespmem:s28+$0x51D0] =	vst v3;
	v3 =	vmul.f32 v26, v23  }
0x74: {  	v33 =	vld [tilespmem:s28+$0x5250];
	v32 =	vbroadcast v1, $0x2;
	[tilespmem:s28+$0x51E0] =	vst v2;
	v2 =	vmul.f32 v27, v23  }
0x75: {  	v34 =	vld [tilespmem:s28+$0x5260];
	[tilespmem:s28+$0x51F0] =	vst v3;
	v3 =	vmul.f32 v28, v23  }
0x76: {  	v35 =	vld [tilespmem:s28+$0x5270];
	[tilespmem:s28+$0x5200] =	vst v2;
	v2 =	vmul.f32 v29, v32  }
0x77: {  	v36 =	vld [tilespmem:s28+$0x5280];
	[tilespmem:s28+$0x5210] =	vst v3;
	v3 =	vmul.f32 v30, v32  }
0x78: {  	v37 =	vld [tilespmem:s28+$0x5290];
	[tilespmem:s28+$0x5220] =	vst v2;
	v2 =	vmul.f32 v31, v32  }
0x79: {  	v38 =	vld [tilespmem:s28+$0x52A0];
	[tilespmem:s28+$0x5230] =	vst v3;
	v3 =	vmul.f32 v33, v32  }
0x7a: {  	v39 =	vld [tilespmem:s28+$0x52B0];
	[tilespmem:s28+$0x5240] =	vst v2;
	v2 =	vmul.f32 v34, v32  }
0x7b: {  	v40 =	vld [tilespmem:s28+$0x52C0];
	[tilespmem:s28+$0x5250] =	vst v3;
	v3 =	vmul.f32 v35, v32  }
0x7c: {  	v41 =	vld [tilespmem:s28+$0x52D0];
	[tilespmem:s28+$0x5260] =	vst v2;
	v2 =	vmul.f32 v36, v32  }
0x7d: {  	v43 =	vld [tilespmem:s28+$0x52E0];
	v42 =	vbroadcast v1, $0x3;
	[tilespmem:s28+$0x5270] =	vst v3;
	v3 =	vmul.f32 v37, v32  }
0x7e: {  	v44 =	vld [tilespmem:s28+$0x52F0];
	[tilespmem:s28+$0x5280] =	vst v2;
	v2 =	vmul.f32 v38, v32  }
0x7f: {  	v45 =	vld [tilespmem:s28+$0x5300];
	[tilespmem:s28+$0x5290] =	vst v3;
	v3 =	vmul.f32 v39, v42  }
0x80: {  	v46 =	vld [tilespmem:s28+$0x5310];
	[tilespmem:s28+$0x52A0] =	vst v2;
	v2 =	vmul.f32 v40, v42  }
0x81: {  	v47 =	vld [tilespmem:s28+$0x5320];
	[tilespmem:s28+$0x52B0] =	vst v3;
	v3 =	vmul.f32 v41, v42  }
0x82: {  	v48 =	vld [tilespmem:s28+$0x5330];
	[tilespmem:s28+$0x52C0] =	vst v2;
	v2 =	vmul.f32 v43, v42  }
0x83: {  	v49 =	vld [tilespmem:s28+$0x5340];
	[tilespmem:s28+$0x52D0] =	vst v3;
	v3 =	vmul.f32 v44, v42  }
0x84: {  	v50 =	vld [tilespmem:s28+$0x5350];
	[tilespmem:s28+$0x52E0] =	vst v2;
	v2 =	vmul.f32 v45, v42  }
0x85: {  	v51 =	vld [tilespmem:s28+$0x5360];
	[tilespmem:s28+$0x52F0] =	vst v3;
	v3 =	vmul.f32 v46, v42  }
0x86: {  	v53 =	vld [tilespmem:s28+$0x5370];
	v52 =	vbroadcast v1, $0x4;
	[tilespmem:s28+$0x5300] =	vst v2;
	v2 =	vmul.f32 v47, v42  }
0x87: {  	v54 =	vld [tilespmem:s28+$0x5380];
	[tilespmem:s28+$0x5310] =	vst v3;
	v3 =	vmul.f32 v48, v42  }
0x88: {  	v55 =	vld [tilespmem:s28+$0x5390];
	[tilespmem:s28+$0x5320] =	vst v2;
	v2 =	vmul.f32 v49, v52  }
0x89: {  	v56 =	vld [tilespmem:s28+$0x53A0];
	[tilespmem:s28+$0x5330] =	vst v3;
	v3 =	vmul.f32 v50, v52  }
0x8a: {  	v57 =	vld [tilespmem:s28+$0x53B0];
	[tilespmem:s28+$0x5340] =	vst v2;
	v2 =	vmul.f32 v51, v52  }
0x8b: {  	v58 =	vld [tilespmem:s28+$0x53C0];
	[tilespmem:s28+$0x5350] =	vst v3;
	v3 =	vmul.f32 v53, v52  }
0x8c: {  	v59 =	vld [tilespmem:s28+$0x53D0];
	[tilespmem:s28+$0x5360] =	vst v2;
	v2 =	vmul.f32 v54, v52  }
0x8d: {  	v60 =	vld [tilespmem:s28+$0x53E0];
	[tilespmem:s28+$0x5370] =	vst v3;
	v3 =	vmul.f32 v55, v52  }
0x8e: {  	v61 =	vld [tilespmem:s28+$0x53F0];
	[tilespmem:s28+$0x5380] =	vst v2;
	v2 =	vmul.f32 v56, v52  }
0x8f: {  	v63 =	vld [tilespmem:s28+$0x5400];
	v62 =	vbroadcast v1, $0x5;
	[tilespmem:s28+$0x5390] =	vst v3;
	v3 =	vmul.f32 v57, v52  }
0x90: {  	v12 =	vld [tilespmem:s28+$0x5410];
	[tilespmem:s28+$0x53A0] =	vst v2;
	v2 =	vmul.f32 v58, v52  }
0x91: {  	v13 =	vld [tilespmem:s28+$0x5420];
	[tilespmem:s28+$0x53B0] =	vst v3;
	v3 =	vmul.f32 v59, v62  }
0x92: {  	v14 =	vld [tilespmem:s28+$0x5430];
	[tilespmem:s28+$0x53C0] =	vst v2;
	v2 =	vmul.f32 v60, v62  }
0x93: {  	v15 =	vld [tilespmem:s28+$0x5440];
	[tilespmem:s28+$0x53D0] =	vst v3;
	v3 =	vmul.f32 v61, v62  }
0x94: {  	v16 =	vld [tilespmem:s28+$0x5450];
	[tilespmem:s28+$0x53E0] =	vst v2;
	v2 =	vmul.f32 v63, v62  }
0x95: {  	v17 =	vld [tilespmem:s28+$0x5460];
	[tilespmem:s28+$0x53F0] =	vst v3;
	v3 =	vmul.f32 v12, v62  }
0x96: {  	v18 =	vld [tilespmem:s28+$0x5470];
	[tilespmem:s28+$0x5400] =	vst v2;
	v2 =	vmul.f32 v13, v62  }
0x97: {  	v19 =	vld [tilespmem:s28+$0x5480];
	[tilespmem:s28+$0x5410] =	vst v3;
	v3 =	vmul.f32 v14, v62  }
0x98: {  	v20 =	vbroadcast v1, $0x6;
	v21 =	vld [tilespmem:s28+$0x5490];
	[tilespmem:s28+$0x5420] =	vst v2;
	v2 =	vmul.f32 v15, v62  }
0x99: {  	v22 =	vld [tilespmem:s28+$0x54A0];
	[tilespmem:s28+$0x5430] =	vst v3;
	v3 =	vmul.f32 v16, v62  }
0x9a: {  	v23 =	vld [tilespmem:s28+$0x54B0];
	[tilespmem:s28+$0x5440] =	vst v2;
	v2 =	vmul.f32 v17, v20  }
0x9b: {  	v24 =	vld [tilespmem:s28+$0x54C0];
	[tilespmem:s28+$0x5450] =	vst v3;
	v3 =	vmul.f32 v18, v20  }
0x9c: {  	v25 =	vld [tilespmem:s28+$0x54D0];
	[tilespmem:s28+$0x5460] =	vst v2;
	v2 =	vmul.f32 v19, v20  }
0x9d: {  	v26 =	vld [tilespmem:s28+$0x54E0];
	[tilespmem:s28+$0x5470] =	vst v3;
	v3 =	vmul.f32 v21, v20  }
0x9e: {  	v27 =	vld [tilespmem:s28+$0x54F0];
	[tilespmem:s28+$0x5480] =	vst v2;
	v2 =	vmul.f32 v22, v20  }
0x9f: {  	v28 =	vld [tilespmem:s28+$0x5500];
	[tilespmem:s28+$0x5490] =	vst v3;
	v3 =	vmul.f32 v23, v20  }
0xa0: {  	v29 =	vld [tilespmem:s28+$0x5510];
	[tilespmem:s28+$0x54A0] =	vst v2;
	v2 =	vmul.f32 v24, v20  }
0xa1: {  	v30 =	vbroadcast v1, $0x7;
	v31 =	vld [tilespmem:s28+$0x5520];
	[tilespmem:s28+$0x54B0] =	vst v3;
	v3 =	vmul.f32 v25, v20  }
0xa2: {  	v32 =	vld [tilespmem:s28+$0x5530];
	[tilespmem:s28+$0x54C0] =	vst v2;
	v2 =	vmul.f32 v26, v20  }
0xa3: {  	v33 =	vld [tilespmem:s28+$0x5540];
	[tilespmem:s28+$0x54D0] =	vst v3;
	v3 =	vmul.f32 v27, v30  }
0xa4: {  	v34 =	vld [tilespmem:s28+$0x5550];
	[tilespmem:s28+$0x54E0] =	vst v2;
	v2 =	vmul.f32 v28, v30  }
0xa5: {  	v35 =	vld [tilespmem:s28+$0x5560];
	[tilespmem:s28+$0x54F0] =	vst v3;
	v3 =	vmul.f32 v29, v30  }
0xa6: {  	v36 =	vld [tilespmem:s28+$0x5570];
	[tilespmem:s28+$0x5500] =	vst v2;
	v2 =	vmul.f32 v31, v30  }
0xa7: {  	v37 =	vld [tilespmem:s28+$0x5580];
	[tilespmem:s28+$0x5510] =	vst v3;
	v3 =	vmul.f32 v32, v30  }
0xa8: {  	v38 =	vld [tilespmem:s28+$0x5590];
	[tilespmem:s28+$0x5520] =	vst v2;
	v2 =	vmul.f32 v33, v30  }
0xa9: {  	v39 =	vld [tilespmem:s28+$0x55A0];
	[tilespmem:s28+$0x5530] =	vst v3;
	v3 =	vmul.f32 v34, v30  }
0xaa: {  	v40 =	vbroadcast v1, $0x8;
	v41 =	vld [tilespmem:s28+$0x55B0];
	[tilespmem:s28+$0x5540] =	vst v2;
	v2 =	vmul.f32 v35, v30  }
0xab: {  	v42 =	vld [tilespmem:s28+$0x55C0];
	[tilespmem:s28+$0x5550] =	vst v3;
	v3 =	vmul.f32 v36, v30  }
0xac: {  	v43 =	vld [tilespmem:s28+$0x55D0];
	[tilespmem:s28+$0x5560] =	vst v2;
	v2 =	vmul.f32 v37, v40  }
0xad: {  	v44 =	vld [tilespmem:s28+$0x55E0];
	[tilespmem:s28+$0x5570] =	vst v3;
	v3 =	vmul.f32 v38, v40  }
0xae: {  	v45 =	vld [tilespmem:s28+$0x55F0];
	[tilespmem:s28+$0x5580] =	vst v2;
	v2 =	vmul.f32 v39, v40  }
0xaf: {  	v46 =	vld [tilespmem:s28+$0x5600];
	[tilespmem:s28+$0x5590] =	vst v3;
	v3 =	vmul.f32 v41, v40  }
0xb0: {  	v47 =	vld [tilespmem:s28+$0x5610];
	[tilespmem:s28+$0x55A0] =	vst v2;
	v2 =	vmul.f32 v42, v40  }
0xb1: {  	v48 =	vld [tilespmem:s28+$0x5620];
	[tilespmem:s28+$0x55B0] =	vst v3;
	v3 =	vmul.f32 v43, v40  }
0xb2: {  	v49 =	vld [tilespmem:s28+$0x5630];
	[tilespmem:s28+$0x55C0] =	vst v2;
	v2 =	vmul.f32 v44, v40  }
0xb3: {  	v50 =	vbroadcast v1, $0x9;
	v51 =	vld [tilespmem:s28+$0x5640];
	[tilespmem:s28+$0x55D0] =	vst v3;
	v3 =	vmul.f32 v45, v40  }
0xb4: {  	v52 =	vld [tilespmem:s28+$0x5650];
	[tilespmem:s28+$0x55E0] =	vst v2;
	v2 =	vmul.f32 v46, v40  }
0xb5: {  	v53 =	vld [tilespmem:s28+$0x5660];
	[tilespmem:s28+$0x55F0] =	vst v3;
	v3 =	vmul.f32 v47, v50  }
0xb6: {  	v54 =	vld [tilespmem:s28+$0x5670];
	[tilespmem:s28+$0x5600] =	vst v2;
	v2 =	vmul.f32 v48, v50  }
0xb7: {  	v55 =	vld [tilespmem:s28+$0x5680];
	[tilespmem:s28+$0x5610] =	vst v3;
	v3 =	vmul.f32 v49, v50  }
0xb8: {  	v56 =	vld [tilespmem:s28+$0x5690];
	[tilespmem:s28+$0x5620] =	vst v2;
	v2 =	vmul.f32 v51, v50  }
0xb9: {  	v57 =	vld [tilespmem:s28+$0x56A0];
	[tilespmem:s28+$0x5630] =	vst v3;
	v3 =	vmul.f32 v52, v50  }
0xba: {  	v58 =	vld [tilespmem:s28+$0x56B0];
	[tilespmem:s28+$0x5640] =	vst v2;
	v2 =	vmul.f32 v53, v50  }
0xbb: {  	v59 =	vld [tilespmem:s28+$0x56C0];
	[tilespmem:s28+$0x5650] =	vst v3;
	v3 =	vmul.f32 v54, v50  }
0xbc: {  	v60 =	vbroadcast v1, $0xA;
	v61 =	vld [tilespmem:s28+$0x56D0];
	[tilespmem:s28+$0x5660] =	vst v2;
	v2 =	vmul.f32 v55, v50  }
0xbd: {  	v62 =	vld [tilespmem:s28+$0x56E0];
	[tilespmem:s28+$0x5670] =	vst v3;
	v3 =	vmul.f32 v56, v50  }
0xbe: {  	v63 =	vld [tilespmem:s28+$0x56F0];
	[tilespmem:s28+$0x5680] =	vst v2;
	v2 =	vmul.f32 v57, v60  }
0xbf: {  	v12 =	vld [tilespmem:s28+$0x5700];
	[tilespmem:s28+$0x5690] =	vst v3;
	v3 =	vmul.f32 v58, v60  }
0xc0: {  	v13 =	vld [tilespmem:s28+$0x5710];
	[tilespmem:s28+$0x56A0] =	vst v2;
	v2 =	vmul.f32 v59, v60  }
0xc1: {  	v14 =	vld [tilespmem:s28+$0x5720];
	[tilespmem:s28+$0x56B0] =	vst v3;
	v3 =	vmul.f32 v61, v60  }
0xc2: {  	v15 =	vld [tilespmem:s28+$0x5730];
	[tilespmem:s28+$0x56C0] =	vst v2;
	v2 =	vmul.f32 v62, v60  }
0xc3: {  	v16 =	vld [tilespmem:s28+$0x5740];
	[tilespmem:s28+$0x56D0] =	vst v3;
	v3 =	vmul.f32 v63, v60  }
0xc4: {  	v17 =	vld [tilespmem:s28+$0x5750];
	[tilespmem:s28+$0x56E0] =	vst v2;
	v2 =	vmul.f32 v12, v60  }
0xc5: {  	v18 =	vbroadcast v1, $0xB;
	v19 =	vld [tilespmem:s28+$0x5760];
	[tilespmem:s28+$0x56F0] =	vst v3;
	v3 =	vmul.f32 v13, v60  }
0xc6: {  	v20 =	vld [tilespmem:s28+$0x5770];
	[tilespmem:s28+$0x5700] =	vst v2;
	v2 =	vmul.f32 v14, v60  }
0xc7: {  	v21 =	vld [tilespmem:s28+$0x5780];
	[tilespmem:s28+$0x5710] =	vst v3;
	v3 =	vmul.f32 v15, v18  }
0xc8: {  	v22 =	vld [tilespmem:s28+$0x5790];
	[tilespmem:s28+$0x5720] =	vst v2;
	v2 =	vmul.f32 v16, v18  }
0xc9: {  	v23 =	vld [tilespmem:s28+$0x57A0];
	[tilespmem:s28+$0x5730] =	vst v3;
	v3 =	vmul.f32 v17, v18  }
0xca: {  	v24 =	vld [tilespmem:s28+$0x57B0];
	[tilespmem:s28+$0x5740] =	vst v2;
	v2 =	vmul.f32 v19, v18  }
0xcb: {  	v25 =	vld [tilespmem:s28+$0x57C0];
	[tilespmem:s28+$0x5750] =	vst v3;
	v3 =	vmul.f32 v20, v18  }
0xcc: {  	v26 =	vld [tilespmem:s28+$0x57D0];
	[tilespmem:s28+$0x5760] =	vst v2;
	v2 =	vmul.f32 v21, v18  }
0xcd: {  	v27 =	vld [tilespmem:s28+$0x57E0];
	[tilespmem:s28+$0x5770] =	vst v3;
	v3 =	vmul.f32 v22, v18  }
0xce: {  	v28 =	vbroadcast v1, $0xC;
	v29 =	vld [tilespmem:s28+$0x57F0];
	[tilespmem:s28+$0x5780] =	vst v2;
	v2 =	vmul.f32 v23, v18  }
0xcf: {  	v30 =	vld [tilespmem:s28+$0x5800];
	[tilespmem:s28+$0x5790] =	vst v3;
	v3 =	vmul.f32 v24, v18  }
0xd0: {  	v31 =	vld [tilespmem:s28+$0x5810];
	[tilespmem:s28+$0x57A0] =	vst v2;
	v2 =	vmul.f32 v25, v28  }
0xd1: {  	v32 =	vld [tilespmem:s28+$0x5820];
	[tilespmem:s28+$0x57B0] =	vst v3;
	v3 =	vmul.f32 v26, v28  }
0xd2: {  	v33 =	vld [tilespmem:s28+$0x5830];
	[tilespmem:s28+$0x57C0] =	vst v2;
	v2 =	vmul.f32 v27, v28  }
0xd3: {  	v34 =	vld [tilespmem:s28+$0x5840];
	[tilespmem:s28+$0x57D0] =	vst v3;
	v3 =	vmul.f32 v29, v28  }
0xd4: {  	v35 =	vld [tilespmem:s28+$0x5850];
	[tilespmem:s28+$0x57E0] =	vst v2;
	v2 =	vmul.f32 v30, v28  }
0xd5: {  	v36 =	vld [tilespmem:s28+$0x5860];
	[tilespmem:s28+$0x57F0] =	vst v3;
	v3 =	vmul.f32 v31, v28  }
0xd6: {  	v37 =	vld [tilespmem:s28+$0x5870];
	[tilespmem:s28+$0x5800] =	vst v2;
	v2 =	vmul.f32 v32, v28  }
0xd7: {  	v38 =	vbroadcast v1, $0xD;
	v39 =	vld [tilespmem:s28+$0x5880];
	[tilespmem:s28+$0x5810] =	vst v3;
	v3 =	vmul.f32 v33, v28  }
0xd8: {  	v40 =	vld [tilespmem:s28+$0x5890];
	[tilespmem:s28+$0x5820] =	vst v2;
	v2 =	vmul.f32 v34, v28  }
0xd9: {  	v41 =	vld [tilespmem:s28+$0x58A0];
	[tilespmem:s28+$0x5830] =	vst v3;
	v3 =	vmul.f32 v35, v38  }
0xda: {  	v42 =	vld [tilespmem:s28+$0x58B0];
	[tilespmem:s28+$0x5840] =	vst v2;
	v2 =	vmul.f32 v36, v38  }
0xdb: {  	v43 =	vld [tilespmem:s28+$0x58C0];
	[tilespmem:s28+$0x5850] =	vst v3;
	v3 =	vmul.f32 v37, v38  }
0xdc: {  	v44 =	vld [tilespmem:s28+$0x58D0];
	[tilespmem:s28+$0x5860] =	vst v2;
	v2 =	vmul.f32 v39, v38  }
0xdd: {  	v45 =	vld [tilespmem:s28+$0x58E0];
	[tilespmem:s28+$0x5870] =	vst v3;
	v3 =	vmul.f32 v40, v38  }
0xde: {  	v46 =	vld [tilespmem:s28+$0x58F0];
	[tilespmem:s28+$0x5880] =	vst v2;
	v2 =	vmul.f32 v41, v38  }
0xdf: {  	v47 =	vld [tilespmem:s28+$0x5900];
	[tilespmem:s28+$0x5890] =	vst v3;
	v3 =	vmul.f32 v42, v38  }
0xe0: {  	v48 =	vbroadcast v1, $0xE;
	v49 =	vld [tilespmem:s28+$0x5910];
	[tilespmem:s28+$0x58A0] =	vst v2;
	v2 =	vmul.f32 v43, v38  }
0xe1: {  	v50 =	vld [tilespmem:s28+$0x5920];
	[tilespmem:s28+$0x58B0] =	vst v3;
	v3 =	vmul.f32 v44, v38  }
0xe2: {  	v51 =	vld [tilespmem:s28+$0x5930];
	[tilespmem:s28+$0x58C0] =	vst v2;
	v2 =	vmul.f32 v45, v48  }
0xe3: {  	v52 =	vld [tilespmem:s28+$0x5940];
	[tilespmem:s28+$0x58D0] =	vst v3;
	v3 =	vmul.f32 v46, v48  }
0xe4: {  	v53 =	vld [tilespmem:s28+$0x5950];
	[tilespmem:s28+$0x58E0] =	vst v2;
	v2 =	vmul.f32 v47, v48  }
0xe5: {  	v54 =	vld [tilespmem:s28+$0x5960];
	[tilespmem:s28+$0x58F0] =	vst v3;
	v3 =	vmul.f32 v49, v48  }
0xe6: {  	v55 =	vld [tilespmem:s28+$0x5970];
	[tilespmem:s28+$0x5900] =	vst v2;
	v2 =	vmul.f32 v50, v48  }
0xe7: {  	v56 =	vld [tilespmem:s28+$0x5980];
	[tilespmem:s28+$0x5910] =	vst v3;
	v3 =	vmul.f32 v51, v48  }
0xe8: {  	v57 =	vld [tilespmem:s28+$0x5990];
	[tilespmem:s28+$0x5920] =	vst v2;
	v2 =	vmul.f32 v52, v48  }
0xe9: {  	v1 =	vbroadcast v1, $0xF;
	v58 =	vld [tilespmem:s28+$0x59A0];
	[tilespmem:s28+$0x5930] =	vst v3;
	v3 =	vmul.f32 v53, v48  }
0xea: {  	v59 =	vld [tilespmem:s28+$0x59B0];
	[tilespmem:s28+$0x5940] =	vst v2;
	v2 =	vmul.f32 v54, v48  }
0xeb: {  	v60 =	vld [tilespmem:s28+$0x59C0];
	[tilespmem:s28+$0x5950] =	vst v3;
	v3 =	vmul.f32 v55, v1  }
0xec: {  	v61 =	vld [tilespmem:s28+$0x59D0];
	[tilespmem:s28+$0x5960] =	vst v2;
	v2 =	vmul.f32 v56, v1  }
0xed: {  	v62 =	vld [tilespmem:s28+$0x59E0];
	[tilespmem:s28+$0x5970] =	vst v3;
	v3 =	vmul.f32 v57, v1  }
0xee: {  	v63 =	vld [tilespmem:s28+$0x59F0];
	[tilespmem:s28+$0x5980] =	vst v2;
	v2 =	vmul.f32 v58, v1  }
0xef: {  	[tilespmem:s28+$0x5990] =	vst v3;
	v3 =	vmul.f32 v59, v1  }
0xf0: {  	p0 =	sne.s32 s26, $0x7;
	[tilespmem:s28+$0x59A0] =	vst v2;
	v2 =	vmul.f32 v60, v1  }
.Ltmp1:
0xf1: {  	[tilespmem:s28+$0x59B0] =	vst v3;
	v3 =	vmul.f32 v61, v1;
	(pc) =	sbr.rel @p0 .LBB2_5-.Ltmp1, $4  }
0xf2: {  	[tilespmem:s28+$0x59C0] =	vst v2;
	v2 =	vmul.f32 v62, v1  }
0xf3: {  	[tilespmem:s28+$0x59D0] =	vst v3;
	v1 =	vmul.f32 v63, v1  }
0xf4: {  	[tilespmem:s28+$0x59E0] =	vst v2  }
0xf5: {  	s26 =	sadd.s32 $0x1, s26;
	[tilespmem:s28+$0x59F0] =	vst v1  }
0xf6: {  	s25 =	sadd.s32 $0x1, s25  }
0xf7: {  	p0 =	sne.s32 s25, $0x4F  }
.Ltmp2:
0xf8: {  	_ = 	snop;
	(pc) =	sbr.rel @p0 .LBB2_4-.Ltmp2, $4  }
0xf9: {  	[spmem:s3] =	stream.indirect.scatter.add.f32 [tilespmem:s17], [sflag:$0x1], $0x90, s21, s22, $0xb8;
	[tilespmem:$0x1FEC0] =	vst v63  }
0xfa: {  	_ =	swait.ge [sflag:s18], $0x4800  }
0xfb: {  	[sflag:s18] =	ssyncset.done $0x0  }
0xfc: {  	[sflag:s18] =	ssyncadd.s32 $0xFFFFB800  }
0xfd: {  	s23 =	sadd.s32 $0x1, s23  }
0xfe: {  	s24 =	sshll.u32 s2, $0x6;
	[bflag:$0x0] =	sbarrier.arrive $0xFFFF;
	p0 =	sne.s32 s23, s16  }
.Ltmp3:
0xff: {  	s25 =	sshrl.u32 s8, $0x3;
	s24 =	sor.u32 $0x1C01, s24;
	(pc) =	sbr.rel @p0 .LBB2_1-.Ltmp3, $4  }
0x100: {  	[hbm:s15], [sflag:s24] =	dma.local [spmem:s25], $0x2CB8  }
0x101: {  	_ =	swait.ge [sflag:s18], $0x2CB8  }
0x102: {  	[sflag:s18] =	ssyncset.done $0x0  }
0x103: {  	[sflag:s18] =	ssyncadd.s32 $0xFFFFD348  }
0x104: {  	_ =	sfence.sel $0x180000  }
0x105: {  	[bflag:$0x0] =	sbarrier.arrive $0xFFFF  }
0x106: {  	p0 =	sne.s32 s2, $0x0;
	_ =	strace $0x90000047  }
0x107: {  	s0 =	sadd.s32 @!p0 $0x100000, s0;
	[bflag:$0x2] =	sbarrier.arrive $0xFFFF  }
0x108: {  	[sflag:s0] =	ssyncadd.tile.s32 @!p0 $0x1;
	_ =	shalt  }
.Lfunc_end2:
_tile_overlayer_lowered:
.L_overlay_start_2:
0x109: {  	(tag) =	ssettag $0x2  }
0x10a: {  	s0 =	rddreg [dreg:$0x0];
	s2 =	stileid.u32  }
0x10b: {  	s1 =	rddreg [dreg:$0x1];
	p0 =	sne.s32 s2, $0x0  }
0x10c: {  	s3 =	rddreg [dreg:$0x2];
	[bflag:$0x3] =	sbarrier.arrive $0xFFFF;
	s2 =	simm.s32 @!p0 $0x1C01  }
0x10d: {  	[timem:s3], [sflag:s2] =	dma.local @!p0 [hbm:s0], s1  }
0x10e: {  	s0 =	simm.s32 @!p0 $0x1  }
0x10f: {  	_ =	swait.ge @!p0 [sflag:s0], s1  }
0x110: {  	s1 =	ssub.s32 @!p0 $0x0, s1;
	[sflag:s0] =	ssyncset.done @!p0 $0x0  }
0x111: {  	[sflag:s0] =	ssyncadd.s32 @!p0 s1  }
0x112: {  	[bflag:$0x3] =	sbarrier.arrive $0xFFFF  }
0x113: {  	_ =	shalt  }

</sc_bundles>
